<compile_context>
chip_gen: v7x
topology: tpu7x:2x2x1
jax: 0.10.2.dev20260603
libtpu: 0.0.44.dev20260713+nightly
codegen_flags: <defaults>
</compile_context>

<pallas_src>
import functools

import jax
import jax.numpy as jnp
from jax import lax
from jax.experimental import pallas as pl
from jax.experimental.pallas import tpu as pltpu
from jax.experimental.pallas import tpu_sc as plsc

_NC = 2
_NS = 16
_NW = _NC * _NS
_KC = 100

_PERM = (list(range(0, 16)) + list(range(32, 48))
         + list(range(16, 32)) + list(range(48, 64)))


def _transpose_body(e_ref, out_ref):
    d = e_ref.shape[0]
    u = jax.lax.bitcast_convert_type(e_ref[...].T, jnp.uint32)
    rb = (u + 0x7FFF + ((u >> 16) & 1)) >> 16
    w = rb[:, : d // 2] | (rb[:, d // 2:] << 16)
    n4 = w.shape[0] // 4
    out_ref[...] = jax.lax.bitcast_convert_type(
        jnp.concatenate([w[g * n4:(g + 1) * n4] for g in range(4)], axis=1),
        jnp.int32)


def _transpose(E, vb):
    D, V = E.shape
    nblk = pl.cdiv(V, vb)
    return pl.pallas_call(
        _transpose_body,
        grid=(nblk,),
        in_specs=[pl.BlockSpec((D, vb), lambda i: (0, i))],
        out_specs=pl.BlockSpec((vb // 4, 2 * D), lambda i: (i, 0)),
        out_shape=jax.ShapeDtypeStruct((nblk * vb // 4, 2 * D), jnp.int32),
    )(E)


def _make_pool(B, L, V, D):
    rpw = B * L // _NW
    ndw = B // _NW
    nch = rpw // _KC
    nbuf = 8
    mesh = plsc.VectorSubcoreMesh(core_axis_name="c", subcore_axis_name="s")

    @functools.partial(
        pl.kernel,
        out_type=jax.ShapeDtypeStruct((B, D), jnp.float32),
        mesh=mesh,
        scratch_types=(
            [pltpu.VMEM((nch, _KC), jnp.int32)]
            + [pltpu.VMEM((_KC, D // 2), jnp.int32)] * nbuf
            + [pltpu.VMEM((ndw, D), jnp.float32)]
            + [pltpu.SemaphoreType.DMA] * nbuf
        ),
        compiler_params=pltpu.CompilerParams(use_tc_tiling_on_sc=False,
                                             needs_layout_passes=False),
    )
    def pool(et, docs3, out, si,
             r0, r1, r2, r3, r4, r5, r6, r7, acc,
             s0, s1, s2, s3, s4, s5, s6, s7):
        rs = [r0, r1, r2, r3, r4, r5, r6, r7]
        ss = [s0, s1, s2, s3, s4, s5, s6, s7]
        sid = lax.axis_index("s")
        wid = sid * _NC + lax.axis_index("c")
        pltpu.sync_copy(docs3.at[wid], si)
        for j in range(nbuf - 1):
            pltpu.async_copy(et.at[si.at[j]], rs[j], ss[j])

        @pl.loop(0, nch, step=nbuf)
        def _(k):
            for j in range(nbuf):
                kk = k + j
                jn = (j + nbuf - 1) % nbuf
                pltpu.make_async_copy(et.at[si.at[kk]], rs[j], ss[j]).wait()
                rbuf = rs[j]

                def row_sum(r, c):
                    a0, a1, a2, a3 = c
                    hi_mask = jnp.full((16,), -65536, jnp.int32)
                    w0 = rbuf[r, pl.ds(0, 16)]
                    w1 = rbuf[r, pl.ds(16, 16)]
                    a0 += plsc.bitcast(w0 << 16, jnp.float32)
                    a1 += plsc.bitcast(w0 & hi_mask, jnp.float32)
                    a2 += plsc.bitcast(w1 << 16, jnp.float32)
                    a3 += plsc.bitcast(w1 & hi_mask, jnp.float32)
                    return a0, a1, a2, a3

                z = jnp.zeros((16,), jnp.float32)
                a0, a1, a2, a3 = lax.fori_loop(0, _KC, row_sum, (z, z, z, z),
                                               unroll=10)
                doc = kk // 2

                @pl.when(kk % 2 == 0)
                def _():
                    acc[doc, pl.ds(0, 16)] = a0
                    acc[doc, pl.ds(16, 16)] = a1
                    acc[doc, pl.ds(32, 16)] = a2
                    acc[doc, pl.ds(48, 16)] = a3

                @pl.when(kk % 2 == 1)
                def _():
                    plsc.addupdate(acc.at[doc, pl.ds(0, 16)], a0)
                    plsc.addupdate(acc.at[doc, pl.ds(16, 16)], a1)
                    plsc.addupdate(acc.at[doc, pl.ds(32, 16)], a2)
                    plsc.addupdate(acc.at[doc, pl.ds(48, 16)], a3)

                @pl.when(kk + nbuf - 1 < nch)
                def _():
                    pltpu.async_copy(et.at[si.at[kk + nbuf - 1]],
                                     rs[jn], ss[jn])

        pltpu.sync_copy(acc, out.at[pl.ds(wid * ndw, ndw)])

    return pool, rpw, nch


def _mlp_body(x_ref, dl_ref, w1_ref, b1_ref, w2_ref, b2_ref, w3_ref, b3_ref,
              o_ref):
    x = x_ref[...] / dl_ref[...]
    h = jnp.maximum(jnp.dot(x, w1_ref[...]) + b1_ref[...], 0.0)
    h = jnp.maximum(jnp.dot(h, w2_ref[...]) + b2_ref[...], 0.0)
    o_ref[...] = jnp.dot(h, w3_ref[...]) + b3_ref[...]


def _mlp(x, dl, W1, b1, W2, b2, W3, b3, bb):
    B, D = x.shape
    H = W1.shape[1]
    C = W3.shape[1]
    full = lambda s: pl.BlockSpec(s, lambda i: (0, 0))
    return pl.pallas_call(
        _mlp_body,
        grid=(B // bb,),
        in_specs=[
            pl.BlockSpec((bb, D), lambda i: (i, 0)),
            pl.BlockSpec((bb, 1), lambda i: (i, 0)),
            full((D, H)), full((1, H)),
            full((H, H)), full((1, H)),
            full((H, C)), full((1, C)),
        ],
        out_specs=pl.BlockSpec((bb, C), lambda i: (i, 0)),
        out_shape=jax.ShapeDtypeStruct((B, C), jnp.float32),
    )(x, dl, W1, b1.reshape(1, H), W2, b2.reshape(1, H), W3, b3.reshape(1, C))


def kernel(docs, embeddings_matrix, doc_lens, W1, b1, W2, b2, W3, b3):
    B, L = docs.shape
    D, V = embeddings_matrix.shape

    ETp = _transpose(embeddings_matrix, vb=2048)
    ET = ETp.reshape(ETp.shape[0] * 4, D // 2)

    docs_s = (((docs >> 11) << 11) + ((docs & 511) << 2) + ((docs >> 9) & 3))

    pool, rpw, nch = _make_pool(B, L, V, D)
    docs3 = docs_s.reshape(_NW, nch, _KC)
    sums = pool(ET, docs3)

    W1p = W1[jnp.array(_PERM), :]
    return _mlp(sums, doc_lens.reshape(B, 1), W1p, b1, W2, b2, W3, b3, bb=2048)

# --- scband reference (transcript-rebuilt; emitter-appended) ---
"""Pipeline reference for scband-dan-classifier-48198122995720 (READ-ONLY COPY).

The authoritative reference and input builder live on the scoring server;
editing this copy changes nothing except your own understanding.
"""

import jax, jax.numpy as jnp
import numpy as np

B, L, V, D, H, C = 4096, 200, 100000, 64, 512, 2


def setup_inputs(seed: int = 0) -> dict:
    key = jax.random.key(seed)
    k1, k2, k3, k4, k5 = jax.random.split(key, 5)
    docs = jax.random.randint(k1, (B, L), 0, V, dtype=jnp.int32)
    embeddings_matrix = jax.random.normal(k2, (D, V), dtype=jnp.float32) * 0.02
    doc_lens = jnp.full((B,), float(L), dtype=jnp.float32)
    W1 = jax.random.normal(k3, (D, H), dtype=jnp.float32) * 0.05
    b1 = jnp.zeros((H,), dtype=jnp.float32)
    W2 = jax.random.normal(k4, (H, H), dtype=jnp.float32) * 0.05
    b2 = jnp.zeros((H,), dtype=jnp.float32)
    W3 = jax.random.normal(k5, (H, C), dtype=jnp.float32) * 0.05
    b3 = jnp.zeros((C,), dtype=jnp.float32)
    return {"docs": docs, "embeddings_matrix": embeddings_matrix, "doc_lens": doc_lens,
            "W1": W1, "b1": b1, "W2": W2, "b2": b2, "W3": W3, "b3": b3}


def reference(docs, embeddings_matrix, doc_lens, W1, b1, W2, b2, W3, b3):
    # index_select along dim 1 for each doc, stacked -> [B, D, L]; here as [D, B, L]
    gathered = jnp.take(embeddings_matrix, docs, axis=1)  # [D, B, L]
    word_vector_sum = jnp.sum(gathered, axis=2)           # [D, B] == sum.t() in torch
    word_vector_avg = (word_vector_sum / doc_lens).T      # [B, D]
    h = jax.nn.relu(word_vector_avg @ W1 + b1)
    h = jax.nn.relu(h @ W2 + b2)
    out = h @ W3 + b3                                     # [B, C]
    return out

if __name__ == "__main__":
    import jax
    _d = setup_inputs()
    print(jax.jit(kernel)(*tuple(_d.values())))

</pallas_src>

<mosaic_0001>
#map = affine_map<(d0, d1) -> (0, 0)>
#map1 = affine_map<(d0, d1) -> (0, 0, 0)>
module attributes {stable_mosaic.version = 14 : i64} {
  func.func @pool(%arg0: i32, %arg1: i32, %arg2: memref<100352x32xi32, #tpu.memory_space<hbm>>, %arg3: memref<32x256x100xi32, #tpu.memory_space<hbm>>, %arg4: memref<4096x64xf32, #tpu.memory_space<hbm>>, %arg5: memref<256x100xi32, #tpu.memory_space<vmem>>, %arg6: memref<100x32xi32, #tpu.memory_space<vmem>>, %arg7: memref<100x32xi32, #tpu.memory_space<vmem>>, %arg8: memref<100x32xi32, #tpu.memory_space<vmem>>, %arg9: memref<100x32xi32, #tpu.memory_space<vmem>>, %arg10: memref<100x32xi32, #tpu.memory_space<vmem>>, %arg11: memref<100x32xi32, #tpu.memory_space<vmem>>, %arg12: memref<100x32xi32, #tpu.memory_space<vmem>>, %arg13: memref<100x32xi32, #tpu.memory_space<vmem>>, %arg14: memref<128x64xf32, #tpu.memory_space<vmem>>, %arg15: memref<!tpu.dma_semaphore, #tpu.memory_space<semaphore_mem>>, %arg16: memref<!tpu.dma_semaphore, #tpu.memory_space<semaphore_mem>>, %arg17: memref<!tpu.dma_semaphore, #tpu.memory_space<semaphore_mem>>, %arg18: memref<!tpu.dma_semaphore, #tpu.memory_space<semaphore_mem>>, %arg19: memref<!tpu.dma_semaphore, #tpu.memory_space<semaphore_mem>>, %arg20: memref<!tpu.dma_semaphore, #tpu.memory_space<semaphore_mem>>, %arg21: memref<!tpu.dma_semaphore, #tpu.memory_space<semaphore_mem>>, %arg22: memref<!tpu.dma_semaphore, #tpu.memory_space<semaphore_mem>>) attributes {dimension_semantics = [#tpu.dimension_semantics<core_parallel>, #tpu.dimension_semantics<subcore_parallel>], iteration_bounds = array<i64: 2, 16>, scalar_prefetch = 0 : i64, scratch_operands = 18 : i64, tpu.core_type = #tpu.core_type<sc_vector_subcore>, window_params = [{transform_indices = #map}, {transform_indices = #map1}, {transform_indices = #map}]} {
    %mul3A = arith.constant 2 : i32
    %mul3A_0 = arith.muli %arg1, %mul3A : i32
    %add3A = arith.addi %mul3A_0, %arg0 : i32
    "tpu.region"() ({
      %run_scoped3A = tpu.sem_alloc : memref<!tpu.dma_semaphore, #tpu.memory_space<semaphore_mem>>
      %dma_start3A_55 = arith.constant 0 : i32
      %dma_start3A_56 = arith.constant 0 : i32
      %dma_start3A_57 = tpu.memref_slice %arg3[%add3A, %dma_start3A_55, %dma_start3A_56] : memref<32x256x100xi32, #tpu.memory_space<hbm>> -> memref<1x256x100xi32, #tpu.memory_space<hbm>>
      %dma_start3A_58 = tpu.memref_squeeze %dma_start3A_57 : memref<1x256x100xi32, #tpu.memory_space<hbm>> -> memref<256x100xi32, #tpu.memory_space<hbm>>
      %dma_start3A_59 = arith.constant 0 : i32
      %dma_start3A_60 = arith.constant 0 : i32
      %dma_start3A_61 = tpu.memref_slice %arg3[%add3A, %dma_start3A_59, %dma_start3A_60] : memref<32x256x100xi32, #tpu.memory_space<hbm>> -> memref<1x256x100xi32, #tpu.memory_space<hbm>>
      %dma_start3A_62 = tpu.memref_squeeze %dma_start3A_61 : memref<1x256x100xi32, #tpu.memory_space<hbm>> -> memref<256x100xi32, #tpu.memory_space<hbm>>
      tpu.enqueue_dma source(%dma_start3A_62 : memref<256x100xi32, #tpu.memory_space<hbm>>) target(%arg5 : memref<256x100xi32, #tpu.memory_space<vmem>>) target_semaphore(%run_scoped3A : memref<!tpu.dma_semaphore, #tpu.memory_space<semaphore_mem>>)
      %dma_wait3A = arith.constant 0 : i32
      %dma_wait3A_63 = arith.constant 0 : i32
      %dma_wait3A_64 = tpu.memref_slice %arg3[%add3A, %dma_wait3A, %dma_wait3A_63] : memref<32x256x100xi32, #tpu.memory_space<hbm>> -> memref<1x256x100xi32, #tpu.memory_space<hbm>>
      %dma_wait3A_65 = tpu.memref_squeeze %dma_wait3A_64 : memref<1x256x100xi32, #tpu.memory_space<hbm>> -> memref<256x100xi32, #tpu.memory_space<hbm>>
      %dma_wait3A_66 = arith.constant 0 : i32
      %dma_wait3A_67 = arith.constant 0 : i32
      %dma_wait3A_68 = tpu.memref_slice %arg3[%add3A, %dma_wait3A_66, %dma_wait3A_67] : memref<32x256x100xi32, #tpu.memory_space<hbm>> -> memref<1x256x100xi32, #tpu.memory_space<hbm>>
      %dma_wait3A_69 = tpu.memref_squeeze %dma_wait3A_68 : memref<1x256x100xi32, #tpu.memory_space<hbm>> -> memref<256x100xi32, #tpu.memory_space<hbm>>
      tpu.wait_dma2 semaphore(%run_scoped3A : memref<!tpu.dma_semaphore, #tpu.memory_space<semaphore_mem>>) src(%dma_wait3A_69 : memref<256x100xi32, #tpu.memory_space<hbm>>) dst(%arg5 : memref<256x100xi32, #tpu.memory_space<vmem>>)
      tpu.yield
    }) : () -> ()
    %dma_start3A = arith.constant 0 : i32
    %dma_start3A_1 = arith.constant 0 : i32
    %dma_start3A_2 = tpu.memref_slice %arg5[%dma_start3A, %dma_start3A_1] : memref<256x100xi32, #tpu.memory_space<vmem>> -> memref<1x100xi32, #tpu.memory_space<vmem>>
    %dma_start3A_3 = tpu.memref_squeeze %dma_start3A_2 : memref<1x100xi32, #tpu.memory_space<vmem>> -> memref<100xi32, #tpu.memory_space<vmem>>
    %dma_start3A_4 = arith.constant 0 : i32
    %dma_start3A_5 = arith.constant 0 : i32
    %dma_start3A_6 = tpu.memref_slice %arg2[%dma_start3A_4, %dma_start3A_5] : memref<100352x32xi32, #tpu.memory_space<hbm>> -> memref<100352x32xi32, #tpu.memory_space<hbm>>
    tpu.enqueue_indirect_dma source(%dma_start3A_6 : memref<100352x32xi32, #tpu.memory_space<hbm>>) target(%arg6 : memref<100x32xi32, #tpu.memory_space<vmem>>) offsets(%dma_start3A_3 : memref<100xi32, #tpu.memory_space<vmem>>) semaphore(%arg15 : memref<!tpu.dma_semaphore, #tpu.memory_space<semaphore_mem>>)
    %dma_start3A_7 = arith.constant 1 : i32
    %dma_start3A_8 = arith.constant 0 : i32
    %dma_start3A_9 = tpu.memref_slice %arg5[%dma_start3A_7, %dma_start3A_8] : memref<256x100xi32, #tpu.memory_space<vmem>> -> memref<1x100xi32, #tpu.memory_space<vmem>>
    %dma_start3A_10 = tpu.memref_squeeze %dma_start3A_9 : memref<1x100xi32, #tpu.memory_space<vmem>> -> memref<100xi32, #tpu.memory_space<vmem>>
    %dma_start3A_11 = arith.constant 0 : i32
    %dma_start3A_12 = arith.constant 0 : i32
    %dma_start3A_13 = tpu.memref_slice %arg2[%dma_start3A_11, %dma_start3A_12] : memref<100352x32xi32, #tpu.memory_space<hbm>> -> memref<100352x32xi32, #tpu.memory_space<hbm>>
    tpu.enqueue_indirect_dma source(%dma_start3A_13 : memref<100352x32xi32, #tpu.memory_space<hbm>>) target(%arg7 : memref<100x32xi32, #tpu.memory_space<vmem>>) offsets(%dma_start3A_10 : memref<100xi32, #tpu.memory_space<vmem>>) semaphore(%arg16 : memref<!tpu.dma_semaphore, #tpu.memory_space<semaphore_mem>>)
    %dma_start3A_14 = arith.constant 2 : i32
    %dma_start3A_15 = arith.constant 0 : i32
    %dma_start3A_16 = tpu.memref_slice %arg5[%dma_start3A_14, %dma_start3A_15] : memref<256x100xi32, #tpu.memory_space<vmem>> -> memref<1x100xi32, #tpu.memory_space<vmem>>
    %dma_start3A_17 = tpu.memref_squeeze %dma_start3A_16 : memref<1x100xi32, #tpu.memory_space<vmem>> -> memref<100xi32, #tpu.memory_space<vmem>>
    %dma_start3A_18 = arith.constant 0 : i32
    %dma_start3A_19 = arith.constant 0 : i32
    %dma_start3A_20 = tpu.memref_slice %arg2[%dma_start3A_18, %dma_start3A_19] : memref<100352x32xi32, #tpu.memory_space<hbm>> -> memref<100352x32xi32, #tpu.memory_space<hbm>>
    tpu.enqueue_indirect_dma source(%dma_start3A_20 : memref<100352x32xi32, #tpu.memory_space<hbm>>) target(%arg8 : memref<100x32xi32, #tpu.memory_space<vmem>>) offsets(%dma_start3A_17 : memref<100xi32, #tpu.memory_space<vmem>>) semaphore(%arg17 : memref<!tpu.dma_semaphore, #tpu.memory_space<semaphore_mem>>)
    %dma_start3A_21 = arith.constant 3 : i32
    %dma_start3A_22 = arith.constant 0 : i32
    %dma_start3A_23 = tpu.memref_slice %arg5[%dma_start3A_21, %dma_start3A_22] : memref<256x100xi32, #tpu.memory_space<vmem>> -> memref<1x100xi32, #tpu.memory_space<vmem>>
    %dma_start3A_24 = tpu.memref_squeeze %dma_start3A_23 : memref<1x100xi32, #tpu.memory_space<vmem>> -> memref<100xi32, #tpu.memory_space<vmem>>
    %dma_start3A_25 = arith.constant 0 : i32
    %dma_start3A_26 = arith.constant 0 : i32
    %dma_start3A_27 = tpu.memref_slice %arg2[%dma_start3A_25, %dma_start3A_26] : memref<100352x32xi32, #tpu.memory_space<hbm>> -> memref<100352x32xi32, #tpu.memory_space<hbm>>
    tpu.enqueue_indirect_dma source(%dma_start3A_27 : memref<100352x32xi32, #tpu.memory_space<hbm>>) target(%arg9 : memref<100x32xi32, #tpu.memory_space<vmem>>) offsets(%dma_start3A_24 : memref<100xi32, #tpu.memory_space<vmem>>) semaphore(%arg18 : memref<!tpu.dma_semaphore, #tpu.memory_space<semaphore_mem>>)
    %dma_start3A_28 = arith.constant 4 : i32
    %dma_start3A_29 = arith.constant 0 : i32
    %dma_start3A_30 = tpu.memref_slice %arg5[%dma_start3A_28, %dma_start3A_29] : memref<256x100xi32, #tpu.memory_space<vmem>> -> memref<1x100xi32, #tpu.memory_space<vmem>>
    %dma_start3A_31 = tpu.memref_squeeze %dma_start3A_30 : memref<1x100xi32, #tpu.memory_space<vmem>> -> memref<100xi32, #tpu.memory_space<vmem>>
    %dma_start3A_32 = arith.constant 0 : i32
    %dma_start3A_33 = arith.constant 0 : i32
    %dma_start3A_34 = tpu.memref_slice %arg2[%dma_start3A_32, %dma_start3A_33] : memref<100352x32xi32, #tpu.memory_space<hbm>> -> memref<100352x32xi32, #tpu.memory_space<hbm>>
    tpu.enqueue_indirect_dma source(%dma_start3A_34 : memref<100352x32xi32, #tpu.memory_space<hbm>>) target(%arg10 : memref<100x32xi32, #tpu.memory_space<vmem>>) offsets(%dma_start3A_31 : memref<100xi32, #tpu.memory_space<vmem>>) semaphore(%arg19 : memref<!tpu.dma_semaphore, #tpu.memory_space<semaphore_mem>>)
    %dma_start3A_35 = arith.constant 5 : i32
    %dma_start3A_36 = arith.constant 0 : i32
    %dma_start3A_37 = tpu.memref_slice %arg5[%dma_start3A_35, %dma_start3A_36] : memref<256x100xi32, #tpu.memory_space<vmem>> -> memref<1x100xi32, #tpu.memory_space<vmem>>
    %dma_start3A_38 = tpu.memref_squeeze %dma_start3A_37 : memref<1x100xi32, #tpu.memory_space<vmem>> -> memref<100xi32, #tpu.memory_space<vmem>>
    %dma_start3A_39 = arith.constant 0 : i32
    %dma_start3A_40 = arith.constant 0 : i32
    %dma_start3A_41 = tpu.memref_slice %arg2[%dma_start3A_39, %dma_start3A_40] : memref<100352x32xi32, #tpu.memory_space<hbm>> -> memref<100352x32xi32, #tpu.memory_space<hbm>>
    tpu.enqueue_indirect_dma source(%dma_start3A_41 : memref<100352x32xi32, #tpu.memory_space<hbm>>) target(%arg11 : memref<100x32xi32, #tpu.memory_space<vmem>>) offsets(%dma_start3A_38 : memref<100xi32, #tpu.memory_space<vmem>>) semaphore(%arg20 : memref<!tpu.dma_semaphore, #tpu.memory_space<semaphore_mem>>)
    %dma_start3A_42 = arith.constant 6 : i32
    %dma_start3A_43 = arith.constant 0 : i32
    %dma_start3A_44 = tpu.memref_slice %arg5[%dma_start3A_42, %dma_start3A_43] : memref<256x100xi32, #tpu.memory_space<vmem>> -> memref<1x100xi32, #tpu.memory_space<vmem>>
    %dma_start3A_45 = tpu.memref_squeeze %dma_start3A_44 : memref<1x100xi32, #tpu.memory_space<vmem>> -> memref<100xi32, #tpu.memory_space<vmem>>
    %dma_start3A_46 = arith.constant 0 : i32
    %dma_start3A_47 = arith.constant 0 : i32
    %dma_start3A_48 = tpu.memref_slice %arg2[%dma_start3A_46, %dma_start3A_47] : memref<100352x32xi32, #tpu.memory_space<hbm>> -> memref<100352x32xi32, #tpu.memory_space<hbm>>
    tpu.enqueue_indirect_dma source(%dma_start3A_48 : memref<100352x32xi32, #tpu.memory_space<hbm>>) target(%arg12 : memref<100x32xi32, #tpu.memory_space<vmem>>) offsets(%dma_start3A_45 : memref<100xi32, #tpu.memory_space<vmem>>) semaphore(%arg21 : memref<!tpu.dma_semaphore, #tpu.memory_space<semaphore_mem>>)
    %scan3A = arith.constant 0 : i32
    %scan3A_49 = arith.constant 32 : i32
    %scan3A_50 = arith.addi %scan3A, %scan3A_49 : i32
    %scan3A_51 = arith.constant 1 : i32
    scf.for %scan3A_55 = %scan3A to %scan3A_50 step %scan3A_51  : i32 {
      %mul3A_56 = arith.constant 8 : i32
      %mul3A_57 = arith.muli %scan3A_55, %mul3A_56 : i32
      %add3A_58 = arith.constant 0 : i32
      %add3A_59 = arith.addi %add3A_58, %mul3A_57 : i32
      %add3A_60 = arith.constant 0 : i32
      %add3A_61 = arith.addi %add3A_59, %add3A_60 : i32
      %dma_wait3A = arith.constant 0 : i32
      %dma_wait3A_62 = tpu.memref_slice %arg5[%add3A_61, %dma_wait3A] : memref<256x100xi32, #tpu.memory_space<vmem>> -> memref<1x100xi32, #tpu.memory_space<vmem>>
      %dma_wait3A_63 = tpu.memref_squeeze %dma_wait3A_62 : memref<1x100xi32, #tpu.memory_space<vmem>> -> memref<100xi32, #tpu.memory_space<vmem>>
      %dma_wait3A_64 = arith.constant 0 : i32
      %dma_wait3A_65 = arith.constant 0 : i32
      %dma_wait3A_66 = tpu.memref_slice %arg2[%dma_wait3A_64, %dma_wait3A_65] : memref<100352x32xi32, #tpu.memory_space<hbm>> -> memref<100352x32xi32, #tpu.memory_space<hbm>>
      tpu.wait_indirect_dma semaphore(%arg15 : memref<!tpu.dma_semaphore, #tpu.memory_space<semaphore_mem>>) src(%dma_wait3A_66 : memref<100352x32xi32, #tpu.memory_space<hbm>>) dst(%arg6 : memref<100x32xi32, #tpu.memory_space<vmem>>)
      %broadcast_in_dim3A = arith.constant 0.000000e+00 : f32
      %broadcast_in_dim3A_67 = vector.broadcast %broadcast_in_dim3A : f32 to vector<16xf32>
      %scan3A_68 = arith.constant 0 : i32
      %scan3A_69 = arith.constant 100 : i32
      %scan3A_70 = arith.addi %scan3A_68, %scan3A_69 : i32
      %scan3A_71 = arith.constant 10 : i32
      %scan3A_72:4 = scf.for %scan3A_774 = %scan3A_68 to %scan3A_70 step %scan3A_71 iter_args(%scan3A_775 = %broadcast_in_dim3A_67, %scan3A_776 = %broadcast_in_dim3A_67, %scan3A_777 = %broadcast_in_dim3A_67, %scan3A_778 = %broadcast_in_dim3A_67) -> (vector<16xf32>, vector<16xf32>, vector<16xf32>, vector<16xf32>)  : i32 {
        %broadcast_in_dim3A_779 = arith.constant -65536 : i32
        %broadcast_in_dim3A_780 = vector.broadcast %broadcast_in_dim3A_779 : i32 to vector<16xi32>
        %get3A = arith.index_cast %scan3A_774 : i32 to index
        %get3A_781 = arith.constant 0 : index
        %get3A_782 = tpu.vector_load %arg6[%get3A, %get3A_781] {strides = array<i32>} : memref<100x32xi32, #tpu.memory_space<vmem>>, vector<16xi32>,
        %get3A_783 = arith.index_cast %scan3A_774 : i32 to index
        %get3A_784 = arith.constant 16 : index
        %get3A_785 = tpu.vector_load %arg6[%get3A_783, %get3A_784] {strides = array<i32>} : memref<100x32xi32, #tpu.memory_space<vmem>>, vector<16xi32>,
        %shift_left3A = arith.constant 16 : i32
        %shift_left3A_786 = vector.broadcast %shift_left3A : i32 to vector<16xi32>
        %shift_left3A_787 = arith.shli %get3A_782, %shift_left3A_786 : vector<16xi32>
        %bitcast3A = vector.bitcast %shift_left3A_787 : vector<16xi32> to vector<16xf32>
        %add3A_788 = arith.addf %scan3A_775, %bitcast3A : vector<16xf32>
        %and3A_789 = arith.andi %get3A_782, %broadcast_in_dim3A_780 : vector<16xi32>
        %bitcast3A_790 = vector.bitcast %and3A_789 : vector<16xi32> to vector<16xf32>
        %add3A_791 = arith.addf %scan3A_776, %bitcast3A_790 : vector<16xf32>
        %shift_left3A_792 = arith.constant 16 : i32
        %shift_left3A_793 = vector.broadcast %shift_left3A_792 : i32 to vector<16xi32>
        %shift_left3A_794 = arith.shli %get3A_785, %shift_left3A_793 : vector<16xi32>
        %bitcast3A_795 = vector.bitcast %shift_left3A_794 : vector<16xi32> to vector<16xf32>
        %add3A_796 = arith.addf %scan3A_777, %bitcast3A_795 : vector<16xf32>
        %and3A_797 = arith.andi %get3A_785, %broadcast_in_dim3A_780 : vector<16xi32>
        %bitcast3A_798 = vector.bitcast %and3A_797 : vector<16xi32> to vector<16xf32>
        %add3A_799 = arith.addf %scan3A_778, %bitcast3A_798 : vector<16xf32>
        %scan3A_800 = arith.constant 1 : i32
        %scan3A_801 = arith.addi %scan3A_774, %scan3A_800 : i32
        %broadcast_in_dim3A_802 = arith.constant -65536 : i32
        %broadcast_in_dim3A_803 = vector.broadcast %broadcast_in_dim3A_802 : i32 to vector<16xi32>
        %get3A_804 = arith.index_cast %scan3A_801 : i32 to index
        %get3A_805 = arith.constant 0 : index
        %get3A_806 = tpu.vector_load %arg6[%get3A_804, %get3A_805] {strides = array<i32>} : memref<100x32xi32, #tpu.memory_space<vmem>>, vector<16xi32>,
        %get3A_807 = arith.index_cast %scan3A_801 : i32 to index
        %get3A_808 = arith.constant 16 : index
        %get3A_809 = tpu.vector_load %arg6[%get3A_807, %get3A_808] {strides = array<i32>} : memref<100x32xi32, #tpu.memory_space<vmem>>, vector<16xi32>,
        %shift_left3A_810 = arith.constant 16 : i32
        %shift_left3A_811 = vector.broadcast %shift_left3A_810 : i32 to vector<16xi32>
        %shift_left3A_812 = arith.shli %get3A_806, %shift_left3A_811 : vector<16xi32>
        %bitcast3A_813 = vector.bitcast %shift_left3A_812 : vector<16xi32> to vector<16xf32>
        %add3A_814 = arith.addf %add3A_788, %bitcast3A_813 : vector<16xf32>
        %and3A_815 = arith.andi %get3A_806, %broadcast_in_dim3A_803 : vector<16xi32>
        %bitcast3A_816 = vector.bitcast %and3A_815 : vector<16xi32> to vector<16xf32>
        %add3A_817 = arith.addf %add3A_791, %bitcast3A_816 : vector<16xf32>
        %shift_left3A_818 = arith.constant 16 : i32
        %shift_left3A_819 = vector.broadcast %shift_left3A_818 : i32 to vector<16xi32>
        %shift_left3A_820 = arith.shli %get3A_809, %shift_left3A_819 : vector<16xi32>
        %bitcast3A_821 = vector.bitcast %shift_left3A_820 : vector<16xi32> to vector<16xf32>
        %add3A_822 = arith.addf %add3A_796, %bitcast3A_821 : vector<16xf32>
        %and3A_823 = arith.andi %get3A_809, %broadcast_in_dim3A_803 : vector<16xi32>
        %bitcast3A_824 = vector.bitcast %and3A_823 : vector<16xi32> to vector<16xf32>
        %add3A_825 = arith.addf %add3A_799, %bitcast3A_824 : vector<16xf32>
        %scan3A_826 = arith.constant 2 : i32
        %scan3A_827 = arith.addi %scan3A_774, %scan3A_826 : i32
        %broadcast_in_dim3A_828 = arith.constant -65536 : i32
        %broadcast_in_dim3A_829 = vector.broadcast %broadcast_in_dim3A_828 : i32 to vector<16xi32>
        %get3A_830 = arith.index_cast %scan3A_827 : i32 to index
        %get3A_831 = arith.constant 0 : index
        %get3A_832 = tpu.vector_load %arg6[%get3A_830, %get3A_831] {strides = array<i32>} : memref<100x32xi32, #tpu.memory_space<vmem>>, vector<16xi32>,
        %get3A_833 = arith.index_cast %scan3A_827 : i32 to index
        %get3A_834 = arith.constant 16 : index
        %get3A_835 = tpu.vector_load %arg6[%get3A_833, %get3A_834] {strides = array<i32>} : memref<100x32xi32, #tpu.memory_space<vmem>>, vector<16xi32>,
        %shift_left3A_836 = arith.constant 16 : i32
        %shift_left3A_837 = vector.broadcast %shift_left3A_836 : i32 to vector<16xi32>
        %shift_left3A_838 = arith.shli %get3A_832, %shift_left3A_837 : vector<16xi32>
        %bitcast3A_839 = vector.bitcast %shift_left3A_838 : vector<16xi32> to vector<16xf32>
        %add3A_840 = arith.addf %add3A_814, %bitcast3A_839 : vector<16xf32>
        %and3A_841 = arith.andi %get3A_832, %broadcast_in_dim3A_829 : vector<16xi32>
        %bitcast3A_842 = vector.bitcast %and3A_841 : vector<16xi32> to vector<16xf32>
        %add3A_843 = arith.addf %add3A_817, %bitcast3A_842 : vector<16xf32>
        %shift_left3A_844 = arith.constant 16 : i32
        %shift_left3A_845 = vector.broadcast %shift_left3A_844 : i32 to vector<16xi32>
        %shift_left3A_846 = arith.shli %get3A_835, %shift_left3A_845 : vector<16xi32>
        %bitcast3A_847 = vector.bitcast %shift_left3A_846 : vector<16xi32> to vector<16xf32>
        %add3A_848 = arith.addf %add3A_822, %bitcast3A_847 : vector<16xf32>
        %and3A_849 = arith.andi %get3A_835, %broadcast_in_dim3A_829 : vector<16xi32>
        %bitcast3A_850 = vector.bitcast %and3A_849 : vector<16xi32> to vector<16xf32>
        %add3A_851 = arith.addf %add3A_825, %bitcast3A_850 : vector<16xf32>
        %scan3A_852 = arith.constant 3 : i32
        %scan3A_853 = arith.addi %scan3A_774, %scan3A_852 : i32
        %broadcast_in_dim3A_854 = arith.constant -65536 : i32
        %broadcast_in_dim3A_855 = vector.broadcast %broadcast_in_dim3A_854 : i32 to vector<16xi32>
        %get3A_856 = arith.index_cast %scan3A_853 : i32 to index
        %get3A_857 = arith.constant 0 : index
        %get3A_858 = tpu.vector_load %arg6[%get3A_856, %get3A_857] {strides = array<i32>} : memref<100x32xi32, #tpu.memory_space<vmem>>, vector<16xi32>,
        %get3A_859 = arith.index_cast %scan3A_853 : i32 to index
        %get3A_860 = arith.constant 16 : index
        %get3A_861 = tpu.vector_load %arg6[%get3A_859, %get3A_860] {strides = array<i32>} : memref<100x32xi32, #tpu.memory_space<vmem>>, vector<16xi32>,
        %shift_left3A_862 = arith.constant 16 : i32
        %shift_left3A_863 = vector.broadcast %shift_left3A_862 : i32 to vector<16xi32>
        %shift_left3A_864 = arith.shli %get3A_858, %shift_left3A_863 : vector<16xi32>
        %bitcast3A_865 = vector.bitcast %shift_left3A_864 : vector<16xi32> to vector<16xf32>
        %add3A_866 = arith.addf %add3A_840, %bitcast3A_865 : vector<16xf32>
        %and3A_867 = arith.andi %get3A_858, %broadcast_in_dim3A_855 : vector<16xi32>
        %bitcast3A_868 = vector.bitcast %and3A_867 : vector<16xi32> to vector<16xf32>
        %add3A_869 = arith.addf %add3A_843, %bitcast3A_868 : vector<16xf32>
        %shift_left3A_870 = arith.constant 16 : i32
        %shift_left3A_871 = vector.broadcast %shift_left3A_870 : i32 to vector<16xi32>
        %shift_left3A_872 = arith.shli %get3A_861, %shift_left3A_871 : vector<16xi32>
        %bitcast3A_873 = vector.bitcast %shift_left3A_872 : vector<16xi32> to vector<16xf32>
        %add3A_874 = arith.addf %add3A_848, %bitcast3A_873 : vector<16xf32>
        %and3A_875 = arith.andi %get3A_861, %broadcast_in_dim3A_855 : vector<16xi32>
        %bitcast3A_876 = vector.bitcast %and3A_875 : vector<16xi32> to vector<16xf32>
        %add3A_877 = arith.addf %add3A_851, %bitcast3A_876 : vector<16xf32>
        %scan3A_878 = arith.constant 4 : i32
        %scan3A_879 = arith.addi %scan3A_774, %scan3A_878 : i32
        %broadcast_in_dim3A_880 = arith.constant -65536 : i32
        %broadcast_in_dim3A_881 = vector.broadcast %broadcast_in_dim3A_880 : i32 to vector<16xi32>
        %get3A_882 = arith.index_cast %scan3A_879 : i32 to index
        %get3A_883 = arith.constant 0 : index
        %get3A_884 = tpu.vector_load %arg6[%get3A_882, %get3A_883] {strides = array<i32>} : memref<100x32xi32, #tpu.memory_space<vmem>>, vector<16xi32>,
        %get3A_885 = arith.index_cast %scan3A_879 : i32 to index
        %get3A_886 = arith.constant 16 : index
        %get3A_887 = tpu.vector_load %arg6[%get3A_885, %get3A_886] {strides = array<i32>} : memref<100x32xi32, #tpu.memory_space<vmem>>, vector<16xi32>,
        %shift_left3A_888 = arith.constant 16 : i32
        %shift_left3A_889 = vector.broadcast %shift_left3A_888 : i32 to vector<16xi32>
        %shift_left3A_890 = arith.shli %get3A_884, %shift_left3A_889 : vector<16xi32>
        %bitcast3A_891 = vector.bitcast %shift_left3A_890 : vector<16xi32> to vector<16xf32>
        %add3A_892 = arith.addf %add3A_866, %bitcast3A_891 : vector<16xf32>
        %and3A_893 = arith.andi %get3A_884, %broadcast_in_dim3A_881 : vector<16xi32>
        %bitcast3A_894 = vector.bitcast %and3A_893 : vector<16xi32> to vector<16xf32>
        %add3A_895 = arith.addf %add3A_869, %bitcast3A_894 : vector<16xf32>
        %shift_left3A_896 = arith.constant 16 : i32
        %shift_left3A_897 = vector.broadcast %shift_left3A_896 : i32 to vector<16xi32>
        %shift_left3A_898 = arith.shli %get3A_887, %shift_left3A_897 : vector<16xi32>
        %bitcast3A_899 = vector.bitcast %shift_left3A_898 : vector<16xi32> to vector<16xf32>
        %add3A_900 = arith.addf %add3A_874, %bitcast3A_899 : vector<16xf32>
        %and3A_901 = arith.andi %get3A_887, %broadcast_in_dim3A_881 : vector<16xi32>
        %bitcast3A_902 = vector.bitcast %and3A_901 : vector<16xi32> to vector<16xf32>
        %add3A_903 = arith.addf %add3A_877, %bitcast3A_902 : vector<16xf32>
        %scan3A_904 = arith.constant 5 : i32
        %scan3A_905 = arith.addi %scan3A_774, %scan3A_904 : i32
        %broadcast_in_dim3A_906 = arith.constant -65536 : i32
        %broadcast_in_dim3A_907 = vector.broadcast %broadcast_in_dim3A_906 : i32 to vector<16xi32>
        %get3A_908 = arith.index_cast %scan3A_905 : i32 to index
        %get3A_909 = arith.constant 0 : index
        %get3A_910 = tpu.vector_load %arg6[%get3A_908, %get3A_909] {strides = array<i32>} : memref<100x32xi32, #tpu.memory_space<vmem>>, vector<16xi32>,
        %get3A_911 = arith.index_cast %scan3A_905 : i32 to index
        %get3A_912 = arith.constant 16 : index
        %get3A_913 = tpu.vector_load %arg6[%get3A_911, %get3A_912] {strides = array<i32>} : memref<100x32xi32, #tpu.memory_space<vmem>>, vector<16xi32>,
        %shift_left3A_914 = arith.constant 16 : i32
        %shift_left3A_915 = vector.broadcast %shift_left3A_914 : i32 to vector<16xi32>
        %shift_left3A_916 = arith.shli %get3A_910, %shift_left3A_915 : vector<16xi32>
        %bitcast3A_917 = vector.bitcast %shift_left3A_916 : vector<16xi32> to vector<16xf32>
        %add3A_918 = arith.addf %add3A_892, %bitcast3A_917 : vector<16xf32>
        %and3A_919 = arith.andi %get3A_910, %broadcast_in_dim3A_907 : vector<16xi32>
        %bitcast3A_920 = vector.bitcast %and3A_919 : vector<16xi32> to vector<16xf32>
        %add3A_921 = arith.addf %add3A_895, %bitcast3A_920 : vector<16xf32>
        %shift_left3A_922 = arith.constant 16 : i32
        %shift_left3A_923 = vector.broadcast %shift_left3A_922 : i32 to vector<16xi32>
        %shift_left3A_924 = arith.shli %get3A_913, %shift_left3A_923 : vector<16xi32>
        %bitcast3A_925 = vector.bitcast %shift_left3A_924 : vector<16xi32> to vector<16xf32>
        %add3A_926 = arith.addf %add3A_900, %bitcast3A_925 : vector<16xf32>
        %and3A_927 = arith.andi %get3A_913, %broadcast_in_dim3A_907 : vector<16xi32>
        %bitcast3A_928 = vector.bitcast %and3A_927 : vector<16xi32> to vector<16xf32>
        %add3A_929 = arith.addf %add3A_903, %bitcast3A_928 : vector<16xf32>
        %scan3A_930 = arith.constant 6 : i32
        %scan3A_931 = arith.addi %scan3A_774, %scan3A_930 : i32
        %broadcast_in_dim3A_932 = arith.constant -65536 : i32
        %broadcast_in_dim3A_933 = vector.broadcast %broadcast_in_dim3A_932 : i32 to vector<16xi32>
        %get3A_934 = arith.index_cast %scan3A_931 : i32 to index
        %get3A_935 = arith.constant 0 : index
        %get3A_936 = tpu.vector_load %arg6[%get3A_934, %get3A_935] {strides = array<i32>} : memref<100x32xi32, #tpu.memory_space<vmem>>, vector<16xi32>,
        %get3A_937 = arith.index_cast %scan3A_931 : i32 to index
        %get3A_938 = arith.constant 16 : index
        %get3A_939 = tpu.vector_load %arg6[%get3A_937, %get3A_938] {strides = array<i32>} : memref<100x32xi32, #tpu.memory_space<vmem>>, vector<16xi32>,
        %shift_left3A_940 = arith.constant 16 : i32
        %shift_left3A_941 = vector.broadcast %shift_left3A_940 : i32 to vector<16xi32>
        %shift_left3A_942 = arith.shli %get3A_936, %shift_left3A_941 : vector<16xi32>
        %bitcast3A_943 = vector.bitcast %shift_left3A_942 : vector<16xi32> to vector<16xf32>
        %add3A_944 = arith.addf %add3A_918, %bitcast3A_943 : vector<16xf32>
        %and3A_945 = arith.andi %get3A_936, %broadcast_in_dim3A_933 : vector<16xi32>
        %bitcast3A_946 = vector.bitcast %and3A_945 : vector<16xi32> to vector<16xf32>
        %add3A_947 = arith.addf %add3A_921, %bitcast3A_946 : vector<16xf32>
        %shift_left3A_948 = arith.constant 16 : i32
        %shift_left3A_949 = vector.broadcast %shift_left3A_948 : i32 to vector<16xi32>
        %shift_left3A_950 = arith.shli %get3A_939, %shift_left3A_949 : vector<16xi32>
        %bitcast3A_951 = vector.bitcast %shift_left3A_950 : vector<16xi32> to vector<16xf32>
        %add3A_952 = arith.addf %add3A_926, %bitcast3A_951 : vector<16xf32>
        %and3A_953 = arith.andi %get3A_939, %broadcast_in_dim3A_933 : vector<16xi32>
        %bitcast3A_954 = vector.bitcast %and3A_953 : vector<16xi32> to vector<16xf32>
        %add3A_955 = arith.addf %add3A_929, %bitcast3A_954 : vector<16xf32>
        %scan3A_956 = arith.constant 7 : i32
        %scan3A_957 = arith.addi %scan3A_774, %scan3A_956 : i32
        %broadcast_in_dim3A_958 = arith.constant -65536 : i32
        %broadcast_in_dim3A_959 = vector.broadcast %broadcast_in_dim3A_958 : i32 to vector<16xi32>
        %get3A_960 = arith.index_cast %scan3A_957 : i32 to index
        %get3A_961 = arith.constant 0 : index
        %get3A_962 = tpu.vector_load %arg6[%get3A_960, %get3A_961] {strides = array<i32>} : memref<100x32xi32, #tpu.memory_space<vmem>>, vector<16xi32>,
        %get3A_963 = arith.index_cast %scan3A_957 : i32 to index
        %get3A_964 = arith.constant 16 : index
        %get3A_965 = tpu.vector_load %arg6[%get3A_963, %get3A_964] {strides = array<i32>} : memref<100x32xi32, #tpu.memory_space<vmem>>, vector<16xi32>,
        %shift_left3A_966 = arith.constant 16 : i32
        %shift_left3A_967 = vector.broadcast %shift_left3A_966 : i32 to vector<16xi32>
        %shift_left3A_968 = arith.shli %get3A_962, %shift_left3A_967 : vector<16xi32>
        %bitcast3A_969 = vector.bitcast %shift_left3A_968 : vector<16xi32> to vector<16xf32>
        %add3A_970 = arith.addf %add3A_944, %bitcast3A_969 : vector<16xf32>
        %and3A_971 = arith.andi %get3A_962, %broadcast_in_dim3A_959 : vector<16xi32>
        %bitcast3A_972 = vector.bitcast %and3A_971 : vector<16xi32> to vector<16xf32>
        %add3A_973 = arith.addf %add3A_947, %bitcast3A_972 : vector<16xf32>
        %shift_left3A_974 = arith.constant 16 : i32
        %shift_left3A_975 = vector.broadcast %shift_left3A_974 : i32 to vector<16xi32>
        %shift_left3A_976 = arith.shli %get3A_965, %shift_left3A_975 : vector<16xi32>
        %bitcast3A_977 = vector.bitcast %shift_left3A_976 : vector<16xi32> to vector<16xf32>
        %add3A_978 = arith.addf %add3A_952, %bitcast3A_977 : vector<16xf32>
        %and3A_979 = arith.andi %get3A_965, %broadcast_in_dim3A_959 : vector<16xi32>
        %bitcast3A_980 = vector.bitcast %and3A_979 : vector<16xi32> to vector<16xf32>
        %add3A_981 = arith.addf %add3A_955, %bitcast3A_980 : vector<16xf32>
        %scan3A_982 = arith.constant 8 : i32
        %scan3A_983 = arith.addi %scan3A_774, %scan3A_982 : i32
        %broadcast_in_dim3A_984 = arith.constant -65536 : i32
        %broadcast_in_dim3A_985 = vector.broadcast %broadcast_in_dim3A_984 : i32 to vector<16xi32>
        %get3A_986 = arith.index_cast %scan3A_983 : i32 to index
        %get3A_987 = arith.constant 0 : index
        %get3A_988 = tpu.vector_load %arg6[%get3A_986, %get3A_987] {strides = array<i32>} : memref<100x32xi32, #tpu.memory_space<vmem>>, vector<16xi32>,
        %get3A_989 = arith.index_cast %scan3A_983 : i32 to index
        %get3A_990 = arith.constant 16 : index
        %get3A_991 = tpu.vector_load %arg6[%get3A_989, %get3A_990] {strides = array<i32>} : memref<100x32xi32, #tpu.memory_space<vmem>>, vector<16xi32>,
        %shift_left3A_992 = arith.constant 16 : i32
        %shift_left3A_993 = vector.broadcast %shift_left3A_992 : i32 to vector<16xi32>
        %shift_left3A_994 = arith.shli %get3A_988, %shift_left3A_993 : vector<16xi32>
        %bitcast3A_995 = vector.bitcast %shift_left3A_994 : vector<16xi32> to vector<16xf32>
        %add3A_996 = arith.addf %add3A_970, %bitcast3A_995 : vector<16xf32>
        %and3A_997 = arith.andi %get3A_988, %broadcast_in_dim3A_985 : vector<16xi32>
        %bitcast3A_998 = vector.bitcast %and3A_997 : vector<16xi32> to vector<16xf32>
        %add3A_999 = arith.addf %add3A_973, %bitcast3A_998 : vector<16xf32>
        %shift_left3A_1000 = arith.constant 16 : i32
        %shift_left3A_1001 = vector.broadcast %shift_left3A_1000 : i32 to vector<16xi32>
        %shift_left3A_1002 = arith.shli %get3A_991, %shift_left3A_1001 : vector<16xi32>
        %bitcast3A_1003 = vector.bitcast %shift_left3A_1002 : vector<16xi32> to vector<16xf32>
        %add3A_1004 = arith.addf %add3A_978, %bitcast3A_1003 : vector<16xf32>
        %and3A_1005 = arith.andi %get3A_991, %broadcast_in_dim3A_985 : vector<16xi32>
        %bitcast3A_1006 = vector.bitcast %and3A_1005 : vector<16xi32> to vector<16xf32>
        %add3A_1007 = arith.addf %add3A_981, %bitcast3A_1006 : vector<16xf32>
        %scan3A_1008 = arith.constant 9 : i32
        %scan3A_1009 = arith.addi %scan3A_774, %scan3A_1008 : i32
        %broadcast_in_dim3A_1010 = arith.constant -65536 : i32
        %broadcast_in_dim3A_1011 = vector.broadcast %broadcast_in_dim3A_1010 : i32 to vector<16xi32>
        %get3A_1012 = arith.index_cast %scan3A_1009 : i32 to index
        %get3A_1013 = arith.constant 0 : index
        %get3A_1014 = tpu.vector_load %arg6[%get3A_1012, %get3A_1013] {strides = array<i32>} : memref<100x32xi32, #tpu.memory_space<vmem>>, vector<16xi32>,
        %get3A_1015 = arith.index_cast %scan3A_1009 : i32 to index
        %get3A_1016 = arith.constant 16 : index
        %get3A_1017 = tpu.vector_load %arg6[%get3A_1015, %get3A_1016] {strides = array<i32>} : memref<100x32xi32, #tpu.memory_space<vmem>>, vector<16xi32>,
        %shift_left3A_1018 = arith.constant 16 : i32
        %shift_left3A_1019 = vector.broadcast %shift_left3A_1018 : i32 to vector<16xi32>
        %shift_left3A_1020 = arith.shli %get3A_1014, %shift_left3A_1019 : vector<16xi32>
        %bitcast3A_1021 = vector.bitcast %shift_left3A_1020 : vector<16xi32> to vector<16xf32>
        %add3A_1022 = arith.addf %add3A_996, %bitcast3A_1021 : vector<16xf32>
        %and3A_1023 = arith.andi %get3A_1014, %broadcast_in_dim3A_1011 : vector<16xi32>
        %bitcast3A_1024 = vector.bitcast %and3A_1023 : vector<16xi32> to vector<16xf32>
        %add3A_1025 = arith.addf %add3A_999, %bitcast3A_1024 : vector<16xf32>
        %shift_left3A_1026 = arith.constant 16 : i32
        %shift_left3A_1027 = vector.broadcast %shift_left3A_1026 : i32 to vector<16xi32>
        %shift_left3A_1028 = arith.shli %get3A_1017, %shift_left3A_1027 : vector<16xi32>
        %bitcast3A_1029 = vector.bitcast %shift_left3A_1028 : vector<16xi32> to vector<16xf32>
        %add3A_1030 = arith.addf %add3A_1004, %bitcast3A_1029 : vector<16xf32>
        %and3A_1031 = arith.andi %get3A_1017, %broadcast_in_dim3A_1011 : vector<16xi32>
        %bitcast3A_1032 = vector.bitcast %and3A_1031 : vector<16xi32> to vector<16xf32>
        %add3A_1033 = arith.addf %add3A_1007, %bitcast3A_1032 : vector<16xf32>
        scf.yield %add3A_1022, %add3A_1025, %add3A_1030, %add3A_1033 : vector<16xf32>, vector<16xf32>, vector<16xf32>, vector<16xf32>
      }
      %scan3A_73 = arith.constant 100 : i32
      %jit3A = arith.constant 2 : i32
      %div3A = arith.divsi %add3A_61, %jit3A : i32
      %sign3A = arith.constant 0 : i32
      %sign3A_74 = arith.cmpi sgt, %add3A_61, %sign3A : i32
      %sign3A_75 = arith.extui %sign3A_74 : i1 to i32
      %sign3A_76 = arith.constant 0 : i32
      %sign3A_77 = arith.cmpi slt, %add3A_61, %sign3A_76 : i32
      %sign3A_78 = arith.extui %sign3A_77 : i1 to i32
      %sign3A_79 = arith.subi %sign3A_75, %sign3A_78 : i32
      %sign3A_80 = arith.constant 0 : i32
      %sign3A_81 = arith.cmpi sgt, %jit3A, %sign3A_80 : i32
      %sign3A_82 = arith.extui %sign3A_81 : i1 to i32
      %sign3A_83 = arith.constant 0 : i32
      %sign3A_84 = arith.cmpi slt, %jit3A, %sign3A_83 : i32
      %sign3A_85 = arith.extui %sign3A_84 : i1 to i32
      %sign3A_86 = arith.subi %sign3A_82, %sign3A_85 : i32
      %ne3A = arith.cmpi ne, %sign3A_79, %sign3A_86 : i32
      %rem3A = arith.remsi %add3A_61, %jit3A : i32
      %ne3A_87 = arith.constant 0 : i32
      %ne3A_88 = arith.cmpi ne, %rem3A, %ne3A_87 : i32
      %and3A = arith.andi %ne3A, %ne3A_88 : i1
      %sub3A = arith.constant 1 : i32
      %sub3A_89 = arith.subi %div3A, %sub3A : i32
      %select_n3A = arith.select %and3A, %sub3A_89, %div3A : i32
      %jit3A_90 = arith.constant 2 : i32
      %eq3A = arith.constant 0 : i32
      %eq3A_91 = arith.cmpi eq, %jit3A_90, %eq3A : i32
      %jit3A_92 = arith.constant 1 : i32
      %select_n3A_93 = arith.select %eq3A_91, %jit3A_92, %jit3A_90 : i32
      %rem3A_94 = arith.remsi %add3A_61, %select_n3A_93 : i32
      %ne3A_95 = arith.constant 0 : i32
      %ne3A_96 = arith.cmpi ne, %rem3A_94, %ne3A_95 : i32
      %lt3A = arith.constant 0 : i32
      %lt3A_97 = arith.cmpi slt, %rem3A_94, %lt3A : i32
      %lt3A_98 = arith.constant 0 : i32
      %lt3A_99 = arith.cmpi slt, %select_n3A_93, %lt3A_98 : i32
      %ne3A_100 = arith.xori %lt3A_97, %lt3A_99 : i1
      %and3A_101 = arith.andi %ne3A_100, %ne3A_96 : i1
      %add3A_102 = arith.addi %rem3A_94, %select_n3A_93 : i32
      %select_n3A_103 = arith.select %and3A_101, %add3A_102, %rem3A_94 : i32
      %eq3A_104 = arith.constant 0 : i32
      %eq3A_105 = arith.cmpi eq, %select_n3A_103, %eq3A_104 : i32
      %convert_element_type3A = arith.extui %eq3A_105 : i1 to i32
      %cond3A = arith.constant 0 : i32
      %cond3A_106 = arith.cmpi ne, %convert_element_type3A, %cond3A : i32
      scf.if %cond3A_106 {
        %swap3A = arith.index_cast %select_n3A : i32 to index
        %swap3A_774 = arith.constant 0 : index
        %swap3A_775 = tpu.vector_load %arg14[%swap3A, %swap3A_774] {strides = array<i32>} : memref<128x64xf32, #tpu.memory_space<vmem>>, vector<16xf32>,
        tpu.vector_store %arg14[%swap3A, %swap3A_774], %scan3A_72#0 {strides = array<i32>} : memref<128x64xf32, #tpu.memory_space<vmem>>, vector<16xf32>,
        %swap3A_776 = arith.index_cast %select_n3A : i32 to index
        %swap3A_777 = arith.constant 16 : index
        %swap3A_778 = tpu.vector_load %arg14[%swap3A_776, %swap3A_777] {strides = array<i32>} : memref<128x64xf32, #tpu.memory_space<vmem>>, vector<16xf32>,
        tpu.vector_store %arg14[%swap3A_776, %swap3A_777], %scan3A_72#1 {strides = array<i32>} : memref<128x64xf32, #tpu.memory_space<vmem>>, vector<16xf32>,
        %swap3A_779 = arith.index_cast %select_n3A : i32 to index
        %swap3A_780 = arith.constant 32 : index
        %swap3A_781 = tpu.vector_load %arg14[%swap3A_779, %swap3A_780] {strides = array<i32>} : memref<128x64xf32, #tpu.memory_space<vmem>>, vector<16xf32>,
        tpu.vector_store %arg14[%swap3A_779, %swap3A_780], %scan3A_72#2 {strides = array<i32>} : memref<128x64xf32, #tpu.memory_space<vmem>>, vector<16xf32>,
        %swap3A_782 = arith.index_cast %select_n3A : i32 to index
        %swap3A_783 = arith.constant 48 : index
        %swap3A_784 = tpu.vector_load %arg14[%swap3A_782, %swap3A_783] {strides = array<i32>} : memref<128x64xf32, #tpu.memory_space<vmem>>, vector<16xf32>,
        tpu.vector_store %arg14[%swap3A_782, %swap3A_783], %scan3A_72#3 {strides = array<i32>} : memref<128x64xf32, #tpu.memory_space<vmem>>, vector<16xf32>,
      } else {
      }
      %jit3A_107 = arith.constant 2 : i32
      %eq3A_108 = arith.constant 0 : i32
      %eq3A_109 = arith.cmpi eq, %jit3A_107, %eq3A_108 : i32
      %jit3A_110 = arith.constant 1 : i32
      %select_n3A_111 = arith.select %eq3A_109, %jit3A_110, %jit3A_107 : i32
      %rem3A_112 = arith.remsi %add3A_61, %select_n3A_111 : i32
      %ne3A_113 = arith.constant 0 : i32
      %ne3A_114 = arith.cmpi ne, %rem3A_112, %ne3A_113 : i32
      %lt3A_115 = arith.constant 0 : i32
      %lt3A_116 = arith.cmpi slt, %rem3A_112, %lt3A_115 : i32
      %lt3A_117 = arith.constant 0 : i32
      %lt3A_118 = arith.cmpi slt, %select_n3A_111, %lt3A_117 : i32
      %ne3A_119 = arith.xori %lt3A_116, %lt3A_118 : i1
      %and3A_120 = arith.andi %ne3A_119, %ne3A_114 : i1
      %add3A_121 = arith.addi %rem3A_112, %select_n3A_111 : i32
      %select_n3A_122 = arith.select %and3A_120, %add3A_121, %rem3A_112 : i32
      %eq3A_123 = arith.constant 1 : i32
      %eq3A_124 = arith.cmpi eq, %select_n3A_122, %eq3A_123 : i32
      %convert_element_type3A_125 = arith.extui %eq3A_124 : i1 to i32
      %cond3A_126 = arith.constant 0 : i32
      %cond3A_127 = arith.cmpi ne, %convert_element_type3A_125, %cond3A_126 : i32
      scf.if %cond3A_127 {
        %swap3A = arith.index_cast %select_n3A : i32 to index
        %swap3A_774 = arith.constant 0 : index
        %swap3A_775 = tpu.vector_load %arg14[%swap3A, %swap3A_774] {strides = array<i32>} : memref<128x64xf32, #tpu.memory_space<vmem>>, vector<16xf32>,
        tpu.vector_store %arg14[%swap3A, %swap3A_774], %scan3A_72#0 {add = true, strides = array<i32>} : memref<128x64xf32, #tpu.memory_space<vmem>>, vector<16xf32>,
        %swap3A_776 = arith.index_cast %select_n3A : i32 to index
        %swap3A_777 = arith.constant 16 : index
        %swap3A_778 = tpu.vector_load %arg14[%swap3A_776, %swap3A_777] {strides = array<i32>} : memref<128x64xf32, #tpu.memory_space<vmem>>, vector<16xf32>,
        tpu.vector_store %arg14[%swap3A_776, %swap3A_777], %scan3A_72#1 {add = true, strides = array<i32>} : memref<128x64xf32, #tpu.memory_space<vmem>>, vector<16xf32>,
        %swap3A_779 = arith.index_cast %select_n3A : i32 to index
        %swap3A_780 = arith.constant 32 : index
        %swap3A_781 = tpu.vector_load %arg14[%swap3A_779, %swap3A_780] {strides = array<i32>} : memref<128x64xf32, #tpu.memory_space<vmem>>, vector<16xf32>,
        tpu.vector_store %arg14[%swap3A_779, %swap3A_780], %scan3A_72#2 {add = true, strides = array<i32>} : memref<128x64xf32, #tpu.memory_space<vmem>>, vector<16xf32>,
        %swap3A_782 = arith.index_cast %select_n3A : i32 to index
        %swap3A_783 = arith.constant 48 : index
        %swap3A_784 = tpu.vector_load %arg14[%swap3A_782, %swap3A_783] {strides = array<i32>} : memref<128x64xf32, #tpu.memory_space<vmem>>, vector<16xf32>,
        tpu.vector_store %arg14[%swap3A_782, %swap3A_783], %scan3A_72#3 {add = true, strides = array<i32>} : memref<128x64xf32, #tpu.memory_space<vmem>>, vector<16xf32>,
      } else {
      }
      %add3A_128 = arith.constant 8 : i32
      %add3A_129 = arith.addi %add3A_61, %add3A_128 : i32
      %sub3A_130 = arith.constant 1 : i32
      %sub3A_131 = arith.subi %add3A_129, %sub3A_130 : i32
      %lt3A_132 = arith.constant 256 : i32
      %lt3A_133 = arith.cmpi slt, %sub3A_131, %lt3A_132 : i32
      %convert_element_type3A_134 = arith.extui %lt3A_133 : i1 to i32
      %cond3A_135 = arith.constant 0 : i32
      %cond3A_136 = arith.cmpi ne, %convert_element_type3A_134, %cond3A_135 : i32
      scf.if %cond3A_136 {
        %add3A_774 = arith.constant 8 : i32
        %add3A_775 = arith.addi %add3A_61, %add3A_774 : i32
        %sub3A_776 = arith.constant 1 : i32
        %sub3A_777 = arith.subi %add3A_775, %sub3A_776 : i32
        %dma_start3A_778 = arith.constant 0 : i32
        %dma_start3A_779 = tpu.memref_slice %arg5[%sub3A_777, %dma_start3A_778] : memref<256x100xi32, #tpu.memory_space<vmem>> -> memref<1x100xi32, #tpu.memory_space<vmem>>
        %dma_start3A_780 = tpu.memref_squeeze %dma_start3A_779 : memref<1x100xi32, #tpu.memory_space<vmem>> -> memref<100xi32, #tpu.memory_space<vmem>>
        %dma_start3A_781 = arith.constant 0 : i32
        %dma_start3A_782 = arith.constant 0 : i32
        %dma_start3A_783 = tpu.memref_slice %arg2[%dma_start3A_781, %dma_start3A_782] : memref<100352x32xi32, #tpu.memory_space<hbm>> -> memref<100352x32xi32, #tpu.memory_space<hbm>>
        tpu.enqueue_indirect_dma source(%dma_start3A_783 : memref<100352x32xi32, #tpu.memory_space<hbm>>) target(%arg13 : memref<100x32xi32, #tpu.memory_space<vmem>>) offsets(%dma_start3A_780 : memref<100xi32, #tpu.memory_space<vmem>>) semaphore(%arg22 : memref<!tpu.dma_semaphore, #tpu.memory_space<semaphore_mem>>)
      } else {
      }
      %add3A_137 = arith.constant 1 : i32
      %add3A_138 = arith.addi %add3A_59, %add3A_137 : i32
      %dma_wait3A_139 = arith.constant 0 : i32
      %dma_wait3A_140 = tpu.memref_slice %arg5[%add3A_138, %dma_wait3A_139] : memref<256x100xi32, #tpu.memory_space<vmem>> -> memref<1x100xi32, #tpu.memory_space<vmem>>
      %dma_wait3A_141 = tpu.memref_squeeze %dma_wait3A_140 : memref<1x100xi32, #tpu.memory_space<vmem>> -> memref<100xi32, #tpu.memory_space<vmem>>
      %dma_wait3A_142 = arith.constant 0 : i32
      %dma_wait3A_143 = arith.constant 0 : i32
      %dma_wait3A_144 = tpu.memref_slice %arg2[%dma_wait3A_142, %dma_wait3A_143] : memref<100352x32xi32, #tpu.memory_space<hbm>> -> memref<100352x32xi32, #tpu.memory_space<hbm>>
      tpu.wait_indirect_dma semaphore(%arg16 : memref<!tpu.dma_semaphore, #tpu.memory_space<semaphore_mem>>) src(%dma_wait3A_144 : memref<100352x32xi32, #tpu.memory_space<hbm>>) dst(%arg7 : memref<100x32xi32, #tpu.memory_space<vmem>>)
      %broadcast_in_dim3A_145 = arith.constant 0.000000e+00 : f32
      %broadcast_in_dim3A_146 = vector.broadcast %broadcast_in_dim3A_145 : f32 to vector<16xf32>
      %scan3A_147 = arith.constant 0 : i32
      %scan3A_148 = arith.constant 100 : i32
      %scan3A_149 = arith.addi %scan3A_147, %scan3A_148 : i32
      %scan3A_150 = arith.constant 10 : i32
      %scan3A_151:4 = scf.for %scan3A_774 = %scan3A_147 to %scan3A_149 step %scan3A_150 iter_args(%scan3A_775 = %broadcast_in_dim3A_146, %scan3A_776 = %broadcast_in_dim3A_146, %scan3A_777 = %broadcast_in_dim3A_146, %scan3A_778 = %broadcast_in_dim3A_146) -> (vector<16xf32>, vector<16xf32>, vector<16xf32>, vector<16xf32>)  : i32 {
        %broadcast_in_dim3A_779 = arith.constant -65536 : i32
        %broadcast_in_dim3A_780 = vector.broadcast %broadcast_in_dim3A_779 : i32 to vector<16xi32>
        %get3A = arith.index_cast %scan3A_774 : i32 to index
        %get3A_781 = arith.constant 0 : index
        %get3A_782 = tpu.vector_load %arg7[%get3A, %get3A_781] {strides = array<i32>} : memref<100x32xi32, #tpu.memory_space<vmem>>, vector<16xi32>,
        %get3A_783 = arith.index_cast %scan3A_774 : i32 to index
        %get3A_784 = arith.constant 16 : index
        %get3A_785 = tpu.vector_load %arg7[%get3A_783, %get3A_784] {strides = array<i32>} : memref<100x32xi32, #tpu.memory_space<vmem>>, vector<16xi32>,
        %shift_left3A = arith.constant 16 : i32
        %shift_left3A_786 = vector.broadcast %shift_left3A : i32 to vector<16xi32>
        %shift_left3A_787 = arith.shli %get3A_782, %shift_left3A_786 : vector<16xi32>
        %bitcast3A = vector.bitcast %shift_left3A_787 : vector<16xi32> to vector<16xf32>
        %add3A_788 = arith.addf %scan3A_775, %bitcast3A : vector<16xf32>
        %and3A_789 = arith.andi %get3A_782, %broadcast_in_dim3A_780 : vector<16xi32>
        %bitcast3A_790 = vector.bitcast %and3A_789 : vector<16xi32> to vector<16xf32>
        %add3A_791 = arith.addf %scan3A_776, %bitcast3A_790 : vector<16xf32>
        %shift_left3A_792 = arith.constant 16 : i32
        %shift_left3A_793 = vector.broadcast %shift_left3A_792 : i32 to vector<16xi32>
        %shift_left3A_794 = arith.shli %get3A_785, %shift_left3A_793 : vector<16xi32>
        %bitcast3A_795 = vector.bitcast %shift_left3A_794 : vector<16xi32> to vector<16xf32>
        %add3A_796 = arith.addf %scan3A_777, %bitcast3A_795 : vector<16xf32>
        %and3A_797 = arith.andi %get3A_785, %broadcast_in_dim3A_780 : vector<16xi32>
        %bitcast3A_798 = vector.bitcast %and3A_797 : vector<16xi32> to vector<16xf32>
        %add3A_799 = arith.addf %scan3A_778, %bitcast3A_798 : vector<16xf32>
        %scan3A_800 = arith.constant 1 : i32
        %scan3A_801 = arith.addi %scan3A_774, %scan3A_800 : i32
        %broadcast_in_dim3A_802 = arith.constant -65536 : i32
        %broadcast_in_dim3A_803 = vector.broadcast %broadcast_in_dim3A_802 : i32 to vector<16xi32>
        %get3A_804 = arith.index_cast %scan3A_801 : i32 to index
        %get3A_805 = arith.constant 0 : index
        %get3A_806 = tpu.vector_load %arg7[%get3A_804, %get3A_805] {strides = array<i32>} : memref<100x32xi32, #tpu.memory_space<vmem>>, vector<16xi32>,
        %get3A_807 = arith.index_cast %scan3A_801 : i32 to index
        %get3A_808 = arith.constant 16 : index
        %get3A_809 = tpu.vector_load %arg7[%get3A_807, %get3A_808] {strides = array<i32>} : memref<100x32xi32, #tpu.memory_space<vmem>>, vector<16xi32>,
        %shift_left3A_810 = arith.constant 16 : i32
        %shift_left3A_811 = vector.broadcast %shift_left3A_810 : i32 to vector<16xi32>
        %shift_left3A_812 = arith.shli %get3A_806, %shift_left3A_811 : vector<16xi32>
        %bitcast3A_813 = vector.bitcast %shift_left3A_812 : vector<16xi32> to vector<16xf32>
        %add3A_814 = arith.addf %add3A_788, %bitcast3A_813 : vector<16xf32>
        %and3A_815 = arith.andi %get3A_806, %broadcast_in_dim3A_803 : vector<16xi32>
        %bitcast3A_816 = vector.bitcast %and3A_815 : vector<16xi32> to vector<16xf32>
        %add3A_817 = arith.addf %add3A_791, %bitcast3A_816 : vector<16xf32>
        %shift_left3A_818 = arith.constant 16 : i32
        %shift_left3A_819 = vector.broadcast %shift_left3A_818 : i32 to vector<16xi32>
        %shift_left3A_820 = arith.shli %get3A_809, %shift_left3A_819 : vector<16xi32>
        %bitcast3A_821 = vector.bitcast %shift_left3A_820 : vector<16xi32> to vector<16xf32>
        %add3A_822 = arith.addf %add3A_796, %bitcast3A_821 : vector<16xf32>
        %and3A_823 = arith.andi %get3A_809, %broadcast_in_dim3A_803 : vector<16xi32>
        %bitcast3A_824 = vector.bitcast %and3A_823 : vector<16xi32> to vector<16xf32>
        %add3A_825 = arith.addf %add3A_799, %bitcast3A_824 : vector<16xf32>
        %scan3A_826 = arith.constant 2 : i32
        %scan3A_827 = arith.addi %scan3A_774, %scan3A_826 : i32
        %broadcast_in_dim3A_828 = arith.constant -65536 : i32
        %broadcast_in_dim3A_829 = vector.broadcast %broadcast_in_dim3A_828 : i32 to vector<16xi32>
        %get3A_830 = arith.index_cast %scan3A_827 : i32 to index
        %get3A_831 = arith.constant 0 : index
        %get3A_832 = tpu.vector_load %arg7[%get3A_830, %get3A_831] {strides = array<i32>} : memref<100x32xi32, #tpu.memory_space<vmem>>, vector<16xi32>,
        %get3A_833 = arith.index_cast %scan3A_827 : i32 to index
        %get3A_834 = arith.constant 16 : index
        %get3A_835 = tpu.vector_load %arg7[%get3A_833, %get3A_834] {strides = array<i32>} : memref<100x32xi32, #tpu.memory_space<vmem>>, vector<16xi32>,
        %shift_left3A_836 = arith.constant 16 : i32
        %shift_left3A_837 = vector.broadcast %shift_left3A_836 : i32 to vector<16xi32>
        %shift_left3A_838 = arith.shli %get3A_832, %shift_left3A_837 : vector<16xi32>
        %bitcast3A_839 = vector.bitcast %shift_left3A_838 : vector<16xi32> to vector<16xf32>
        %add3A_840 = arith.addf %add3A_814, %bitcast3A_839 : vector<16xf32>
        %and3A_841 = arith.andi %get3A_832, %broadcast_in_dim3A_829 : vector<16xi32>
        %bitcast3A_842 = vector.bitcast %and3A_841 : vector<16xi32> to vector<16xf32>
        %add3A_843 = arith.addf %add3A_817, %bitcast3A_842 : vector<16xf32>
        %shift_left3A_844 = arith.constant 16 : i32
        %shift_left3A_845 = vector.broadcast %shift_left3A_844 : i32 to vector<16xi32>
        %shift_left3A_846 = arith.shli %get3A_835, %shift_left3A_845 : vector<16xi32>
        %bitcast3A_847 = vector.bitcast %shift_left3A_846 : vector<16xi32> to vector<16xf32>
        %add3A_848 = arith.addf %add3A_822, %bitcast3A_847 : vector<16xf32>
        %and3A_849 = arith.andi %get3A_835, %broadcast_in_dim3A_829 : vector<16xi32>
        %bitcast3A_850 = vector.bitcast %and3A_849 : vector<16xi32> to vector<16xf32>
        %add3A_851 = arith.addf %add3A_825, %bitcast3A_850 : vector<16xf32>
        %scan3A_852 = arith.constant 3 : i32
        %scan3A_853 = arith.addi %scan3A_774, %scan3A_852 : i32
        %broadcast_in_dim3A_854 = arith.constant -65536 : i32
        %broadcast_in_dim3A_855 = vector.broadcast %broadcast_in_dim3A_854 : i32 to vector<16xi32>
        %get3A_856 = arith.index_cast %scan3A_853 : i32 to index
        %get3A_857 = arith.constant 0 : index
        %get3A_858 = tpu.vector_load %arg7[%get3A_856, %get3A_857] {strides = array<i32>} : memref<100x32xi32, #tpu.memory_space<vmem>>, vector<16xi32>,
        %get3A_859 = arith.index_cast %scan3A_853 : i32 to index
        %get3A_860 = arith.constant 16 : index
        %get3A_861 = tpu.vector_load %arg7[%get3A_859, %get3A_860] {strides = array<i32>} : memref<100x32xi32, #tpu.memory_space<vmem>>, vector<16xi32>,
        %shift_left3A_862 = arith.constant 16 : i32
        %shift_left3A_863 = vector.broadcast %shift_left3A_862 : i32 to vector<16xi32>
        %shift_left3A_864 = arith.shli %get3A_858, %shift_left3A_863 : vector<16xi32>
        %bitcast3A_865 = vector.bitcast %shift_left3A_864 : vector<16xi32> to vector<16xf32>
        %add3A_866 = arith.addf %add3A_840, %bitcast3A_865 : vector<16xf32>
        %and3A_867 = arith.andi %get3A_858, %broadcast_in_dim3A_855 : vector<16xi32>
        %bitcast3A_868 = vector.bitcast %and3A_867 : vector<16xi32> to vector<16xf32>
        %add3A_869 = arith.addf %add3A_843, %bitcast3A_868 : vector<16xf32>
        %shift_left3A_870 = arith.constant 16 : i32
        %shift_left3A_871 = vector.broadcast %shift_left3A_870 : i32 to vector<16xi32>
        %shift_left3A_872 = arith.shli %get3A_861, %shift_left3A_871 : vector<16xi32>
        %bitcast3A_873 = vector.bitcast %shift_left3A_872 : vector<16xi32> to vector<16xf32>
        %add3A_874 = arith.addf %add3A_848, %bitcast3A_873 : vector<16xf32>
        %and3A_875 = arith.andi %get3A_861, %broadcast_in_dim3A_855 : vector<16xi32>
        %bitcast3A_876 = vector.bitcast %and3A_875 : vector<16xi32> to vector<16xf32>
        %add3A_877 = arith.addf %add3A_851, %bitcast3A_876 : vector<16xf32>
        %scan3A_878 = arith.constant 4 : i32
        %scan3A_879 = arith.addi %scan3A_774, %scan3A_878 : i32
        %broadcast_in_dim3A_880 = arith.constant -65536 : i32
        %broadcast_in_dim3A_881 = vector.broadcast %broadcast_in_dim3A_880 : i32 to vector<16xi32>
        %get3A_882 = arith.index_cast %scan3A_879 : i32 to index
        %get3A_883 = arith.constant 0 : index
        %get3A_884 = tpu.vector_load %arg7[%get3A_882, %get3A_883] {strides = array<i32>} : memref<100x32xi32, #tpu.memory_space<vmem>>, vector<16xi32>,
        %get3A_885 = arith.index_cast %scan3A_879 : i32 to index
        %get3A_886 = arith.constant 16 : index
        %get3A_887 = tpu.vector_load %arg7[%get3A_885, %get3A_886] {strides = array<i32>} : memref<100x32xi32, #tpu.memory_space<vmem>>, vector<16xi32>,
        %shift_left3A_888 = arith.constant 16 : i32
        %shift_left3A_889 = vector.broadcast %shift_left3A_888 : i32 to vector<16xi32>
        %shift_left3A_890 = arith.shli %get3A_884, %shift_left3A_889 : vector<16xi32>
        %bitcast3A_891 = vector.bitcast %shift_left3A_890 : vector<16xi32> to vector<16xf32>
        %add3A_892 = arith.addf %add3A_866, %bitcast3A_891 : vector<16xf32>
        %and3A_893 = arith.andi %get3A_884, %broadcast_in_dim3A_881 : vector<16xi32>
        %bitcast3A_894 = vector.bitcast %and3A_893 : vector<16xi32> to vector<16xf32>
        %add3A_895 = arith.addf %add3A_869, %bitcast3A_894 : vector<16xf32>
        %shift_left3A_896 = arith.constant 16 : i32
        %shift_left3A_897 = vector.broadcast %shift_left3A_896 : i32 to vector<16xi32>
        %shift_left3A_898 = arith.shli %get3A_887, %shift_left3A_897 : vector<16xi32>
        %bitcast3A_899 = vector.bitcast %shift_left3A_898 : vector<16xi32> to vector<16xf32>
        %add3A_900 = arith.addf %add3A_874, %bitcast3A_899 : vector<16xf32>
        %and3A_901 = arith.andi %get3A_887, %broadcast_in_dim3A_881 : vector<16xi32>
        %bitcast3A_902 = vector.bitcast %and3A_901 : vector<16xi32> to vector<16xf32>
        %add3A_903 = arith.addf %add3A_877, %bitcast3A_902 : vector<16xf32>
        %scan3A_904 = arith.constant 5 : i32
        %scan3A_905 = arith.addi %scan3A_774, %scan3A_904 : i32
        %broadcast_in_dim3A_906 = arith.constant -65536 : i32
        %broadcast_in_dim3A_907 = vector.broadcast %broadcast_in_dim3A_906 : i32 to vector<16xi32>
        %get3A_908 = arith.index_cast %scan3A_905 : i32 to index
        %get3A_909 = arith.constant 0 : index
        %get3A_910 = tpu.vector_load %arg7[%get3A_908, %get3A_909] {strides = array<i32>} : memref<100x32xi32, #tpu.memory_space<vmem>>, vector<16xi32>,
        %get3A_911 = arith.index_cast %scan3A_905 : i32 to index
        %get3A_912 = arith.constant 16 : index
        %get3A_913 = tpu.vector_load %arg7[%get3A_911, %get3A_912] {strides = array<i32>} : memref<100x32xi32, #tpu.memory_space<vmem>>, vector<16xi32>,
        %shift_left3A_914 = arith.constant 16 : i32
        %shift_left3A_915 = vector.broadcast %shift_left3A_914 : i32 to vector<16xi32>
        %shift_left3A_916 = arith.shli %get3A_910, %shift_left3A_915 : vector<16xi32>
        %bitcast3A_917 = vector.bitcast %shift_left3A_916 : vector<16xi32> to vector<16xf32>
        %add3A_918 = arith.addf %add3A_892, %bitcast3A_917 : vector<16xf32>
        %and3A_919 = arith.andi %get3A_910, %broadcast_in_dim3A_907 : vector<16xi32>
        %bitcast3A_920 = vector.bitcast %and3A_919 : vector<16xi32> to vector<16xf32>
        %add3A_921 = arith.addf %add3A_895, %bitcast3A_920 : vector<16xf32>
        %shift_left3A_922 = arith.constant 16 : i32
        %shift_left3A_923 = vector.broadcast %shift_left3A_922 : i32 to vector<16xi32>
        %shift_left3A_924 = arith.shli %get3A_913, %shift_left3A_923 : vector<16xi32>
        %bitcast3A_925 = vector.bitcast %shift_left3A_924 : vector<16xi32> to vector<16xf32>
        %add3A_926 = arith.addf %add3A_900, %bitcast3A_925 : vector<16xf32>
        %and3A_927 = arith.andi %get3A_913, %broadcast_in_dim3A_907 : vector<16xi32>
        %bitcast3A_928 = vector.bitcast %and3A_927 : vector<16xi32> to vector<16xf32>
        %add3A_929 = arith.addf %add3A_903, %bitcast3A_928 : vector<16xf32>
        %scan3A_930 = arith.constant 6 : i32
        %scan3A_931 = arith.addi %scan3A_774, %scan3A_930 : i32
        %broadcast_in_dim3A_932 = arith.constant -65536 : i32
        %broadcast_in_dim3A_933 = vector.broadcast %broadcast_in_dim3A_932 : i32 to vector<16xi32>
        %get3A_934 = arith.index_cast %scan3A_931 : i32 to index
        %get3A_935 = arith.constant 0 : index
        %get3A_936 = tpu.vector_load %arg7[%get3A_934, %get3A_935] {strides = array<i32>} : memref<100x32xi32, #tpu.memory_space<vmem>>, vector<16xi32>,
        %get3A_937 = arith.index_cast %scan3A_931 : i32 to index
        %get3A_938 = arith.constant 16 : index
        %get3A_939 = tpu.vector_load %arg7[%get3A_937, %get3A_938] {strides = array<i32>} : memref<100x32xi32, #tpu.memory_space<vmem>>, vector<16xi32>,
        %shift_left3A_940 = arith.constant 16 : i32
        %shift_left3A_941 = vector.broadcast %shift_left3A_940 : i32 to vector<16xi32>
        %shift_left3A_942 = arith.shli %get3A_936, %shift_left3A_941 : vector<16xi32>
        %bitcast3A_943 = vector.bitcast %shift_left3A_942 : vector<16xi32> to vector<16xf32>
        %add3A_944 = arith.addf %add3A_918, %bitcast3A_943 : vector<16xf32>
        %and3A_945 = arith.andi %get3A_936, %broadcast_in_dim3A_933 : vector<16xi32>
        %bitcast3A_946 = vector.bitcast %and3A_945 : vector<16xi32> to vector<16xf32>
        %add3A_947 = arith.addf %add3A_921, %bitcast3A_946 : vector<16xf32>
        %shift_left3A_948 = arith.constant 16 : i32
        %shift_left3A_949 = vector.broadcast %shift_left3A_948 : i32 to vector<16xi32>
        %shift_left3A_950 = arith.shli %get3A_939, %shift_left3A_949 : vector<16xi32>
        %bitcast3A_951 = vector.bitcast %shift_left3A_950 : vector<16xi32> to vector<16xf32>
        %add3A_952 = arith.addf %add3A_926, %bitcast3A_951 : vector<16xf32>
        %and3A_953 = arith.andi %get3A_939, %broadcast_in_dim3A_933 : vector<16xi32>
        %bitcast3A_954 = vector.bitcast %and3A_953 : vector<16xi32> to vector<16xf32>
        %add3A_955 = arith.addf %add3A_929, %bitcast3A_954 : vector<16xf32>
        %scan3A_956 = arith.constant 7 : i32
        %scan3A_957 = arith.addi %scan3A_774, %scan3A_956 : i32
        %broadcast_in_dim3A_958 = arith.constant -65536 : i32
        %broadcast_in_dim3A_959 = vector.broadcast %broadcast_in_dim3A_958 : i32 to vector<16xi32>
        %get3A_960 = arith.index_cast %scan3A_957 : i32 to index
        %get3A_961 = arith.constant 0 : index
        %get3A_962 = tpu.vector_load %arg7[%get3A_960, %get3A_961] {strides = array<i32>} : memref<100x32xi32, #tpu.memory_space<vmem>>, vector<16xi32>,
        %get3A_963 = arith.index_cast %scan3A_957 : i32 to index
        %get3A_964 = arith.constant 16 : index
        %get3A_965 = tpu.vector_load %arg7[%get3A_963, %get3A_964] {strides = array<i32>} : memref<100x32xi32, #tpu.memory_space<vmem>>, vector<16xi32>,
        %shift_left3A_966 = arith.constant 16 : i32
        %shift_left3A_967 = vector.broadcast %shift_left3A_966 : i32 to vector<16xi32>
        %shift_left3A_968 = arith.shli %get3A_962, %shift_left3A_967 : vector<16xi32>
        %bitcast3A_969 = vector.bitcast %shift_left3A_968 : vector<16xi32> to vector<16xf32>
        %add3A_970 = arith.addf %add3A_944, %bitcast3A_969 : vector<16xf32>
        %and3A_971 = arith.andi %get3A_962, %broadcast_in_dim3A_959 : vector<16xi32>
        %bitcast3A_972 = vector.bitcast %and3A_971 : vector<16xi32> to vector<16xf32>
        %add3A_973 = arith.addf %add3A_947, %bitcast3A_972 : vector<16xf32>
        %shift_left3A_974 = arith.constant 16 : i32
        %shift_left3A_975 = vector.broadcast %shift_left3A_974 : i32 to vector<16xi32>
        %shift_left3A_976 = arith.shli %get3A_965, %shift_left3A_975 : vector<16xi32>
        %bitcast3A_977 = vector.bitcast %shift_left3A_976 : vector<16xi32> to vector<16xf32>
        %add3A_978 = arith.addf %add3A_952, %bitcast3A_977 : vector<16xf32>
        %and3A_979 = arith.andi %get3A_965, %broadcast_in_dim3A_959 : vector<16xi32>
        %bitcast3A_980 = vector.bitcast %and3A_979 : vector<16xi32> to vector<16xf32>
        %add3A_981 = arith.addf %add3A_955, %bitcast3A_980 : vector<16xf32>
        %scan3A_982 = arith.constant 8 : i32
        %scan3A_983 = arith.addi %scan3A_774, %scan3A_982 : i32
        %broadcast_in_dim3A_984 = arith.constant -65536 : i32
        %broadcast_in_dim3A_985 = vector.broadcast %broadcast_in_dim3A_984 : i32 to vector<16xi32>
        %get3A_986 = arith.index_cast %scan3A_983 : i32 to index
        %get3A_987 = arith.constant 0 : index
        %get3A_988 = tpu.vector_load %arg7[%get3A_986, %get3A_987] {strides = array<i32>} : memref<100x32xi32, #tpu.memory_space<vmem>>, vector<16xi32>,
        %get3A_989 = arith.index_cast %scan3A_983 : i32 to index
        %get3A_990 = arith.constant 16 : index
        %get3A_991 = tpu.vector_load %arg7[%get3A_989, %get3A_990] {strides = array<i32>} : memref<100x32xi32, #tpu.memory_space<vmem>>, vector<16xi32>,
        %shift_left3A_992 = arith.constant 16 : i32
        %shift_left3A_993 = vector.broadcast %shift_left3A_992 : i32 to vector<16xi32>
        %shift_left3A_994 = arith.shli %get3A_988, %shift_left3A_993 : vector<16xi32>
        %bitcast3A_995 = vector.bitcast %shift_left3A_994 : vector<16xi32> to vector<16xf32>
        %add3A_996 = arith.addf %add3A_970, %bitcast3A_995 : vector<16xf32>
        %and3A_997 = arith.andi %get3A_988, %broadcast_in_dim3A_985 : vector<16xi32>
        %bitcast3A_998 = vector.bitcast %and3A_997 : vector<16xi32> to vector<16xf32>
        %add3A_999 = arith.addf %add3A_973, %bitcast3A_998 : vector<16xf32>
        %shift_left3A_1000 = arith.constant 16 : i32
        %shift_left3A_1001 = vector.broadcast %shift_left3A_1000 : i32 to vector<16xi32>
        %shift_left3A_1002 = arith.shli %get3A_991, %shift_left3A_1001 : vector<16xi32>
        %bitcast3A_1003 = vector.bitcast %shift_left3A_1002 : vector<16xi32> to vector<16xf32>
        %add3A_1004 = arith.addf %add3A_978, %bitcast3A_1003 : vector<16xf32>
        %and3A_1005 = arith.andi %get3A_991, %broadcast_in_dim3A_985 : vector<16xi32>
        %bitcast3A_1006 = vector.bitcast %and3A_1005 : vector<16xi32> to vector<16xf32>
        %add3A_1007 = arith.addf %add3A_981, %bitcast3A_1006 : vector<16xf32>
        %scan3A_1008 = arith.constant 9 : i32
        %scan3A_1009 = arith.addi %scan3A_774, %scan3A_1008 : i32
        %broadcast_in_dim3A_1010 = arith.constant -65536 : i32
        %broadcast_in_dim3A_1011 = vector.broadcast %broadcast_in_dim3A_1010 : i32 to vector<16xi32>
        %get3A_1012 = arith.index_cast %scan3A_1009 : i32 to index
        %get3A_1013 = arith.constant 0 : index
        %get3A_1014 = tpu.vector_load %arg7[%get3A_1012, %get3A_1013] {strides = array<i32>} : memref<100x32xi32, #tpu.memory_space<vmem>>, vector<16xi32>,
        %get3A_1015 = arith.index_cast %scan3A_1009 : i32 to index
        %get3A_1016 = arith.constant 16 : index
        %get3A_1017 = tpu.vector_load %arg7[%get3A_1015, %get3A_1016] {strides = array<i32>} : memref<100x32xi32, #tpu.memory_space<vmem>>, vector<16xi32>,
        %shift_left3A_1018 = arith.constant 16 : i32
        %shift_left3A_1019 = vector.broadcast %shift_left3A_1018 : i32 to vector<16xi32>
        %shift_left3A_1020 = arith.shli %get3A_1014, %shift_left3A_1019 : vector<16xi32>
        %bitcast3A_1021 = vector.bitcast %shift_left3A_1020 : vector<16xi32> to vector<16xf32>
        %add3A_1022 = arith.addf %add3A_996, %bitcast3A_1021 : vector<16xf32>
        %and3A_1023 = arith.andi %get3A_1014, %broadcast_in_dim3A_1011 : vector<16xi32>
        %bitcast3A_1024 = vector.bitcast %and3A_1023 : vector<16xi32> to vector<16xf32>
        %add3A_1025 = arith.addf %add3A_999, %bitcast3A_1024 : vector<16xf32>
        %shift_left3A_1026 = arith.constant 16 : i32
        %shift_left3A_1027 = vector.broadcast %shift_left3A_1026 : i32 to vector<16xi32>
        %shift_left3A_1028 = arith.shli %get3A_1017, %shift_left3A_1027 : vector<16xi32>
        %bitcast3A_1029 = vector.bitcast %shift_left3A_1028 : vector<16xi32> to vector<16xf32>
        %add3A_1030 = arith.addf %add3A_1004, %bitcast3A_1029 : vector<16xf32>
        %and3A_1031 = arith.andi %get3A_1017, %broadcast_in_dim3A_1011 : vector<16xi32>
        %bitcast3A_1032 = vector.bitcast %and3A_1031 : vector<16xi32> to vector<16xf32>
        %add3A_1033 = arith.addf %add3A_1007, %bitcast3A_1032 : vector<16xf32>
        scf.yield %add3A_1022, %add3A_1025, %add3A_1030, %add3A_1033 : vector<16xf32>, vector<16xf32>, vector<16xf32>, vector<16xf32>
      }
      %scan3A_152 = arith.constant 100 : i32
      %jit3A_153 = arith.constant 2 : i32
      %div3A_154 = arith.divsi %add3A_138, %jit3A_153 : i32
      %sign3A_155 = arith.constant 0 : i32
      %sign3A_156 = arith.cmpi sgt, %add3A_138, %sign3A_155 : i32
      %sign3A_157 = arith.extui %sign3A_156 : i1 to i32
      %sign3A_158 = arith.constant 0 : i32
      %sign3A_159 = arith.cmpi slt, %add3A_138, %sign3A_158 : i32
      %sign3A_160 = arith.extui %sign3A_159 : i1 to i32
      %sign3A_161 = arith.subi %sign3A_157, %sign3A_160 : i32
      %sign3A_162 = arith.constant 0 : i32
      %sign3A_163 = arith.cmpi sgt, %jit3A_153, %sign3A_162 : i32
      %sign3A_164 = arith.extui %sign3A_163 : i1 to i32
      %sign3A_165 = arith.constant 0 : i32
      %sign3A_166 = arith.cmpi slt, %jit3A_153, %sign3A_165 : i32
      %sign3A_167 = arith.extui %sign3A_166 : i1 to i32
      %sign3A_168 = arith.subi %sign3A_164, %sign3A_167 : i32
      %ne3A_169 = arith.cmpi ne, %sign3A_161, %sign3A_168 : i32
      %rem3A_170 = arith.remsi %add3A_138, %jit3A_153 : i32
      %ne3A_171 = arith.constant 0 : i32
      %ne3A_172 = arith.cmpi ne, %rem3A_170, %ne3A_171 : i32
      %and3A_173 = arith.andi %ne3A_169, %ne3A_172 : i1
      %sub3A_174 = arith.constant 1 : i32
      %sub3A_175 = arith.subi %div3A_154, %sub3A_174 : i32
      %select_n3A_176 = arith.select %and3A_173, %sub3A_175, %div3A_154 : i32
      %jit3A_177 = arith.constant 2 : i32
      %eq3A_178 = arith.constant 0 : i32
      %eq3A_179 = arith.cmpi eq, %jit3A_177, %eq3A_178 : i32
      %jit3A_180 = arith.constant 1 : i32
      %select_n3A_181 = arith.select %eq3A_179, %jit3A_180, %jit3A_177 : i32
      %rem3A_182 = arith.remsi %add3A_138, %select_n3A_181 : i32
      %ne3A_183 = arith.constant 0 : i32
      %ne3A_184 = arith.cmpi ne, %rem3A_182, %ne3A_183 : i32
      %lt3A_185 = arith.constant 0 : i32
      %lt3A_186 = arith.cmpi slt, %rem3A_182, %lt3A_185 : i32
      %lt3A_187 = arith.constant 0 : i32
      %lt3A_188 = arith.cmpi slt, %select_n3A_181, %lt3A_187 : i32
      %ne3A_189 = arith.xori %lt3A_186, %lt3A_188 : i1
      %and3A_190 = arith.andi %ne3A_189, %ne3A_184 : i1
      %add3A_191 = arith.addi %rem3A_182, %select_n3A_181 : i32
      %select_n3A_192 = arith.select %and3A_190, %add3A_191, %rem3A_182 : i32
      %eq3A_193 = arith.constant 0 : i32
      %eq3A_194 = arith.cmpi eq, %select_n3A_192, %eq3A_193 : i32
      %convert_element_type3A_195 = arith.extui %eq3A_194 : i1 to i32
      %cond3A_196 = arith.constant 0 : i32
      %cond3A_197 = arith.cmpi ne, %convert_element_type3A_195, %cond3A_196 : i32
      scf.if %cond3A_197 {
        %swap3A = arith.index_cast %select_n3A_176 : i32 to index
        %swap3A_774 = arith.constant 0 : index
        %swap3A_775 = tpu.vector_load %arg14[%swap3A, %swap3A_774] {strides = array<i32>} : memref<128x64xf32, #tpu.memory_space<vmem>>, vector<16xf32>,
        tpu.vector_store %arg14[%swap3A, %swap3A_774], %scan3A_151#0 {strides = array<i32>} : memref<128x64xf32, #tpu.memory_space<vmem>>, vector<16xf32>,
        %swap3A_776 = arith.index_cast %select_n3A_176 : i32 to index
        %swap3A_777 = arith.constant 16 : index
        %swap3A_778 = tpu.vector_load %arg14[%swap3A_776, %swap3A_777] {strides = array<i32>} : memref<128x64xf32, #tpu.memory_space<vmem>>, vector<16xf32>,
        tpu.vector_store %arg14[%swap3A_776, %swap3A_777], %scan3A_151#1 {strides = array<i32>} : memref<128x64xf32, #tpu.memory_space<vmem>>, vector<16xf32>,
        %swap3A_779 = arith.index_cast %select_n3A_176 : i32 to index
        %swap3A_780 = arith.constant 32 : index
        %swap3A_781 = tpu.vector_load %arg14[%swap3A_779, %swap3A_780] {strides = array<i32>} : memref<128x64xf32, #tpu.memory_space<vmem>>, vector<16xf32>,
        tpu.vector_store %arg14[%swap3A_779, %swap3A_780], %scan3A_151#2 {strides = array<i32>} : memref<128x64xf32, #tpu.memory_space<vmem>>, vector<16xf32>,
        %swap3A_782 = arith.index_cast %select_n3A_176 : i32 to index
        %swap3A_783 = arith.constant 48 : index
        %swap3A_784 = tpu.vector_load %arg14[%swap3A_782, %swap3A_783] {strides = array<i32>} : memref<128x64xf32, #tpu.memory_space<vmem>>, vector<16xf32>,
        tpu.vector_store %arg14[%swap3A_782, %swap3A_783], %scan3A_151#3 {strides = array<i32>} : memref<128x64xf32, #tpu.memory_space<vmem>>, vector<16xf32>,
      } else {
      }
      %jit3A_198 = arith.constant 2 : i32
      %eq3A_199 = arith.constant 0 : i32
      %eq3A_200 = arith.cmpi eq, %jit3A_198, %eq3A_199 : i32
      %jit3A_201 = arith.constant 1 : i32
      %select_n3A_202 = arith.select %eq3A_200, %jit3A_201, %jit3A_198 : i32
      %rem3A_203 = arith.remsi %add3A_138, %select_n3A_202 : i32
      %ne3A_204 = arith.constant 0 : i32
      %ne3A_205 = arith.cmpi ne, %rem3A_203, %ne3A_204 : i32
      %lt3A_206 = arith.constant 0 : i32
      %lt3A_207 = arith.cmpi slt, %rem3A_203, %lt3A_206 : i32
      %lt3A_208 = arith.constant 0 : i32
      %lt3A_209 = arith.cmpi slt, %select_n3A_202, %lt3A_208 : i32
      %ne3A_210 = arith.xori %lt3A_207, %lt3A_209 : i1
      %and3A_211 = arith.andi %ne3A_210, %ne3A_205 : i1
      %add3A_212 = arith.addi %rem3A_203, %select_n3A_202 : i32
      %select_n3A_213 = arith.select %and3A_211, %add3A_212, %rem3A_203 : i32
      %eq3A_214 = arith.constant 1 : i32
      %eq3A_215 = arith.cmpi eq, %select_n3A_213, %eq3A_214 : i32
      %convert_element_type3A_216 = arith.extui %eq3A_215 : i1 to i32
      %cond3A_217 = arith.constant 0 : i32
      %cond3A_218 = arith.cmpi ne, %convert_element_type3A_216, %cond3A_217 : i32
      scf.if %cond3A_218 {
        %swap3A = arith.index_cast %select_n3A_176 : i32 to index
        %swap3A_774 = arith.constant 0 : index
        %swap3A_775 = tpu.vector_load %arg14[%swap3A, %swap3A_774] {strides = array<i32>} : memref<128x64xf32, #tpu.memory_space<vmem>>, vector<16xf32>,
        tpu.vector_store %arg14[%swap3A, %swap3A_774], %scan3A_151#0 {add = true, strides = array<i32>} : memref<128x64xf32, #tpu.memory_space<vmem>>, vector<16xf32>,
        %swap3A_776 = arith.index_cast %select_n3A_176 : i32 to index
        %swap3A_777 = arith.constant 16 : index
        %swap3A_778 = tpu.vector_load %arg14[%swap3A_776, %swap3A_777] {strides = array<i32>} : memref<128x64xf32, #tpu.memory_space<vmem>>, vector<16xf32>,
        tpu.vector_store %arg14[%swap3A_776, %swap3A_777], %scan3A_151#1 {add = true, strides = array<i32>} : memref<128x64xf32, #tpu.memory_space<vmem>>, vector<16xf32>,
        %swap3A_779 = arith.index_cast %select_n3A_176 : i32 to index
        %swap3A_780 = arith.constant 32 : index
        %swap3A_781 = tpu.vector_load %arg14[%swap3A_779, %swap3A_780] {strides = array<i32>} : memref<128x64xf32, #tpu.memory_space<vmem>>, vector<16xf32>,
        tpu.vector_store %arg14[%swap3A_779, %swap3A_780], %scan3A_151#2 {add = true, strides = array<i32>} : memref<128x64xf32, #tpu.memory_space<vmem>>, vector<16xf32>,
        %swap3A_782 = arith.index_cast %select_n3A_176 : i32 to index
        %swap3A_783 = arith.constant 48 : index
        %swap3A_784 = tpu.vector_load %arg14[%swap3A_782, %swap3A_783] {strides = array<i32>} : memref<128x64xf32, #tpu.memory_space<vmem>>, vector<16xf32>,
        tpu.vector_store %arg14[%swap3A_782, %swap3A_783], %scan3A_151#3 {add = true, strides = array<i32>} : memref<128x64xf32, #tpu.memory_space<vmem>>, vector<16xf32>,
      } else {
      }
      %add3A_219 = arith.constant 8 : i32
      %add3A_220 = arith.addi %add3A_138, %add3A_219 : i32
      %sub3A_221 = arith.constant 1 : i32
      %sub3A_222 = arith.subi %add3A_220, %sub3A_221 : i32
      %lt3A_223 = arith.constant 256 : i32
      %lt3A_224 = arith.cmpi slt, %sub3A_222, %lt3A_223 : i32
      %convert_element_type3A_225 = arith.extui %lt3A_224 : i1 to i32
      %cond3A_226 = arith.constant 0 : i32
      %cond3A_227 = arith.cmpi ne, %convert_element_type3A_225, %cond3A_226 : i32
      scf.if %cond3A_227 {
        %add3A_774 = arith.constant 8 : i32
        %add3A_775 = arith.addi %add3A_138, %add3A_774 : i32
        %sub3A_776 = arith.constant 1 : i32
        %sub3A_777 = arith.subi %add3A_775, %sub3A_776 : i32
        %dma_start3A_778 = arith.constant 0 : i32
        %dma_start3A_779 = tpu.memref_slice %arg5[%sub3A_777, %dma_start3A_778] : memref<256x100xi32, #tpu.memory_space<vmem>> -> memref<1x100xi32, #tpu.memory_space<vmem>>
        %dma_start3A_780 = tpu.memref_squeeze %dma_start3A_779 : memref<1x100xi32, #tpu.memory_space<vmem>> -> memref<100xi32, #tpu.memory_space<vmem>>
        %dma_start3A_781 = arith.constant 0 : i32
        %dma_start3A_782 = arith.constant 0 : i32
        %dma_start3A_783 = tpu.memref_slice %arg2[%dma_start3A_781, %dma_start3A_782] : memref<100352x32xi32, #tpu.memory_space<hbm>> -> memref<100352x32xi32, #tpu.memory_space<hbm>>
        tpu.enqueue_indirect_dma source(%dma_start3A_783 : memref<100352x32xi32, #tpu.memory_space<hbm>>) target(%arg6 : memref<100x32xi32, #tpu.memory_space<vmem>>) offsets(%dma_start3A_780 : memref<100xi32, #tpu.memory_space<vmem>>) semaphore(%arg15 : memref<!tpu.dma_semaphore, #tpu.memory_space<semaphore_mem>>)
      } else {
      }
      %add3A_228 = arith.constant 2 : i32
      %add3A_229 = arith.addi %add3A_59, %add3A_228 : i32
      %dma_wait3A_230 = arith.constant 0 : i32
      %dma_wait3A_231 = tpu.memref_slice %arg5[%add3A_229, %dma_wait3A_230] : memref<256x100xi32, #tpu.memory_space<vmem>> -> memref<1x100xi32, #tpu.memory_space<vmem>>
      %dma_wait3A_232 = tpu.memref_squeeze %dma_wait3A_231 : memref<1x100xi32, #tpu.memory_space<vmem>> -> memref<100xi32, #tpu.memory_space<vmem>>
      %dma_wait3A_233 = arith.constant 0 : i32
      %dma_wait3A_234 = arith.constant 0 : i32
      %dma_wait3A_235 = tpu.memref_slice %arg2[%dma_wait3A_233, %dma_wait3A_234] : memref<100352x32xi32, #tpu.memory_space<hbm>> -> memref<100352x32xi32, #tpu.memory_space<hbm>>
      tpu.wait_indirect_dma semaphore(%arg17 : memref<!tpu.dma_semaphore, #tpu.memory_space<semaphore_mem>>) src(%dma_wait3A_235 : memref<100352x32xi32, #tpu.memory_space<hbm>>) dst(%arg8 : memref<100x32xi32, #tpu.memory_space<vmem>>)
      %broadcast_in_dim3A_236 = arith.constant 0.000000e+00 : f32
      %broadcast_in_dim3A_237 = vector.broadcast %broadcast_in_dim3A_236 : f32 to vector<16xf32>
      %scan3A_238 = arith.constant 0 : i32
      %scan3A_239 = arith.constant 100 : i32
      %scan3A_240 = arith.addi %scan3A_238, %scan3A_239 : i32
      %scan3A_241 = arith.constant 10 : i32
      %scan3A_242:4 = scf.for %scan3A_774 = %scan3A_238 to %scan3A_240 step %scan3A_241 iter_args(%scan3A_775 = %broadcast_in_dim3A_237, %scan3A_776 = %broadcast_in_dim3A_237, %scan3A_777 = %broadcast_in_dim3A_237, %scan3A_778 = %broadcast_in_dim3A_237) -> (vector<16xf32>, vector<16xf32>, vector<16xf32>, vector<16xf32>)  : i32 {
        %broadcast_in_dim3A_779 = arith.constant -65536 : i32
        %broadcast_in_dim3A_780 = vector.broadcast %broadcast_in_dim3A_779 : i32 to vector<16xi32>
        %get3A = arith.index_cast %scan3A_774 : i32 to index
        %get3A_781 = arith.constant 0 : index
        %get3A_782 = tpu.vector_load %arg8[%get3A, %get3A_781] {strides = array<i32>} : memref<100x32xi32, #tpu.memory_space<vmem>>, vector<16xi32>,
        %get3A_783 = arith.index_cast %scan3A_774 : i32 to index
        %get3A_784 = arith.constant 16 : index
        %get3A_785 = tpu.vector_load %arg8[%get3A_783, %get3A_784] {strides = array<i32>} : memref<100x32xi32, #tpu.memory_space<vmem>>, vector<16xi32>,
        %shift_left3A = arith.constant 16 : i32
        %shift_left3A_786 = vector.broadcast %shift_left3A : i32 to vector<16xi32>
        %shift_left3A_787 = arith.shli %get3A_782, %shift_left3A_786 : vector<16xi32>
        %bitcast3A = vector.bitcast %shift_left3A_787 : vector<16xi32> to vector<16xf32>
        %add3A_788 = arith.addf %scan3A_775, %bitcast3A : vector<16xf32>
        %and3A_789 = arith.andi %get3A_782, %broadcast_in_dim3A_780 : vector<16xi32>
        %bitcast3A_790 = vector.bitcast %and3A_789 : vector<16xi32> to vector<16xf32>
        %add3A_791 = arith.addf %scan3A_776, %bitcast3A_790 : vector<16xf32>
        %shift_left3A_792 = arith.constant 16 : i32
        %shift_left3A_793 = vector.broadcast %shift_left3A_792 : i32 to vector<16xi32>
        %shift_left3A_794 = arith.shli %get3A_785, %shift_left3A_793 : vector<16xi32>
        %bitcast3A_795 = vector.bitcast %shift_left3A_794 : vector<16xi32> to vector<16xf32>
        %add3A_796 = arith.addf %scan3A_777, %bitcast3A_795 : vector<16xf32>
        %and3A_797 = arith.andi %get3A_785, %broadcast_in_dim3A_780 : vector<16xi32>
        %bitcast3A_798 = vector.bitcast %and3A_797 : vector<16xi32> to vector<16xf32>
        %add3A_799 = arith.addf %scan3A_778, %bitcast3A_798 : vector<16xf32>
        %scan3A_800 = arith.constant 1 : i32
        %scan3A_801 = arith.addi %scan3A_774, %scan3A_800 : i32
        %broadcast_in_dim3A_802 = arith.constant -65536 : i32
        %broadcast_in_dim3A_803 = vector.broadcast %broadcast_in_dim3A_802 : i32 to vector<16xi32>
        %get3A_804 = arith.index_cast %scan3A_801 : i32 to index
        %get3A_805 = arith.constant 0 : index
        %get3A_806 = tpu.vector_load %arg8[%get3A_804, %get3A_805] {strides = array<i32>} : memref<100x32xi32, #tpu.memory_space<vmem>>, vector<16xi32>,
        %get3A_807 = arith.index_cast %scan3A_801 : i32 to index
        %get3A_808 = arith.constant 16 : index
        %get3A_809 = tpu.vector_load %arg8[%get3A_807, %get3A_808] {strides = array<i32>} : memref<100x32xi32, #tpu.memory_space<vmem>>, vector<16xi32>,
        %shift_left3A_810 = arith.constant 16 : i32
        %shift_left3A_811 = vector.broadcast %shift_left3A_810 : i32 to vector<16xi32>
        %shift_left3A_812 = arith.shli %get3A_806, %shift_left3A_811 : vector<16xi32>
        %bitcast3A_813 = vector.bitcast %shift_left3A_812 : vector<16xi32> to vector<16xf32>
        %add3A_814 = arith.addf %add3A_788, %bitcast3A_813 : vector<16xf32>
        %and3A_815 = arith.andi %get3A_806, %broadcast_in_dim3A_803 : vector<16xi32>
        %bitcast3A_816 = vector.bitcast %and3A_815 : vector<16xi32> to vector<16xf32>
        %add3A_817 = arith.addf %add3A_791, %bitcast3A_816 : vector<16xf32>
        %shift_left3A_818 = arith.constant 16 : i32
        %shift_left3A_819 = vector.broadcast %shift_left3A_818 : i32 to vector<16xi32>
        %shift_left3A_820 = arith.shli %get3A_809, %shift_left3A_819 : vector<16xi32>
        %bitcast3A_821 = vector.bitcast %shift_left3A_820 : vector<16xi32> to vector<16xf32>
        %add3A_822 = arith.addf %add3A_796, %bitcast3A_821 : vector<16xf32>
        %and3A_823 = arith.andi %get3A_809, %broadcast_in_dim3A_803 : vector<16xi32>
        %bitcast3A_824 = vector.bitcast %and3A_823 : vector<16xi32> to vector<16xf32>
        %add3A_825 = arith.addf %add3A_799, %bitcast3A_824 : vector<16xf32>
        %scan3A_826 = arith.constant 2 : i32
        %scan3A_827 = arith.addi %scan3A_774, %scan3A_826 : i32
        %broadcast_in_dim3A_828 = arith.constant -65536 : i32
        %broadcast_in_dim3A_829 = vector.broadcast %broadcast_in_dim3A_828 : i32 to vector<16xi32>
        %get3A_830 = arith.index_cast %scan3A_827 : i32 to index
        %get3A_831 = arith.constant 0 : index
        %get3A_832 = tpu.vector_load %arg8[%get3A_830, %get3A_831] {strides = array<i32>} : memref<100x32xi32, #tpu.memory_space<vmem>>, vector<16xi32>,
        %get3A_833 = arith.index_cast %scan3A_827 : i32 to index
        %get3A_834 = arith.constant 16 : index
        %get3A_835 = tpu.vector_load %arg8[%get3A_833, %get3A_834] {strides = array<i32>} : memref<100x32xi32, #tpu.memory_space<vmem>>, vector<16xi32>,
        %shift_left3A_836 = arith.constant 16 : i32
        %shift_left3A_837 = vector.broadcast %shift_left3A_836 : i32 to vector<16xi32>
        %shift_left3A_838 = arith.shli %get3A_832, %shift_left3A_837 : vector<16xi32>
        %bitcast3A_839 = vector.bitcast %shift_left3A_838 : vector<16xi32> to vector<16xf32>
        %add3A_840 = arith.addf %add3A_814, %bitcast3A_839 : vector<16xf32>
        %and3A_841 = arith.andi %get3A_832, %broadcast_in_dim3A_829 : vector<16xi32>
        %bitcast3A_842 = vector.bitcast %and3A_841 : vector<16xi32> to vector<16xf32>
        %add3A_843 = arith.addf %add3A_817, %bitcast3A_842 : vector<16xf32>
        %shift_left3A_844 = arith.constant 16 : i32
        %shift_left3A_845 = vector.broadcast %shift_left3A_844 : i32 to vector<16xi32>
        %shift_left3A_846 = arith.shli %get3A_835, %shift_left3A_845 : vector<16xi32>
        %bitcast3A_847 = vector.bitcast %shift_left3A_846 : vector<16xi32> to vector<16xf32>
        %add3A_848 = arith.addf %add3A_822, %bitcast3A_847 : vector<16xf32>
        %and3A_849 = arith.andi %get3A_835, %broadcast_in_dim3A_829 : vector<16xi32>
        %bitcast3A_850 = vector.bitcast %and3A_849 : vector<16xi32> to vector<16xf32>
        %add3A_851 = arith.addf %add3A_825, %bitcast3A_850 : vector<16xf32>
        %scan3A_852 = arith.constant 3 : i32
        %scan3A_853 = arith.addi %scan3A_774, %scan3A_852 : i32
        %broadcast_in_dim3A_854 = arith.constant -65536 : i32
        %broadcast_in_dim3A_855 = vector.broadcast %broadcast_in_dim3A_854 : i32 to vector<16xi32>
        %get3A_856 = arith.index_cast %scan3A_853 : i32 to index
        %get3A_857 = arith.constant 0 : index
        %get3A_858 = tpu.vector_load %arg8[%get3A_856, %get3A_857] {strides = array<i32>} : memref<100x32xi32, #tpu.memory_space<vmem>>, vector<16xi32>,
        %get3A_859 = arith.index_cast %scan3A_853 : i32 to index
        %get3A_860 = arith.constant 16 : index
        %get3A_861 = tpu.vector_load %arg8[%get3A_859, %get3A_860] {strides = array<i32>} : memref<100x32xi32, #tpu.memory_space<vmem>>, vector<16xi32>,
        %shift_left3A_862 = arith.constant 16 : i32
        %shift_left3A_863 = vector.broadcast %shift_left3A_862 : i32 to vector<16xi32>
        %shift_left3A_864 = arith.shli %get3A_858, %shift_left3A_863 : vector<16xi32>
        %bitcast3A_865 = vector.bitcast %shift_left3A_864 : vector<16xi32> to vector<16xf32>
        %add3A_866 = arith.addf %add3A_840, %bitcast3A_865 : vector<16xf32>
        %and3A_867 = arith.andi %get3A_858, %broadcast_in_dim3A_855 : vector<16xi32>
        %bitcast3A_868 = vector.bitcast %and3A_867 : vector<16xi32> to vector<16xf32>
        %add3A_869 = arith.addf %add3A_843, %bitcast3A_868 : vector<16xf32>
        %shift_left3A_870 = arith.constant 16 : i32
        %shift_left3A_871 = vector.broadcast %shift_left3A_870 : i32 to vector<16xi32>
        %shift_left3A_872 = arith.shli %get3A_861, %shift_left3A_871 : vector<16xi32>
        %bitcast3A_873 = vector.bitcast %shift_left3A_872 : vector<16xi32> to vector<16xf32>
        %add3A_874 = arith.addf %add3A_848, %bitcast3A_873 : vector<16xf32>
        %and3A_875 = arith.andi %get3A_861, %broadcast_in_dim3A_855 : vector<16xi32>
        %bitcast3A_876 = vector.bitcast %and3A_875 : vector<16xi32> to vector<16xf32>
        %add3A_877 = arith.addf %add3A_851, %bitcast3A_876 : vector<16xf32>
        %scan3A_878 = arith.constant 4 : i32
        %scan3A_879 = arith.addi %scan3A_774, %scan3A_878 : i32
        %broadcast_in_dim3A_880 = arith.constant -65536 : i32
        %broadcast_in_dim3A_881 = vector.broadcast %broadcast_in_dim3A_880 : i32 to vector<16xi32>
        %get3A_882 = arith.index_cast %scan3A_879 : i32 to index
        %get3A_883 = arith.constant 0 : index
        %get3A_884 = tpu.vector_load %arg8[%get3A_882, %get3A_883] {strides = array<i32>} : memref<100x32xi32, #tpu.memory_space<vmem>>, vector<16xi32>,
        %get3A_885 = arith.index_cast %scan3A_879 : i32 to index
        %get3A_886 = arith.constant 16 : index
        %get3A_887 = tpu.vector_load %arg8[%get3A_885, %get3A_886] {strides = array<i32>} : memref<100x32xi32, #tpu.memory_space<vmem>>, vector<16xi32>,
        %shift_left3A_888 = arith.constant 16 : i32
        %shift_left3A_889 = vector.broadcast %shift_left3A_888 : i32 to vector<16xi32>
        %shift_left3A_890 = arith.shli %get3A_884, %shift_left3A_889 : vector<16xi32>
        %bitcast3A_891 = vector.bitcast %shift_left3A_890 : vector<16xi32> to vector<16xf32>
        %add3A_892 = arith.addf %add3A_866, %bitcast3A_891 : vector<16xf32>
        %and3A_893 = arith.andi %get3A_884, %broadcast_in_dim3A_881 : vector<16xi32>
        %bitcast3A_894 = vector.bitcast %and3A_893 : vector<16xi32> to vector<16xf32>
        %add3A_895 = arith.addf %add3A_869, %bitcast3A_894 : vector<16xf32>
        %shift_left3A_896 = arith.constant 16 : i32
        %shift_left3A_897 = vector.broadcast %shift_left3A_896 : i32 to vector<16xi32>
        %shift_left3A_898 = arith.shli %get3A_887, %shift_left3A_897 : vector<16xi32>
        %bitcast3A_899 = vector.bitcast %shift_left3A_898 : vector<16xi32> to vector<16xf32>
        %add3A_900 = arith.addf %add3A_874, %bitcast3A_899 : vector<16xf32>
        %and3A_901 = arith.andi %get3A_887, %broadcast_in_dim3A_881 : vector<16xi32>
        %bitcast3A_902 = vector.bitcast %and3A_901 : vector<16xi32> to vector<16xf32>
        %add3A_903 = arith.addf %add3A_877, %bitcast3A_902 : vector<16xf32>
        %scan3A_904 = arith.constant 5 : i32
        %scan3A_905 = arith.addi %scan3A_774, %scan3A_904 : i32
        %broadcast_in_dim3A_906 = arith.constant -65536 : i32
        %broadcast_in_dim3A_907 = vector.broadcast %broadcast_in_dim3A_906 : i32 to vector<16xi32>
        %get3A_908 = arith.index_cast %scan3A_905 : i32 to index
        %get3A_909 = arith.constant 0 : index
        %get3A_910 = tpu.vector_load %arg8[%get3A_908, %get3A_909] {strides = array<i32>} : memref<100x32xi32, #tpu.memory_space<vmem>>, vector<16xi32>,
        %get3A_911 = arith.index_cast %scan3A_905 : i32 to index
        %get3A_912 = arith.constant 16 : index
        %get3A_913 = tpu.vector_load %arg8[%get3A_911, %get3A_912] {strides = array<i32>} : memref<100x32xi32, #tpu.memory_space<vmem>>, vector<16xi32>,
        %shift_left3A_914 = arith.constant 16 : i32
        %shift_left3A_915 = vector.broadcast %shift_left3A_914 : i32 to vector<16xi32>
        %shift_left3A_916 = arith.shli %get3A_910, %shift_left3A_915 : vector<16xi32>
        %bitcast3A_917 = vector.bitcast %shift_left3A_916 : vector<16xi32> to vector<16xf32>
        %add3A_918 = arith.addf %add3A_892, %bitcast3A_917 : vector<16xf32>
        %and3A_919 = arith.andi %get3A_910, %broadcast_in_dim3A_907 : vector<16xi32>
        %bitcast3A_920 = vector.bitcast %and3A_919 : vector<16xi32> to vector<16xf32>
        %add3A_921 = arith.addf %add3A_895, %bitcast3A_920 : vector<16xf32>
        %shift_left3A_922 = arith.constant 16 : i32
        %shift_left3A_923 = vector.broadcast %shift_left3A_922 : i32 to vector<16xi32>
        %shift_left3A_924 = arith.shli %get3A_913, %shift_left3A_923 : vector<16xi32>
        %bitcast3A_925 = vector.bitcast %shift_left3A_924 : vector<16xi32> to vector<16xf32>
        %add3A_926 = arith.addf %add3A_900, %bitcast3A_925 : vector<16xf32>
        %and3A_927 = arith.andi %get3A_913, %broadcast_in_dim3A_907 : vector<16xi32>
        %bitcast3A_928 = vector.bitcast %and3A_927 : vector<16xi32> to vector<16xf32>
        %add3A_929 = arith.addf %add3A_903, %bitcast3A_928 : vector<16xf32>
        %scan3A_930 = arith.constant 6 : i32
        %scan3A_931 = arith.addi %scan3A_774, %scan3A_930 : i32
        %broadcast_in_dim3A_932 = arith.constant -65536 : i32
        %broadcast_in_dim3A_933 = vector.broadcast %broadcast_in_dim3A_932 : i32 to vector<16xi32>
        %get3A_934 = arith.index_cast %scan3A_931 : i32 to index
        %get3A_935 = arith.constant 0 : index
        %get3A_936 = tpu.vector_load %arg8[%get3A_934, %get3A_935] {strides = array<i32>} : memref<100x32xi32, #tpu.memory_space<vmem>>, vector<16xi32>,
        %get3A_937 = arith.index_cast %scan3A_931 : i32 to index
        %get3A_938 = arith.constant 16 : index
        %get3A_939 = tpu.vector_load %arg8[%get3A_937, %get3A_938] {strides = array<i32>} : memref<100x32xi32, #tpu.memory_space<vmem>>, vector<16xi32>,
        %shift_left3A_940 = arith.constant 16 : i32
        %shift_left3A_941 = vector.broadcast %shift_left3A_940 : i32 to vector<16xi32>
        %shift_left3A_942 = arith.shli %get3A_936, %shift_left3A_941 : vector<16xi32>
        %bitcast3A_943 = vector.bitcast %shift_left3A_942 : vector<16xi32> to vector<16xf32>
        %add3A_944 = arith.addf %add3A_918, %bitcast3A_943 : vector<16xf32>
        %and3A_945 = arith.andi %get3A_936, %broadcast_in_dim3A_933 : vector<16xi32>
        %bitcast3A_946 = vector.bitcast %and3A_945 : vector<16xi32> to vector<16xf32>
        %add3A_947 = arith.addf %add3A_921, %bitcast3A_946 : vector<16xf32>
        %shift_left3A_948 = arith.constant 16 : i32
        %shift_left3A_949 = vector.broadcast %shift_left3A_948 : i32 to vector<16xi32>
        %shift_left3A_950 = arith.shli %get3A_939, %shift_left3A_949 : vector<16xi32>
        %bitcast3A_951 = vector.bitcast %shift_left3A_950 : vector<16xi32> to vector<16xf32>
        %add3A_952 = arith.addf %add3A_926, %bitcast3A_951 : vector<16xf32>
        %and3A_953 = arith.andi %get3A_939, %broadcast_in_dim3A_933 : vector<16xi32>
        %bitcast3A_954 = vector.bitcast %and3A_953 : vector<16xi32> to vector<16xf32>
        %add3A_955 = arith.addf %add3A_929, %bitcast3A_954 : vector<16xf32>
        %scan3A_956 = arith.constant 7 : i32
        %scan3A_957 = arith.addi %scan3A_774, %scan3A_956 : i32
        %broadcast_in_dim3A_958 = arith.constant -65536 : i32
        %broadcast_in_dim3A_959 = vector.broadcast %broadcast_in_dim3A_958 : i32 to vector<16xi32>
        %get3A_960 = arith.index_cast %scan3A_957 : i32 to index
        %get3A_961 = arith.constant 0 : index
        %get3A_962 = tpu.vector_load %arg8[%get3A_960, %get3A_961] {strides = array<i32>} : memref<100x32xi32, #tpu.memory_space<vmem>>, vector<16xi32>,
        %get3A_963 = arith.index_cast %scan3A_957 : i32 to index
        %get3A_964 = arith.constant 16 : index
        %get3A_965 = tpu.vector_load %arg8[%get3A_963, %get3A_964] {strides = array<i32>} : memref<100x32xi32, #tpu.memory_space<vmem>>, vector<16xi32>,
        %shift_left3A_966 = arith.constant 16 : i32
        %shift_left3A_967 = vector.broadcast %shift_left3A_966 : i32 to vector<16xi32>
        %shift_left3A_968 = arith.shli %get3A_962, %shift_left3A_967 : vector<16xi32>
        %bitcast3A_969 = vector.bitcast %shift_left3A_968 : vector<16xi32> to vector<16xf32>
        %add3A_970 = arith.addf %add3A_944, %bitcast3A_969 : vector<16xf32>
        %and3A_971 = arith.andi %get3A_962, %broadcast_in_dim3A_959 : vector<16xi32>
        %bitcast3A_972 = vector.bitcast %and3A_971 : vector<16xi32> to vector<16xf32>
        %add3A_973 = arith.addf %add3A_947, %bitcast3A_972 : vector<16xf32>
        %shift_left3A_974 = arith.constant 16 : i32
        %shift_left3A_975 = vector.broadcast %shift_left3A_974 : i32 to vector<16xi32>
        %shift_left3A_976 = arith.shli %get3A_965, %shift_left3A_975 : vector<16xi32>
        %bitcast3A_977 = vector.bitcast %shift_left3A_976 : vector<16xi32> to vector<16xf32>
        %add3A_978 = arith.addf %add3A_952, %bitcast3A_977 : vector<16xf32>
        %and3A_979 = arith.andi %get3A_965, %broadcast_in_dim3A_959 : vector<16xi32>
        %bitcast3A_980 = vector.bitcast %and3A_979 : vector<16xi32> to vector<16xf32>
        %add3A_981 = arith.addf %add3A_955, %bitcast3A_980 : vector<16xf32>
        %scan3A_982 = arith.constant 8 : i32
        %scan3A_983 = arith.addi %scan3A_774, %scan3A_982 : i32
        %broadcast_in_dim3A_984 = arith.constant -65536 : i32
        %broadcast_in_dim3A_985 = vector.broadcast %broadcast_in_dim3A_984 : i32 to vector<16xi32>
        %get3A_986 = arith.index_cast %scan3A_983 : i32 to index
        %get3A_987 = arith.constant 0 : index
        %get3A_988 = tpu.vector_load %arg8[%get3A_986, %get3A_987] {strides = array<i32>} : memref<100x32xi32, #tpu.memory_space<vmem>>, vector<16xi32>,
        %get3A_989 = arith.index_cast %scan3A_983 : i32 to index
        %get3A_990 = arith.constant 16 : index
        %get3A_991 = tpu.vector_load %arg8[%get3A_989, %get3A_990] {strides = array<i32>} : memref<100x32xi32, #tpu.memory_space<vmem>>, vector<16xi32>,
        %shift_left3A_992 = arith.constant 16 : i32
        %shift_left3A_993 = vector.broadcast %shift_left3A_992 : i32 to vector<16xi32>
        %shift_left3A_994 = arith.shli %get3A_988, %shift_left3A_993 : vector<16xi32>
        %bitcast3A_995 = vector.bitcast %shift_left3A_994 : vector<16xi32> to vector<16xf32>
        %add3A_996 = arith.addf %add3A_970, %bitcast3A_995 : vector<16xf32>
        %and3A_997 = arith.andi %get3A_988, %broadcast_in_dim3A_985 : vector<16xi32>
        %bitcast3A_998 = vector.bitcast %and3A_997 : vector<16xi32> to vector<16xf32>
        %add3A_999 = arith.addf %add3A_973, %bitcast3A_998 : vector<16xf32>
        %shift_left3A_1000 = arith.constant 16 : i32
        %shift_left3A_1001 = vector.broadcast %shift_left3A_1000 : i32 to vector<16xi32>
        %shift_left3A_1002 = arith.shli %get3A_991, %shift_left3A_1001 : vector<16xi32>
        %bitcast3A_1003 = vector.bitcast %shift_left3A_1002 : vector<16xi32> to vector<16xf32>
        %add3A_1004 = arith.addf %add3A_978, %bitcast3A_1003 : vector<16xf32>
        %and3A_1005 = arith.andi %get3A_991, %broadcast_in_dim3A_985 : vector<16xi32>
        %bitcast3A_1006 = vector.bitcast %and3A_1005 : vector<16xi32> to vector<16xf32>
        %add3A_1007 = arith.addf %add3A_981, %bitcast3A_1006 : vector<16xf32>
        %scan3A_1008 = arith.constant 9 : i32
        %scan3A_1009 = arith.addi %scan3A_774, %scan3A_1008 : i32
        %broadcast_in_dim3A_1010 = arith.constant -65536 : i32
        %broadcast_in_dim3A_1011 = vector.broadcast %broadcast_in_dim3A_1010 : i32 to vector<16xi32>
        %get3A_1012 = arith.index_cast %scan3A_1009 : i32 to index
        %get3A_1013 = arith.constant 0 : index
        %get3A_1014 = tpu.vector_load %arg8[%get3A_1012, %get3A_1013] {strides = array<i32>} : memref<100x32xi32, #tpu.memory_space<vmem>>, vector<16xi32>,
        %get3A_1015 = arith.index_cast %scan3A_1009 : i32 to index
        %get3A_1016 = arith.constant 16 : index
        %get3A_1017 = tpu.vector_load %arg8[%get3A_1015, %get3A_1016] {strides = array<i32>} : memref<100x32xi32, #tpu.memory_space<vmem>>, vector<16xi32>,
        %shift_left3A_1018 = arith.constant 16 : i32
        %shift_left3A_1019 = vector.broadcast %shift_left3A_1018 : i32 to vector<16xi32>
        %shift_left3A_1020 = arith.shli %get3A_1014, %shift_left3A_1019 : vector<16xi32>
        %bitcast3A_1021 = vector.bitcast %shift_left3A_1020 : vector<16xi32> to vector<16xf32>
        %add3A_1022 = arith.addf %add3A_996, %bitcast3A_1021 : vector<16xf32>
        %and3A_1023 = arith.andi %get3A_1014, %broadcast_in_dim3A_1011 : vector<16xi32>
        %bitcast3A_1024 = vector.bitcast %and3A_1023 : vector<16xi32> to vector<16xf32>
        %add3A_1025 = arith.addf %add3A_999, %bitcast3A_1024 : vector<16xf32>
        %shift_left3A_1026 = arith.constant 16 : i32
        %shift_left3A_1027 = vector.broadcast %shift_left3A_1026 : i32 to vector<16xi32>
        %shift_left3A_1028 = arith.shli %get3A_1017, %shift_left3A_1027 : vector<16xi32>
        %bitcast3A_1029 = vector.bitcast %shift_left3A_1028 : vector<16xi32> to vector<16xf32>
        %add3A_1030 = arith.addf %add3A_1004, %bitcast3A_1029 : vector<16xf32>
        %and3A_1031 = arith.andi %get3A_1017, %broadcast_in_dim3A_1011 : vector<16xi32>
        %bitcast3A_1032 = vector.bitcast %and3A_1031 : vector<16xi32> to vector<16xf32>
        %add3A_1033 = arith.addf %add3A_1007, %bitcast3A_1032 : vector<16xf32>
        scf.yield %add3A_1022, %add3A_1025, %add3A_1030, %add3A_1033 : vector<16xf32>, vector<16xf32>, vector<16xf32>, vector<16xf32>
      }
      %scan3A_243 = arith.constant 100 : i32
      %jit3A_244 = arith.constant 2 : i32
      %div3A_245 = arith.divsi %add3A_229, %jit3A_244 : i32
      %sign3A_246 = arith.constant 0 : i32
      %sign3A_247 = arith.cmpi sgt, %add3A_229, %sign3A_246 : i32
      %sign3A_248 = arith.extui %sign3A_247 : i1 to i32
      %sign3A_249 = arith.constant 0 : i32
      %sign3A_250 = arith.cmpi slt, %add3A_229, %sign3A_249 : i32
      %sign3A_251 = arith.extui %sign3A_250 : i1 to i32
      %sign3A_252 = arith.subi %sign3A_248, %sign3A_251 : i32
      %sign3A_253 = arith.constant 0 : i32
      %sign3A_254 = arith.cmpi sgt, %jit3A_244, %sign3A_253 : i32
      %sign3A_255 = arith.extui %sign3A_254 : i1 to i32
      %sign3A_256 = arith.constant 0 : i32
      %sign3A_257 = arith.cmpi slt, %jit3A_244, %sign3A_256 : i32
      %sign3A_258 = arith.extui %sign3A_257 : i1 to i32
      %sign3A_259 = arith.subi %sign3A_255, %sign3A_258 : i32
      %ne3A_260 = arith.cmpi ne, %sign3A_252, %sign3A_259 : i32
      %rem3A_261 = arith.remsi %add3A_229, %jit3A_244 : i32
      %ne3A_262 = arith.constant 0 : i32
      %ne3A_263 = arith.cmpi ne, %rem3A_261, %ne3A_262 : i32
      %and3A_264 = arith.andi %ne3A_260, %ne3A_263 : i1
      %sub3A_265 = arith.constant 1 : i32
      %sub3A_266 = arith.subi %div3A_245, %sub3A_265 : i32
      %select_n3A_267 = arith.select %and3A_264, %sub3A_266, %div3A_245 : i32
      %jit3A_268 = arith.constant 2 : i32
      %eq3A_269 = arith.constant 0 : i32
      %eq3A_270 = arith.cmpi eq, %jit3A_268, %eq3A_269 : i32
      %jit3A_271 = arith.constant 1 : i32
      %select_n3A_272 = arith.select %eq3A_270, %jit3A_271, %jit3A_268 : i32
      %rem3A_273 = arith.remsi %add3A_229, %select_n3A_272 : i32
      %ne3A_274 = arith.constant 0 : i32
      %ne3A_275 = arith.cmpi ne, %rem3A_273, %ne3A_274 : i32
      %lt3A_276 = arith.constant 0 : i32
      %lt3A_277 = arith.cmpi slt, %rem3A_273, %lt3A_276 : i32
      %lt3A_278 = arith.constant 0 : i32
      %lt3A_279 = arith.cmpi slt, %select_n3A_272, %lt3A_278 : i32
      %ne3A_280 = arith.xori %lt3A_277, %lt3A_279 : i1
      %and3A_281 = arith.andi %ne3A_280, %ne3A_275 : i1
      %add3A_282 = arith.addi %rem3A_273, %select_n3A_272 : i32
      %select_n3A_283 = arith.select %and3A_281, %add3A_282, %rem3A_273 : i32
      %eq3A_284 = arith.constant 0 : i32
      %eq3A_285 = arith.cmpi eq, %select_n3A_283, %eq3A_284 : i32
      %convert_element_type3A_286 = arith.extui %eq3A_285 : i1 to i32
      %cond3A_287 = arith.constant 0 : i32
      %cond3A_288 = arith.cmpi ne, %convert_element_type3A_286, %cond3A_287 : i32
      scf.if %cond3A_288 {
        %swap3A = arith.index_cast %select_n3A_267 : i32 to index
        %swap3A_774 = arith.constant 0 : index
        %swap3A_775 = tpu.vector_load %arg14[%swap3A, %swap3A_774] {strides = array<i32>} : memref<128x64xf32, #tpu.memory_space<vmem>>, vector<16xf32>,
        tpu.vector_store %arg14[%swap3A, %swap3A_774], %scan3A_242#0 {strides = array<i32>} : memref<128x64xf32, #tpu.memory_space<vmem>>, vector<16xf32>,
        %swap3A_776 = arith.index_cast %select_n3A_267 : i32 to index
        %swap3A_777 = arith.constant 16 : index
        %swap3A_778 = tpu.vector_load %arg14[%swap3A_776, %swap3A_777] {strides = array<i32>} : memref<128x64xf32, #tpu.memory_space<vmem>>, vector<16xf32>,
        tpu.vector_store %arg14[%swap3A_776, %swap3A_777], %scan3A_242#1 {strides = array<i32>} : memref<128x64xf32, #tpu.memory_space<vmem>>, vector<16xf32>,
        %swap3A_779 = arith.index_cast %select_n3A_267 : i32 to index
        %swap3A_780 = arith.constant 32 : index
        %swap3A_781 = tpu.vector_load %arg14[%swap3A_779, %swap3A_780] {strides = array<i32>} : memref<128x64xf32, #tpu.memory_space<vmem>>, vector<16xf32>,
        tpu.vector_store %arg14[%swap3A_779, %swap3A_780], %scan3A_242#2 {strides = array<i32>} : memref<128x64xf32, #tpu.memory_space<vmem>>, vector<16xf32>,
        %swap3A_782 = arith.index_cast %select_n3A_267 : i32 to index
        %swap3A_783 = arith.constant 48 : index
        %swap3A_784 = tpu.vector_load %arg14[%swap3A_782, %swap3A_783] {strides = array<i32>} : memref<128x64xf32, #tpu.memory_space<vmem>>, vector<16xf32>,
        tpu.vector_store %arg14[%swap3A_782, %swap3A_783], %scan3A_242#3 {strides = array<i32>} : memref<128x64xf32, #tpu.memory_space<vmem>>, vector<16xf32>,
      } else {
      }
      %jit3A_289 = arith.constant 2 : i32
      %eq3A_290 = arith.constant 0 : i32
      %eq3A_291 = arith.cmpi eq, %jit3A_289, %eq3A_290 : i32
      %jit3A_292 = arith.constant 1 : i32
      %select_n3A_293 = arith.select %eq3A_291, %jit3A_292, %jit3A_289 : i32
      %rem3A_294 = arith.remsi %add3A_229, %select_n3A_293 : i32
      %ne3A_295 = arith.constant 0 : i32
      %ne3A_296 = arith.cmpi ne, %rem3A_294, %ne3A_295 : i32
      %lt3A_297 = arith.constant 0 : i32
      %lt3A_298 = arith.cmpi slt, %rem3A_294, %lt3A_297 : i32
      %lt3A_299 = arith.constant 0 : i32
      %lt3A_300 = arith.cmpi slt, %select_n3A_293, %lt3A_299 : i32
      %ne3A_301 = arith.xori %lt3A_298, %lt3A_300 : i1
      %and3A_302 = arith.andi %ne3A_301, %ne3A_296 : i1
      %add3A_303 = arith.addi %rem3A_294, %select_n3A_293 : i32
      %select_n3A_304 = arith.select %and3A_302, %add3A_303, %rem3A_294 : i32
      %eq3A_305 = arith.constant 1 : i32
      %eq3A_306 = arith.cmpi eq, %select_n3A_304, %eq3A_305 : i32
      %convert_element_type3A_307 = arith.extui %eq3A_306 : i1 to i32
      %cond3A_308 = arith.constant 0 : i32
      %cond3A_309 = arith.cmpi ne, %convert_element_type3A_307, %cond3A_308 : i32
      scf.if %cond3A_309 {
        %swap3A = arith.index_cast %select_n3A_267 : i32 to index
        %swap3A_774 = arith.constant 0 : index
        %swap3A_775 = tpu.vector_load %arg14[%swap3A, %swap3A_774] {strides = array<i32>} : memref<128x64xf32, #tpu.memory_space<vmem>>, vector<16xf32>,
        tpu.vector_store %arg14[%swap3A, %swap3A_774], %scan3A_242#0 {add = true, strides = array<i32>} : memref<128x64xf32, #tpu.memory_space<vmem>>, vector<16xf32>,
        %swap3A_776 = arith.index_cast %select_n3A_267 : i32 to index
        %swap3A_777 = arith.constant 16 : index
        %swap3A_778 = tpu.vector_load %arg14[%swap3A_776, %swap3A_777] {strides = array<i32>} : memref<128x64xf32, #tpu.memory_space<vmem>>, vector<16xf32>,
        tpu.vector_store %arg14[%swap3A_776, %swap3A_777], %scan3A_242#1 {add = true, strides = array<i32>} : memref<128x64xf32, #tpu.memory_space<vmem>>, vector<16xf32>,
        %swap3A_779 = arith.index_cast %select_n3A_267 : i32 to index
        %swap3A_780 = arith.constant 32 : index
        %swap3A_781 = tpu.vector_load %arg14[%swap3A_779, %swap3A_780] {strides = array<i32>} : memref<128x64xf32, #tpu.memory_space<vmem>>, vector<16xf32>,
        tpu.vector_store %arg14[%swap3A_779, %swap3A_780], %scan3A_242#2 {add = true, strides = array<i32>} : memref<128x64xf32, #tpu.memory_space<vmem>>, vector<16xf32>,
        %swap3A_782 = arith.index_cast %select_n3A_267 : i32 to index
        %swap3A_783 = arith.constant 48 : index
        %swap3A_784 = tpu.vector_load %arg14[%swap3A_782, %swap3A_783] {strides = array<i32>} : memref<128x64xf32, #tpu.memory_space<vmem>>, vector<16xf32>,
        tpu.vector_store %arg14[%swap3A_782, %swap3A_783], %scan3A_242#3 {add = true, strides = array<i32>} : memref<128x64xf32, #tpu.memory_space<vmem>>, vector<16xf32>,
      } else {
      }
      %add3A_310 = arith.constant 8 : i32
      %add3A_311 = arith.addi %add3A_229, %add3A_310 : i32
      %sub3A_312 = arith.constant 1 : i32
      %sub3A_313 = arith.subi %add3A_311, %sub3A_312 : i32
      %lt3A_314 = arith.constant 256 : i32
      %lt3A_315 = arith.cmpi slt, %sub3A_313, %lt3A_314 : i32
      %convert_element_type3A_316 = arith.extui %lt3A_315 : i1 to i32
      %cond3A_317 = arith.constant 0 : i32
      %cond3A_318 = arith.cmpi ne, %convert_element_type3A_316, %cond3A_317 : i32
      scf.if %cond3A_318 {
        %add3A_774 = arith.constant 8 : i32
        %add3A_775 = arith.addi %add3A_229, %add3A_774 : i32
        %sub3A_776 = arith.constant 1 : i32
        %sub3A_777 = arith.subi %add3A_775, %sub3A_776 : i32
        %dma_start3A_778 = arith.constant 0 : i32
        %dma_start3A_779 = tpu.memref_slice %arg5[%sub3A_777, %dma_start3A_778] : memref<256x100xi32, #tpu.memory_space<vmem>> -> memref<1x100xi32, #tpu.memory_space<vmem>>
        %dma_start3A_780 = tpu.memref_squeeze %dma_start3A_779 : memref<1x100xi32, #tpu.memory_space<vmem>> -> memref<100xi32, #tpu.memory_space<vmem>>
        %dma_start3A_781 = arith.constant 0 : i32
        %dma_start3A_782 = arith.constant 0 : i32
        %dma_start3A_783 = tpu.memref_slice %arg2[%dma_start3A_781, %dma_start3A_782] : memref<100352x32xi32, #tpu.memory_space<hbm>> -> memref<100352x32xi32, #tpu.memory_space<hbm>>
        tpu.enqueue_indirect_dma source(%dma_start3A_783 : memref<100352x32xi32, #tpu.memory_space<hbm>>) target(%arg7 : memref<100x32xi32, #tpu.memory_space<vmem>>) offsets(%dma_start3A_780 : memref<100xi32, #tpu.memory_space<vmem>>) semaphore(%arg16 : memref<!tpu.dma_semaphore, #tpu.memory_space<semaphore_mem>>)
      } else {
      }
      %add3A_319 = arith.constant 3 : i32
      %add3A_320 = arith.addi %add3A_59, %add3A_319 : i32
      %dma_wait3A_321 = arith.constant 0 : i32
      %dma_wait3A_322 = tpu.memref_slice %arg5[%add3A_320, %dma_wait3A_321] : memref<256x100xi32, #tpu.memory_space<vmem>> -> memref<1x100xi32, #tpu.memory_space<vmem>>
      %dma_wait3A_323 = tpu.memref_squeeze %dma_wait3A_322 : memref<1x100xi32, #tpu.memory_space<vmem>> -> memref<100xi32, #tpu.memory_space<vmem>>
      %dma_wait3A_324 = arith.constant 0 : i32
      %dma_wait3A_325 = arith.constant 0 : i32
      %dma_wait3A_326 = tpu.memref_slice %arg2[%dma_wait3A_324, %dma_wait3A_325] : memref<100352x32xi32, #tpu.memory_space<hbm>> -> memref<100352x32xi32, #tpu.memory_space<hbm>>
      tpu.wait_indirect_dma semaphore(%arg18 : memref<!tpu.dma_semaphore, #tpu.memory_space<semaphore_mem>>) src(%dma_wait3A_326 : memref<100352x32xi32, #tpu.memory_space<hbm>>) dst(%arg9 : memref<100x32xi32, #tpu.memory_space<vmem>>)
      %broadcast_in_dim3A_327 = arith.constant 0.000000e+00 : f32
      %broadcast_in_dim3A_328 = vector.broadcast %broadcast_in_dim3A_327 : f32 to vector<16xf32>
      %scan3A_329 = arith.constant 0 : i32
      %scan3A_330 = arith.constant 100 : i32
      %scan3A_331 = arith.addi %scan3A_329, %scan3A_330 : i32
      %scan3A_332 = arith.constant 10 : i32
      %scan3A_333:4 = scf.for %scan3A_774 = %scan3A_329 to %scan3A_331 step %scan3A_332 iter_args(%scan3A_775 = %broadcast_in_dim3A_328, %scan3A_776 = %broadcast_in_dim3A_328, %scan3A_777 = %broadcast_in_dim3A_328, %scan3A_778 = %broadcast_in_dim3A_328) -> (vector<16xf32>, vector<16xf32>, vector<16xf32>, vector<16xf32>)  : i32 {
        %broadcast_in_dim3A_779 = arith.constant -65536 : i32
        %broadcast_in_dim3A_780 = vector.broadcast %broadcast_in_dim3A_779 : i32 to vector<16xi32>
        %get3A = arith.index_cast %scan3A_774 : i32 to index
        %get3A_781 = arith.constant 0 : index
        %get3A_782 = tpu.vector_load %arg9[%get3A, %get3A_781] {strides = array<i32>} : memref<100x32xi32, #tpu.memory_space<vmem>>, vector<16xi32>,
        %get3A_783 = arith.index_cast %scan3A_774 : i32 to index
        %get3A_784 = arith.constant 16 : index
        %get3A_785 = tpu.vector_load %arg9[%get3A_783, %get3A_784] {strides = array<i32>} : memref<100x32xi32, #tpu.memory_space<vmem>>, vector<16xi32>,
        %shift_left3A = arith.constant 16 : i32
        %shift_left3A_786 = vector.broadcast %shift_left3A : i32 to vector<16xi32>
        %shift_left3A_787 = arith.shli %get3A_782, %shift_left3A_786 : vector<16xi32>
        %bitcast3A = vector.bitcast %shift_left3A_787 : vector<16xi32> to vector<16xf32>
        %add3A_788 = arith.addf %scan3A_775, %bitcast3A : vector<16xf32>
        %and3A_789 = arith.andi %get3A_782, %broadcast_in_dim3A_780 : vector<16xi32>
        %bitcast3A_790 = vector.bitcast %and3A_789 : vector<16xi32> to vector<16xf32>
        %add3A_791 = arith.addf %scan3A_776, %bitcast3A_790 : vector<16xf32>
        %shift_left3A_792 = arith.constant 16 : i32
        %shift_left3A_793 = vector.broadcast %shift_left3A_792 : i32 to vector<16xi32>
        %shift_left3A_794 = arith.shli %get3A_785, %shift_left3A_793 : vector<16xi32>
        %bitcast3A_795 = vector.bitcast %shift_left3A_794 : vector<16xi32> to vector<16xf32>
        %add3A_796 = arith.addf %scan3A_777, %bitcast3A_795 : vector<16xf32>
        %and3A_797 = arith.andi %get3A_785, %broadcast_in_dim3A_780 : vector<16xi32>
        %bitcast3A_798 = vector.bitcast %and3A_797 : vector<16xi32> to vector<16xf32>
        %add3A_799 = arith.addf %scan3A_778, %bitcast3A_798 : vector<16xf32>
        %scan3A_800 = arith.constant 1 : i32
        %scan3A_801 = arith.addi %scan3A_774, %scan3A_800 : i32
        %broadcast_in_dim3A_802 = arith.constant -65536 : i32
        %broadcast_in_dim3A_803 = vector.broadcast %broadcast_in_dim3A_802 : i32 to vector<16xi32>
        %get3A_804 = arith.index_cast %scan3A_801 : i32 to index
        %get3A_805 = arith.constant 0 : index
        %get3A_806 = tpu.vector_load %arg9[%get3A_804, %get3A_805] {strides = array<i32>} : memref<100x32xi32, #tpu.memory_space<vmem>>, vector<16xi32>,
        %get3A_807 = arith.index_cast %scan3A_801 : i32 to index
        %get3A_808 = arith.constant 16 : index
        %get3A_809 = tpu.vector_load %arg9[%get3A_807, %get3A_808] {strides = array<i32>} : memref<100x32xi32, #tpu.memory_space<vmem>>, vector<16xi32>,
        %shift_left3A_810 = arith.constant 16 : i32
        %shift_left3A_811 = vector.broadcast %shift_left3A_810 : i32 to vector<16xi32>
        %shift_left3A_812 = arith.shli %get3A_806, %shift_left3A_811 : vector<16xi32>
        %bitcast3A_813 = vector.bitcast %shift_left3A_812 : vector<16xi32> to vector<16xf32>
        %add3A_814 = arith.addf %add3A_788, %bitcast3A_813 : vector<16xf32>
        %and3A_815 = arith.andi %get3A_806, %broadcast_in_dim3A_803 : vector<16xi32>
        %bitcast3A_816 = vector.bitcast %and3A_815 : vector<16xi32> to vector<16xf32>
        %add3A_817 = arith.addf %add3A_791, %bitcast3A_816 : vector<16xf32>
        %shift_left3A_818 = arith.constant 16 : i32
        %shift_left3A_819 = vector.broadcast %shift_left3A_818 : i32 to vector<16xi32>
        %shift_left3A_820 = arith.shli %get3A_809, %shift_left3A_819 : vector<16xi32>
        %bitcast3A_821 = vector.bitcast %shift_left3A_820 : vector<16xi32> to vector<16xf32>
        %add3A_822 = arith.addf %add3A_796, %bitcast3A_821 : vector<16xf32>
        %and3A_823 = arith.andi %get3A_809, %broadcast_in_dim3A_803 : vector<16xi32>
        %bitcast3A_824 = vector.bitcast %and3A_823 : vector<16xi32> to vector<16xf32>
        %add3A_825 = arith.addf %add3A_799, %bitcast3A_824 : vector<16xf32>
        %scan3A_826 = arith.constant 2 : i32
        %scan3A_827 = arith.addi %scan3A_774, %scan3A_826 : i32
        %broadcast_in_dim3A_828 = arith.constant -65536 : i32
        %broadcast_in_dim3A_829 = vector.broadcast %broadcast_in_dim3A_828 : i32 to vector<16xi32>
        %get3A_830 = arith.index_cast %scan3A_827 : i32 to index
        %get3A_831 = arith.constant 0 : index
        %get3A_832 = tpu.vector_load %arg9[%get3A_830, %get3A_831] {strides = array<i32>} : memref<100x32xi32, #tpu.memory_space<vmem>>, vector<16xi32>,
        %get3A_833 = arith.index_cast %scan3A_827 : i32 to index
        %get3A_834 = arith.constant 16 : index
        %get3A_835 = tpu.vector_load %arg9[%get3A_833, %get3A_834] {strides = array<i32>} : memref<100x32xi32, #tpu.memory_space<vmem>>, vector<16xi32>,
        %shift_left3A_836 = arith.constant 16 : i32
        %shift_left3A_837 = vector.broadcast %shift_left3A_836 : i32 to vector<16xi32>
        %shift_left3A_838 = arith.shli %get3A_832, %shift_left3A_837 : vector<16xi32>
        %bitcast3A_839 = vector.bitcast %shift_left3A_838 : vector<16xi32> to vector<16xf32>
        %add3A_840 = arith.addf %add3A_814, %bitcast3A_839 : vector<16xf32>
        %and3A_841 = arith.andi %get3A_832, %broadcast_in_dim3A_829 : vector<16xi32>
        %bitcast3A_842 = vector.bitcast %and3A_841 : vector<16xi32> to vector<16xf32>
        %add3A_843 = arith.addf %add3A_817, %bitcast3A_842 : vector<16xf32>
        %shift_left3A_844 = arith.constant 16 : i32
        %shift_left3A_845 = vector.broadcast %shift_left3A_844 : i32 to vector<16xi32>
        %shift_left3A_846 = arith.shli %get3A_835, %shift_left3A_845 : vector<16xi32>
        %bitcast3A_847 = vector.bitcast %shift_left3A_846 : vector<16xi32> to vector<16xf32>
        %add3A_848 = arith.addf %add3A_822, %bitcast3A_847 : vector<16xf32>
        %and3A_849 = arith.andi %get3A_835, %broadcast_in_dim3A_829 : vector<16xi32>
        %bitcast3A_850 = vector.bitcast %and3A_849 : vector<16xi32> to vector<16xf32>
        %add3A_851 = arith.addf %add3A_825, %bitcast3A_850 : vector<16xf32>
        %scan3A_852 = arith.constant 3 : i32
        %scan3A_853 = arith.addi %scan3A_774, %scan3A_852 : i32
        %broadcast_in_dim3A_854 = arith.constant -65536 : i32
        %broadcast_in_dim3A_855 = vector.broadcast %broadcast_in_dim3A_854 : i32 to vector<16xi32>
        %get3A_856 = arith.index_cast %scan3A_853 : i32 to index
        %get3A_857 = arith.constant 0 : index
        %get3A_858 = tpu.vector_load %arg9[%get3A_856, %get3A_857] {strides = array<i32>} : memref<100x32xi32, #tpu.memory_space<vmem>>, vector<16xi32>,
        %get3A_859 = arith.index_cast %scan3A_853 : i32 to index
        %get3A_860 = arith.constant 16 : index
        %get3A_861 = tpu.vector_load %arg9[%get3A_859, %get3A_860] {strides = array<i32>} : memref<100x32xi32, #tpu.memory_space<vmem>>, vector<16xi32>,
        %shift_left3A_862 = arith.constant 16 : i32
        %shift_left3A_863 = vector.broadcast %shift_left3A_862 : i32 to vector<16xi32>
        %shift_left3A_864 = arith.shli %get3A_858, %shift_left3A_863 : vector<16xi32>
        %bitcast3A_865 = vector.bitcast %shift_left3A_864 : vector<16xi32> to vector<16xf32>
        %add3A_866 = arith.addf %add3A_840, %bitcast3A_865 : vector<16xf32>
        %and3A_867 = arith.andi %get3A_858, %broadcast_in_dim3A_855 : vector<16xi32>
        %bitcast3A_868 = vector.bitcast %and3A_867 : vector<16xi32> to vector<16xf32>
        %add3A_869 = arith.addf %add3A_843, %bitcast3A_868 : vector<16xf32>
        %shift_left3A_870 = arith.constant 16 : i32
        %shift_left3A_871 = vector.broadcast %shift_left3A_870 : i32 to vector<16xi32>
        %shift_left3A_872 = arith.shli %get3A_861, %shift_left3A_871 : vector<16xi32>
        %bitcast3A_873 = vector.bitcast %shift_left3A_872 : vector<16xi32> to vector<16xf32>
        %add3A_874 = arith.addf %add3A_848, %bitcast3A_873 : vector<16xf32>
        %and3A_875 = arith.andi %get3A_861, %broadcast_in_dim3A_855 : vector<16xi32>
        %bitcast3A_876 = vector.bitcast %and3A_875 : vector<16xi32> to vector<16xf32>
        %add3A_877 = arith.addf %add3A_851, %bitcast3A_876 : vector<16xf32>
        %scan3A_878 = arith.constant 4 : i32
        %scan3A_879 = arith.addi %scan3A_774, %scan3A_878 : i32
        %broadcast_in_dim3A_880 = arith.constant -65536 : i32
        %broadcast_in_dim3A_881 = vector.broadcast %broadcast_in_dim3A_880 : i32 to vector<16xi32>
        %get3A_882 = arith.index_cast %scan3A_879 : i32 to index
        %get3A_883 = arith.constant 0 : index
        %get3A_884 = tpu.vector_load %arg9[%get3A_882, %get3A_883] {strides = array<i32>} : memref<100x32xi32, #tpu.memory_space<vmem>>, vector<16xi32>,
        %get3A_885 = arith.index_cast %scan3A_879 : i32 to index
        %get3A_886 = arith.constant 16 : index
        %get3A_887 = tpu.vector_load %arg9[%get3A_885, %get3A_886] {strides = array<i32>} : memref<100x32xi32, #tpu.memory_space<vmem>>, vector<16xi32>,
        %shift_left3A_888 = arith.constant 16 : i32
        %shift_left3A_889 = vector.broadcast %shift_left3A_888 : i32 to vector<16xi32>
        %shift_left3A_890 = arith.shli %get3A_884, %shift_left3A_889 : vector<16xi32>
        %bitcast3A_891 = vector.bitcast %shift_left3A_890 : vector<16xi32> to vector<16xf32>
        %add3A_892 = arith.addf %add3A_866, %bitcast3A_891 : vector<16xf32>
        %and3A_893 = arith.andi %get3A_884, %broadcast_in_dim3A_881 : vector<16xi32>
        %bitcast3A_894 = vector.bitcast %and3A_893 : vector<16xi32> to vector<16xf32>
        %add3A_895 = arith.addf %add3A_869, %bitcast3A_894 : vector<16xf32>
        %shift_left3A_896 = arith.constant 16 : i32
        %shift_left3A_897 = vector.broadcast %shift_left3A_896 : i32 to vector<16xi32>
        %shift_left3A_898 = arith.shli %get3A_887, %shift_left3A_897 : vector<16xi32>
        %bitcast3A_899 = vector.bitcast %shift_left3A_898 : vector<16xi32> to vector<16xf32>
        %add3A_900 = arith.addf %add3A_874, %bitcast3A_899 : vector<16xf32>
        %and3A_901 = arith.andi %get3A_887, %broadcast_in_dim3A_881 : vector<16xi32>
        %bitcast3A_902 = vector.bitcast %and3A_901 : vector<16xi32> to vector<16xf32>
        %add3A_903 = arith.addf %add3A_877, %bitcast3A_902 : vector<16xf32>
        %scan3A_904 = arith.constant 5 : i32
        %scan3A_905 = arith.addi %scan3A_774, %scan3A_904 : i32
        %broadcast_in_dim3A_906 = arith.constant -65536 : i32
        %broadcast_in_dim3A_907 = vector.broadcast %broadcast_in_dim3A_906 : i32 to vector<16xi32>
        %get3A_908 = arith.index_cast %scan3A_905 : i32 to index
        %get3A_909 = arith.constant 0 : index
        %get3A_910 = tpu.vector_load %arg9[%get3A_908, %get3A_909] {strides = array<i32>} : memref<100x32xi32, #tpu.memory_space<vmem>>, vector<16xi32>,
        %get3A_911 = arith.index_cast %scan3A_905 : i32 to index
        %get3A_912 = arith.constant 16 : index
        %get3A_913 = tpu.vector_load %arg9[%get3A_911, %get3A_912] {strides = array<i32>} : memref<100x32xi32, #tpu.memory_space<vmem>>, vector<16xi32>,
        %shift_left3A_914 = arith.constant 16 : i32
        %shift_left3A_915 = vector.broadcast %shift_left3A_914 : i32 to vector<16xi32>
        %shift_left3A_916 = arith.shli %get3A_910, %shift_left3A_915 : vector<16xi32>
        %bitcast3A_917 = vector.bitcast %shift_left3A_916 : vector<16xi32> to vector<16xf32>
        %add3A_918 = arith.addf %add3A_892, %bitcast3A_917 : vector<16xf32>
        %and3A_919 = arith.andi %get3A_910, %broadcast_in_dim3A_907 : vector<16xi32>
        %bitcast3A_920 = vector.bitcast %and3A_919 : vector<16xi32> to vector<16xf32>
        %add3A_921 = arith.addf %add3A_895, %bitcast3A_920 : vector<16xf32>
        %shift_left3A_922 = arith.constant 16 : i32
        %shift_left3A_923 = vector.broadcast %shift_left3A_922 : i32 to vector<16xi32>
        %shift_left3A_924 = arith.shli %get3A_913, %shift_left3A_923 : vector<16xi32>
        %bitcast3A_925 = vector.bitcast %shift_left3A_924 : vector<16xi32> to vector<16xf32>
        %add3A_926 = arith.addf %add3A_900, %bitcast3A_925 : vector<16xf32>
        %and3A_927 = arith.andi %get3A_913, %broadcast_in_dim3A_907 : vector<16xi32>
        %bitcast3A_928 = vector.bitcast %and3A_927 : vector<16xi32> to vector<16xf32>
        %add3A_929 = arith.addf %add3A_903, %bitcast3A_928 : vector<16xf32>
        %scan3A_930 = arith.constant 6 : i32
        %scan3A_931 = arith.addi %scan3A_774, %scan3A_930 : i32
        %broadcast_in_dim3A_932 = arith.constant -65536 : i32
        %broadcast_in_dim3A_933 = vector.broadcast %broadcast_in_dim3A_932 : i32 to vector<16xi32>
        %get3A_934 = arith.index_cast %scan3A_931 : i32 to index
        %get3A_935 = arith.constant 0 : index
        %get3A_936 = tpu.vector_load %arg9[%get3A_934, %get3A_935] {strides = array<i32>} : memref<100x32xi32, #tpu.memory_space<vmem>>, vector<16xi32>,
        %get3A_937 = arith.index_cast %scan3A_931 : i32 to index
        %get3A_938 = arith.constant 16 : index
        %get3A_939 = tpu.vector_load %arg9[%get3A_937, %get3A_938] {strides = array<i32>} : memref<100x32xi32, #tpu.memory_space<vmem>>, vector<16xi32>,
        %shift_left3A_940 = arith.constant 16 : i32
        %shift_left3A_941 = vector.broadcast %shift_left3A_940 : i32 to vector<16xi32>
        %shift_left3A_942 = arith.shli %get3A_936, %shift_left3A_941 : vector<16xi32>
        %bitcast3A_943 = vector.bitcast %shift_left3A_942 : vector<16xi32> to vector<16xf32>
        %add3A_944 = arith.addf %add3A_918, %bitcast3A_943 : vector<16xf32>
        %and3A_945 = arith.andi %get3A_936, %broadcast_in_dim3A_933 : vector<16xi32>
        %bitcast3A_946 = vector.bitcast %and3A_945 : vector<16xi32> to vector<16xf32>
        %add3A_947 = arith.addf %add3A_921, %bitcast3A_946 : vector<16xf32>
        %shift_left3A_948 = arith.constant 16 : i32
        %shift_left3A_949 = vector.broadcast %shift_left3A_948 : i32 to vector<16xi32>
        %shift_left3A_950 = arith.shli %get3A_939, %shift_left3A_949 : vector<16xi32>
        %bitcast3A_951 = vector.bitcast %shift_left3A_950 : vector<16xi32> to vector<16xf32>
        %add3A_952 = arith.addf %add3A_926, %bitcast3A_951 : vector<16xf32>
        %and3A_953 = arith.andi %get3A_939, %broadcast_in_dim3A_933 : vector<16xi32>
        %bitcast3A_954 = vector.bitcast %and3A_953 : vector<16xi32> to vector<16xf32>
        %add3A_955 = arith.addf %add3A_929, %bitcast3A_954 : vector<16xf32>
        %scan3A_956 = arith.constant 7 : i32
        %scan3A_957 = arith.addi %scan3A_774, %scan3A_956 : i32
        %broadcast_in_dim3A_958 = arith.constant -65536 : i32
        %broadcast_in_dim3A_959 = vector.broadcast %broadcast_in_dim3A_958 : i32 to vector<16xi32>
        %get3A_960 = arith.index_cast %scan3A_957 : i32 to index
        %get3A_961 = arith.constant 0 : index
        %get3A_962 = tpu.vector_load %arg9[%get3A_960, %get3A_961] {strides = array<i32>} : memref<100x32xi32, #tpu.memory_space<vmem>>, vector<16xi32>,
        %get3A_963 = arith.index_cast %scan3A_957 : i32 to index
        %get3A_964 = arith.constant 16 : index
        %get3A_965 = tpu.vector_load %arg9[%get3A_963, %get3A_964] {strides = array<i32>} : memref<100x32xi32, #tpu.memory_space<vmem>>, vector<16xi32>,
        %shift_left3A_966 = arith.constant 16 : i32
        %shift_left3A_967 = vector.broadcast %shift_left3A_966 : i32 to vector<16xi32>
        %shift_left3A_968 = arith.shli %get3A_962, %shift_left3A_967 : vector<16xi32>
        %bitcast3A_969 = vector.bitcast %shift_left3A_968 : vector<16xi32> to vector<16xf32>
        %add3A_970 = arith.addf %add3A_944, %bitcast3A_969 : vector<16xf32>
        %and3A_971 = arith.andi %get3A_962, %broadcast_in_dim3A_959 : vector<16xi32>
        %bitcast3A_972 = vector.bitcast %and3A_971 : vector<16xi32> to vector<16xf32>
        %add3A_973 = arith.addf %add3A_947, %bitcast3A_972 : vector<16xf32>
        %shift_left3A_974 = arith.constant 16 : i32
        %shift_left3A_975 = vector.broadcast %shift_left3A_974 : i32 to vector<16xi32>
        %shift_left3A_976 = arith.shli %get3A_965, %shift_left3A_975 : vector<16xi32>
        %bitcast3A_977 = vector.bitcast %shift_left3A_976 : vector<16xi32> to vector<16xf32>
        %add3A_978 = arith.addf %add3A_952, %bitcast3A_977 : vector<16xf32>
        %and3A_979 = arith.andi %get3A_965, %broadcast_in_dim3A_959 : vector<16xi32>
        %bitcast3A_980 = vector.bitcast %and3A_979 : vector<16xi32> to vector<16xf32>
        %add3A_981 = arith.addf %add3A_955, %bitcast3A_980 : vector<16xf32>
        %scan3A_982 = arith.constant 8 : i32
        %scan3A_983 = arith.addi %scan3A_774, %scan3A_982 : i32
        %broadcast_in_dim3A_984 = arith.constant -65536 : i32
        %broadcast_in_dim3A_985 = vector.broadcast %broadcast_in_dim3A_984 : i32 to vector<16xi32>
        %get3A_986 = arith.index_cast %scan3A_983 : i32 to index
        %get3A_987 = arith.constant 0 : index
        %get3A_988 = tpu.vector_load %arg9[%get3A_986, %get3A_987] {strides = array<i32>} : memref<100x32xi32, #tpu.memory_space<vmem>>, vector<16xi32>,
        %get3A_989 = arith.index_cast %scan3A_983 : i32 to index
        %get3A_990 = arith.constant 16 : index
        %get3A_991 = tpu.vector_load %arg9[%get3A_989, %get3A_990] {strides = array<i32>} : memref<100x32xi32, #tpu.memory_space<vmem>>, vector<16xi32>,
        %shift_left3A_992 = arith.constant 16 : i32
        %shift_left3A_993 = vector.broadcast %shift_left3A_992 : i32 to vector<16xi32>
        %shift_left3A_994 = arith.shli %get3A_988, %shift_left3A_993 : vector<16xi32>
        %bitcast3A_995 = vector.bitcast %shift_left3A_994 : vector<16xi32> to vector<16xf32>
        %add3A_996 = arith.addf %add3A_970, %bitcast3A_995 : vector<16xf32>
        %and3A_997 = arith.andi %get3A_988, %broadcast_in_dim3A_985 : vector<16xi32>
        %bitcast3A_998 = vector.bitcast %and3A_997 : vector<16xi32> to vector<16xf32>
        %add3A_999 = arith.addf %add3A_973, %bitcast3A_998 : vector<16xf32>
        %shift_left3A_1000 = arith.constant 16 : i32
        %shift_left3A_1001 = vector.broadcast %shift_left3A_1000 : i32 to vector<16xi32>
        %shift_left3A_1002 = arith.shli %get3A_991, %shift_left3A_1001 : vector<16xi32>
        %bitcast3A_1003 = vector.bitcast %shift_left3A_1002 : vector<16xi32> to vector<16xf32>
        %add3A_1004 = arith.addf %add3A_978, %bitcast3A_1003 : vector<16xf32>
        %and3A_1005 = arith.andi %get3A_991, %broadcast_in_dim3A_985 : vector<16xi32>
        %bitcast3A_1006 = vector.bitcast %and3A_1005 : vector<16xi32> to vector<16xf32>
        %add3A_1007 = arith.addf %add3A_981, %bitcast3A_1006 : vector<16xf32>
        %scan3A_1008 = arith.constant 9 : i32
        %scan3A_1009 = arith.addi %scan3A_774, %scan3A_1008 : i32
        %broadcast_in_dim3A_1010 = arith.constant -65536 : i32
        %broadcast_in_dim3A_1011 = vector.broadcast %broadcast_in_dim3A_1010 : i32 to vector<16xi32>
        %get3A_1012 = arith.index_cast %scan3A_1009 : i32 to index
        %get3A_1013 = arith.constant 0 : index
        %get3A_1014 = tpu.vector_load %arg9[%get3A_1012, %get3A_1013] {strides = array<i32>} : memref<100x32xi32, #tpu.memory_space<vmem>>, vector<16xi32>,
        %get3A_1015 = arith.index_cast %scan3A_1009 : i32 to index
        %get3A_1016 = arith.constant 16 : index
        %get3A_1017 = tpu.vector_load %arg9[%get3A_1015, %get3A_1016] {strides = array<i32>} : memref<100x32xi32, #tpu.memory_space<vmem>>, vector<16xi32>,
        %shift_left3A_1018 = arith.constant 16 : i32
        %shift_left3A_1019 = vector.broadcast %shift_left3A_1018 : i32 to vector<16xi32>
        %shift_left3A_1020 = arith.shli %get3A_1014, %shift_left3A_1019 : vector<16xi32>
        %bitcast3A_1021 = vector.bitcast %shift_left3A_1020 : vector<16xi32> to vector<16xf32>
        %add3A_1022 = arith.addf %add3A_996, %bitcast3A_1021 : vector<16xf32>
        %and3A_1023 = arith.andi %get3A_1014, %broadcast_in_dim3A_1011 : vector<16xi32>
        %bitcast3A_1024 = vector.bitcast %and3A_1023 : vector<16xi32> to vector<16xf32>
        %add3A_1025 = arith.addf %add3A_999, %bitcast3A_1024 : vector<16xf32>
        %shift_left3A_1026 = arith.constant 16 : i32
        %shift_left3A_1027 = vector.broadcast %shift_left3A_1026 : i32 to vector<16xi32>
        %shift_left3A_1028 = arith.shli %get3A_1017, %shift_left3A_1027 : vector<16xi32>
        %bitcast3A_1029 = vector.bitcast %shift_left3A_1028 : vector<16xi32> to vector<16xf32>
        %add3A_1030 = arith.addf %add3A_1004, %bitcast3A_1029 : vector<16xf32>
        %and3A_1031 = arith.andi %get3A_1017, %broadcast_in_dim3A_1011 : vector<16xi32>
        %bitcast3A_1032 = vector.bitcast %and3A_1031 : vector<16xi32> to vector<16xf32>
        %add3A_1033 = arith.addf %add3A_1007, %bitcast3A_1032 : vector<16xf32>
        scf.yield %add3A_1022, %add3A_1025, %add3A_1030, %add3A_1033 : vector<16xf32>, vector<16xf32>, vector<16xf32>, vector<16xf32>
      }
      %scan3A_334 = arith.constant 100 : i32
      %jit3A_335 = arith.constant 2 : i32
      %div3A_336 = arith.divsi %add3A_320, %jit3A_335 : i32
      %sign3A_337 = arith.constant 0 : i32
      %sign3A_338 = arith.cmpi sgt, %add3A_320, %sign3A_337 : i32
      %sign3A_339 = arith.extui %sign3A_338 : i1 to i32
      %sign3A_340 = arith.constant 0 : i32
      %sign3A_341 = arith.cmpi slt, %add3A_320, %sign3A_340 : i32
      %sign3A_342 = arith.extui %sign3A_341 : i1 to i32
      %sign3A_343 = arith.subi %sign3A_339, %sign3A_342 : i32
      %sign3A_344 = arith.constant 0 : i32
      %sign3A_345 = arith.cmpi sgt, %jit3A_335, %sign3A_344 : i32
      %sign3A_346 = arith.extui %sign3A_345 : i1 to i32
      %sign3A_347 = arith.constant 0 : i32
      %sign3A_348 = arith.cmpi slt, %jit3A_335, %sign3A_347 : i32
      %sign3A_349 = arith.extui %sign3A_348 : i1 to i32
      %sign3A_350 = arith.subi %sign3A_346, %sign3A_349 : i32
      %ne3A_351 = arith.cmpi ne, %sign3A_343, %sign3A_350 : i32
      %rem3A_352 = arith.remsi %add3A_320, %jit3A_335 : i32
      %ne3A_353 = arith.constant 0 : i32
      %ne3A_354 = arith.cmpi ne, %rem3A_352, %ne3A_353 : i32
      %and3A_355 = arith.andi %ne3A_351, %ne3A_354 : i1
      %sub3A_356 = arith.constant 1 : i32
      %sub3A_357 = arith.subi %div3A_336, %sub3A_356 : i32
      %select_n3A_358 = arith.select %and3A_355, %sub3A_357, %div3A_336 : i32
      %jit3A_359 = arith.constant 2 : i32
      %eq3A_360 = arith.constant 0 : i32
      %eq3A_361 = arith.cmpi eq, %jit3A_359, %eq3A_360 : i32
      %jit3A_362 = arith.constant 1 : i32
      %select_n3A_363 = arith.select %eq3A_361, %jit3A_362, %jit3A_359 : i32
      %rem3A_364 = arith.remsi %add3A_320, %select_n3A_363 : i32
      %ne3A_365 = arith.constant 0 : i32
      %ne3A_366 = arith.cmpi ne, %rem3A_364, %ne3A_365 : i32
      %lt3A_367 = arith.constant 0 : i32
      %lt3A_368 = arith.cmpi slt, %rem3A_364, %lt3A_367 : i32
      %lt3A_369 = arith.constant 0 : i32
      %lt3A_370 = arith.cmpi slt, %select_n3A_363, %lt3A_369 : i32
      %ne3A_371 = arith.xori %lt3A_368, %lt3A_370 : i1
      %and3A_372 = arith.andi %ne3A_371, %ne3A_366 : i1
      %add3A_373 = arith.addi %rem3A_364, %select_n3A_363 : i32
      %select_n3A_374 = arith.select %and3A_372, %add3A_373, %rem3A_364 : i32
      %eq3A_375 = arith.constant 0 : i32
      %eq3A_376 = arith.cmpi eq, %select_n3A_374, %eq3A_375 : i32
      %convert_element_type3A_377 = arith.extui %eq3A_376 : i1 to i32
      %cond3A_378 = arith.constant 0 : i32
      %cond3A_379 = arith.cmpi ne, %convert_element_type3A_377, %cond3A_378 : i32
      scf.if %cond3A_379 {
        %swap3A = arith.index_cast %select_n3A_358 : i32 to index
        %swap3A_774 = arith.constant 0 : index
        %swap3A_775 = tpu.vector_load %arg14[%swap3A, %swap3A_774] {strides = array<i32>} : memref<128x64xf32, #tpu.memory_space<vmem>>, vector<16xf32>,
        tpu.vector_store %arg14[%swap3A, %swap3A_774], %scan3A_333#0 {strides = array<i32>} : memref<128x64xf32, #tpu.memory_space<vmem>>, vector<16xf32>,
        %swap3A_776 = arith.index_cast %select_n3A_358 : i32 to index
        %swap3A_777 = arith.constant 16 : index
        %swap3A_778 = tpu.vector_load %arg14[%swap3A_776, %swap3A_777] {strides = array<i32>} : memref<128x64xf32, #tpu.memory_space<vmem>>, vector<16xf32>,
        tpu.vector_store %arg14[%swap3A_776, %swap3A_777], %scan3A_333#1 {strides = array<i32>} : memref<128x64xf32, #tpu.memory_space<vmem>>, vector<16xf32>,
        %swap3A_779 = arith.index_cast %select_n3A_358 : i32 to index
        %swap3A_780 = arith.constant 32 : index
        %swap3A_781 = tpu.vector_load %arg14[%swap3A_779, %swap3A_780] {strides = array<i32>} : memref<128x64xf32, #tpu.memory_space<vmem>>, vector<16xf32>,
        tpu.vector_store %arg14[%swap3A_779, %swap3A_780], %scan3A_333#2 {strides = array<i32>} : memref<128x64xf32, #tpu.memory_space<vmem>>, vector<16xf32>,
        %swap3A_782 = arith.index_cast %select_n3A_358 : i32 to index
        %swap3A_783 = arith.constant 48 : index
        %swap3A_784 = tpu.vector_load %arg14[%swap3A_782, %swap3A_783] {strides = array<i32>} : memref<128x64xf32, #tpu.memory_space<vmem>>, vector<16xf32>,
        tpu.vector_store %arg14[%swap3A_782, %swap3A_783], %scan3A_333#3 {strides = array<i32>} : memref<128x64xf32, #tpu.memory_space<vmem>>, vector<16xf32>,
      } else {
      }
      %jit3A_380 = arith.constant 2 : i32
      %eq3A_381 = arith.constant 0 : i32
      %eq3A_382 = arith.cmpi eq, %jit3A_380, %eq3A_381 : i32
      %jit3A_383 = arith.constant 1 : i32
      %select_n3A_384 = arith.select %eq3A_382, %jit3A_383, %jit3A_380 : i32
      %rem3A_385 = arith.remsi %add3A_320, %select_n3A_384 : i32
      %ne3A_386 = arith.constant 0 : i32
      %ne3A_387 = arith.cmpi ne, %rem3A_385, %ne3A_386 : i32
      %lt3A_388 = arith.constant 0 : i32
      %lt3A_389 = arith.cmpi slt, %rem3A_385, %lt3A_388 : i32
      %lt3A_390 = arith.constant 0 : i32
      %lt3A_391 = arith.cmpi slt, %select_n3A_384, %lt3A_390 : i32
      %ne3A_392 = arith.xori %lt3A_389, %lt3A_391 : i1
      %and3A_393 = arith.andi %ne3A_392, %ne3A_387 : i1
      %add3A_394 = arith.addi %rem3A_385, %select_n3A_384 : i32
      %select_n3A_395 = arith.select %and3A_393, %add3A_394, %rem3A_385 : i32
      %eq3A_396 = arith.constant 1 : i32
      %eq3A_397 = arith.cmpi eq, %select_n3A_395, %eq3A_396 : i32
      %convert_element_type3A_398 = arith.extui %eq3A_397 : i1 to i32
      %cond3A_399 = arith.constant 0 : i32
      %cond3A_400 = arith.cmpi ne, %convert_element_type3A_398, %cond3A_399 : i32
      scf.if %cond3A_400 {
        %swap3A = arith.index_cast %select_n3A_358 : i32 to index
        %swap3A_774 = arith.constant 0 : index
        %swap3A_775 = tpu.vector_load %arg14[%swap3A, %swap3A_774] {strides = array<i32>} : memref<128x64xf32, #tpu.memory_space<vmem>>, vector<16xf32>,
        tpu.vector_store %arg14[%swap3A, %swap3A_774], %scan3A_333#0 {add = true, strides = array<i32>} : memref<128x64xf32, #tpu.memory_space<vmem>>, vector<16xf32>,
        %swap3A_776 = arith.index_cast %select_n3A_358 : i32 to index
        %swap3A_777 = arith.constant 16 : index
        %swap3A_778 = tpu.vector_load %arg14[%swap3A_776, %swap3A_777] {strides = array<i32>} : memref<128x64xf32, #tpu.memory_space<vmem>>, vector<16xf32>,
        tpu.vector_store %arg14[%swap3A_776, %swap3A_777], %scan3A_333#1 {add = true, strides = array<i32>} : memref<128x64xf32, #tpu.memory_space<vmem>>, vector<16xf32>,
        %swap3A_779 = arith.index_cast %select_n3A_358 : i32 to index
        %swap3A_780 = arith.constant 32 : index
        %swap3A_781 = tpu.vector_load %arg14[%swap3A_779, %swap3A_780] {strides = array<i32>} : memref<128x64xf32, #tpu.memory_space<vmem>>, vector<16xf32>,
        tpu.vector_store %arg14[%swap3A_779, %swap3A_780], %scan3A_333#2 {add = true, strides = array<i32>} : memref<128x64xf32, #tpu.memory_space<vmem>>, vector<16xf32>,
        %swap3A_782 = arith.index_cast %select_n3A_358 : i32 to index
        %swap3A_783 = arith.constant 48 : index
        %swap3A_784 = tpu.vector_load %arg14[%swap3A_782, %swap3A_783] {strides = array<i32>} : memref<128x64xf32, #tpu.memory_space<vmem>>, vector<16xf32>,
        tpu.vector_store %arg14[%swap3A_782, %swap3A_783], %scan3A_333#3 {add = true, strides = array<i32>} : memref<128x64xf32, #tpu.memory_space<vmem>>, vector<16xf32>,
      } else {
      }
      %add3A_401 = arith.constant 8 : i32
      %add3A_402 = arith.addi %add3A_320, %add3A_401 : i32
      %sub3A_403 = arith.constant 1 : i32
      %sub3A_404 = arith.subi %add3A_402, %sub3A_403 : i32
      %lt3A_405 = arith.constant 256 : i32
      %lt3A_406 = arith.cmpi slt, %sub3A_404, %lt3A_405 : i32
      %convert_element_type3A_407 = arith.extui %lt3A_406 : i1 to i32
      %cond3A_408 = arith.constant 0 : i32
      %cond3A_409 = arith.cmpi ne, %convert_element_type3A_407, %cond3A_408 : i32
      scf.if %cond3A_409 {
        %add3A_774 = arith.constant 8 : i32
        %add3A_775 = arith.addi %add3A_320, %add3A_774 : i32
        %sub3A_776 = arith.constant 1 : i32
        %sub3A_777 = arith.subi %add3A_775, %sub3A_776 : i32
        %dma_start3A_778 = arith.constant 0 : i32
        %dma_start3A_779 = tpu.memref_slice %arg5[%sub3A_777, %dma_start3A_778] : memref<256x100xi32, #tpu.memory_space<vmem>> -> memref<1x100xi32, #tpu.memory_space<vmem>>
        %dma_start3A_780 = tpu.memref_squeeze %dma_start3A_779 : memref<1x100xi32, #tpu.memory_space<vmem>> -> memref<100xi32, #tpu.memory_space<vmem>>
        %dma_start3A_781 = arith.constant 0 : i32
        %dma_start3A_782 = arith.constant 0 : i32
        %dma_start3A_783 = tpu.memref_slice %arg2[%dma_start3A_781, %dma_start3A_782] : memref<100352x32xi32, #tpu.memory_space<hbm>> -> memref<100352x32xi32, #tpu.memory_space<hbm>>
        tpu.enqueue_indirect_dma source(%dma_start3A_783 : memref<100352x32xi32, #tpu.memory_space<hbm>>) target(%arg8 : memref<100x32xi32, #tpu.memory_space<vmem>>) offsets(%dma_start3A_780 : memref<100xi32, #tpu.memory_space<vmem>>) semaphore(%arg17 : memref<!tpu.dma_semaphore, #tpu.memory_space<semaphore_mem>>)
      } else {
      }
      %add3A_410 = arith.constant 4 : i32
      %add3A_411 = arith.addi %add3A_59, %add3A_410 : i32
      %dma_wait3A_412 = arith.constant 0 : i32
      %dma_wait3A_413 = tpu.memref_slice %arg5[%add3A_411, %dma_wait3A_412] : memref<256x100xi32, #tpu.memory_space<vmem>> -> memref<1x100xi32, #tpu.memory_space<vmem>>
      %dma_wait3A_414 = tpu.memref_squeeze %dma_wait3A_413 : memref<1x100xi32, #tpu.memory_space<vmem>> -> memref<100xi32, #tpu.memory_space<vmem>>
      %dma_wait3A_415 = arith.constant 0 : i32
      %dma_wait3A_416 = arith.constant 0 : i32
      %dma_wait3A_417 = tpu.memref_slice %arg2[%dma_wait3A_415, %dma_wait3A_416] : memref<100352x32xi32, #tpu.memory_space<hbm>> -> memref<100352x32xi32, #tpu.memory_space<hbm>>
      tpu.wait_indirect_dma semaphore(%arg19 : memref<!tpu.dma_semaphore, #tpu.memory_space<semaphore_mem>>) src(%dma_wait3A_417 : memref<100352x32xi32, #tpu.memory_space<hbm>>) dst(%arg10 : memref<100x32xi32, #tpu.memory_space<vmem>>)
      %broadcast_in_dim3A_418 = arith.constant 0.000000e+00 : f32
      %broadcast_in_dim3A_419 = vector.broadcast %broadcast_in_dim3A_418 : f32 to vector<16xf32>
      %scan3A_420 = arith.constant 0 : i32
      %scan3A_421 = arith.constant 100 : i32
      %scan3A_422 = arith.addi %scan3A_420, %scan3A_421 : i32
      %scan3A_423 = arith.constant 10 : i32
      %scan3A_424:4 = scf.for %scan3A_774 = %scan3A_420 to %scan3A_422 step %scan3A_423 iter_args(%scan3A_775 = %broadcast_in_dim3A_419, %scan3A_776 = %broadcast_in_dim3A_419, %scan3A_777 = %broadcast_in_dim3A_419, %scan3A_778 = %broadcast_in_dim3A_419) -> (vector<16xf32>, vector<16xf32>, vector<16xf32>, vector<16xf32>)  : i32 {
        %broadcast_in_dim3A_779 = arith.constant -65536 : i32
        %broadcast_in_dim3A_780 = vector.broadcast %broadcast_in_dim3A_779 : i32 to vector<16xi32>
        %get3A = arith.index_cast %scan3A_774 : i32 to index
        %get3A_781 = arith.constant 0 : index
        %get3A_782 = tpu.vector_load %arg10[%get3A, %get3A_781] {strides = array<i32>} : memref<100x32xi32, #tpu.memory_space<vmem>>, vector<16xi32>,
        %get3A_783 = arith.index_cast %scan3A_774 : i32 to index
        %get3A_784 = arith.constant 16 : index
        %get3A_785 = tpu.vector_load %arg10[%get3A_783, %get3A_784] {strides = array<i32>} : memref<100x32xi32, #tpu.memory_space<vmem>>, vector<16xi32>,
        %shift_left3A = arith.constant 16 : i32
        %shift_left3A_786 = vector.broadcast %shift_left3A : i32 to vector<16xi32>
        %shift_left3A_787 = arith.shli %get3A_782, %shift_left3A_786 : vector<16xi32>
        %bitcast3A = vector.bitcast %shift_left3A_787 : vector<16xi32> to vector<16xf32>
        %add3A_788 = arith.addf %scan3A_775, %bitcast3A : vector<16xf32>
        %and3A_789 = arith.andi %get3A_782, %broadcast_in_dim3A_780 : vector<16xi32>
        %bitcast3A_790 = vector.bitcast %and3A_789 : vector<16xi32> to vector<16xf32>
        %add3A_791 = arith.addf %scan3A_776, %bitcast3A_790 : vector<16xf32>
        %shift_left3A_792 = arith.constant 16 : i32
        %shift_left3A_793 = vector.broadcast %shift_left3A_792 : i32 to vector<16xi32>
        %shift_left3A_794 = arith.shli %get3A_785, %shift_left3A_793 : vector<16xi32>
        %bitcast3A_795 = vector.bitcast %shift_left3A_794 : vector<16xi32> to vector<16xf32>
        %add3A_796 = arith.addf %scan3A_777, %bitcast3A_795 : vector<16xf32>
        %and3A_797 = arith.andi %get3A_785, %broadcast_in_dim3A_780 : vector<16xi32>
        %bitcast3A_798 = vector.bitcast %and3A_797 : vector<16xi32> to vector<16xf32>
        %add3A_799 = arith.addf %scan3A_778, %bitcast3A_798 : vector<16xf32>
        %scan3A_800 = arith.constant 1 : i32
        %scan3A_801 = arith.addi %scan3A_774, %scan3A_800 : i32
        %broadcast_in_dim3A_802 = arith.constant -65536 : i32
        %broadcast_in_dim3A_803 = vector.broadcast %broadcast_in_dim3A_802 : i32 to vector<16xi32>
        %get3A_804 = arith.index_cast %scan3A_801 : i32 to index
        %get3A_805 = arith.constant 0 : index
        %get3A_806 = tpu.vector_load %arg10[%get3A_804, %get3A_805] {strides = array<i32>} : memref<100x32xi32, #tpu.memory_space<vmem>>, vector<16xi32>,
        %get3A_807 = arith.index_cast %scan3A_801 : i32 to index
        %get3A_808 = arith.constant 16 : index
        %get3A_809 = tpu.vector_load %arg10[%get3A_807, %get3A_808] {strides = array<i32>} : memref<100x32xi32, #tpu.memory_space<vmem>>, vector<16xi32>,
        %shift_left3A_810 = arith.constant 16 : i32
        %shift_left3A_811 = vector.broadcast %shift_left3A_810 : i32 to vector<16xi32>
        %shift_left3A_812 = arith.shli %get3A_806, %shift_left3A_811 : vector<16xi32>
        %bitcast3A_813 = vector.bitcast %shift_left3A_812 : vector<16xi32> to vector<16xf32>
        %add3A_814 = arith.addf %add3A_788, %bitcast3A_813 : vector<16xf32>
        %and3A_815 = arith.andi %get3A_806, %broadcast_in_dim3A_803 : vector<16xi32>
        %bitcast3A_816 = vector.bitcast %and3A_815 : vector<16xi32> to vector<16xf32>
        %add3A_817 = arith.addf %add3A_791, %bitcast3A_816 : vector<16xf32>
        %shift_left3A_818 = arith.constant 16 : i32
        %shift_left3A_819 = vector.broadcast %shift_left3A_818 : i32 to vector<16xi32>
        %shift_left3A_820 = arith.shli %get3A_809, %shift_left3A_819 : vector<16xi32>
        %bitcast3A_821 = vector.bitcast %shift_left3A_820 : vector<16xi32> to vector<16xf32>
        %add3A_822 = arith.addf %add3A_796, %bitcast3A_821 : vector<16xf32>
        %and3A_823 = arith.andi %get3A_809, %broadcast_in_dim3A_803 : vector<16xi32>
        %bitcast3A_824 = vector.bitcast %and3A_823 : vector<16xi32> to vector<16xf32>
        %add3A_825 = arith.addf %add3A_799, %bitcast3A_824 : vector<16xf32>
        %scan3A_826 = arith.constant 2 : i32
        %scan3A_827 = arith.addi %scan3A_774, %scan3A_826 : i32
        %broadcast_in_dim3A_828 = arith.constant -65536 : i32
        %broadcast_in_dim3A_829 = vector.broadcast %broadcast_in_dim3A_828 : i32 to vector<16xi32>
        %get3A_830 = arith.index_cast %scan3A_827 : i32 to index
        %get3A_831 = arith.constant 0 : index
        %get3A_832 = tpu.vector_load %arg10[%get3A_830, %get3A_831] {strides = array<i32>} : memref<100x32xi32, #tpu.memory_space<vmem>>, vector<16xi32>,
        %get3A_833 = arith.index_cast %scan3A_827 : i32 to index
        %get3A_834 = arith.constant 16 : index
        %get3A_835 = tpu.vector_load %arg10[%get3A_833, %get3A_834] {strides = array<i32>} : memref<100x32xi32, #tpu.memory_space<vmem>>, vector<16xi32>,
        %shift_left3A_836 = arith.constant 16 : i32
        %shift_left3A_837 = vector.broadcast %shift_left3A_836 : i32 to vector<16xi32>
        %shift_left3A_838 = arith.shli %get3A_832, %shift_left3A_837 : vector<16xi32>
        %bitcast3A_839 = vector.bitcast %shift_left3A_838 : vector<16xi32> to vector<16xf32>
        %add3A_840 = arith.addf %add3A_814, %bitcast3A_839 : vector<16xf32>
        %and3A_841 = arith.andi %get3A_832, %broadcast_in_dim3A_829 : vector<16xi32>
        %bitcast3A_842 = vector.bitcast %and3A_841 : vector<16xi32> to vector<16xf32>
        %add3A_843 = arith.addf %add3A_817, %bitcast3A_842 : vector<16xf32>
        %shift_left3A_844 = arith.constant 16 : i32
        %shift_left3A_845 = vector.broadcast %shift_left3A_844 : i32 to vector<16xi32>
        %shift_left3A_846 = arith.shli %get3A_835, %shift_left3A_845 : vector<16xi32>
        %bitcast3A_847 = vector.bitcast %shift_left3A_846 : vector<16xi32> to vector<16xf32>
        %add3A_848 = arith.addf %add3A_822, %bitcast3A_847 : vector<16xf32>
        %and3A_849 = arith.andi %get3A_835, %broadcast_in_dim3A_829 : vector<16xi32>
        %bitcast3A_850 = vector.bitcast %and3A_849 : vector<16xi32> to vector<16xf32>
        %add3A_851 = arith.addf %add3A_825, %bitcast3A_850 : vector<16xf32>
        %scan3A_852 = arith.constant 3 : i32
        %scan3A_853 = arith.addi %scan3A_774, %scan3A_852 : i32
        %broadcast_in_dim3A_854 = arith.constant -65536 : i32
        %broadcast_in_dim3A_855 = vector.broadcast %broadcast_in_dim3A_854 : i32 to vector<16xi32>
        %get3A_856 = arith.index_cast %scan3A_853 : i32 to index
        %get3A_857 = arith.constant 0 : index
        %get3A_858 = tpu.vector_load %arg10[%get3A_856, %get3A_857] {strides = array<i32>} : memref<100x32xi32, #tpu.memory_space<vmem>>, vector<16xi32>,
        %get3A_859 = arith.index_cast %scan3A_853 : i32 to index
        %get3A_860 = arith.constant 16 : index
        %get3A_861 = tpu.vector_load %arg10[%get3A_859, %get3A_860] {strides = array<i32>} : memref<100x32xi32, #tpu.memory_space<vmem>>, vector<16xi32>,
        %shift_left3A_862 = arith.constant 16 : i32
        %shift_left3A_863 = vector.broadcast %shift_left3A_862 : i32 to vector<16xi32>
        %shift_left3A_864 = arith.shli %get3A_858, %shift_left3A_863 : vector<16xi32>
        %bitcast3A_865 = vector.bitcast %shift_left3A_864 : vector<16xi32> to vector<16xf32>
        %add3A_866 = arith.addf %add3A_840, %bitcast3A_865 : vector<16xf32>
        %and3A_867 = arith.andi %get3A_858, %broadcast_in_dim3A_855 : vector<16xi32>
        %bitcast3A_868 = vector.bitcast %and3A_867 : vector<16xi32> to vector<16xf32>
        %add3A_869 = arith.addf %add3A_843, %bitcast3A_868 : vector<16xf32>
        %shift_left3A_870 = arith.constant 16 : i32
        %shift_left3A_871 = vector.broadcast %shift_left3A_870 : i32 to vector<16xi32>
        %shift_left3A_872 = arith.shli %get3A_861, %shift_left3A_871 : vector<16xi32>
        %bitcast3A_873 = vector.bitcast %shift_left3A_872 : vector<16xi32> to vector<16xf32>
        %add3A_874 = arith.addf %add3A_848, %bitcast3A_873 : vector<16xf32>
        %and3A_875 = arith.andi %get3A_861, %broadcast_in_dim3A_855 : vector<16xi32>
        %bitcast3A_876 = vector.bitcast %and3A_875 : vector<16xi32> to vector<16xf32>
        %add3A_877 = arith.addf %add3A_851, %bitcast3A_876 : vector<16xf32>
        %scan3A_878 = arith.constant 4 : i32
        %scan3A_879 = arith.addi %scan3A_774, %scan3A_878 : i32
        %broadcast_in_dim3A_880 = arith.constant -65536 : i32
        %broadcast_in_dim3A_881 = vector.broadcast %broadcast_in_dim3A_880 : i32 to vector<16xi32>
        %get3A_882 = arith.index_cast %scan3A_879 : i32 to index
        %get3A_883 = arith.constant 0 : index
        %get3A_884 = tpu.vector_load %arg10[%get3A_882, %get3A_883] {strides = array<i32>} : memref<100x32xi32, #tpu.memory_space<vmem>>, vector<16xi32>,
        %get3A_885 = arith.index_cast %scan3A_879 : i32 to index
        %get3A_886 = arith.constant 16 : index
        %get3A_887 = tpu.vector_load %arg10[%get3A_885, %get3A_886] {strides = array<i32>} : memref<100x32xi32, #tpu.memory_space<vmem>>, vector<16xi32>,
        %shift_left3A_888 = arith.constant 16 : i32
        %shift_left3A_889 = vector.broadcast %shift_left3A_888 : i32 to vector<16xi32>
        %shift_left3A_890 = arith.shli %get3A_884, %shift_left3A_889 : vector<16xi32>
        %bitcast3A_891 = vector.bitcast %shift_left3A_890 : vector<16xi32> to vector<16xf32>
        %add3A_892 = arith.addf %add3A_866, %bitcast3A_891 : vector<16xf32>
        %and3A_893 = arith.andi %get3A_884, %broadcast_in_dim3A_881 : vector<16xi32>
        %bitcast3A_894 = vector.bitcast %and3A_893 : vector<16xi32> to vector<16xf32>
        %add3A_895 = arith.addf %add3A_869, %bitcast3A_894 : vector<16xf32>
        %shift_left3A_896 = arith.constant 16 : i32
        %shift_left3A_897 = vector.broadcast %shift_left3A_896 : i32 to vector<16xi32>
        %shift_left3A_898 = arith.shli %get3A_887, %shift_left3A_897 : vector<16xi32>
        %bitcast3A_899 = vector.bitcast %shift_left3A_898 : vector<16xi32> to vector<16xf32>
        %add3A_900 = arith.addf %add3A_874, %bitcast3A_899 : vector<16xf32>
        %and3A_901 = arith.andi %get3A_887, %broadcast_in_dim3A_881 : vector<16xi32>
        %bitcast3A_902 = vector.bitcast %and3A_901 : vector<16xi32> to vector<16xf32>
        %add3A_903 = arith.addf %add3A_877, %bitcast3A_902 : vector<16xf32>
        %scan3A_904 = arith.constant 5 : i32
        %scan3A_905 = arith.addi %scan3A_774, %scan3A_904 : i32
        %broadcast_in_dim3A_906 = arith.constant -65536 : i32
        %broadcast_in_dim3A_907 = vector.broadcast %broadcast_in_dim3A_906 : i32 to vector<16xi32>
        %get3A_908 = arith.index_cast %scan3A_905 : i32 to index
        %get3A_909 = arith.constant 0 : index
        %get3A_910 = tpu.vector_load %arg10[%get3A_908, %get3A_909] {strides = array<i32>} : memref<100x32xi32, #tpu.memory_space<vmem>>, vector<16xi32>,
        %get3A_911 = arith.index_cast %scan3A_905 : i32 to index
        %get3A_912 = arith.constant 16 : index
        %get3A_913 = tpu.vector_load %arg10[%get3A_911, %get3A_912] {strides = array<i32>} : memref<100x32xi32, #tpu.memory_space<vmem>>, vector<16xi32>,
        %shift_left3A_914 = arith.constant 16 : i32
        %shift_left3A_915 = vector.broadcast %shift_left3A_914 : i32 to vector<16xi32>
        %shift_left3A_916 = arith.shli %get3A_910, %shift_left3A_915 : vector<16xi32>
        %bitcast3A_917 = vector.bitcast %shift_left3A_916 : vector<16xi32> to vector<16xf32>
        %add3A_918 = arith.addf %add3A_892, %bitcast3A_917 : vector<16xf32>
        %and3A_919 = arith.andi %get3A_910, %broadcast_in_dim3A_907 : vector<16xi32>
        %bitcast3A_920 = vector.bitcast %and3A_919 : vector<16xi32> to vector<16xf32>
        %add3A_921 = arith.addf %add3A_895, %bitcast3A_920 : vector<16xf32>
        %shift_left3A_922 = arith.constant 16 : i32
        %shift_left3A_923 = vector.broadcast %shift_left3A_922 : i32 to vector<16xi32>
        %shift_left3A_924 = arith.shli %get3A_913, %shift_left3A_923 : vector<16xi32>
        %bitcast3A_925 = vector.bitcast %shift_left3A_924 : vector<16xi32> to vector<16xf32>
        %add3A_926 = arith.addf %add3A_900, %bitcast3A_925 : vector<16xf32>
        %and3A_927 = arith.andi %get3A_913, %broadcast_in_dim3A_907 : vector<16xi32>
        %bitcast3A_928 = vector.bitcast %and3A_927 : vector<16xi32> to vector<16xf32>
        %add3A_929 = arith.addf %add3A_903, %bitcast3A_928 : vector<16xf32>
        %scan3A_930 = arith.constant 6 : i32
        %scan3A_931 = arith.addi %scan3A_774, %scan3A_930 : i32
        %broadcast_in_dim3A_932 = arith.constant -65536 : i32
        %broadcast_in_dim3A_933 = vector.broadcast %broadcast_in_dim3A_932 : i32 to vector<16xi32>
        %get3A_934 = arith.index_cast %scan3A_931 : i32 to index
        %get3A_935 = arith.constant 0 : index
        %get3A_936 = tpu.vector_load %arg10[%get3A_934, %get3A_935] {strides = array<i32>} : memref<100x32xi32, #tpu.memory_space<vmem>>, vector<16xi32>,
        %get3A_937 = arith.index_cast %scan3A_931 : i32 to index
        %get3A_938 = arith.constant 16 : index
        %get3A_939 = tpu.vector_load %arg10[%get3A_937, %get3A_938] {strides = array<i32>} : memref<100x32xi32, #tpu.memory_space<vmem>>, vector<16xi32>,
        %shift_left3A_940 = arith.constant 16 : i32
        %shift_left3A_941 = vector.broadcast %shift_left3A_940 : i32 to vector<16xi32>
        %shift_left3A_942 = arith.shli %get3A_936, %shift_left3A_941 : vector<16xi32>
        %bitcast3A_943 = vector.bitcast %shift_left3A_942 : vector<16xi32> to vector<16xf32>
        %add3A_944 = arith.addf %add3A_918, %bitcast3A_943 : vector<16xf32>
        %and3A_945 = arith.andi %get3A_936, %broadcast_in_dim3A_933 : vector<16xi32>
        %bitcast3A_946 = vector.bitcast %and3A_945 : vector<16xi32> to vector<16xf32>
        %add3A_947 = arith.addf %add3A_921, %bitcast3A_946 : vector<16xf32>
        %shift_left3A_948 = arith.constant 16 : i32
        %shift_left3A_949 = vector.broadcast %shift_left3A_948 : i32 to vector<16xi32>
        %shift_left3A_950 = arith.shli %get3A_939, %shift_left3A_949 : vector<16xi32>
        %bitcast3A_951 = vector.bitcast %shift_left3A_950 : vector<16xi32> to vector<16xf32>
        %add3A_952 = arith.addf %add3A_926, %bitcast3A_951 : vector<16xf32>
        %and3A_953 = arith.andi %get3A_939, %broadcast_in_dim3A_933 : vector<16xi32>
        %bitcast3A_954 = vector.bitcast %and3A_953 : vector<16xi32> to vector<16xf32>
        %add3A_955 = arith.addf %add3A_929, %bitcast3A_954 : vector<16xf32>
        %scan3A_956 = arith.constant 7 : i32
        %scan3A_957 = arith.addi %scan3A_774, %scan3A_956 : i32
        %broadcast_in_dim3A_958 = arith.constant -65536 : i32
        %broadcast_in_dim3A_959 = vector.broadcast %broadcast_in_dim3A_958 : i32 to vector<16xi32>
        %get3A_960 = arith.index_cast %scan3A_957 : i32 to index
        %get3A_961 = arith.constant 0 : index
        %get3A_962 = tpu.vector_load %arg10[%get3A_960, %get3A_961] {strides = array<i32>} : memref<100x32xi32, #tpu.memory_space<vmem>>, vector<16xi32>,
        %get3A_963 = arith.index_cast %scan3A_957 : i32 to index
        %get3A_964 = arith.constant 16 : index
        %get3A_965 = tpu.vector_load %arg10[%get3A_963, %get3A_964] {strides = array<i32>} : memref<100x32xi32, #tpu.memory_space<vmem>>, vector<16xi32>,
        %shift_left3A_966 = arith.constant 16 : i32
        %shift_left3A_967 = vector.broadcast %shift_left3A_966 : i32 to vector<16xi32>
        %shift_left3A_968 = arith.shli %get3A_962, %shift_left3A_967 : vector<16xi32>
        %bitcast3A_969 = vector.bitcast %shift_left3A_968 : vector<16xi32> to vector<16xf32>
        %add3A_970 = arith.addf %add3A_944, %bitcast3A_969 : vector<16xf32>
        %and3A_971 = arith.andi %get3A_962, %broadcast_in_dim3A_959 : vector<16xi32>
        %bitcast3A_972 = vector.bitcast %and3A_971 : vector<16xi32> to vector<16xf32>
        %add3A_973 = arith.addf %add3A_947, %bitcast3A_972 : vector<16xf32>
        %shift_left3A_974 = arith.constant 16 : i32
        %shift_left3A_975 = vector.broadcast %shift_left3A_974 : i32 to vector<16xi32>
        %shift_left3A_976 = arith.shli %get3A_965, %shift_left3A_975 : vector<16xi32>
        %bitcast3A_977 = vector.bitcast %shift_left3A_976 : vector<16xi32> to vector<16xf32>
        %add3A_978 = arith.addf %add3A_952, %bitcast3A_977 : vector<16xf32>
        %and3A_979 = arith.andi %get3A_965, %broadcast_in_dim3A_959 : vector<16xi32>
        %bitcast3A_980 = vector.bitcast %and3A_979 : vector<16xi32> to vector<16xf32>
        %add3A_981 = arith.addf %add3A_955, %bitcast3A_980 : vector<16xf32>
        %scan3A_982 = arith.constant 8 : i32
        %scan3A_983 = arith.addi %scan3A_774, %scan3A_982 : i32
        %broadcast_in_dim3A_984 = arith.constant -65536 : i32
        %broadcast_in_dim3A_985 = vector.broadcast %broadcast_in_dim3A_984 : i32 to vector<16xi32>
        %get3A_986 = arith.index_cast %scan3A_983 : i32 to index
        %get3A_987 = arith.constant 0 : index
        %get3A_988 = tpu.vector_load %arg10[%get3A_986, %get3A_987] {strides = array<i32>} : memref<100x32xi32, #tpu.memory_space<vmem>>, vector<16xi32>,
        %get3A_989 = arith.index_cast %scan3A_983 : i32 to index
        %get3A_990 = arith.constant 16 : index
        %get3A_991 = tpu.vector_load %arg10[%get3A_989, %get3A_990] {strides = array<i32>} : memref<100x32xi32, #tpu.memory_space<vmem>>, vector<16xi32>,
        %shift_left3A_992 = arith.constant 16 : i32
        %shift_left3A_993 = vector.broadcast %shift_left3A_992 : i32 to vector<16xi32>
        %shift_left3A_994 = arith.shli %get3A_988, %shift_left3A_993 : vector<16xi32>
        %bitcast3A_995 = vector.bitcast %shift_left3A_994 : vector<16xi32> to vector<16xf32>
        %add3A_996 = arith.addf %add3A_970, %bitcast3A_995 : vector<16xf32>
        %and3A_997 = arith.andi %get3A_988, %broadcast_in_dim3A_985 : vector<16xi32>
        %bitcast3A_998 = vector.bitcast %and3A_997 : vector<16xi32> to vector<16xf32>
        %add3A_999 = arith.addf %add3A_973, %bitcast3A_998 : vector<16xf32>
        %shift_left3A_1000 = arith.constant 16 : i32
        %shift_left3A_1001 = vector.broadcast %shift_left3A_1000 : i32 to vector<16xi32>
        %shift_left3A_1002 = arith.shli %get3A_991, %shift_left3A_1001 : vector<16xi32>
        %bitcast3A_1003 = vector.bitcast %shift_left3A_1002 : vector<16xi32> to vector<16xf32>
        %add3A_1004 = arith.addf %add3A_978, %bitcast3A_1003 : vector<16xf32>
        %and3A_1005 = arith.andi %get3A_991, %broadcast_in_dim3A_985 : vector<16xi32>
        %bitcast3A_1006 = vector.bitcast %and3A_1005 : vector<16xi32> to vector<16xf32>
        %add3A_1007 = arith.addf %add3A_981, %bitcast3A_1006 : vector<16xf32>
        %scan3A_1008 = arith.constant 9 : i32
        %scan3A_1009 = arith.addi %scan3A_774, %scan3A_1008 : i32
        %broadcast_in_dim3A_1010 = arith.constant -65536 : i32
        %broadcast_in_dim3A_1011 = vector.broadcast %broadcast_in_dim3A_1010 : i32 to vector<16xi32>
        %get3A_1012 = arith.index_cast %scan3A_1009 : i32 to index
        %get3A_1013 = arith.constant 0 : index
        %get3A_1014 = tpu.vector_load %arg10[%get3A_1012, %get3A_1013] {strides = array<i32>} : memref<100x32xi32, #tpu.memory_space<vmem>>, vector<16xi32>,
        %get3A_1015 = arith.index_cast %scan3A_1009 : i32 to index
        %get3A_1016 = arith.constant 16 : index
        %get3A_1017 = tpu.vector_load %arg10[%get3A_1015, %get3A_1016] {strides = array<i32>} : memref<100x32xi32, #tpu.memory_space<vmem>>, vector<16xi32>,
        %shift_left3A_1018 = arith.constant 16 : i32
        %shift_left3A_1019 = vector.broadcast %shift_left3A_1018 : i32 to vector<16xi32>
        %shift_left3A_1020 = arith.shli %get3A_1014, %shift_left3A_1019 : vector<16xi32>
        %bitcast3A_1021 = vector.bitcast %shift_left3A_1020 : vector<16xi32> to vector<16xf32>
        %add3A_1022 = arith.addf %add3A_996, %bitcast3A_1021 : vector<16xf32>
        %and3A_1023 = arith.andi %get3A_1014, %broadcast_in_dim3A_1011 : vector<16xi32>
        %bitcast3A_1024 = vector.bitcast %and3A_1023 : vector<16xi32> to vector<16xf32>
        %add3A_1025 = arith.addf %add3A_999, %bitcast3A_1024 : vector<16xf32>
        %shift_left3A_1026 = arith.constant 16 : i32
        %shift_left3A_1027 = vector.broadcast %shift_left3A_1026 : i32 to vector<16xi32>
        %shift_left3A_1028 = arith.shli %get3A_1017, %shift_left3A_1027 : vector<16xi32>
        %bitcast3A_1029 = vector.bitcast %shift_left3A_1028 : vector<16xi32> to vector<16xf32>
        %add3A_1030 = arith.addf %add3A_1004, %bitcast3A_1029 : vector<16xf32>
        %and3A_1031 = arith.andi %get3A_1017, %broadcast_in_dim3A_1011 : vector<16xi32>
        %bitcast3A_1032 = vector.bitcast %and3A_1031 : vector<16xi32> to vector<16xf32>
        %add3A_1033 = arith.addf %add3A_1007, %bitcast3A_1032 : vector<16xf32>
        scf.yield %add3A_1022, %add3A_1025, %add3A_1030, %add3A_1033 : vector<16xf32>, vector<16xf32>, vector<16xf32>, vector<16xf32>
      }
      %scan3A_425 = arith.constant 100 : i32
      %jit3A_426 = arith.constant 2 : i32
      %div3A_427 = arith.divsi %add3A_411, %jit3A_426 : i32
      %sign3A_428 = arith.constant 0 : i32
      %sign3A_429 = arith.cmpi sgt, %add3A_411, %sign3A_428 : i32
      %sign3A_430 = arith.extui %sign3A_429 : i1 to i32
      %sign3A_431 = arith.constant 0 : i32
      %sign3A_432 = arith.cmpi slt, %add3A_411, %sign3A_431 : i32
      %sign3A_433 = arith.extui %sign3A_432 : i1 to i32
      %sign3A_434 = arith.subi %sign3A_430, %sign3A_433 : i32
      %sign3A_435 = arith.constant 0 : i32
      %sign3A_436 = arith.cmpi sgt, %jit3A_426, %sign3A_435 : i32
      %sign3A_437 = arith.extui %sign3A_436 : i1 to i32
      %sign3A_438 = arith.constant 0 : i32
      %sign3A_439 = arith.cmpi slt, %jit3A_426, %sign3A_438 : i32
      %sign3A_440 = arith.extui %sign3A_439 : i1 to i32
      %sign3A_441 = arith.subi %sign3A_437, %sign3A_440 : i32
      %ne3A_442 = arith.cmpi ne, %sign3A_434, %sign3A_441 : i32
      %rem3A_443 = arith.remsi %add3A_411, %jit3A_426 : i32
      %ne3A_444 = arith.constant 0 : i32
      %ne3A_445 = arith.cmpi ne, %rem3A_443, %ne3A_444 : i32
      %and3A_446 = arith.andi %ne3A_442, %ne3A_445 : i1
      %sub3A_447 = arith.constant 1 : i32
      %sub3A_448 = arith.subi %div3A_427, %sub3A_447 : i32
      %select_n3A_449 = arith.select %and3A_446, %sub3A_448, %div3A_427 : i32
      %jit3A_450 = arith.constant 2 : i32
      %eq3A_451 = arith.constant 0 : i32
      %eq3A_452 = arith.cmpi eq, %jit3A_450, %eq3A_451 : i32
      %jit3A_453 = arith.constant 1 : i32
      %select_n3A_454 = arith.select %eq3A_452, %jit3A_453, %jit3A_450 : i32
      %rem3A_455 = arith.remsi %add3A_411, %select_n3A_454 : i32
      %ne3A_456 = arith.constant 0 : i32
      %ne3A_457 = arith.cmpi ne, %rem3A_455, %ne3A_456 : i32
      %lt3A_458 = arith.constant 0 : i32
      %lt3A_459 = arith.cmpi slt, %rem3A_455, %lt3A_458 : i32
      %lt3A_460 = arith.constant 0 : i32
      %lt3A_461 = arith.cmpi slt, %select_n3A_454, %lt3A_460 : i32
      %ne3A_462 = arith.xori %lt3A_459, %lt3A_461 : i1
      %and3A_463 = arith.andi %ne3A_462, %ne3A_457 : i1
      %add3A_464 = arith.addi %rem3A_455, %select_n3A_454 : i32
      %select_n3A_465 = arith.select %and3A_463, %add3A_464, %rem3A_455 : i32
      %eq3A_466 = arith.constant 0 : i32
      %eq3A_467 = arith.cmpi eq, %select_n3A_465, %eq3A_466 : i32
      %convert_element_type3A_468 = arith.extui %eq3A_467 : i1 to i32
      %cond3A_469 = arith.constant 0 : i32
      %cond3A_470 = arith.cmpi ne, %convert_element_type3A_468, %cond3A_469 : i32
      scf.if %cond3A_470 {
        %swap3A = arith.index_cast %select_n3A_449 : i32 to index
        %swap3A_774 = arith.constant 0 : index
        %swap3A_775 = tpu.vector_load %arg14[%swap3A, %swap3A_774] {strides = array<i32>} : memref<128x64xf32, #tpu.memory_space<vmem>>, vector<16xf32>,
        tpu.vector_store %arg14[%swap3A, %swap3A_774], %scan3A_424#0 {strides = array<i32>} : memref<128x64xf32, #tpu.memory_space<vmem>>, vector<16xf32>,
        %swap3A_776 = arith.index_cast %select_n3A_449 : i32 to index
        %swap3A_777 = arith.constant 16 : index
        %swap3A_778 = tpu.vector_load %arg14[%swap3A_776, %swap3A_777] {strides = array<i32>} : memref<128x64xf32, #tpu.memory_space<vmem>>, vector<16xf32>,
        tpu.vector_store %arg14[%swap3A_776, %swap3A_777], %scan3A_424#1 {strides = array<i32>} : memref<128x64xf32, #tpu.memory_space<vmem>>, vector<16xf32>,
        %swap3A_779 = arith.index_cast %select_n3A_449 : i32 to index
        %swap3A_780 = arith.constant 32 : index
        %swap3A_781 = tpu.vector_load %arg14[%swap3A_779, %swap3A_780] {strides = array<i32>} : memref<128x64xf32, #tpu.memory_space<vmem>>, vector<16xf32>,
        tpu.vector_store %arg14[%swap3A_779, %swap3A_780], %scan3A_424#2 {strides = array<i32>} : memref<128x64xf32, #tpu.memory_space<vmem>>, vector<16xf32>,
        %swap3A_782 = arith.index_cast %select_n3A_449 : i32 to index
        %swap3A_783 = arith.constant 48 : index
        %swap3A_784 = tpu.vector_load %arg14[%swap3A_782, %swap3A_783] {strides = array<i32>} : memref<128x64xf32, #tpu.memory_space<vmem>>, vector<16xf32>,
        tpu.vector_store %arg14[%swap3A_782, %swap3A_783], %scan3A_424#3 {strides = array<i32>} : memref<128x64xf32, #tpu.memory_space<vmem>>, vector<16xf32>,
      } else {
      }
      %jit3A_471 = arith.constant 2 : i32
      %eq3A_472 = arith.constant 0 : i32
      %eq3A_473 = arith.cmpi eq, %jit3A_471, %eq3A_472 : i32
      %jit3A_474 = arith.constant 1 : i32
      %select_n3A_475 = arith.select %eq3A_473, %jit3A_474, %jit3A_471 : i32
      %rem3A_476 = arith.remsi %add3A_411, %select_n3A_475 : i32
      %ne3A_477 = arith.constant 0 : i32
      %ne3A_478 = arith.cmpi ne, %rem3A_476, %ne3A_477 : i32
      %lt3A_479 = arith.constant 0 : i32
      %lt3A_480 = arith.cmpi slt, %rem3A_476, %lt3A_479 : i32
      %lt3A_481 = arith.constant 0 : i32
      %lt3A_482 = arith.cmpi slt, %select_n3A_475, %lt3A_481 : i32
      %ne3A_483 = arith.xori %lt3A_480, %lt3A_482 : i1
      %and3A_484 = arith.andi %ne3A_483, %ne3A_478 : i1
      %add3A_485 = arith.addi %rem3A_476, %select_n3A_475 : i32
      %select_n3A_486 = arith.select %and3A_484, %add3A_485, %rem3A_476 : i32
      %eq3A_487 = arith.constant 1 : i32
      %eq3A_488 = arith.cmpi eq, %select_n3A_486, %eq3A_487 : i32
      %convert_element_type3A_489 = arith.extui %eq3A_488 : i1 to i32
      %cond3A_490 = arith.constant 0 : i32
      %cond3A_491 = arith.cmpi ne, %convert_element_type3A_489, %cond3A_490 : i32
      scf.if %cond3A_491 {
        %swap3A = arith.index_cast %select_n3A_449 : i32 to index
        %swap3A_774 = arith.constant 0 : index
        %swap3A_775 = tpu.vector_load %arg14[%swap3A, %swap3A_774] {strides = array<i32>} : memref<128x64xf32, #tpu.memory_space<vmem>>, vector<16xf32>,
        tpu.vector_store %arg14[%swap3A, %swap3A_774], %scan3A_424#0 {add = true, strides = array<i32>} : memref<128x64xf32, #tpu.memory_space<vmem>>, vector<16xf32>,
        %swap3A_776 = arith.index_cast %select_n3A_449 : i32 to index
        %swap3A_777 = arith.constant 16 : index
        %swap3A_778 = tpu.vector_load %arg14[%swap3A_776, %swap3A_777] {strides = array<i32>} : memref<128x64xf32, #tpu.memory_space<vmem>>, vector<16xf32>,
        tpu.vector_store %arg14[%swap3A_776, %swap3A_777], %scan3A_424#1 {add = true, strides = array<i32>} : memref<128x64xf32, #tpu.memory_space<vmem>>, vector<16xf32>,
        %swap3A_779 = arith.index_cast %select_n3A_449 : i32 to index
        %swap3A_780 = arith.constant 32 : index
        %swap3A_781 = tpu.vector_load %arg14[%swap3A_779, %swap3A_780] {strides = array<i32>} : memref<128x64xf32, #tpu.memory_space<vmem>>, vector<16xf32>,
        tpu.vector_store %arg14[%swap3A_779, %swap3A_780], %scan3A_424#2 {add = true, strides = array<i32>} : memref<128x64xf32, #tpu.memory_space<vmem>>, vector<16xf32>,
        %swap3A_782 = arith.index_cast %select_n3A_449 : i32 to index
        %swap3A_783 = arith.constant 48 : index
        %swap3A_784 = tpu.vector_load %arg14[%swap3A_782, %swap3A_783] {strides = array<i32>} : memref<128x64xf32, #tpu.memory_space<vmem>>, vector<16xf32>,
        tpu.vector_store %arg14[%swap3A_782, %swap3A_783], %scan3A_424#3 {add = true, strides = array<i32>} : memref<128x64xf32, #tpu.memory_space<vmem>>, vector<16xf32>,
      } else {
      }
      %add3A_492 = arith.constant 8 : i32
      %add3A_493 = arith.addi %add3A_411, %add3A_492 : i32
      %sub3A_494 = arith.constant 1 : i32
      %sub3A_495 = arith.subi %add3A_493, %sub3A_494 : i32
      %lt3A_496 = arith.constant 256 : i32
      %lt3A_497 = arith.cmpi slt, %sub3A_495, %lt3A_496 : i32
      %convert_element_type3A_498 = arith.extui %lt3A_497 : i1 to i32
      %cond3A_499 = arith.constant 0 : i32
      %cond3A_500 = arith.cmpi ne, %convert_element_type3A_498, %cond3A_499 : i32
      scf.if %cond3A_500 {
        %add3A_774 = arith.constant 8 : i32
        %add3A_775 = arith.addi %add3A_411, %add3A_774 : i32
        %sub3A_776 = arith.constant 1 : i32
        %sub3A_777 = arith.subi %add3A_775, %sub3A_776 : i32
        %dma_start3A_778 = arith.constant 0 : i32
        %dma_start3A_779 = tpu.memref_slice %arg5[%sub3A_777, %dma_start3A_778] : memref<256x100xi32, #tpu.memory_space<vmem>> -> memref<1x100xi32, #tpu.memory_space<vmem>>
        %dma_start3A_780 = tpu.memref_squeeze %dma_start3A_779 : memref<1x100xi32, #tpu.memory_space<vmem>> -> memref<100xi32, #tpu.memory_space<vmem>>
        %dma_start3A_781 = arith.constant 0 : i32
        %dma_start3A_782 = arith.constant 0 : i32
        %dma_start3A_783 = tpu.memref_slice %arg2[%dma_start3A_781, %dma_start3A_782] : memref<100352x32xi32, #tpu.memory_space<hbm>> -> memref<100352x32xi32, #tpu.memory_space<hbm>>
        tpu.enqueue_indirect_dma source(%dma_start3A_783 : memref<100352x32xi32, #tpu.memory_space<hbm>>) target(%arg9 : memref<100x32xi32, #tpu.memory_space<vmem>>) offsets(%dma_start3A_780 : memref<100xi32, #tpu.memory_space<vmem>>) semaphore(%arg18 : memref<!tpu.dma_semaphore, #tpu.memory_space<semaphore_mem>>)
      } else {
      }
      %add3A_501 = arith.constant 5 : i32
      %add3A_502 = arith.addi %add3A_59, %add3A_501 : i32
      %dma_wait3A_503 = arith.constant 0 : i32
      %dma_wait3A_504 = tpu.memref_slice %arg5[%add3A_502, %dma_wait3A_503] : memref<256x100xi32, #tpu.memory_space<vmem>> -> memref<1x100xi32, #tpu.memory_space<vmem>>
      %dma_wait3A_505 = tpu.memref_squeeze %dma_wait3A_504 : memref<1x100xi32, #tpu.memory_space<vmem>> -> memref<100xi32, #tpu.memory_space<vmem>>
      %dma_wait3A_506 = arith.constant 0 : i32
      %dma_wait3A_507 = arith.constant 0 : i32
      %dma_wait3A_508 = tpu.memref_slice %arg2[%dma_wait3A_506, %dma_wait3A_507] : memref<100352x32xi32, #tpu.memory_space<hbm>> -> memref<100352x32xi32, #tpu.memory_space<hbm>>
      tpu.wait_indirect_dma semaphore(%arg20 : memref<!tpu.dma_semaphore, #tpu.memory_space<semaphore_mem>>) src(%dma_wait3A_508 : memref<100352x32xi32, #tpu.memory_space<hbm>>) dst(%arg11 : memref<100x32xi32, #tpu.memory_space<vmem>>)
      %broadcast_in_dim3A_509 = arith.constant 0.000000e+00 : f32
      %broadcast_in_dim3A_510 = vector.broadcast %broadcast_in_dim3A_509 : f32 to vector<16xf32>
      %scan3A_511 = arith.constant 0 : i32
      %scan3A_512 = arith.constant 100 : i32
      %scan3A_513 = arith.addi %scan3A_511, %scan3A_512 : i32
      %scan3A_514 = arith.constant 10 : i32
      %scan3A_515:4 = scf.for %scan3A_774 = %scan3A_511 to %scan3A_513 step %scan3A_514 iter_args(%scan3A_775 = %broadcast_in_dim3A_510, %scan3A_776 = %broadcast_in_dim3A_510, %scan3A_777 = %broadcast_in_dim3A_510, %scan3A_778 = %broadcast_in_dim3A_510) -> (vector<16xf32>, vector<16xf32>, vector<16xf32>, vector<16xf32>)  : i32 {
        %broadcast_in_dim3A_779 = arith.constant -65536 : i32
        %broadcast_in_dim3A_780 = vector.broadcast %broadcast_in_dim3A_779 : i32 to vector<16xi32>
        %get3A = arith.index_cast %scan3A_774 : i32 to index
        %get3A_781 = arith.constant 0 : index
        %get3A_782 = tpu.vector_load %arg11[%get3A, %get3A_781] {strides = array<i32>} : memref<100x32xi32, #tpu.memory_space<vmem>>, vector<16xi32>,
        %get3A_783 = arith.index_cast %scan3A_774 : i32 to index
        %get3A_784 = arith.constant 16 : index
        %get3A_785 = tpu.vector_load %arg11[%get3A_783, %get3A_784] {strides = array<i32>} : memref<100x32xi32, #tpu.memory_space<vmem>>, vector<16xi32>,
        %shift_left3A = arith.constant 16 : i32
        %shift_left3A_786 = vector.broadcast %shift_left3A : i32 to vector<16xi32>
        %shift_left3A_787 = arith.shli %get3A_782, %shift_left3A_786 : vector<16xi32>
        %bitcast3A = vector.bitcast %shift_left3A_787 : vector<16xi32> to vector<16xf32>
        %add3A_788 = arith.addf %scan3A_775, %bitcast3A : vector<16xf32>
        %and3A_789 = arith.andi %get3A_782, %broadcast_in_dim3A_780 : vector<16xi32>
        %bitcast3A_790 = vector.bitcast %and3A_789 : vector<16xi32> to vector<16xf32>
        %add3A_791 = arith.addf %scan3A_776, %bitcast3A_790 : vector<16xf32>
        %shift_left3A_792 = arith.constant 16 : i32
        %shift_left3A_793 = vector.broadcast %shift_left3A_792 : i32 to vector<16xi32>
        %shift_left3A_794 = arith.shli %get3A_785, %shift_left3A_793 : vector<16xi32>
        %bitcast3A_795 = vector.bitcast %shift_left3A_794 : vector<16xi32> to vector<16xf32>
        %add3A_796 = arith.addf %scan3A_777, %bitcast3A_795 : vector<16xf32>
        %and3A_797 = arith.andi %get3A_785, %broadcast_in_dim3A_780 : vector<16xi32>
        %bitcast3A_798 = vector.bitcast %and3A_797 : vector<16xi32> to vector<16xf32>
        %add3A_799 = arith.addf %scan3A_778, %bitcast3A_798 : vector<16xf32>
        %scan3A_800 = arith.constant 1 : i32
        %scan3A_801 = arith.addi %scan3A_774, %scan3A_800 : i32
        %broadcast_in_dim3A_802 = arith.constant -65536 : i32
        %broadcast_in_dim3A_803 = vector.broadcast %broadcast_in_dim3A_802 : i32 to vector<16xi32>
        %get3A_804 = arith.index_cast %scan3A_801 : i32 to index
        %get3A_805 = arith.constant 0 : index
        %get3A_806 = tpu.vector_load %arg11[%get3A_804, %get3A_805] {strides = array<i32>} : memref<100x32xi32, #tpu.memory_space<vmem>>, vector<16xi32>,
        %get3A_807 = arith.index_cast %scan3A_801 : i32 to index
        %get3A_808 = arith.constant 16 : index
        %get3A_809 = tpu.vector_load %arg11[%get3A_807, %get3A_808] {strides = array<i32>} : memref<100x32xi32, #tpu.memory_space<vmem>>, vector<16xi32>,
        %shift_left3A_810 = arith.constant 16 : i32
        %shift_left3A_811 = vector.broadcast %shift_left3A_810 : i32 to vector<16xi32>
        %shift_left3A_812 = arith.shli %get3A_806, %shift_left3A_811 : vector<16xi32>
        %bitcast3A_813 = vector.bitcast %shift_left3A_812 : vector<16xi32> to vector<16xf32>
        %add3A_814 = arith.addf %add3A_788, %bitcast3A_813 : vector<16xf32>
        %and3A_815 = arith.andi %get3A_806, %broadcast_in_dim3A_803 : vector<16xi32>
        %bitcast3A_816 = vector.bitcast %and3A_815 : vector<16xi32> to vector<16xf32>
        %add3A_817 = arith.addf %add3A_791, %bitcast3A_816 : vector<16xf32>
        %shift_left3A_818 = arith.constant 16 : i32
        %shift_left3A_819 = vector.broadcast %shift_left3A_818 : i32 to vector<16xi32>
        %shift_left3A_820 = arith.shli %get3A_809, %shift_left3A_819 : vector<16xi32>
        %bitcast3A_821 = vector.bitcast %shift_left3A_820 : vector<16xi32> to vector<16xf32>
        %add3A_822 = arith.addf %add3A_796, %bitcast3A_821 : vector<16xf32>
        %and3A_823 = arith.andi %get3A_809, %broadcast_in_dim3A_803 : vector<16xi32>
        %bitcast3A_824 = vector.bitcast %and3A_823 : vector<16xi32> to vector<16xf32>
        %add3A_825 = arith.addf %add3A_799, %bitcast3A_824 : vector<16xf32>
        %scan3A_826 = arith.constant 2 : i32
        %scan3A_827 = arith.addi %scan3A_774, %scan3A_826 : i32
        %broadcast_in_dim3A_828 = arith.constant -65536 : i32
        %broadcast_in_dim3A_829 = vector.broadcast %broadcast_in_dim3A_828 : i32 to vector<16xi32>
        %get3A_830 = arith.index_cast %scan3A_827 : i32 to index
        %get3A_831 = arith.constant 0 : index
        %get3A_832 = tpu.vector_load %arg11[%get3A_830, %get3A_831] {strides = array<i32>} : memref<100x32xi32, #tpu.memory_space<vmem>>, vector<16xi32>,
        %get3A_833 = arith.index_cast %scan3A_827 : i32 to index
        %get3A_834 = arith.constant 16 : index
        %get3A_835 = tpu.vector_load %arg11[%get3A_833, %get3A_834] {strides = array<i32>} : memref<100x32xi32, #tpu.memory_space<vmem>>, vector<16xi32>,
        %shift_left3A_836 = arith.constant 16 : i32
        %shift_left3A_837 = vector.broadcast %shift_left3A_836 : i32 to vector<16xi32>
        %shift_left3A_838 = arith.shli %get3A_832, %shift_left3A_837 : vector<16xi32>
        %bitcast3A_839 = vector.bitcast %shift_left3A_838 : vector<16xi32> to vector<16xf32>
        %add3A_840 = arith.addf %add3A_814, %bitcast3A_839 : vector<16xf32>
        %and3A_841 = arith.andi %get3A_832, %broadcast_in_dim3A_829 : vector<16xi32>
        %bitcast3A_842 = vector.bitcast %and3A_841 : vector<16xi32> to vector<16xf32>
        %add3A_843 = arith.addf %add3A_817, %bitcast3A_842 : vector<16xf32>
        %shift_left3A_844 = arith.constant 16 : i32
        %shift_left3A_845 = vector.broadcast %shift_left3A_844 : i32 to vector<16xi32>
        %shift_left3A_846 = arith.shli %get3A_835, %shift_left3A_845 : vector<16xi32>
        %bitcast3A_847 = vector.bitcast %shift_left3A_846 : vector<16xi32> to vector<16xf32>
        %add3A_848 = arith.addf %add3A_822, %bitcast3A_847 : vector<16xf32>
        %and3A_849 = arith.andi %get3A_835, %broadcast_in_dim3A_829 : vector<16xi32>
        %bitcast3A_850 = vector.bitcast %and3A_849 : vector<16xi32> to vector<16xf32>
        %add3A_851 = arith.addf %add3A_825, %bitcast3A_850 : vector<16xf32>
        %scan3A_852 = arith.constant 3 : i32
        %scan3A_853 = arith.addi %scan3A_774, %scan3A_852 : i32
        %broadcast_in_dim3A_854 = arith.constant -65536 : i32
        %broadcast_in_dim3A_855 = vector.broadcast %broadcast_in_dim3A_854 : i32 to vector<16xi32>
        %get3A_856 = arith.index_cast %scan3A_853 : i32 to index
        %get3A_857 = arith.constant 0 : index
        %get3A_858 = tpu.vector_load %arg11[%get3A_856, %get3A_857] {strides = array<i32>} : memref<100x32xi32, #tpu.memory_space<vmem>>, vector<16xi32>,
        %get3A_859 = arith.index_cast %scan3A_853 : i32 to index
        %get3A_860 = arith.constant 16 : index
        %get3A_861 = tpu.vector_load %arg11[%get3A_859, %get3A_860] {strides = array<i32>} : memref<100x32xi32, #tpu.memory_space<vmem>>, vector<16xi32>,
        %shift_left3A_862 = arith.constant 16 : i32
        %shift_left3A_863 = vector.broadcast %shift_left3A_862 : i32 to vector<16xi32>
        %shift_left3A_864 = arith.shli %get3A_858, %shift_left3A_863 : vector<16xi32>
        %bitcast3A_865 = vector.bitcast %shift_left3A_864 : vector<16xi32> to vector<16xf32>
        %add3A_866 = arith.addf %add3A_840, %bitcast3A_865 : vector<16xf32>
        %and3A_867 = arith.andi %get3A_858, %broadcast_in_dim3A_855 : vector<16xi32>
        %bitcast3A_868 = vector.bitcast %and3A_867 : vector<16xi32> to vector<16xf32>
        %add3A_869 = arith.addf %add3A_843, %bitcast3A_868 : vector<16xf32>
        %shift_left3A_870 = arith.constant 16 : i32
        %shift_left3A_871 = vector.broadcast %shift_left3A_870 : i32 to vector<16xi32>
        %shift_left3A_872 = arith.shli %get3A_861, %shift_left3A_871 : vector<16xi32>
        %bitcast3A_873 = vector.bitcast %shift_left3A_872 : vector<16xi32> to vector<16xf32>
        %add3A_874 = arith.addf %add3A_848, %bitcast3A_873 : vector<16xf32>
        %and3A_875 = arith.andi %get3A_861, %broadcast_in_dim3A_855 : vector<16xi32>
        %bitcast3A_876 = vector.bitcast %and3A_875 : vector<16xi32> to vector<16xf32>
        %add3A_877 = arith.addf %add3A_851, %bitcast3A_876 : vector<16xf32>
        %scan3A_878 = arith.constant 4 : i32
        %scan3A_879 = arith.addi %scan3A_774, %scan3A_878 : i32
        %broadcast_in_dim3A_880 = arith.constant -65536 : i32
        %broadcast_in_dim3A_881 = vector.broadcast %broadcast_in_dim3A_880 : i32 to vector<16xi32>
        %get3A_882 = arith.index_cast %scan3A_879 : i32 to index
        %get3A_883 = arith.constant 0 : index
        %get3A_884 = tpu.vector_load %arg11[%get3A_882, %get3A_883] {strides = array<i32>} : memref<100x32xi32, #tpu.memory_space<vmem>>, vector<16xi32>,
        %get3A_885 = arith.index_cast %scan3A_879 : i32 to index
        %get3A_886 = arith.constant 16 : index
        %get3A_887 = tpu.vector_load %arg11[%get3A_885, %get3A_886] {strides = array<i32>} : memref<100x32xi32, #tpu.memory_space<vmem>>, vector<16xi32>,
        %shift_left3A_888 = arith.constant 16 : i32
        %shift_left3A_889 = vector.broadcast %shift_left3A_888 : i32 to vector<16xi32>
        %shift_left3A_890 = arith.shli %get3A_884, %shift_left3A_889 : vector<16xi32>
        %bitcast3A_891 = vector.bitcast %shift_left3A_890 : vector<16xi32> to vector<16xf32>
        %add3A_892 = arith.addf %add3A_866, %bitcast3A_891 : vector<16xf32>
        %and3A_893 = arith.andi %get3A_884, %broadcast_in_dim3A_881 : vector<16xi32>
        %bitcast3A_894 = vector.bitcast %and3A_893 : vector<16xi32> to vector<16xf32>
        %add3A_895 = arith.addf %add3A_869, %bitcast3A_894 : vector<16xf32>
        %shift_left3A_896 = arith.constant 16 : i32
        %shift_left3A_897 = vector.broadcast %shift_left3A_896 : i32 to vector<16xi32>
        %shift_left3A_898 = arith.shli %get3A_887, %shift_left3A_897 : vector<16xi32>
        %bitcast3A_899 = vector.bitcast %shift_left3A_898 : vector<16xi32> to vector<16xf32>
        %add3A_900 = arith.addf %add3A_874, %bitcast3A_899 : vector<16xf32>
        %and3A_901 = arith.andi %get3A_887, %broadcast_in_dim3A_881 : vector<16xi32>
        %bitcast3A_902 = vector.bitcast %and3A_901 : vector<16xi32> to vector<16xf32>
        %add3A_903 = arith.addf %add3A_877, %bitcast3A_902 : vector<16xf32>
        %scan3A_904 = arith.constant 5 : i32
        %scan3A_905 = arith.addi %scan3A_774, %scan3A_904 : i32
        %broadcast_in_dim3A_906 = arith.constant -65536 : i32
        %broadcast_in_dim3A_907 = vector.broadcast %broadcast_in_dim3A_906 : i32 to vector<16xi32>
        %get3A_908 = arith.index_cast %scan3A_905 : i32 to index
        %get3A_909 = arith.constant 0 : index
        %get3A_910 = tpu.vector_load %arg11[%get3A_908, %get3A_909] {strides = array<i32>} : memref<100x32xi32, #tpu.memory_space<vmem>>, vector<16xi32>,
        %get3A_911 = arith.index_cast %scan3A_905 : i32 to index
        %get3A_912 = arith.constant 16 : index
        %get3A_913 = tpu.vector_load %arg11[%get3A_911, %get3A_912] {strides = array<i32>} : memref<100x32xi32, #tpu.memory_space<vmem>>, vector<16xi32>,
        %shift_left3A_914 = arith.constant 16 : i32
        %shift_left3A_915 = vector.broadcast %shift_left3A_914 : i32 to vector<16xi32>
        %shift_left3A_916 = arith.shli %get3A_910, %shift_left3A_915 : vector<16xi32>
        %bitcast3A_917 = vector.bitcast %shift_left3A_916 : vector<16xi32> to vector<16xf32>
        %add3A_918 = arith.addf %add3A_892, %bitcast3A_917 : vector<16xf32>
        %and3A_919 = arith.andi %get3A_910, %broadcast_in_dim3A_907 : vector<16xi32>
        %bitcast3A_920 = vector.bitcast %and3A_919 : vector<16xi32> to vector<16xf32>
        %add3A_921 = arith.addf %add3A_895, %bitcast3A_920 : vector<16xf32>
        %shift_left3A_922 = arith.constant 16 : i32
        %shift_left3A_923 = vector.broadcast %shift_left3A_922 : i32 to vector<16xi32>
        %shift_left3A_924 = arith.shli %get3A_913, %shift_left3A_923 : vector<16xi32>
        %bitcast3A_925 = vector.bitcast %shift_left3A_924 : vector<16xi32> to vector<16xf32>
        %add3A_926 = arith.addf %add3A_900, %bitcast3A_925 : vector<16xf32>
        %and3A_927 = arith.andi %get3A_913, %broadcast_in_dim3A_907 : vector<16xi32>
        %bitcast3A_928 = vector.bitcast %and3A_927 : vector<16xi32> to vector<16xf32>
        %add3A_929 = arith.addf %add3A_903, %bitcast3A_928 : vector<16xf32>
        %scan3A_930 = arith.constant 6 : i32
        %scan3A_931 = arith.addi %scan3A_774, %scan3A_930 : i32
        %broadcast_in_dim3A_932 = arith.constant -65536 : i32
        %broadcast_in_dim3A_933 = vector.broadcast %broadcast_in_dim3A_932 : i32 to vector<16xi32>
        %get3A_934 = arith.index_cast %scan3A_931 : i32 to index
        %get3A_935 = arith.constant 0 : index
        %get3A_936 = tpu.vector_load %arg11[%get3A_934, %get3A_935] {strides = array<i32>} : memref<100x32xi32, #tpu.memory_space<vmem>>, vector<16xi32>,
        %get3A_937 = arith.index_cast %scan3A_931 : i32 to index
        %get3A_938 = arith.constant 16 : index
        %get3A_939 = tpu.vector_load %arg11[%get3A_937, %get3A_938] {strides = array<i32>} : memref<100x32xi32, #tpu.memory_space<vmem>>, vector<16xi32>,
        %shift_left3A_940 = arith.constant 16 : i32
        %shift_left3A_941 = vector.broadcast %shift_left3A_940 : i32 to vector<16xi32>
        %shift_left3A_942 = arith.shli %get3A_936, %shift_left3A_941 : vector<16xi32>
        %bitcast3A_943 = vector.bitcast %shift_left3A_942 : vector<16xi32> to vector<16xf32>
        %add3A_944 = arith.addf %add3A_918, %bitcast3A_943 : vector<16xf32>
        %and3A_945 = arith.andi %get3A_936, %broadcast_in_dim3A_933 : vector<16xi32>
        %bitcast3A_946 = vector.bitcast %and3A_945 : vector<16xi32> to vector<16xf32>
        %add3A_947 = arith.addf %add3A_921, %bitcast3A_946 : vector<16xf32>
        %shift_left3A_948 = arith.constant 16 : i32
        %shift_left3A_949 = vector.broadcast %shift_left3A_948 : i32 to vector<16xi32>
        %shift_left3A_950 = arith.shli %get3A_939, %shift_left3A_949 : vector<16xi32>
        %bitcast3A_951 = vector.bitcast %shift_left3A_950 : vector<16xi32> to vector<16xf32>
        %add3A_952 = arith.addf %add3A_926, %bitcast3A_951 : vector<16xf32>
        %and3A_953 = arith.andi %get3A_939, %broadcast_in_dim3A_933 : vector<16xi32>
        %bitcast3A_954 = vector.bitcast %and3A_953 : vector<16xi32> to vector<16xf32>
        %add3A_955 = arith.addf %add3A_929, %bitcast3A_954 : vector<16xf32>
        %scan3A_956 = arith.constant 7 : i32
        %scan3A_957 = arith.addi %scan3A_774, %scan3A_956 : i32
        %broadcast_in_dim3A_958 = arith.constant -65536 : i32
        %broadcast_in_dim3A_959 = vector.broadcast %broadcast_in_dim3A_958 : i32 to vector<16xi32>
        %get3A_960 = arith.index_cast %scan3A_957 : i32 to index
        %get3A_961 = arith.constant 0 : index
        %get3A_962 = tpu.vector_load %arg11[%get3A_960, %get3A_961] {strides = array<i32>} : memref<100x32xi32, #tpu.memory_space<vmem>>, vector<16xi32>,
        %get3A_963 = arith.index_cast %scan3A_957 : i32 to index
        %get3A_964 = arith.constant 16 : index
        %get3A_965 = tpu.vector_load %arg11[%get3A_963, %get3A_964] {strides = array<i32>} : memref<100x32xi32, #tpu.memory_space<vmem>>, vector<16xi32>,
        %shift_left3A_966 = arith.constant 16 : i32
        %shift_left3A_967 = vector.broadcast %shift_left3A_966 : i32 to vector<16xi32>
        %shift_left3A_968 = arith.shli %get3A_962, %shift_left3A_967 : vector<16xi32>
        %bitcast3A_969 = vector.bitcast %shift_left3A_968 : vector<16xi32> to vector<16xf32>
        %add3A_970 = arith.addf %add3A_944, %bitcast3A_969 : vector<16xf32>
        %and3A_971 = arith.andi %get3A_962, %broadcast_in_dim3A_959 : vector<16xi32>
        %bitcast3A_972 = vector.bitcast %and3A_971 : vector<16xi32> to vector<16xf32>
        %add3A_973 = arith.addf %add3A_947, %bitcast3A_972 : vector<16xf32>
        %shift_left3A_974 = arith.constant 16 : i32
        %shift_left3A_975 = vector.broadcast %shift_left3A_974 : i32 to vector<16xi32>
        %shift_left3A_976 = arith.shli %get3A_965, %shift_left3A_975 : vector<16xi32>
        %bitcast3A_977 = vector.bitcast %shift_left3A_976 : vector<16xi32> to vector<16xf32>
        %add3A_978 = arith.addf %add3A_952, %bitcast3A_977 : vector<16xf32>
        %and3A_979 = arith.andi %get3A_965, %broadcast_in_dim3A_959 : vector<16xi32>
        %bitcast3A_980 = vector.bitcast %and3A_979 : vector<16xi32> to vector<16xf32>
        %add3A_981 = arith.addf %add3A_955, %bitcast3A_980 : vector<16xf32>
        %scan3A_982 = arith.constant 8 : i32
        %scan3A_983 = arith.addi %scan3A_774, %scan3A_982 : i32
        %broadcast_in_dim3A_984 = arith.constant -65536 : i32
        %broadcast_in_dim3A_985 = vector.broadcast %broadcast_in_dim3A_984 : i32 to vector<16xi32>
        %get3A_986 = arith.index_cast %scan3A_983 : i32 to index
        %get3A_987 = arith.constant 0 : index
        %get3A_988 = tpu.vector_load %arg11[%get3A_986, %get3A_987] {strides = array<i32>} : memref<100x32xi32, #tpu.memory_space<vmem>>, vector<16xi32>,
        %get3A_989 = arith.index_cast %scan3A_983 : i32 to index
        %get3A_990 = arith.constant 16 : index
        %get3A_991 = tpu.vector_load %arg11[%get3A_989, %get3A_990] {strides = array<i32>} : memref<100x32xi32, #tpu.memory_space<vmem>>, vector<16xi32>,
        %shift_left3A_992 = arith.constant 16 : i32
        %shift_left3A_993 = vector.broadcast %shift_left3A_992 : i32 to vector<16xi32>
        %shift_left3A_994 = arith.shli %get3A_988, %shift_left3A_993 : vector<16xi32>
        %bitcast3A_995 = vector.bitcast %shift_left3A_994 : vector<16xi32> to vector<16xf32>
        %add3A_996 = arith.addf %add3A_970, %bitcast3A_995 : vector<16xf32>
        %and3A_997 = arith.andi %get3A_988, %broadcast_in_dim3A_985 : vector<16xi32>
        %bitcast3A_998 = vector.bitcast %and3A_997 : vector<16xi32> to vector<16xf32>
        %add3A_999 = arith.addf %add3A_973, %bitcast3A_998 : vector<16xf32>
        %shift_left3A_1000 = arith.constant 16 : i32
        %shift_left3A_1001 = vector.broadcast %shift_left3A_1000 : i32 to vector<16xi32>
        %shift_left3A_1002 = arith.shli %get3A_991, %shift_left3A_1001 : vector<16xi32>
        %bitcast3A_1003 = vector.bitcast %shift_left3A_1002 : vector<16xi32> to vector<16xf32>
        %add3A_1004 = arith.addf %add3A_978, %bitcast3A_1003 : vector<16xf32>
        %and3A_1005 = arith.andi %get3A_991, %broadcast_in_dim3A_985 : vector<16xi32>
        %bitcast3A_1006 = vector.bitcast %and3A_1005 : vector<16xi32> to vector<16xf32>
        %add3A_1007 = arith.addf %add3A_981, %bitcast3A_1006 : vector<16xf32>
        %scan3A_1008 = arith.constant 9 : i32
        %scan3A_1009 = arith.addi %scan3A_774, %scan3A_1008 : i32
        %broadcast_in_dim3A_1010 = arith.constant -65536 : i32
        %broadcast_in_dim3A_1011 = vector.broadcast %broadcast_in_dim3A_1010 : i32 to vector<16xi32>
        %get3A_1012 = arith.index_cast %scan3A_1009 : i32 to index
        %get3A_1013 = arith.constant 0 : index
        %get3A_1014 = tpu.vector_load %arg11[%get3A_1012, %get3A_1013] {strides = array<i32>} : memref<100x32xi32, #tpu.memory_space<vmem>>, vector<16xi32>,
        %get3A_1015 = arith.index_cast %scan3A_1009 : i32 to index
        %get3A_1016 = arith.constant 16 : index
        %get3A_1017 = tpu.vector_load %arg11[%get3A_1015, %get3A_1016] {strides = array<i32>} : memref<100x32xi32, #tpu.memory_space<vmem>>, vector<16xi32>,
        %shift_left3A_1018 = arith.constant 16 : i32
        %shift_left3A_1019 = vector.broadcast %shift_left3A_1018 : i32 to vector<16xi32>
        %shift_left3A_1020 = arith.shli %get3A_1014, %shift_left3A_1019 : vector<16xi32>
        %bitcast3A_1021 = vector.bitcast %shift_left3A_1020 : vector<16xi32> to vector<16xf32>
        %add3A_1022 = arith.addf %add3A_996, %bitcast3A_1021 : vector<16xf32>
        %and3A_1023 = arith.andi %get3A_1014, %broadcast_in_dim3A_1011 : vector<16xi32>
        %bitcast3A_1024 = vector.bitcast %and3A_1023 : vector<16xi32> to vector<16xf32>
        %add3A_1025 = arith.addf %add3A_999, %bitcast3A_1024 : vector<16xf32>
        %shift_left3A_1026 = arith.constant 16 : i32
        %shift_left3A_1027 = vector.broadcast %shift_left3A_1026 : i32 to vector<16xi32>
        %shift_left3A_1028 = arith.shli %get3A_1017, %shift_left3A_1027 : vector<16xi32>
        %bitcast3A_1029 = vector.bitcast %shift_left3A_1028 : vector<16xi32> to vector<16xf32>
        %add3A_1030 = arith.addf %add3A_1004, %bitcast3A_1029 : vector<16xf32>
        %and3A_1031 = arith.andi %get3A_1017, %broadcast_in_dim3A_1011 : vector<16xi32>
        %bitcast3A_1032 = vector.bitcast %and3A_1031 : vector<16xi32> to vector<16xf32>
        %add3A_1033 = arith.addf %add3A_1007, %bitcast3A_1032 : vector<16xf32>
        scf.yield %add3A_1022, %add3A_1025, %add3A_1030, %add3A_1033 : vector<16xf32>, vector<16xf32>, vector<16xf32>, vector<16xf32>
      }
      %scan3A_516 = arith.constant 100 : i32
      %jit3A_517 = arith.constant 2 : i32
      %div3A_518 = arith.divsi %add3A_502, %jit3A_517 : i32
      %sign3A_519 = arith.constant 0 : i32
      %sign3A_520 = arith.cmpi sgt, %add3A_502, %sign3A_519 : i32
      %sign3A_521 = arith.extui %sign3A_520 : i1 to i32
      %sign3A_522 = arith.constant 0 : i32
      %sign3A_523 = arith.cmpi slt, %add3A_502, %sign3A_522 : i32
      %sign3A_524 = arith.extui %sign3A_523 : i1 to i32
      %sign3A_525 = arith.subi %sign3A_521, %sign3A_524 : i32
      %sign3A_526 = arith.constant 0 : i32
      %sign3A_527 = arith.cmpi sgt, %jit3A_517, %sign3A_526 : i32
      %sign3A_528 = arith.extui %sign3A_527 : i1 to i32
      %sign3A_529 = arith.constant 0 : i32
      %sign3A_530 = arith.cmpi slt, %jit3A_517, %sign3A_529 : i32
      %sign3A_531 = arith.extui %sign3A_530 : i1 to i32
      %sign3A_532 = arith.subi %sign3A_528, %sign3A_531 : i32
      %ne3A_533 = arith.cmpi ne, %sign3A_525, %sign3A_532 : i32
      %rem3A_534 = arith.remsi %add3A_502, %jit3A_517 : i32
      %ne3A_535 = arith.constant 0 : i32
      %ne3A_536 = arith.cmpi ne, %rem3A_534, %ne3A_535 : i32
      %and3A_537 = arith.andi %ne3A_533, %ne3A_536 : i1
      %sub3A_538 = arith.constant 1 : i32
      %sub3A_539 = arith.subi %div3A_518, %sub3A_538 : i32
      %select_n3A_540 = arith.select %and3A_537, %sub3A_539, %div3A_518 : i32
      %jit3A_541 = arith.constant 2 : i32
      %eq3A_542 = arith.constant 0 : i32
      %eq3A_543 = arith.cmpi eq, %jit3A_541, %eq3A_542 : i32
      %jit3A_544 = arith.constant 1 : i32
      %select_n3A_545 = arith.select %eq3A_543, %jit3A_544, %jit3A_541 : i32
      %rem3A_546 = arith.remsi %add3A_502, %select_n3A_545 : i32
      %ne3A_547 = arith.constant 0 : i32
      %ne3A_548 = arith.cmpi ne, %rem3A_546, %ne3A_547 : i32
      %lt3A_549 = arith.constant 0 : i32
      %lt3A_550 = arith.cmpi slt, %rem3A_546, %lt3A_549 : i32
      %lt3A_551 = arith.constant 0 : i32
      %lt3A_552 = arith.cmpi slt, %select_n3A_545, %lt3A_551 : i32
      %ne3A_553 = arith.xori %lt3A_550, %lt3A_552 : i1
      %and3A_554 = arith.andi %ne3A_553, %ne3A_548 : i1
      %add3A_555 = arith.addi %rem3A_546, %select_n3A_545 : i32
      %select_n3A_556 = arith.select %and3A_554, %add3A_555, %rem3A_546 : i32
      %eq3A_557 = arith.constant 0 : i32
      %eq3A_558 = arith.cmpi eq, %select_n3A_556, %eq3A_557 : i32
      %convert_element_type3A_559 = arith.extui %eq3A_558 : i1 to i32
      %cond3A_560 = arith.constant 0 : i32
      %cond3A_561 = arith.cmpi ne, %convert_element_type3A_559, %cond3A_560 : i32
      scf.if %cond3A_561 {
        %swap3A = arith.index_cast %select_n3A_540 : i32 to index
        %swap3A_774 = arith.constant 0 : index
        %swap3A_775 = tpu.vector_load %arg14[%swap3A, %swap3A_774] {strides = array<i32>} : memref<128x64xf32, #tpu.memory_space<vmem>>, vector<16xf32>,
        tpu.vector_store %arg14[%swap3A, %swap3A_774], %scan3A_515#0 {strides = array<i32>} : memref<128x64xf32, #tpu.memory_space<vmem>>, vector<16xf32>,
        %swap3A_776 = arith.index_cast %select_n3A_540 : i32 to index
        %swap3A_777 = arith.constant 16 : index
        %swap3A_778 = tpu.vector_load %arg14[%swap3A_776, %swap3A_777] {strides = array<i32>} : memref<128x64xf32, #tpu.memory_space<vmem>>, vector<16xf32>,
        tpu.vector_store %arg14[%swap3A_776, %swap3A_777], %scan3A_515#1 {strides = array<i32>} : memref<128x64xf32, #tpu.memory_space<vmem>>, vector<16xf32>,
        %swap3A_779 = arith.index_cast %select_n3A_540 : i32 to index
        %swap3A_780 = arith.constant 32 : index
        %swap3A_781 = tpu.vector_load %arg14[%swap3A_779, %swap3A_780] {strides = array<i32>} : memref<128x64xf32, #tpu.memory_space<vmem>>, vector<16xf32>,
        tpu.vector_store %arg14[%swap3A_779, %swap3A_780], %scan3A_515#2 {strides = array<i32>} : memref<128x64xf32, #tpu.memory_space<vmem>>, vector<16xf32>,
        %swap3A_782 = arith.index_cast %select_n3A_540 : i32 to index
        %swap3A_783 = arith.constant 48 : index
        %swap3A_784 = tpu.vector_load %arg14[%swap3A_782, %swap3A_783] {strides = array<i32>} : memref<128x64xf32, #tpu.memory_space<vmem>>, vector<16xf32>,
        tpu.vector_store %arg14[%swap3A_782, %swap3A_783], %scan3A_515#3 {strides = array<i32>} : memref<128x64xf32, #tpu.memory_space<vmem>>, vector<16xf32>,
      } else {
      }
      %jit3A_562 = arith.constant 2 : i32
      %eq3A_563 = arith.constant 0 : i32
      %eq3A_564 = arith.cmpi eq, %jit3A_562, %eq3A_563 : i32
      %jit3A_565 = arith.constant 1 : i32
      %select_n3A_566 = arith.select %eq3A_564, %jit3A_565, %jit3A_562 : i32
      %rem3A_567 = arith.remsi %add3A_502, %select_n3A_566 : i32
      %ne3A_568 = arith.constant 0 : i32
      %ne3A_569 = arith.cmpi ne, %rem3A_567, %ne3A_568 : i32
      %lt3A_570 = arith.constant 0 : i32
      %lt3A_571 = arith.cmpi slt, %rem3A_567, %lt3A_570 : i32
      %lt3A_572 = arith.constant 0 : i32
      %lt3A_573 = arith.cmpi slt, %select_n3A_566, %lt3A_572 : i32
      %ne3A_574 = arith.xori %lt3A_571, %lt3A_573 : i1
      %and3A_575 = arith.andi %ne3A_574, %ne3A_569 : i1
      %add3A_576 = arith.addi %rem3A_567, %select_n3A_566 : i32
      %select_n3A_577 = arith.select %and3A_575, %add3A_576, %rem3A_567 : i32
      %eq3A_578 = arith.constant 1 : i32
      %eq3A_579 = arith.cmpi eq, %select_n3A_577, %eq3A_578 : i32
      %convert_element_type3A_580 = arith.extui %eq3A_579 : i1 to i32
      %cond3A_581 = arith.constant 0 : i32
      %cond3A_582 = arith.cmpi ne, %convert_element_type3A_580, %cond3A_581 : i32
      scf.if %cond3A_582 {
        %swap3A = arith.index_cast %select_n3A_540 : i32 to index
        %swap3A_774 = arith.constant 0 : index
        %swap3A_775 = tpu.vector_load %arg14[%swap3A, %swap3A_774] {strides = array<i32>} : memref<128x64xf32, #tpu.memory_space<vmem>>, vector<16xf32>,
        tpu.vector_store %arg14[%swap3A, %swap3A_774], %scan3A_515#0 {add = true, strides = array<i32>} : memref<128x64xf32, #tpu.memory_space<vmem>>, vector<16xf32>,
        %swap3A_776 = arith.index_cast %select_n3A_540 : i32 to index
        %swap3A_777 = arith.constant 16 : index
        %swap3A_778 = tpu.vector_load %arg14[%swap3A_776, %swap3A_777] {strides = array<i32>} : memref<128x64xf32, #tpu.memory_space<vmem>>, vector<16xf32>,
        tpu.vector_store %arg14[%swap3A_776, %swap3A_777], %scan3A_515#1 {add = true, strides = array<i32>} : memref<128x64xf32, #tpu.memory_space<vmem>>, vector<16xf32>,
        %swap3A_779 = arith.index_cast %select_n3A_540 : i32 to index
        %swap3A_780 = arith.constant 32 : index
        %swap3A_781 = tpu.vector_load %arg14[%swap3A_779, %swap3A_780] {strides = array<i32>} : memref<128x64xf32, #tpu.memory_space<vmem>>, vector<16xf32>,
        tpu.vector_store %arg14[%swap3A_779, %swap3A_780], %scan3A_515#2 {add = true, strides = array<i32>} : memref<128x64xf32, #tpu.memory_space<vmem>>, vector<16xf32>,
        %swap3A_782 = arith.index_cast %select_n3A_540 : i32 to index
        %swap3A_783 = arith.constant 48 : index
        %swap3A_784 = tpu.vector_load %arg14[%swap3A_782, %swap3A_783] {strides = array<i32>} : memref<128x64xf32, #tpu.memory_space<vmem>>, vector<16xf32>,
        tpu.vector_store %arg14[%swap3A_782, %swap3A_783], %scan3A_515#3 {add = true, strides = array<i32>} : memref<128x64xf32, #tpu.memory_space<vmem>>, vector<16xf32>,
      } else {
      }
      %add3A_583 = arith.constant 8 : i32
      %add3A_584 = arith.addi %add3A_502, %add3A_583 : i32
      %sub3A_585 = arith.constant 1 : i32
      %sub3A_586 = arith.subi %add3A_584, %sub3A_585 : i32
      %lt3A_587 = arith.constant 256 : i32
      %lt3A_588 = arith.cmpi slt, %sub3A_586, %lt3A_587 : i32
      %convert_element_type3A_589 = arith.extui %lt3A_588 : i1 to i32
      %cond3A_590 = arith.constant 0 : i32
      %cond3A_591 = arith.cmpi ne, %convert_element_type3A_589, %cond3A_590 : i32
      scf.if %cond3A_591 {
        %add3A_774 = arith.constant 8 : i32
        %add3A_775 = arith.addi %add3A_502, %add3A_774 : i32
        %sub3A_776 = arith.constant 1 : i32
        %sub3A_777 = arith.subi %add3A_775, %sub3A_776 : i32
        %dma_start3A_778 = arith.constant 0 : i32
        %dma_start3A_779 = tpu.memref_slice %arg5[%sub3A_777, %dma_start3A_778] : memref<256x100xi32, #tpu.memory_space<vmem>> -> memref<1x100xi32, #tpu.memory_space<vmem>>
        %dma_start3A_780 = tpu.memref_squeeze %dma_start3A_779 : memref<1x100xi32, #tpu.memory_space<vmem>> -> memref<100xi32, #tpu.memory_space<vmem>>
        %dma_start3A_781 = arith.constant 0 : i32
        %dma_start3A_782 = arith.constant 0 : i32
        %dma_start3A_783 = tpu.memref_slice %arg2[%dma_start3A_781, %dma_start3A_782] : memref<100352x32xi32, #tpu.memory_space<hbm>> -> memref<100352x32xi32, #tpu.memory_space<hbm>>
        tpu.enqueue_indirect_dma source(%dma_start3A_783 : memref<100352x32xi32, #tpu.memory_space<hbm>>) target(%arg10 : memref<100x32xi32, #tpu.memory_space<vmem>>) offsets(%dma_start3A_780 : memref<100xi32, #tpu.memory_space<vmem>>) semaphore(%arg19 : memref<!tpu.dma_semaphore, #tpu.memory_space<semaphore_mem>>)
      } else {
      }
      %add3A_592 = arith.constant 6 : i32
      %add3A_593 = arith.addi %add3A_59, %add3A_592 : i32
      %dma_wait3A_594 = arith.constant 0 : i32
      %dma_wait3A_595 = tpu.memref_slice %arg5[%add3A_593, %dma_wait3A_594] : memref<256x100xi32, #tpu.memory_space<vmem>> -> memref<1x100xi32, #tpu.memory_space<vmem>>
      %dma_wait3A_596 = tpu.memref_squeeze %dma_wait3A_595 : memref<1x100xi32, #tpu.memory_space<vmem>> -> memref<100xi32, #tpu.memory_space<vmem>>
      %dma_wait3A_597 = arith.constant 0 : i32
      %dma_wait3A_598 = arith.constant 0 : i32
      %dma_wait3A_599 = tpu.memref_slice %arg2[%dma_wait3A_597, %dma_wait3A_598] : memref<100352x32xi32, #tpu.memory_space<hbm>> -> memref<100352x32xi32, #tpu.memory_space<hbm>>
      tpu.wait_indirect_dma semaphore(%arg21 : memref<!tpu.dma_semaphore, #tpu.memory_space<semaphore_mem>>) src(%dma_wait3A_599 : memref<100352x32xi32, #tpu.memory_space<hbm>>) dst(%arg12 : memref<100x32xi32, #tpu.memory_space<vmem>>)
      %broadcast_in_dim3A_600 = arith.constant 0.000000e+00 : f32
      %broadcast_in_dim3A_601 = vector.broadcast %broadcast_in_dim3A_600 : f32 to vector<16xf32>
      %scan3A_602 = arith.constant 0 : i32
      %scan3A_603 = arith.constant 100 : i32
      %scan3A_604 = arith.addi %scan3A_602, %scan3A_603 : i32
      %scan3A_605 = arith.constant 10 : i32
      %scan3A_606:4 = scf.for %scan3A_774 = %scan3A_602 to %scan3A_604 step %scan3A_605 iter_args(%scan3A_775 = %broadcast_in_dim3A_601, %scan3A_776 = %broadcast_in_dim3A_601, %scan3A_777 = %broadcast_in_dim3A_601, %scan3A_778 = %broadcast_in_dim3A_601) -> (vector<16xf32>, vector<16xf32>, vector<16xf32>, vector<16xf32>)  : i32 {
        %broadcast_in_dim3A_779 = arith.constant -65536 : i32
        %broadcast_in_dim3A_780 = vector.broadcast %broadcast_in_dim3A_779 : i32 to vector<16xi32>
        %get3A = arith.index_cast %scan3A_774 : i32 to index
        %get3A_781 = arith.constant 0 : index
        %get3A_782 = tpu.vector_load %arg12[%get3A, %get3A_781] {strides = array<i32>} : memref<100x32xi32, #tpu.memory_space<vmem>>, vector<16xi32>,
        %get3A_783 = arith.index_cast %scan3A_774 : i32 to index
        %get3A_784 = arith.constant 16 : index
        %get3A_785 = tpu.vector_load %arg12[%get3A_783, %get3A_784] {strides = array<i32>} : memref<100x32xi32, #tpu.memory_space<vmem>>, vector<16xi32>,
        %shift_left3A = arith.constant 16 : i32
        %shift_left3A_786 = vector.broadcast %shift_left3A : i32 to vector<16xi32>
        %shift_left3A_787 = arith.shli %get3A_782, %shift_left3A_786 : vector<16xi32>
        %bitcast3A = vector.bitcast %shift_left3A_787 : vector<16xi32> to vector<16xf32>
        %add3A_788 = arith.addf %scan3A_775, %bitcast3A : vector<16xf32>
        %and3A_789 = arith.andi %get3A_782, %broadcast_in_dim3A_780 : vector<16xi32>
        %bitcast3A_790 = vector.bitcast %and3A_789 : vector<16xi32> to vector<16xf32>
        %add3A_791 = arith.addf %scan3A_776, %bitcast3A_790 : vector<16xf32>
        %shift_left3A_792 = arith.constant 16 : i32
        %shift_left3A_793 = vector.broadcast %shift_left3A_792 : i32 to vector<16xi32>
        %shift_left3A_794 = arith.shli %get3A_785, %shift_left3A_793 : vector<16xi32>
        %bitcast3A_795 = vector.bitcast %shift_left3A_794 : vector<16xi32> to vector<16xf32>
        %add3A_796 = arith.addf %scan3A_777, %bitcast3A_795 : vector<16xf32>
        %and3A_797 = arith.andi %get3A_785, %broadcast_in_dim3A_780 : vector<16xi32>
        %bitcast3A_798 = vector.bitcast %and3A_797 : vector<16xi32> to vector<16xf32>
        %add3A_799 = arith.addf %scan3A_778, %bitcast3A_798 : vector<16xf32>
        %scan3A_800 = arith.constant 1 : i32
        %scan3A_801 = arith.addi %scan3A_774, %scan3A_800 : i32
        %broadcast_in_dim3A_802 = arith.constant -65536 : i32
        %broadcast_in_dim3A_803 = vector.broadcast %broadcast_in_dim3A_802 : i32 to vector<16xi32>
        %get3A_804 = arith.index_cast %scan3A_801 : i32 to index
        %get3A_805 = arith.constant 0 : index
        %get3A_806 = tpu.vector_load %arg12[%get3A_804, %get3A_805] {strides = array<i32>} : memref<100x32xi32, #tpu.memory_space<vmem>>, vector<16xi32>,
        %get3A_807 = arith.index_cast %scan3A_801 : i32 to index
        %get3A_808 = arith.constant 16 : index
        %get3A_809 = tpu.vector_load %arg12[%get3A_807, %get3A_808] {strides = array<i32>} : memref<100x32xi32, #tpu.memory_space<vmem>>, vector<16xi32>,
        %shift_left3A_810 = arith.constant 16 : i32
        %shift_left3A_811 = vector.broadcast %shift_left3A_810 : i32 to vector<16xi32>
        %shift_left3A_812 = arith.shli %get3A_806, %shift_left3A_811 : vector<16xi32>
        %bitcast3A_813 = vector.bitcast %shift_left3A_812 : vector<16xi32> to vector<16xf32>
        %add3A_814 = arith.addf %add3A_788, %bitcast3A_813 : vector<16xf32>
        %and3A_815 = arith.andi %get3A_806, %broadcast_in_dim3A_803 : vector<16xi32>
        %bitcast3A_816 = vector.bitcast %and3A_815 : vector<16xi32> to vector<16xf32>
        %add3A_817 = arith.addf %add3A_791, %bitcast3A_816 : vector<16xf32>
        %shift_left3A_818 = arith.constant 16 : i32
        %shift_left3A_819 = vector.broadcast %shift_left3A_818 : i32 to vector<16xi32>
        %shift_left3A_820 = arith.shli %get3A_809, %shift_left3A_819 : vector<16xi32>
        %bitcast3A_821 = vector.bitcast %shift_left3A_820 : vector<16xi32> to vector<16xf32>
        %add3A_822 = arith.addf %add3A_796, %bitcast3A_821 : vector<16xf32>
        %and3A_823 = arith.andi %get3A_809, %broadcast_in_dim3A_803 : vector<16xi32>
        %bitcast3A_824 = vector.bitcast %and3A_823 : vector<16xi32> to vector<16xf32>
        %add3A_825 = arith.addf %add3A_799, %bitcast3A_824 : vector<16xf32>
        %scan3A_826 = arith.constant 2 : i32
        %scan3A_827 = arith.addi %scan3A_774, %scan3A_826 : i32
        %broadcast_in_dim3A_828 = arith.constant -65536 : i32
        %broadcast_in_dim3A_829 = vector.broadcast %broadcast_in_dim3A_828 : i32 to vector<16xi32>
        %get3A_830 = arith.index_cast %scan3A_827 : i32 to index
        %get3A_831 = arith.constant 0 : index
        %get3A_832 = tpu.vector_load %arg12[%get3A_830, %get3A_831] {strides = array<i32>} : memref<100x32xi32, #tpu.memory_space<vmem>>, vector<16xi32>,
        %get3A_833 = arith.index_cast %scan3A_827 : i32 to index
        %get3A_834 = arith.constant 16 : index
        %get3A_835 = tpu.vector_load %arg12[%get3A_833, %get3A_834] {strides = array<i32>} : memref<100x32xi32, #tpu.memory_space<vmem>>, vector<16xi32>,
        %shift_left3A_836 = arith.constant 16 : i32
        %shift_left3A_837 = vector.broadcast %shift_left3A_836 : i32 to vector<16xi32>
        %shift_left3A_838 = arith.shli %get3A_832, %shift_left3A_837 : vector<16xi32>
        %bitcast3A_839 = vector.bitcast %shift_left3A_838 : vector<16xi32> to vector<16xf32>
        %add3A_840 = arith.addf %add3A_814, %bitcast3A_839 : vector<16xf32>
        %and3A_841 = arith.andi %get3A_832, %broadcast_in_dim3A_829 : vector<16xi32>
        %bitcast3A_842 = vector.bitcast %and3A_841 : vector<16xi32> to vector<16xf32>
        %add3A_843 = arith.addf %add3A_817, %bitcast3A_842 : vector<16xf32>
        %shift_left3A_844 = arith.constant 16 : i32
        %shift_left3A_845 = vector.broadcast %shift_left3A_844 : i32 to vector<16xi32>
        %shift_left3A_846 = arith.shli %get3A_835, %shift_left3A_845 : vector<16xi32>
        %bitcast3A_847 = vector.bitcast %shift_left3A_846 : vector<16xi32> to vector<16xf32>
        %add3A_848 = arith.addf %add3A_822, %bitcast3A_847 : vector<16xf32>
        %and3A_849 = arith.andi %get3A_835, %broadcast_in_dim3A_829 : vector<16xi32>
        %bitcast3A_850 = vector.bitcast %and3A_849 : vector<16xi32> to vector<16xf32>
        %add3A_851 = arith.addf %add3A_825, %bitcast3A_850 : vector<16xf32>
        %scan3A_852 = arith.constant 3 : i32
        %scan3A_853 = arith.addi %scan3A_774, %scan3A_852 : i32
        %broadcast_in_dim3A_854 = arith.constant -65536 : i32
        %broadcast_in_dim3A_855 = vector.broadcast %broadcast_in_dim3A_854 : i32 to vector<16xi32>
        %get3A_856 = arith.index_cast %scan3A_853 : i32 to index
        %get3A_857 = arith.constant 0 : index
        %get3A_858 = tpu.vector_load %arg12[%get3A_856, %get3A_857] {strides = array<i32>} : memref<100x32xi32, #tpu.memory_space<vmem>>, vector<16xi32>,
        %get3A_859 = arith.index_cast %scan3A_853 : i32 to index
        %get3A_860 = arith.constant 16 : index
        %get3A_861 = tpu.vector_load %arg12[%get3A_859, %get3A_860] {strides = array<i32>} : memref<100x32xi32, #tpu.memory_space<vmem>>, vector<16xi32>,
        %shift_left3A_862 = arith.constant 16 : i32
        %shift_left3A_863 = vector.broadcast %shift_left3A_862 : i32 to vector<16xi32>
        %shift_left3A_864 = arith.shli %get3A_858, %shift_left3A_863 : vector<16xi32>
        %bitcast3A_865 = vector.bitcast %shift_left3A_864 : vector<16xi32> to vector<16xf32>
        %add3A_866 = arith.addf %add3A_840, %bitcast3A_865 : vector<16xf32>
        %and3A_867 = arith.andi %get3A_858, %broadcast_in_dim3A_855 : vector<16xi32>
        %bitcast3A_868 = vector.bitcast %and3A_867 : vector<16xi32> to vector<16xf32>
        %add3A_869 = arith.addf %add3A_843, %bitcast3A_868 : vector<16xf32>
        %shift_left3A_870 = arith.constant 16 : i32
        %shift_left3A_871 = vector.broadcast %shift_left3A_870 : i32 to vector<16xi32>
        %shift_left3A_872 = arith.shli %get3A_861, %shift_left3A_871 : vector<16xi32>
        %bitcast3A_873 = vector.bitcast %shift_left3A_872 : vector<16xi32> to vector<16xf32>
        %add3A_874 = arith.addf %add3A_848, %bitcast3A_873 : vector<16xf32>
        %and3A_875 = arith.andi %get3A_861, %broadcast_in_dim3A_855 : vector<16xi32>
        %bitcast3A_876 = vector.bitcast %and3A_875 : vector<16xi32> to vector<16xf32>
        %add3A_877 = arith.addf %add3A_851, %bitcast3A_876 : vector<16xf32>
        %scan3A_878 = arith.constant 4 : i32
        %scan3A_879 = arith.addi %scan3A_774, %scan3A_878 : i32
        %broadcast_in_dim3A_880 = arith.constant -65536 : i32
        %broadcast_in_dim3A_881 = vector.broadcast %broadcast_in_dim3A_880 : i32 to vector<16xi32>
        %get3A_882 = arith.index_cast %scan3A_879 : i32 to index
        %get3A_883 = arith.constant 0 : index
        %get3A_884 = tpu.vector_load %arg12[%get3A_882, %get3A_883] {strides = array<i32>} : memref<100x32xi32, #tpu.memory_space<vmem>>, vector<16xi32>,
        %get3A_885 = arith.index_cast %scan3A_879 : i32 to index
        %get3A_886 = arith.constant 16 : index
        %get3A_887 = tpu.vector_load %arg12[%get3A_885, %get3A_886] {strides = array<i32>} : memref<100x32xi32, #tpu.memory_space<vmem>>, vector<16xi32>,
        %shift_left3A_888 = arith.constant 16 : i32
        %shift_left3A_889 = vector.broadcast %shift_left3A_888 : i32 to vector<16xi32>
        %shift_left3A_890 = arith.shli %get3A_884, %shift_left3A_889 : vector<16xi32>
        %bitcast3A_891 = vector.bitcast %shift_left3A_890 : vector<16xi32> to vector<16xf32>
        %add3A_892 = arith.addf %add3A_866, %bitcast3A_891 : vector<16xf32>
        %and3A_893 = arith.andi %get3A_884, %broadcast_in_dim3A_881 : vector<16xi32>
        %bitcast3A_894 = vector.bitcast %and3A_893 : vector<16xi32> to vector<16xf32>
        %add3A_895 = arith.addf %add3A_869, %bitcast3A_894 : vector<16xf32>
        %shift_left3A_896 = arith.constant 16 : i32
        %shift_left3A_897 = vector.broadcast %shift_left3A_896 : i32 to vector<16xi32>
        %shift_left3A_898 = arith.shli %get3A_887, %shift_left3A_897 : vector<16xi32>
        %bitcast3A_899 = vector.bitcast %shift_left3A_898 : vector<16xi32> to vector<16xf32>
        %add3A_900 = arith.addf %add3A_874, %bitcast3A_899 : vector<16xf32>
        %and3A_901 = arith.andi %get3A_887, %broadcast_in_dim3A_881 : vector<16xi32>
        %bitcast3A_902 = vector.bitcast %and3A_901 : vector<16xi32> to vector<16xf32>
        %add3A_903 = arith.addf %add3A_877, %bitcast3A_902 : vector<16xf32>
        %scan3A_904 = arith.constant 5 : i32
        %scan3A_905 = arith.addi %scan3A_774, %scan3A_904 : i32
        %broadcast_in_dim3A_906 = arith.constant -65536 : i32
        %broadcast_in_dim3A_907 = vector.broadcast %broadcast_in_dim3A_906 : i32 to vector<16xi32>
        %get3A_908 = arith.index_cast %scan3A_905 : i32 to index
        %get3A_909 = arith.constant 0 : index
        %get3A_910 = tpu.vector_load %arg12[%get3A_908, %get3A_909] {strides = array<i32>} : memref<100x32xi32, #tpu.memory_space<vmem>>, vector<16xi32>,
        %get3A_911 = arith.index_cast %scan3A_905 : i32 to index
        %get3A_912 = arith.constant 16 : index
        %get3A_913 = tpu.vector_load %arg12[%get3A_911, %get3A_912] {strides = array<i32>} : memref<100x32xi32, #tpu.memory_space<vmem>>, vector<16xi32>,
        %shift_left3A_914 = arith.constant 16 : i32
        %shift_left3A_915 = vector.broadcast %shift_left3A_914 : i32 to vector<16xi32>
        %shift_left3A_916 = arith.shli %get3A_910, %shift_left3A_915 : vector<16xi32>
        %bitcast3A_917 = vector.bitcast %shift_left3A_916 : vector<16xi32> to vector<16xf32>
        %add3A_918 = arith.addf %add3A_892, %bitcast3A_917 : vector<16xf32>
        %and3A_919 = arith.andi %get3A_910, %broadcast_in_dim3A_907 : vector<16xi32>
        %bitcast3A_920 = vector.bitcast %and3A_919 : vector<16xi32> to vector<16xf32>
        %add3A_921 = arith.addf %add3A_895, %bitcast3A_920 : vector<16xf32>
        %shift_left3A_922 = arith.constant 16 : i32
        %shift_left3A_923 = vector.broadcast %shift_left3A_922 : i32 to vector<16xi32>
        %shift_left3A_924 = arith.shli %get3A_913, %shift_left3A_923 : vector<16xi32>
        %bitcast3A_925 = vector.bitcast %shift_left3A_924 : vector<16xi32> to vector<16xf32>
        %add3A_926 = arith.addf %add3A_900, %bitcast3A_925 : vector<16xf32>
        %and3A_927 = arith.andi %get3A_913, %broadcast_in_dim3A_907 : vector<16xi32>
        %bitcast3A_928 = vector.bitcast %and3A_927 : vector<16xi32> to vector<16xf32>
        %add3A_929 = arith.addf %add3A_903, %bitcast3A_928 : vector<16xf32>
        %scan3A_930 = arith.constant 6 : i32
        %scan3A_931 = arith.addi %scan3A_774, %scan3A_930 : i32
        %broadcast_in_dim3A_932 = arith.constant -65536 : i32
        %broadcast_in_dim3A_933 = vector.broadcast %broadcast_in_dim3A_932 : i32 to vector<16xi32>
        %get3A_934 = arith.index_cast %scan3A_931 : i32 to index
        %get3A_935 = arith.constant 0 : index
        %get3A_936 = tpu.vector_load %arg12[%get3A_934, %get3A_935] {strides = array<i32>} : memref<100x32xi32, #tpu.memory_space<vmem>>, vector<16xi32>,
        %get3A_937 = arith.index_cast %scan3A_931 : i32 to index
        %get3A_938 = arith.constant 16 : index
        %get3A_939 = tpu.vector_load %arg12[%get3A_937, %get3A_938] {strides = array<i32>} : memref<100x32xi32, #tpu.memory_space<vmem>>, vector<16xi32>,
        %shift_left3A_940 = arith.constant 16 : i32
        %shift_left3A_941 = vector.broadcast %shift_left3A_940 : i32 to vector<16xi32>
        %shift_left3A_942 = arith.shli %get3A_936, %shift_left3A_941 : vector<16xi32>
        %bitcast3A_943 = vector.bitcast %shift_left3A_942 : vector<16xi32> to vector<16xf32>
        %add3A_944 = arith.addf %add3A_918, %bitcast3A_943 : vector<16xf32>
        %and3A_945 = arith.andi %get3A_936, %broadcast_in_dim3A_933 : vector<16xi32>
        %bitcast3A_946 = vector.bitcast %and3A_945 : vector<16xi32> to vector<16xf32>
        %add3A_947 = arith.addf %add3A_921, %bitcast3A_946 : vector<16xf32>
        %shift_left3A_948 = arith.constant 16 : i32
        %shift_left3A_949 = vector.broadcast %shift_left3A_948 : i32 to vector<16xi32>
        %shift_left3A_950 = arith.shli %get3A_939, %shift_left3A_949 : vector<16xi32>
        %bitcast3A_951 = vector.bitcast %shift_left3A_950 : vector<16xi32> to vector<16xf32>
        %add3A_952 = arith.addf %add3A_926, %bitcast3A_951 : vector<16xf32>
        %and3A_953 = arith.andi %get3A_939, %broadcast_in_dim3A_933 : vector<16xi32>
        %bitcast3A_954 = vector.bitcast %and3A_953 : vector<16xi32> to vector<16xf32>
        %add3A_955 = arith.addf %add3A_929, %bitcast3A_954 : vector<16xf32>
        %scan3A_956 = arith.constant 7 : i32
        %scan3A_957 = arith.addi %scan3A_774, %scan3A_956 : i32
        %broadcast_in_dim3A_958 = arith.constant -65536 : i32
        %broadcast_in_dim3A_959 = vector.broadcast %broadcast_in_dim3A_958 : i32 to vector<16xi32>
        %get3A_960 = arith.index_cast %scan3A_957 : i32 to index
        %get3A_961 = arith.constant 0 : index
        %get3A_962 = tpu.vector_load %arg12[%get3A_960, %get3A_961] {strides = array<i32>} : memref<100x32xi32, #tpu.memory_space<vmem>>, vector<16xi32>,
        %get3A_963 = arith.index_cast %scan3A_957 : i32 to index
        %get3A_964 = arith.constant 16 : index
        %get3A_965 = tpu.vector_load %arg12[%get3A_963, %get3A_964] {strides = array<i32>} : memref<100x32xi32, #tpu.memory_space<vmem>>, vector<16xi32>,
        %shift_left3A_966 = arith.constant 16 : i32
        %shift_left3A_967 = vector.broadcast %shift_left3A_966 : i32 to vector<16xi32>
        %shift_left3A_968 = arith.shli %get3A_962, %shift_left3A_967 : vector<16xi32>
        %bitcast3A_969 = vector.bitcast %shift_left3A_968 : vector<16xi32> to vector<16xf32>
        %add3A_970 = arith.addf %add3A_944, %bitcast3A_969 : vector<16xf32>
        %and3A_971 = arith.andi %get3A_962, %broadcast_in_dim3A_959 : vector<16xi32>
        %bitcast3A_972 = vector.bitcast %and3A_971 : vector<16xi32> to vector<16xf32>
        %add3A_973 = arith.addf %add3A_947, %bitcast3A_972 : vector<16xf32>
        %shift_left3A_974 = arith.constant 16 : i32
        %shift_left3A_975 = vector.broadcast %shift_left3A_974 : i32 to vector<16xi32>
        %shift_left3A_976 = arith.shli %get3A_965, %shift_left3A_975 : vector<16xi32>
        %bitcast3A_977 = vector.bitcast %shift_left3A_976 : vector<16xi32> to vector<16xf32>
        %add3A_978 = arith.addf %add3A_952, %bitcast3A_977 : vector<16xf32>
        %and3A_979 = arith.andi %get3A_965, %broadcast_in_dim3A_959 : vector<16xi32>
        %bitcast3A_980 = vector.bitcast %and3A_979 : vector<16xi32> to vector<16xf32>
        %add3A_981 = arith.addf %add3A_955, %bitcast3A_980 : vector<16xf32>
        %scan3A_982 = arith.constant 8 : i32
        %scan3A_983 = arith.addi %scan3A_774, %scan3A_982 : i32
        %broadcast_in_dim3A_984 = arith.constant -65536 : i32
        %broadcast_in_dim3A_985 = vector.broadcast %broadcast_in_dim3A_984 : i32 to vector<16xi32>
        %get3A_986 = arith.index_cast %scan3A_983 : i32 to index
        %get3A_987 = arith.constant 0 : index
        %get3A_988 = tpu.vector_load %arg12[%get3A_986, %get3A_987] {strides = array<i32>} : memref<100x32xi32, #tpu.memory_space<vmem>>, vector<16xi32>,
        %get3A_989 = arith.index_cast %scan3A_983 : i32 to index
        %get3A_990 = arith.constant 16 : index
        %get3A_991 = tpu.vector_load %arg12[%get3A_989, %get3A_990] {strides = array<i32>} : memref<100x32xi32, #tpu.memory_space<vmem>>, vector<16xi32>,
        %shift_left3A_992 = arith.constant 16 : i32
        %shift_left3A_993 = vector.broadcast %shift_left3A_992 : i32 to vector<16xi32>
        %shift_left3A_994 = arith.shli %get3A_988, %shift_left3A_993 : vector<16xi32>
        %bitcast3A_995 = vector.bitcast %shift_left3A_994 : vector<16xi32> to vector<16xf32>
        %add3A_996 = arith.addf %add3A_970, %bitcast3A_995 : vector<16xf32>
        %and3A_997 = arith.andi %get3A_988, %broadcast_in_dim3A_985 : vector<16xi32>
        %bitcast3A_998 = vector.bitcast %and3A_997 : vector<16xi32> to vector<16xf32>
        %add3A_999 = arith.addf %add3A_973, %bitcast3A_998 : vector<16xf32>
        %shift_left3A_1000 = arith.constant 16 : i32
        %shift_left3A_1001 = vector.broadcast %shift_left3A_1000 : i32 to vector<16xi32>
        %shift_left3A_1002 = arith.shli %get3A_991, %shift_left3A_1001 : vector<16xi32>
        %bitcast3A_1003 = vector.bitcast %shift_left3A_1002 : vector<16xi32> to vector<16xf32>
        %add3A_1004 = arith.addf %add3A_978, %bitcast3A_1003 : vector<16xf32>
        %and3A_1005 = arith.andi %get3A_991, %broadcast_in_dim3A_985 : vector<16xi32>
        %bitcast3A_1006 = vector.bitcast %and3A_1005 : vector<16xi32> to vector<16xf32>
        %add3A_1007 = arith.addf %add3A_981, %bitcast3A_1006 : vector<16xf32>
        %scan3A_1008 = arith.constant 9 : i32
        %scan3A_1009 = arith.addi %scan3A_774, %scan3A_1008 : i32
        %broadcast_in_dim3A_1010 = arith.constant -65536 : i32
        %broadcast_in_dim3A_1011 = vector.broadcast %broadcast_in_dim3A_1010 : i32 to vector<16xi32>
        %get3A_1012 = arith.index_cast %scan3A_1009 : i32 to index
        %get3A_1013 = arith.constant 0 : index
        %get3A_1014 = tpu.vector_load %arg12[%get3A_1012, %get3A_1013] {strides = array<i32>} : memref<100x32xi32, #tpu.memory_space<vmem>>, vector<16xi32>,
        %get3A_1015 = arith.index_cast %scan3A_1009 : i32 to index
        %get3A_1016 = arith.constant 16 : index
        %get3A_1017 = tpu.vector_load %arg12[%get3A_1015, %get3A_1016] {strides = array<i32>} : memref<100x32xi32, #tpu.memory_space<vmem>>, vector<16xi32>,
        %shift_left3A_1018 = arith.constant 16 : i32
        %shift_left3A_1019 = vector.broadcast %shift_left3A_1018 : i32 to vector<16xi32>
        %shift_left3A_1020 = arith.shli %get3A_1014, %shift_left3A_1019 : vector<16xi32>
        %bitcast3A_1021 = vector.bitcast %shift_left3A_1020 : vector<16xi32> to vector<16xf32>
        %add3A_1022 = arith.addf %add3A_996, %bitcast3A_1021 : vector<16xf32>
        %and3A_1023 = arith.andi %get3A_1014, %broadcast_in_dim3A_1011 : vector<16xi32>
        %bitcast3A_1024 = vector.bitcast %and3A_1023 : vector<16xi32> to vector<16xf32>
        %add3A_1025 = arith.addf %add3A_999, %bitcast3A_1024 : vector<16xf32>
        %shift_left3A_1026 = arith.constant 16 : i32
        %shift_left3A_1027 = vector.broadcast %shift_left3A_1026 : i32 to vector<16xi32>
        %shift_left3A_1028 = arith.shli %get3A_1017, %shift_left3A_1027 : vector<16xi32>
        %bitcast3A_1029 = vector.bitcast %shift_left3A_1028 : vector<16xi32> to vector<16xf32>
        %add3A_1030 = arith.addf %add3A_1004, %bitcast3A_1029 : vector<16xf32>
        %and3A_1031 = arith.andi %get3A_1017, %broadcast_in_dim3A_1011 : vector<16xi32>
        %bitcast3A_1032 = vector.bitcast %and3A_1031 : vector<16xi32> to vector<16xf32>
        %add3A_1033 = arith.addf %add3A_1007, %bitcast3A_1032 : vector<16xf32>
        scf.yield %add3A_1022, %add3A_1025, %add3A_1030, %add3A_1033 : vector<16xf32>, vector<16xf32>, vector<16xf32>, vector<16xf32>
      }
      %scan3A_607 = arith.constant 100 : i32
      %jit3A_608 = arith.constant 2 : i32
      %div3A_609 = arith.divsi %add3A_593, %jit3A_608 : i32
      %sign3A_610 = arith.constant 0 : i32
      %sign3A_611 = arith.cmpi sgt, %add3A_593, %sign3A_610 : i32
      %sign3A_612 = arith.extui %sign3A_611 : i1 to i32
      %sign3A_613 = arith.constant 0 : i32
      %sign3A_614 = arith.cmpi slt, %add3A_593, %sign3A_613 : i32
      %sign3A_615 = arith.extui %sign3A_614 : i1 to i32
      %sign3A_616 = arith.subi %sign3A_612, %sign3A_615 : i32
      %sign3A_617 = arith.constant 0 : i32
      %sign3A_618 = arith.cmpi sgt, %jit3A_608, %sign3A_617 : i32
      %sign3A_619 = arith.extui %sign3A_618 : i1 to i32
      %sign3A_620 = arith.constant 0 : i32
      %sign3A_621 = arith.cmpi slt, %jit3A_608, %sign3A_620 : i32
      %sign3A_622 = arith.extui %sign3A_621 : i1 to i32
      %sign3A_623 = arith.subi %sign3A_619, %sign3A_622 : i32
      %ne3A_624 = arith.cmpi ne, %sign3A_616, %sign3A_623 : i32
      %rem3A_625 = arith.remsi %add3A_593, %jit3A_608 : i32
      %ne3A_626 = arith.constant 0 : i32
      %ne3A_627 = arith.cmpi ne, %rem3A_625, %ne3A_626 : i32
      %and3A_628 = arith.andi %ne3A_624, %ne3A_627 : i1
      %sub3A_629 = arith.constant 1 : i32
      %sub3A_630 = arith.subi %div3A_609, %sub3A_629 : i32
      %select_n3A_631 = arith.select %and3A_628, %sub3A_630, %div3A_609 : i32
      %jit3A_632 = arith.constant 2 : i32
      %eq3A_633 = arith.constant 0 : i32
      %eq3A_634 = arith.cmpi eq, %jit3A_632, %eq3A_633 : i32
      %jit3A_635 = arith.constant 1 : i32
      %select_n3A_636 = arith.select %eq3A_634, %jit3A_635, %jit3A_632 : i32
      %rem3A_637 = arith.remsi %add3A_593, %select_n3A_636 : i32
      %ne3A_638 = arith.constant 0 : i32
      %ne3A_639 = arith.cmpi ne, %rem3A_637, %ne3A_638 : i32
      %lt3A_640 = arith.constant 0 : i32
      %lt3A_641 = arith.cmpi slt, %rem3A_637, %lt3A_640 : i32
      %lt3A_642 = arith.constant 0 : i32
      %lt3A_643 = arith.cmpi slt, %select_n3A_636, %lt3A_642 : i32
      %ne3A_644 = arith.xori %lt3A_641, %lt3A_643 : i1
      %and3A_645 = arith.andi %ne3A_644, %ne3A_639 : i1
      %add3A_646 = arith.addi %rem3A_637, %select_n3A_636 : i32
      %select_n3A_647 = arith.select %and3A_645, %add3A_646, %rem3A_637 : i32
      %eq3A_648 = arith.constant 0 : i32
      %eq3A_649 = arith.cmpi eq, %select_n3A_647, %eq3A_648 : i32
      %convert_element_type3A_650 = arith.extui %eq3A_649 : i1 to i32
      %cond3A_651 = arith.constant 0 : i32
      %cond3A_652 = arith.cmpi ne, %convert_element_type3A_650, %cond3A_651 : i32
      scf.if %cond3A_652 {
        %swap3A = arith.index_cast %select_n3A_631 : i32 to index
        %swap3A_774 = arith.constant 0 : index
        %swap3A_775 = tpu.vector_load %arg14[%swap3A, %swap3A_774] {strides = array<i32>} : memref<128x64xf32, #tpu.memory_space<vmem>>, vector<16xf32>,
        tpu.vector_store %arg14[%swap3A, %swap3A_774], %scan3A_606#0 {strides = array<i32>} : memref<128x64xf32, #tpu.memory_space<vmem>>, vector<16xf32>,
        %swap3A_776 = arith.index_cast %select_n3A_631 : i32 to index
        %swap3A_777 = arith.constant 16 : index
        %swap3A_778 = tpu.vector_load %arg14[%swap3A_776, %swap3A_777] {strides = array<i32>} : memref<128x64xf32, #tpu.memory_space<vmem>>, vector<16xf32>,
        tpu.vector_store %arg14[%swap3A_776, %swap3A_777], %scan3A_606#1 {strides = array<i32>} : memref<128x64xf32, #tpu.memory_space<vmem>>, vector<16xf32>,
        %swap3A_779 = arith.index_cast %select_n3A_631 : i32 to index
        %swap3A_780 = arith.constant 32 : index
        %swap3A_781 = tpu.vector_load %arg14[%swap3A_779, %swap3A_780] {strides = array<i32>} : memref<128x64xf32, #tpu.memory_space<vmem>>, vector<16xf32>,
        tpu.vector_store %arg14[%swap3A_779, %swap3A_780], %scan3A_606#2 {strides = array<i32>} : memref<128x64xf32, #tpu.memory_space<vmem>>, vector<16xf32>,
        %swap3A_782 = arith.index_cast %select_n3A_631 : i32 to index
        %swap3A_783 = arith.constant 48 : index
        %swap3A_784 = tpu.vector_load %arg14[%swap3A_782, %swap3A_783] {strides = array<i32>} : memref<128x64xf32, #tpu.memory_space<vmem>>, vector<16xf32>,
        tpu.vector_store %arg14[%swap3A_782, %swap3A_783], %scan3A_606#3 {strides = array<i32>} : memref<128x64xf32, #tpu.memory_space<vmem>>, vector<16xf32>,
      } else {
      }
      %jit3A_653 = arith.constant 2 : i32
      %eq3A_654 = arith.constant 0 : i32
      %eq3A_655 = arith.cmpi eq, %jit3A_653, %eq3A_654 : i32
      %jit3A_656 = arith.constant 1 : i32
      %select_n3A_657 = arith.select %eq3A_655, %jit3A_656, %jit3A_653 : i32
      %rem3A_658 = arith.remsi %add3A_593, %select_n3A_657 : i32
      %ne3A_659 = arith.constant 0 : i32
      %ne3A_660 = arith.cmpi ne, %rem3A_658, %ne3A_659 : i32
      %lt3A_661 = arith.constant 0 : i32
      %lt3A_662 = arith.cmpi slt, %rem3A_658, %lt3A_661 : i32
      %lt3A_663 = arith.constant 0 : i32
      %lt3A_664 = arith.cmpi slt, %select_n3A_657, %lt3A_663 : i32
      %ne3A_665 = arith.xori %lt3A_662, %lt3A_664 : i1
      %and3A_666 = arith.andi %ne3A_665, %ne3A_660 : i1
      %add3A_667 = arith.addi %rem3A_658, %select_n3A_657 : i32
      %select_n3A_668 = arith.select %and3A_666, %add3A_667, %rem3A_658 : i32
      %eq3A_669 = arith.constant 1 : i32
      %eq3A_670 = arith.cmpi eq, %select_n3A_668, %eq3A_669 : i32
      %convert_element_type3A_671 = arith.extui %eq3A_670 : i1 to i32
      %cond3A_672 = arith.constant 0 : i32
      %cond3A_673 = arith.cmpi ne, %convert_element_type3A_671, %cond3A_672 : i32
      scf.if %cond3A_673 {
        %swap3A = arith.index_cast %select_n3A_631 : i32 to index
        %swap3A_774 = arith.constant 0 : index
        %swap3A_775 = tpu.vector_load %arg14[%swap3A, %swap3A_774] {strides = array<i32>} : memref<128x64xf32, #tpu.memory_space<vmem>>, vector<16xf32>,
        tpu.vector_store %arg14[%swap3A, %swap3A_774], %scan3A_606#0 {add = true, strides = array<i32>} : memref<128x64xf32, #tpu.memory_space<vmem>>, vector<16xf32>,
        %swap3A_776 = arith.index_cast %select_n3A_631 : i32 to index
        %swap3A_777 = arith.constant 16 : index
        %swap3A_778 = tpu.vector_load %arg14[%swap3A_776, %swap3A_777] {strides = array<i32>} : memref<128x64xf32, #tpu.memory_space<vmem>>, vector<16xf32>,
        tpu.vector_store %arg14[%swap3A_776, %swap3A_777], %scan3A_606#1 {add = true, strides = array<i32>} : memref<128x64xf32, #tpu.memory_space<vmem>>, vector<16xf32>,
        %swap3A_779 = arith.index_cast %select_n3A_631 : i32 to index
        %swap3A_780 = arith.constant 32 : index
        %swap3A_781 = tpu.vector_load %arg14[%swap3A_779, %swap3A_780] {strides = array<i32>} : memref<128x64xf32, #tpu.memory_space<vmem>>, vector<16xf32>,
        tpu.vector_store %arg14[%swap3A_779, %swap3A_780], %scan3A_606#2 {add = true, strides = array<i32>} : memref<128x64xf32, #tpu.memory_space<vmem>>, vector<16xf32>,
        %swap3A_782 = arith.index_cast %select_n3A_631 : i32 to index
        %swap3A_783 = arith.constant 48 : index
        %swap3A_784 = tpu.vector_load %arg14[%swap3A_782, %swap3A_783] {strides = array<i32>} : memref<128x64xf32, #tpu.memory_space<vmem>>, vector<16xf32>,
        tpu.vector_store %arg14[%swap3A_782, %swap3A_783], %scan3A_606#3 {add = true, strides = array<i32>} : memref<128x64xf32, #tpu.memory_space<vmem>>, vector<16xf32>,
      } else {
      }
      %add3A_674 = arith.constant 8 : i32
      %add3A_675 = arith.addi %add3A_593, %add3A_674 : i32
      %sub3A_676 = arith.constant 1 : i32
      %sub3A_677 = arith.subi %add3A_675, %sub3A_676 : i32
      %lt3A_678 = arith.constant 256 : i32
      %lt3A_679 = arith.cmpi slt, %sub3A_677, %lt3A_678 : i32
      %convert_element_type3A_680 = arith.extui %lt3A_679 : i1 to i32
      %cond3A_681 = arith.constant 0 : i32
      %cond3A_682 = arith.cmpi ne, %convert_element_type3A_680, %cond3A_681 : i32
      scf.if %cond3A_682 {
        %add3A_774 = arith.constant 8 : i32
        %add3A_775 = arith.addi %add3A_593, %add3A_774 : i32
        %sub3A_776 = arith.constant 1 : i32
        %sub3A_777 = arith.subi %add3A_775, %sub3A_776 : i32
        %dma_start3A_778 = arith.constant 0 : i32
        %dma_start3A_779 = tpu.memref_slice %arg5[%sub3A_777, %dma_start3A_778] : memref<256x100xi32, #tpu.memory_space<vmem>> -> memref<1x100xi32, #tpu.memory_space<vmem>>
        %dma_start3A_780 = tpu.memref_squeeze %dma_start3A_779 : memref<1x100xi32, #tpu.memory_space<vmem>> -> memref<100xi32, #tpu.memory_space<vmem>>
        %dma_start3A_781 = arith.constant 0 : i32
        %dma_start3A_782 = arith.constant 0 : i32
        %dma_start3A_783 = tpu.memref_slice %arg2[%dma_start3A_781, %dma_start3A_782] : memref<100352x32xi32, #tpu.memory_space<hbm>> -> memref<100352x32xi32, #tpu.memory_space<hbm>>
        tpu.enqueue_indirect_dma source(%dma_start3A_783 : memref<100352x32xi32, #tpu.memory_space<hbm>>) target(%arg11 : memref<100x32xi32, #tpu.memory_space<vmem>>) offsets(%dma_start3A_780 : memref<100xi32, #tpu.memory_space<vmem>>) semaphore(%arg20 : memref<!tpu.dma_semaphore, #tpu.memory_space<semaphore_mem>>)
      } else {
      }
      %add3A_683 = arith.constant 7 : i32
      %add3A_684 = arith.addi %add3A_59, %add3A_683 : i32
      %dma_wait3A_685 = arith.constant 0 : i32
      %dma_wait3A_686 = tpu.memref_slice %arg5[%add3A_684, %dma_wait3A_685] : memref<256x100xi32, #tpu.memory_space<vmem>> -> memref<1x100xi32, #tpu.memory_space<vmem>>
      %dma_wait3A_687 = tpu.memref_squeeze %dma_wait3A_686 : memref<1x100xi32, #tpu.memory_space<vmem>> -> memref<100xi32, #tpu.memory_space<vmem>>
      %dma_wait3A_688 = arith.constant 0 : i32
      %dma_wait3A_689 = arith.constant 0 : i32
      %dma_wait3A_690 = tpu.memref_slice %arg2[%dma_wait3A_688, %dma_wait3A_689] : memref<100352x32xi32, #tpu.memory_space<hbm>> -> memref<100352x32xi32, #tpu.memory_space<hbm>>
      tpu.wait_indirect_dma semaphore(%arg22 : memref<!tpu.dma_semaphore, #tpu.memory_space<semaphore_mem>>) src(%dma_wait3A_690 : memref<100352x32xi32, #tpu.memory_space<hbm>>) dst(%arg13 : memref<100x32xi32, #tpu.memory_space<vmem>>)
      %broadcast_in_dim3A_691 = arith.constant 0.000000e+00 : f32
      %broadcast_in_dim3A_692 = vector.broadcast %broadcast_in_dim3A_691 : f32 to vector<16xf32>
      %scan3A_693 = arith.constant 0 : i32
      %scan3A_694 = arith.constant 100 : i32
      %scan3A_695 = arith.addi %scan3A_693, %scan3A_694 : i32
      %scan3A_696 = arith.constant 10 : i32
      %scan3A_697:4 = scf.for %scan3A_774 = %scan3A_693 to %scan3A_695 step %scan3A_696 iter_args(%scan3A_775 = %broadcast_in_dim3A_692, %scan3A_776 = %broadcast_in_dim3A_692, %scan3A_777 = %broadcast_in_dim3A_692, %scan3A_778 = %broadcast_in_dim3A_692) -> (vector<16xf32>, vector<16xf32>, vector<16xf32>, vector<16xf32>)  : i32 {
        %broadcast_in_dim3A_779 = arith.constant -65536 : i32
        %broadcast_in_dim3A_780 = vector.broadcast %broadcast_in_dim3A_779 : i32 to vector<16xi32>
        %get3A = arith.index_cast %scan3A_774 : i32 to index
        %get3A_781 = arith.constant 0 : index
        %get3A_782 = tpu.vector_load %arg13[%get3A, %get3A_781] {strides = array<i32>} : memref<100x32xi32, #tpu.memory_space<vmem>>, vector<16xi32>,
        %get3A_783 = arith.index_cast %scan3A_774 : i32 to index
        %get3A_784 = arith.constant 16 : index
        %get3A_785 = tpu.vector_load %arg13[%get3A_783, %get3A_784] {strides = array<i32>} : memref<100x32xi32, #tpu.memory_space<vmem>>, vector<16xi32>,
        %shift_left3A = arith.constant 16 : i32
        %shift_left3A_786 = vector.broadcast %shift_left3A : i32 to vector<16xi32>
        %shift_left3A_787 = arith.shli %get3A_782, %shift_left3A_786 : vector<16xi32>
        %bitcast3A = vector.bitcast %shift_left3A_787 : vector<16xi32> to vector<16xf32>
        %add3A_788 = arith.addf %scan3A_775, %bitcast3A : vector<16xf32>
        %and3A_789 = arith.andi %get3A_782, %broadcast_in_dim3A_780 : vector<16xi32>
        %bitcast3A_790 = vector.bitcast %and3A_789 : vector<16xi32> to vector<16xf32>
        %add3A_791 = arith.addf %scan3A_776, %bitcast3A_790 : vector<16xf32>
        %shift_left3A_792 = arith.constant 16 : i32
        %shift_left3A_793 = vector.broadcast %shift_left3A_792 : i32 to vector<16xi32>
        %shift_left3A_794 = arith.shli %get3A_785, %shift_left3A_793 : vector<16xi32>
        %bitcast3A_795 = vector.bitcast %shift_left3A_794 : vector<16xi32> to vector<16xf32>
        %add3A_796 = arith.addf %scan3A_777, %bitcast3A_795 : vector<16xf32>
        %and3A_797 = arith.andi %get3A_785, %broadcast_in_dim3A_780 : vector<16xi32>
        %bitcast3A_798 = vector.bitcast %and3A_797 : vector<16xi32> to vector<16xf32>
        %add3A_799 = arith.addf %scan3A_778, %bitcast3A_798 : vector<16xf32>
        %scan3A_800 = arith.constant 1 : i32
        %scan3A_801 = arith.addi %scan3A_774, %scan3A_800 : i32
        %broadcast_in_dim3A_802 = arith.constant -65536 : i32
        %broadcast_in_dim3A_803 = vector.broadcast %broadcast_in_dim3A_802 : i32 to vector<16xi32>
        %get3A_804 = arith.index_cast %scan3A_801 : i32 to index
        %get3A_805 = arith.constant 0 : index
        %get3A_806 = tpu.vector_load %arg13[%get3A_804, %get3A_805] {strides = array<i32>} : memref<100x32xi32, #tpu.memory_space<vmem>>, vector<16xi32>,
        %get3A_807 = arith.index_cast %scan3A_801 : i32 to index
        %get3A_808 = arith.constant 16 : index
        %get3A_809 = tpu.vector_load %arg13[%get3A_807, %get3A_808] {strides = array<i32>} : memref<100x32xi32, #tpu.memory_space<vmem>>, vector<16xi32>,
        %shift_left3A_810 = arith.constant 16 : i32
        %shift_left3A_811 = vector.broadcast %shift_left3A_810 : i32 to vector<16xi32>
        %shift_left3A_812 = arith.shli %get3A_806, %shift_left3A_811 : vector<16xi32>
        %bitcast3A_813 = vector.bitcast %shift_left3A_812 : vector<16xi32> to vector<16xf32>
        %add3A_814 = arith.addf %add3A_788, %bitcast3A_813 : vector<16xf32>
        %and3A_815 = arith.andi %get3A_806, %broadcast_in_dim3A_803 : vector<16xi32>
        %bitcast3A_816 = vector.bitcast %and3A_815 : vector<16xi32> to vector<16xf32>
        %add3A_817 = arith.addf %add3A_791, %bitcast3A_816 : vector<16xf32>
        %shift_left3A_818 = arith.constant 16 : i32
        %shift_left3A_819 = vector.broadcast %shift_left3A_818 : i32 to vector<16xi32>
        %shift_left3A_820 = arith.shli %get3A_809, %shift_left3A_819 : vector<16xi32>
        %bitcast3A_821 = vector.bitcast %shift_left3A_820 : vector<16xi32> to vector<16xf32>
        %add3A_822 = arith.addf %add3A_796, %bitcast3A_821 : vector<16xf32>
        %and3A_823 = arith.andi %get3A_809, %broadcast_in_dim3A_803 : vector<16xi32>
        %bitcast3A_824 = vector.bitcast %and3A_823 : vector<16xi32> to vector<16xf32>
        %add3A_825 = arith.addf %add3A_799, %bitcast3A_824 : vector<16xf32>
        %scan3A_826 = arith.constant 2 : i32
        %scan3A_827 = arith.addi %scan3A_774, %scan3A_826 : i32
        %broadcast_in_dim3A_828 = arith.constant -65536 : i32
        %broadcast_in_dim3A_829 = vector.broadcast %broadcast_in_dim3A_828 : i32 to vector<16xi32>
        %get3A_830 = arith.index_cast %scan3A_827 : i32 to index
        %get3A_831 = arith.constant 0 : index
        %get3A_832 = tpu.vector_load %arg13[%get3A_830, %get3A_831] {strides = array<i32>} : memref<100x32xi32, #tpu.memory_space<vmem>>, vector<16xi32>,
        %get3A_833 = arith.index_cast %scan3A_827 : i32 to index
        %get3A_834 = arith.constant 16 : index
        %get3A_835 = tpu.vector_load %arg13[%get3A_833, %get3A_834] {strides = array<i32>} : memref<100x32xi32, #tpu.memory_space<vmem>>, vector<16xi32>,
        %shift_left3A_836 = arith.constant 16 : i32
        %shift_left3A_837 = vector.broadcast %shift_left3A_836 : i32 to vector<16xi32>
        %shift_left3A_838 = arith.shli %get3A_832, %shift_left3A_837 : vector<16xi32>
        %bitcast3A_839 = vector.bitcast %shift_left3A_838 : vector<16xi32> to vector<16xf32>
        %add3A_840 = arith.addf %add3A_814, %bitcast3A_839 : vector<16xf32>
        %and3A_841 = arith.andi %get3A_832, %broadcast_in_dim3A_829 : vector<16xi32>
        %bitcast3A_842 = vector.bitcast %and3A_841 : vector<16xi32> to vector<16xf32>
        %add3A_843 = arith.addf %add3A_817, %bitcast3A_842 : vector<16xf32>
        %shift_left3A_844 = arith.constant 16 : i32
        %shift_left3A_845 = vector.broadcast %shift_left3A_844 : i32 to vector<16xi32>
        %shift_left3A_846 = arith.shli %get3A_835, %shift_left3A_845 : vector<16xi32>
        %bitcast3A_847 = vector.bitcast %shift_left3A_846 : vector<16xi32> to vector<16xf32>
        %add3A_848 = arith.addf %add3A_822, %bitcast3A_847 : vector<16xf32>
        %and3A_849 = arith.andi %get3A_835, %broadcast_in_dim3A_829 : vector<16xi32>
        %bitcast3A_850 = vector.bitcast %and3A_849 : vector<16xi32> to vector<16xf32>
        %add3A_851 = arith.addf %add3A_825, %bitcast3A_850 : vector<16xf32>
        %scan3A_852 = arith.constant 3 : i32
        %scan3A_853 = arith.addi %scan3A_774, %scan3A_852 : i32
        %broadcast_in_dim3A_854 = arith.constant -65536 : i32
        %broadcast_in_dim3A_855 = vector.broadcast %broadcast_in_dim3A_854 : i32 to vector<16xi32>
        %get3A_856 = arith.index_cast %scan3A_853 : i32 to index
        %get3A_857 = arith.constant 0 : index
        %get3A_858 = tpu.vector_load %arg13[%get3A_856, %get3A_857] {strides = array<i32>} : memref<100x32xi32, #tpu.memory_space<vmem>>, vector<16xi32>,
        %get3A_859 = arith.index_cast %scan3A_853 : i32 to index
        %get3A_860 = arith.constant 16 : index
        %get3A_861 = tpu.vector_load %arg13[%get3A_859, %get3A_860] {strides = array<i32>} : memref<100x32xi32, #tpu.memory_space<vmem>>, vector<16xi32>,
        %shift_left3A_862 = arith.constant 16 : i32
        %shift_left3A_863 = vector.broadcast %shift_left3A_862 : i32 to vector<16xi32>
        %shift_left3A_864 = arith.shli %get3A_858, %shift_left3A_863 : vector<16xi32>
        %bitcast3A_865 = vector.bitcast %shift_left3A_864 : vector<16xi32> to vector<16xf32>
        %add3A_866 = arith.addf %add3A_840, %bitcast3A_865 : vector<16xf32>
        %and3A_867 = arith.andi %get3A_858, %broadcast_in_dim3A_855 : vector<16xi32>
        %bitcast3A_868 = vector.bitcast %and3A_867 : vector<16xi32> to vector<16xf32>
        %add3A_869 = arith.addf %add3A_843, %bitcast3A_868 : vector<16xf32>
        %shift_left3A_870 = arith.constant 16 : i32
        %shift_left3A_871 = vector.broadcast %shift_left3A_870 : i32 to vector<16xi32>
        %shift_left3A_872 = arith.shli %get3A_861, %shift_left3A_871 : vector<16xi32>
        %bitcast3A_873 = vector.bitcast %shift_left3A_872 : vector<16xi32> to vector<16xf32>
        %add3A_874 = arith.addf %add3A_848, %bitcast3A_873 : vector<16xf32>
        %and3A_875 = arith.andi %get3A_861, %broadcast_in_dim3A_855 : vector<16xi32>
        %bitcast3A_876 = vector.bitcast %and3A_875 : vector<16xi32> to vector<16xf32>
        %add3A_877 = arith.addf %add3A_851, %bitcast3A_876 : vector<16xf32>
        %scan3A_878 = arith.constant 4 : i32
        %scan3A_879 = arith.addi %scan3A_774, %scan3A_878 : i32
        %broadcast_in_dim3A_880 = arith.constant -65536 : i32
        %broadcast_in_dim3A_881 = vector.broadcast %broadcast_in_dim3A_880 : i32 to vector<16xi32>
        %get3A_882 = arith.index_cast %scan3A_879 : i32 to index
        %get3A_883 = arith.constant 0 : index
        %get3A_884 = tpu.vector_load %arg13[%get3A_882, %get3A_883] {strides = array<i32>} : memref<100x32xi32, #tpu.memory_space<vmem>>, vector<16xi32>,
        %get3A_885 = arith.index_cast %scan3A_879 : i32 to index
        %get3A_886 = arith.constant 16 : index
        %get3A_887 = tpu.vector_load %arg13[%get3A_885, %get3A_886] {strides = array<i32>} : memref<100x32xi32, #tpu.memory_space<vmem>>, vector<16xi32>,
        %shift_left3A_888 = arith.constant 16 : i32
        %shift_left3A_889 = vector.broadcast %shift_left3A_888 : i32 to vector<16xi32>
        %shift_left3A_890 = arith.shli %get3A_884, %shift_left3A_889 : vector<16xi32>
        %bitcast3A_891 = vector.bitcast %shift_left3A_890 : vector<16xi32> to vector<16xf32>
        %add3A_892 = arith.addf %add3A_866, %bitcast3A_891 : vector<16xf32>
        %and3A_893 = arith.andi %get3A_884, %broadcast_in_dim3A_881 : vector<16xi32>
        %bitcast3A_894 = vector.bitcast %and3A_893 : vector<16xi32> to vector<16xf32>
        %add3A_895 = arith.addf %add3A_869, %bitcast3A_894 : vector<16xf32>
        %shift_left3A_896 = arith.constant 16 : i32
        %shift_left3A_897 = vector.broadcast %shift_left3A_896 : i32 to vector<16xi32>
        %shift_left3A_898 = arith.shli %get3A_887, %shift_left3A_897 : vector<16xi32>
        %bitcast3A_899 = vector.bitcast %shift_left3A_898 : vector<16xi32> to vector<16xf32>
        %add3A_900 = arith.addf %add3A_874, %bitcast3A_899 : vector<16xf32>
        %and3A_901 = arith.andi %get3A_887, %broadcast_in_dim3A_881 : vector<16xi32>
        %bitcast3A_902 = vector.bitcast %and3A_901 : vector<16xi32> to vector<16xf32>
        %add3A_903 = arith.addf %add3A_877, %bitcast3A_902 : vector<16xf32>
        %scan3A_904 = arith.constant 5 : i32
        %scan3A_905 = arith.addi %scan3A_774, %scan3A_904 : i32
        %broadcast_in_dim3A_906 = arith.constant -65536 : i32
        %broadcast_in_dim3A_907 = vector.broadcast %broadcast_in_dim3A_906 : i32 to vector<16xi32>
        %get3A_908 = arith.index_cast %scan3A_905 : i32 to index
        %get3A_909 = arith.constant 0 : index
        %get3A_910 = tpu.vector_load %arg13[%get3A_908, %get3A_909] {strides = array<i32>} : memref<100x32xi32, #tpu.memory_space<vmem>>, vector<16xi32>,
        %get3A_911 = arith.index_cast %scan3A_905 : i32 to index
        %get3A_912 = arith.constant 16 : index
        %get3A_913 = tpu.vector_load %arg13[%get3A_911, %get3A_912] {strides = array<i32>} : memref<100x32xi32, #tpu.memory_space<vmem>>, vector<16xi32>,
        %shift_left3A_914 = arith.constant 16 : i32
        %shift_left3A_915 = vector.broadcast %shift_left3A_914 : i32 to vector<16xi32>
        %shift_left3A_916 = arith.shli %get3A_910, %shift_left3A_915 : vector<16xi32>
        %bitcast3A_917 = vector.bitcast %shift_left3A_916 : vector<16xi32> to vector<16xf32>
        %add3A_918 = arith.addf %add3A_892, %bitcast3A_917 : vector<16xf32>
        %and3A_919 = arith.andi %get3A_910, %broadcast_in_dim3A_907 : vector<16xi32>
        %bitcast3A_920 = vector.bitcast %and3A_919 : vector<16xi32> to vector<16xf32>
        %add3A_921 = arith.addf %add3A_895, %bitcast3A_920 : vector<16xf32>
        %shift_left3A_922 = arith.constant 16 : i32
        %shift_left3A_923 = vector.broadcast %shift_left3A_922 : i32 to vector<16xi32>
        %shift_left3A_924 = arith.shli %get3A_913, %shift_left3A_923 : vector<16xi32>
        %bitcast3A_925 = vector.bitcast %shift_left3A_924 : vector<16xi32> to vector<16xf32>
        %add3A_926 = arith.addf %add3A_900, %bitcast3A_925 : vector<16xf32>
        %and3A_927 = arith.andi %get3A_913, %broadcast_in_dim3A_907 : vector<16xi32>
        %bitcast3A_928 = vector.bitcast %and3A_927 : vector<16xi32> to vector<16xf32>
        %add3A_929 = arith.addf %add3A_903, %bitcast3A_928 : vector<16xf32>
        %scan3A_930 = arith.constant 6 : i32
        %scan3A_931 = arith.addi %scan3A_774, %scan3A_930 : i32
        %broadcast_in_dim3A_932 = arith.constant -65536 : i32
        %broadcast_in_dim3A_933 = vector.broadcast %broadcast_in_dim3A_932 : i32 to vector<16xi32>
        %get3A_934 = arith.index_cast %scan3A_931 : i32 to index
        %get3A_935 = arith.constant 0 : index
        %get3A_936 = tpu.vector_load %arg13[%get3A_934, %get3A_935] {strides = array<i32>} : memref<100x32xi32, #tpu.memory_space<vmem>>, vector<16xi32>,
        %get3A_937 = arith.index_cast %scan3A_931 : i32 to index
        %get3A_938 = arith.constant 16 : index
        %get3A_939 = tpu.vector_load %arg13[%get3A_937, %get3A_938] {strides = array<i32>} : memref<100x32xi32, #tpu.memory_space<vmem>>, vector<16xi32>,
        %shift_left3A_940 = arith.constant 16 : i32
        %shift_left3A_941 = vector.broadcast %shift_left3A_940 : i32 to vector<16xi32>
        %shift_left3A_942 = arith.shli %get3A_936, %shift_left3A_941 : vector<16xi32>
        %bitcast3A_943 = vector.bitcast %shift_left3A_942 : vector<16xi32> to vector<16xf32>
        %add3A_944 = arith.addf %add3A_918, %bitcast3A_943 : vector<16xf32>
        %and3A_945 = arith.andi %get3A_936, %broadcast_in_dim3A_933 : vector<16xi32>
        %bitcast3A_946 = vector.bitcast %and3A_945 : vector<16xi32> to vector<16xf32>
        %add3A_947 = arith.addf %add3A_921, %bitcast3A_946 : vector<16xf32>
        %shift_left3A_948 = arith.constant 16 : i32
        %shift_left3A_949 = vector.broadcast %shift_left3A_948 : i32 to vector<16xi32>
        %shift_left3A_950 = arith.shli %get3A_939, %shift_left3A_949 : vector<16xi32>
        %bitcast3A_951 = vector.bitcast %shift_left3A_950 : vector<16xi32> to vector<16xf32>
        %add3A_952 = arith.addf %add3A_926, %bitcast3A_951 : vector<16xf32>
        %and3A_953 = arith.andi %get3A_939, %broadcast_in_dim3A_933 : vector<16xi32>
        %bitcast3A_954 = vector.bitcast %and3A_953 : vector<16xi32> to vector<16xf32>
        %add3A_955 = arith.addf %add3A_929, %bitcast3A_954 : vector<16xf32>
        %scan3A_956 = arith.constant 7 : i32
        %scan3A_957 = arith.addi %scan3A_774, %scan3A_956 : i32
        %broadcast_in_dim3A_958 = arith.constant -65536 : i32
        %broadcast_in_dim3A_959 = vector.broadcast %broadcast_in_dim3A_958 : i32 to vector<16xi32>
        %get3A_960 = arith.index_cast %scan3A_957 : i32 to index
        %get3A_961 = arith.constant 0 : index
        %get3A_962 = tpu.vector_load %arg13[%get3A_960, %get3A_961] {strides = array<i32>} : memref<100x32xi32, #tpu.memory_space<vmem>>, vector<16xi32>,
        %get3A_963 = arith.index_cast %scan3A_957 : i32 to index
        %get3A_964 = arith.constant 16 : index
        %get3A_965 = tpu.vector_load %arg13[%get3A_963, %get3A_964] {strides = array<i32>} : memref<100x32xi32, #tpu.memory_space<vmem>>, vector<16xi32>,
        %shift_left3A_966 = arith.constant 16 : i32
        %shift_left3A_967 = vector.broadcast %shift_left3A_966 : i32 to vector<16xi32>
        %shift_left3A_968 = arith.shli %get3A_962, %shift_left3A_967 : vector<16xi32>
        %bitcast3A_969 = vector.bitcast %shift_left3A_968 : vector<16xi32> to vector<16xf32>
        %add3A_970 = arith.addf %add3A_944, %bitcast3A_969 : vector<16xf32>
        %and3A_971 = arith.andi %get3A_962, %broadcast_in_dim3A_959 : vector<16xi32>
        %bitcast3A_972 = vector.bitcast %and3A_971 : vector<16xi32> to vector<16xf32>
        %add3A_973 = arith.addf %add3A_947, %bitcast3A_972 : vector<16xf32>
        %shift_left3A_974 = arith.constant 16 : i32
        %shift_left3A_975 = vector.broadcast %shift_left3A_974 : i32 to vector<16xi32>
        %shift_left3A_976 = arith.shli %get3A_965, %shift_left3A_975 : vector<16xi32>
        %bitcast3A_977 = vector.bitcast %shift_left3A_976 : vector<16xi32> to vector<16xf32>
        %add3A_978 = arith.addf %add3A_952, %bitcast3A_977 : vector<16xf32>
        %and3A_979 = arith.andi %get3A_965, %broadcast_in_dim3A_959 : vector<16xi32>
        %bitcast3A_980 = vector.bitcast %and3A_979 : vector<16xi32> to vector<16xf32>
        %add3A_981 = arith.addf %add3A_955, %bitcast3A_980 : vector<16xf32>
        %scan3A_982 = arith.constant 8 : i32
        %scan3A_983 = arith.addi %scan3A_774, %scan3A_982 : i32
        %broadcast_in_dim3A_984 = arith.constant -65536 : i32
        %broadcast_in_dim3A_985 = vector.broadcast %broadcast_in_dim3A_984 : i32 to vector<16xi32>
        %get3A_986 = arith.index_cast %scan3A_983 : i32 to index
        %get3A_987 = arith.constant 0 : index
        %get3A_988 = tpu.vector_load %arg13[%get3A_986, %get3A_987] {strides = array<i32>} : memref<100x32xi32, #tpu.memory_space<vmem>>, vector<16xi32>,
        %get3A_989 = arith.index_cast %scan3A_983 : i32 to index
        %get3A_990 = arith.constant 16 : index
        %get3A_991 = tpu.vector_load %arg13[%get3A_989, %get3A_990] {strides = array<i32>} : memref<100x32xi32, #tpu.memory_space<vmem>>, vector<16xi32>,
        %shift_left3A_992 = arith.constant 16 : i32
        %shift_left3A_993 = vector.broadcast %shift_left3A_992 : i32 to vector<16xi32>
        %shift_left3A_994 = arith.shli %get3A_988, %shift_left3A_993 : vector<16xi32>
        %bitcast3A_995 = vector.bitcast %shift_left3A_994 : vector<16xi32> to vector<16xf32>
        %add3A_996 = arith.addf %add3A_970, %bitcast3A_995 : vector<16xf32>
        %and3A_997 = arith.andi %get3A_988, %broadcast_in_dim3A_985 : vector<16xi32>
        %bitcast3A_998 = vector.bitcast %and3A_997 : vector<16xi32> to vector<16xf32>
        %add3A_999 = arith.addf %add3A_973, %bitcast3A_998 : vector<16xf32>
        %shift_left3A_1000 = arith.constant 16 : i32
        %shift_left3A_1001 = vector.broadcast %shift_left3A_1000 : i32 to vector<16xi32>
        %shift_left3A_1002 = arith.shli %get3A_991, %shift_left3A_1001 : vector<16xi32>
        %bitcast3A_1003 = vector.bitcast %shift_left3A_1002 : vector<16xi32> to vector<16xf32>
        %add3A_1004 = arith.addf %add3A_978, %bitcast3A_1003 : vector<16xf32>
        %and3A_1005 = arith.andi %get3A_991, %broadcast_in_dim3A_985 : vector<16xi32>
        %bitcast3A_1006 = vector.bitcast %and3A_1005 : vector<16xi32> to vector<16xf32>
        %add3A_1007 = arith.addf %add3A_981, %bitcast3A_1006 : vector<16xf32>
        %scan3A_1008 = arith.constant 9 : i32
        %scan3A_1009 = arith.addi %scan3A_774, %scan3A_1008 : i32
        %broadcast_in_dim3A_1010 = arith.constant -65536 : i32
        %broadcast_in_dim3A_1011 = vector.broadcast %broadcast_in_dim3A_1010 : i32 to vector<16xi32>
        %get3A_1012 = arith.index_cast %scan3A_1009 : i32 to index
        %get3A_1013 = arith.constant 0 : index
        %get3A_1014 = tpu.vector_load %arg13[%get3A_1012, %get3A_1013] {strides = array<i32>} : memref<100x32xi32, #tpu.memory_space<vmem>>, vector<16xi32>,
        %get3A_1015 = arith.index_cast %scan3A_1009 : i32 to index
        %get3A_1016 = arith.constant 16 : index
        %get3A_1017 = tpu.vector_load %arg13[%get3A_1015, %get3A_1016] {strides = array<i32>} : memref<100x32xi32, #tpu.memory_space<vmem>>, vector<16xi32>,
        %shift_left3A_1018 = arith.constant 16 : i32
        %shift_left3A_1019 = vector.broadcast %shift_left3A_1018 : i32 to vector<16xi32>
        %shift_left3A_1020 = arith.shli %get3A_1014, %shift_left3A_1019 : vector<16xi32>
        %bitcast3A_1021 = vector.bitcast %shift_left3A_1020 : vector<16xi32> to vector<16xf32>
        %add3A_1022 = arith.addf %add3A_996, %bitcast3A_1021 : vector<16xf32>
        %and3A_1023 = arith.andi %get3A_1014, %broadcast_in_dim3A_1011 : vector<16xi32>
        %bitcast3A_1024 = vector.bitcast %and3A_1023 : vector<16xi32> to vector<16xf32>
        %add3A_1025 = arith.addf %add3A_999, %bitcast3A_1024 : vector<16xf32>
        %shift_left3A_1026 = arith.constant 16 : i32
        %shift_left3A_1027 = vector.broadcast %shift_left3A_1026 : i32 to vector<16xi32>
        %shift_left3A_1028 = arith.shli %get3A_1017, %shift_left3A_1027 : vector<16xi32>
        %bitcast3A_1029 = vector.bitcast %shift_left3A_1028 : vector<16xi32> to vector<16xf32>
        %add3A_1030 = arith.addf %add3A_1004, %bitcast3A_1029 : vector<16xf32>
        %and3A_1031 = arith.andi %get3A_1017, %broadcast_in_dim3A_1011 : vector<16xi32>
        %bitcast3A_1032 = vector.bitcast %and3A_1031 : vector<16xi32> to vector<16xf32>
        %add3A_1033 = arith.addf %add3A_1007, %bitcast3A_1032 : vector<16xf32>
        scf.yield %add3A_1022, %add3A_1025, %add3A_1030, %add3A_1033 : vector<16xf32>, vector<16xf32>, vector<16xf32>, vector<16xf32>
      }
      %scan3A_698 = arith.constant 100 : i32
      %jit3A_699 = arith.constant 2 : i32
      %div3A_700 = arith.divsi %add3A_684, %jit3A_699 : i32
      %sign3A_701 = arith.constant 0 : i32
      %sign3A_702 = arith.cmpi sgt, %add3A_684, %sign3A_701 : i32
      %sign3A_703 = arith.extui %sign3A_702 : i1 to i32
      %sign3A_704 = arith.constant 0 : i32
      %sign3A_705 = arith.cmpi slt, %add3A_684, %sign3A_704 : i32
      %sign3A_706 = arith.extui %sign3A_705 : i1 to i32
      %sign3A_707 = arith.subi %sign3A_703, %sign3A_706 : i32
      %sign3A_708 = arith.constant 0 : i32
      %sign3A_709 = arith.cmpi sgt, %jit3A_699, %sign3A_708 : i32
      %sign3A_710 = arith.extui %sign3A_709 : i1 to i32
      %sign3A_711 = arith.constant 0 : i32
      %sign3A_712 = arith.cmpi slt, %jit3A_699, %sign3A_711 : i32
      %sign3A_713 = arith.extui %sign3A_712 : i1 to i32
      %sign3A_714 = arith.subi %sign3A_710, %sign3A_713 : i32
      %ne3A_715 = arith.cmpi ne, %sign3A_707, %sign3A_714 : i32
      %rem3A_716 = arith.remsi %add3A_684, %jit3A_699 : i32
      %ne3A_717 = arith.constant 0 : i32
      %ne3A_718 = arith.cmpi ne, %rem3A_716, %ne3A_717 : i32
      %and3A_719 = arith.andi %ne3A_715, %ne3A_718 : i1
      %sub3A_720 = arith.constant 1 : i32
      %sub3A_721 = arith.subi %div3A_700, %sub3A_720 : i32
      %select_n3A_722 = arith.select %and3A_719, %sub3A_721, %div3A_700 : i32
      %jit3A_723 = arith.constant 2 : i32
      %eq3A_724 = arith.constant 0 : i32
      %eq3A_725 = arith.cmpi eq, %jit3A_723, %eq3A_724 : i32
      %jit3A_726 = arith.constant 1 : i32
      %select_n3A_727 = arith.select %eq3A_725, %jit3A_726, %jit3A_723 : i32
      %rem3A_728 = arith.remsi %add3A_684, %select_n3A_727 : i32
      %ne3A_729 = arith.constant 0 : i32
      %ne3A_730 = arith.cmpi ne, %rem3A_728, %ne3A_729 : i32
      %lt3A_731 = arith.constant 0 : i32
      %lt3A_732 = arith.cmpi slt, %rem3A_728, %lt3A_731 : i32
      %lt3A_733 = arith.constant 0 : i32
      %lt3A_734 = arith.cmpi slt, %select_n3A_727, %lt3A_733 : i32
      %ne3A_735 = arith.xori %lt3A_732, %lt3A_734 : i1
      %and3A_736 = arith.andi %ne3A_735, %ne3A_730 : i1
      %add3A_737 = arith.addi %rem3A_728, %select_n3A_727 : i32
      %select_n3A_738 = arith.select %and3A_736, %add3A_737, %rem3A_728 : i32
      %eq3A_739 = arith.constant 0 : i32
      %eq3A_740 = arith.cmpi eq, %select_n3A_738, %eq3A_739 : i32
      %convert_element_type3A_741 = arith.extui %eq3A_740 : i1 to i32
      %cond3A_742 = arith.constant 0 : i32
      %cond3A_743 = arith.cmpi ne, %convert_element_type3A_741, %cond3A_742 : i32
      scf.if %cond3A_743 {
        %swap3A = arith.index_cast %select_n3A_722 : i32 to index
        %swap3A_774 = arith.constant 0 : index
        %swap3A_775 = tpu.vector_load %arg14[%swap3A, %swap3A_774] {strides = array<i32>} : memref<128x64xf32, #tpu.memory_space<vmem>>, vector<16xf32>,
        tpu.vector_store %arg14[%swap3A, %swap3A_774], %scan3A_697#0 {strides = array<i32>} : memref<128x64xf32, #tpu.memory_space<vmem>>, vector<16xf32>,
        %swap3A_776 = arith.index_cast %select_n3A_722 : i32 to index
        %swap3A_777 = arith.constant 16 : index
        %swap3A_778 = tpu.vector_load %arg14[%swap3A_776, %swap3A_777] {strides = array<i32>} : memref<128x64xf32, #tpu.memory_space<vmem>>, vector<16xf32>,
        tpu.vector_store %arg14[%swap3A_776, %swap3A_777], %scan3A_697#1 {strides = array<i32>} : memref<128x64xf32, #tpu.memory_space<vmem>>, vector<16xf32>,
        %swap3A_779 = arith.index_cast %select_n3A_722 : i32 to index
        %swap3A_780 = arith.constant 32 : index
        %swap3A_781 = tpu.vector_load %arg14[%swap3A_779, %swap3A_780] {strides = array<i32>} : memref<128x64xf32, #tpu.memory_space<vmem>>, vector<16xf32>,
        tpu.vector_store %arg14[%swap3A_779, %swap3A_780], %scan3A_697#2 {strides = array<i32>} : memref<128x64xf32, #tpu.memory_space<vmem>>, vector<16xf32>,
        %swap3A_782 = arith.index_cast %select_n3A_722 : i32 to index
        %swap3A_783 = arith.constant 48 : index
        %swap3A_784 = tpu.vector_load %arg14[%swap3A_782, %swap3A_783] {strides = array<i32>} : memref<128x64xf32, #tpu.memory_space<vmem>>, vector<16xf32>,
        tpu.vector_store %arg14[%swap3A_782, %swap3A_783], %scan3A_697#3 {strides = array<i32>} : memref<128x64xf32, #tpu.memory_space<vmem>>, vector<16xf32>,
      } else {
      }
      %jit3A_744 = arith.constant 2 : i32
      %eq3A_745 = arith.constant 0 : i32
      %eq3A_746 = arith.cmpi eq, %jit3A_744, %eq3A_745 : i32
      %jit3A_747 = arith.constant 1 : i32
      %select_n3A_748 = arith.select %eq3A_746, %jit3A_747, %jit3A_744 : i32
      %rem3A_749 = arith.remsi %add3A_684, %select_n3A_748 : i32
      %ne3A_750 = arith.constant 0 : i32
      %ne3A_751 = arith.cmpi ne, %rem3A_749, %ne3A_750 : i32
      %lt3A_752 = arith.constant 0 : i32
      %lt3A_753 = arith.cmpi slt, %rem3A_749, %lt3A_752 : i32
      %lt3A_754 = arith.constant 0 : i32
      %lt3A_755 = arith.cmpi slt, %select_n3A_748, %lt3A_754 : i32
      %ne3A_756 = arith.xori %lt3A_753, %lt3A_755 : i1
      %and3A_757 = arith.andi %ne3A_756, %ne3A_751 : i1
      %add3A_758 = arith.addi %rem3A_749, %select_n3A_748 : i32
      %select_n3A_759 = arith.select %and3A_757, %add3A_758, %rem3A_749 : i32
      %eq3A_760 = arith.constant 1 : i32
      %eq3A_761 = arith.cmpi eq, %select_n3A_759, %eq3A_760 : i32
      %convert_element_type3A_762 = arith.extui %eq3A_761 : i1 to i32
      %cond3A_763 = arith.constant 0 : i32
      %cond3A_764 = arith.cmpi ne, %convert_element_type3A_762, %cond3A_763 : i32
      scf.if %cond3A_764 {
        %swap3A = arith.index_cast %select_n3A_722 : i32 to index
        %swap3A_774 = arith.constant 0 : index
        %swap3A_775 = tpu.vector_load %arg14[%swap3A, %swap3A_774] {strides = array<i32>} : memref<128x64xf32, #tpu.memory_space<vmem>>, vector<16xf32>,
        tpu.vector_store %arg14[%swap3A, %swap3A_774], %scan3A_697#0 {add = true, strides = array<i32>} : memref<128x64xf32, #tpu.memory_space<vmem>>, vector<16xf32>,
        %swap3A_776 = arith.index_cast %select_n3A_722 : i32 to index
        %swap3A_777 = arith.constant 16 : index
        %swap3A_778 = tpu.vector_load %arg14[%swap3A_776, %swap3A_777] {strides = array<i32>} : memref<128x64xf32, #tpu.memory_space<vmem>>, vector<16xf32>,
        tpu.vector_store %arg14[%swap3A_776, %swap3A_777], %scan3A_697#1 {add = true, strides = array<i32>} : memref<128x64xf32, #tpu.memory_space<vmem>>, vector<16xf32>,
        %swap3A_779 = arith.index_cast %select_n3A_722 : i32 to index
        %swap3A_780 = arith.constant 32 : index
        %swap3A_781 = tpu.vector_load %arg14[%swap3A_779, %swap3A_780] {strides = array<i32>} : memref<128x64xf32, #tpu.memory_space<vmem>>, vector<16xf32>,
        tpu.vector_store %arg14[%swap3A_779, %swap3A_780], %scan3A_697#2 {add = true, strides = array<i32>} : memref<128x64xf32, #tpu.memory_space<vmem>>, vector<16xf32>,
        %swap3A_782 = arith.index_cast %select_n3A_722 : i32 to index
        %swap3A_783 = arith.constant 48 : index
        %swap3A_784 = tpu.vector_load %arg14[%swap3A_782, %swap3A_783] {strides = array<i32>} : memref<128x64xf32, #tpu.memory_space<vmem>>, vector<16xf32>,
        tpu.vector_store %arg14[%swap3A_782, %swap3A_783], %scan3A_697#3 {add = true, strides = array<i32>} : memref<128x64xf32, #tpu.memory_space<vmem>>, vector<16xf32>,
      } else {
      }
      %add3A_765 = arith.constant 8 : i32
      %add3A_766 = arith.addi %add3A_684, %add3A_765 : i32
      %sub3A_767 = arith.constant 1 : i32
      %sub3A_768 = arith.subi %add3A_766, %sub3A_767 : i32
      %lt3A_769 = arith.constant 256 : i32
      %lt3A_770 = arith.cmpi slt, %sub3A_768, %lt3A_769 : i32
      %convert_element_type3A_771 = arith.extui %lt3A_770 : i1 to i32
      %cond3A_772 = arith.constant 0 : i32
      %cond3A_773 = arith.cmpi ne, %convert_element_type3A_771, %cond3A_772 : i32
      scf.if %cond3A_773 {
        %add3A_774 = arith.constant 8 : i32
        %add3A_775 = arith.addi %add3A_684, %add3A_774 : i32
        %sub3A_776 = arith.constant 1 : i32
        %sub3A_777 = arith.subi %add3A_775, %sub3A_776 : i32
        %dma_start3A_778 = arith.constant 0 : i32
        %dma_start3A_779 = tpu.memref_slice %arg5[%sub3A_777, %dma_start3A_778] : memref<256x100xi32, #tpu.memory_space<vmem>> -> memref<1x100xi32, #tpu.memory_space<vmem>>
        %dma_start3A_780 = tpu.memref_squeeze %dma_start3A_779 : memref<1x100xi32, #tpu.memory_space<vmem>> -> memref<100xi32, #tpu.memory_space<vmem>>
        %dma_start3A_781 = arith.constant 0 : i32
        %dma_start3A_782 = arith.constant 0 : i32
        %dma_start3A_783 = tpu.memref_slice %arg2[%dma_start3A_781, %dma_start3A_782] : memref<100352x32xi32, #tpu.memory_space<hbm>> -> memref<100352x32xi32, #tpu.memory_space<hbm>>
        tpu.enqueue_indirect_dma source(%dma_start3A_783 : memref<100352x32xi32, #tpu.memory_space<hbm>>) target(%arg12 : memref<100x32xi32, #tpu.memory_space<vmem>>) offsets(%dma_start3A_780 : memref<100xi32, #tpu.memory_space<vmem>>) semaphore(%arg21 : memref<!tpu.dma_semaphore, #tpu.memory_space<semaphore_mem>>)
      } else {
      }
    }
    %scan3A_52 = arith.constant 32 : i32
    %mul3A_53 = arith.constant 128 : i32
    %mul3A_54 = arith.muli %add3A, %mul3A_53 : i32
    "tpu.region"() ({
      %run_scoped3A = tpu.sem_alloc : memref<!tpu.dma_semaphore, #tpu.memory_space<semaphore_mem>>
      %dma_start3A_55 = arith.constant 0 : i32
      %dma_start3A_56 = tpu.memref_slice %arg4[%mul3A_54, %dma_start3A_55] : memref<4096x64xf32, #tpu.memory_space<hbm>> -> memref<128x64xf32, #tpu.memory_space<hbm>>
      %dma_start3A_57 = arith.constant 0 : i32
      %dma_start3A_58 = tpu.memref_slice %arg4[%mul3A_54, %dma_start3A_57] : memref<4096x64xf32, #tpu.memory_space<hbm>> -> memref<128x64xf32, #tpu.memory_space<hbm>>
      tpu.enqueue_dma source(%arg14 : memref<128x64xf32, #tpu.memory_space<vmem>>) target(%dma_start3A_58 : memref<128x64xf32, #tpu.memory_space<hbm>>) target_semaphore(%run_scoped3A : memref<!tpu.dma_semaphore, #tpu.memory_space<semaphore_mem>>)
      %dma_wait3A = arith.constant 0 : i32
      %dma_wait3A_59 = tpu.memref_slice %arg4[%mul3A_54, %dma_wait3A] : memref<4096x64xf32, #tpu.memory_space<hbm>> -> memref<128x64xf32, #tpu.memory_space<hbm>>
      %dma_wait3A_60 = arith.constant 0 : i32
      %dma_wait3A_61 = tpu.memref_slice %arg4[%mul3A_54, %dma_wait3A_60] : memref<4096x64xf32, #tpu.memory_space<hbm>> -> memref<128x64xf32, #tpu.memory_space<hbm>>
      tpu.wait_dma2 semaphore(%run_scoped3A : memref<!tpu.dma_semaphore, #tpu.memory_space<semaphore_mem>>) src(%arg14 : memref<128x64xf32, #tpu.memory_space<vmem>>) dst(%dma_wait3A_61 : memref<128x64xf32, #tpu.memory_space<hbm>>)
      tpu.yield
    }) : () -> ()
    return
  }
}

module attributes {stable_mosaic.version = 14 : i64} {
  func.func @_transpose_body(%arg0: i32, %arg1: memref<64x2048xf32, #tpu.memory_space<vmem>>, %arg2: memref<512x128xi32, #tpu.memory_space<vmem>>) attributes {dimension_semantics = [#tpu.dimension_semantics<arbitrary>], iteration_bounds = array<i64: 49>, scalar_prefetch = 0 : i64, scratch_operands = 0 : i64, tpu.core_type = #tpu.core_type<tc>, window_params = [{transform_indices = @transform_0, window_bounds = array<i64: 64, 2048>}, {transform_indices = @transform_1, window_bounds = array<i64: 512, 128>}]} {
    %get3A = arith.constant 0 : index
    %get3A_0 = arith.constant 0 : index
    %get3A_1 = vector.load %arg1[%get3A, %get3A_0] : memref<64x2048xf32, #tpu.memory_space<vmem>>, vector<64x2048xf32>
    %transpose3A = tpu.transpose %get3A_1, [1, 0] : vector<64x2048xf32> -> vector<2048x64xf32>
    %bitcast_convert_type3A = tpu.bitcast %transpose3A : vector<2048x64xf32> -> vector<2048x64xi32>
    %add3A = arith.constant 32767 : i32
    %add3A_2 = vector.broadcast %add3A : i32 to vector<2048x64xi32>
    %add3A_3 = arith.addi %bitcast_convert_type3A, %add3A_2 : vector<2048x64xi32>
    %shift_right_logical3A = arith.constant 16 : i32
    %shift_right_logical3A_4 = vector.broadcast %shift_right_logical3A : i32 to vector<2048x64xi32>
    %shift_right_logical3A_5 = arith.shrui %bitcast_convert_type3A, %shift_right_logical3A_4 : vector<2048x64xi32>
    %and3A = arith.constant 1 : i32
    %and3A_6 = vector.broadcast %and3A : i32 to vector<2048x64xi32>
    %and3A_7 = arith.andi %shift_right_logical3A_5, %and3A_6 : vector<2048x64xi32>
    %add3A_8 = arith.addi %add3A_3, %and3A_7 : vector<2048x64xi32>
    %shift_right_logical3A_9 = arith.constant 16 : i32
    %shift_right_logical3A_10 = vector.broadcast %shift_right_logical3A_9 : i32 to vector<2048x64xi32>
    %shift_right_logical3A_11 = arith.shrui %add3A_8, %shift_right_logical3A_10 : vector<2048x64xi32>
    %slice3A = vector.extract_strided_slice %shift_right_logical3A_11 {offsets = [0, 0], sizes = [2048, 32], strides = [1, 1]} : vector<2048x64xi32> to vector<2048x32xi32>
    %slice3A_12 = vector.extract_strided_slice %shift_right_logical3A_11 {offsets = [0, 32], sizes = [2048, 32], strides = [1, 1]} : vector<2048x64xi32> to vector<2048x32xi32>
    %shift_left3A = arith.constant 16 : i32
    %shift_left3A_13 = vector.broadcast %shift_left3A : i32 to vector<2048x32xi32>
    %shift_left3A_14 = arith.shli %slice3A_12, %shift_left3A_13 : vector<2048x32xi32>
    %or3A = arith.ori %slice3A, %shift_left3A_14 : vector<2048x32xi32>
    %slice3A_15 = vector.extract_strided_slice %or3A {offsets = [0, 0], sizes = [512, 32], strides = [1, 1]} : vector<2048x32xi32> to vector<512x32xi32>
    %slice3A_16 = vector.extract_strided_slice %or3A {offsets = [512, 0], sizes = [512, 32], strides = [1, 1]} : vector<2048x32xi32> to vector<512x32xi32>
    %slice3A_17 = vector.extract_strided_slice %or3A {offsets = [1024, 0], sizes = [512, 32], strides = [1, 1]} : vector<2048x32xi32> to vector<512x32xi32>
    %slice3A_18 = vector.extract_strided_slice %or3A {offsets = [1536, 0], sizes = [512, 32], strides = [1, 1]} : vector<2048x32xi32> to vector<512x32xi32>
    %concatenate3A = tpu.concatenate %slice3A_15, %slice3A_16, %slice3A_17, %slice3A_18 in 1 : vector<512x32xi32>, vector<512x32xi32>, vector<512x32xi32>, vector<512x32xi32> -> vector<512x128xi32>
    %bitcast_convert_type3A_19 = tpu.bitcast %concatenate3A : vector<512x128xi32> -> vector<512x128xi32>
    %swap3A = arith.constant 0 : index
    %swap3A_20 = arith.constant 0 : index
    %swap3A_21 = vector.load %arg2[%swap3A, %swap3A_20] : memref<512x128xi32, #tpu.memory_space<vmem>>, vector<512x128xi32>
    tpu.vector_store %arg2[%swap3A, %swap3A_20], %bitcast_convert_type3A_19 {strides = array<i32>} : memref<512x128xi32, #tpu.memory_space<vmem>>, vector<512x128xi32>,
    return
  }
  func.func @transform_0(%arg0: i32) -> (i32, i32) {
    %c0_i32 = arith.constant 0 : i32
    %c0_i32_0 = arith.constant 0 : i32
    return %c0_i32, %arg0 : i32, i32
  }
  func.func @transform_1(%arg0: i32) -> (i32, i32) {
    %c0_i32 = arith.constant 0 : i32
    %c0_i32_0 = arith.constant 0 : i32
    return %arg0, %c0_i32 : i32, i32
  }
}

module attributes {stable_mosaic.version = 14 : i64} {
  func.func @_mlp_body(%arg0: i32, %arg1: memref<2048x64xf32, #tpu.memory_space<vmem>>, %arg2: memref<2048x1xf32, #tpu.memory_space<vmem>>, %arg3: memref<64x512xf32, #tpu.memory_space<vmem>>, %arg4: memref<1x512xf32, #tpu.memory_space<vmem>>, %arg5: memref<512x512xf32, #tpu.memory_space<vmem>>, %arg6: memref<1x512xf32, #tpu.memory_space<vmem>>, %arg7: memref<512x2xf32, #tpu.memory_space<vmem>>, %arg8: memref<1x2xf32, #tpu.memory_space<vmem>>, %arg9: memref<2048x2xf32, #tpu.memory_space<vmem>>) attributes {dimension_semantics = [#tpu.dimension_semantics<arbitrary>], iteration_bounds = array<i64: 2>, scalar_prefetch = 0 : i64, scratch_operands = 0 : i64, tpu.core_type = #tpu.core_type<tc>, window_params = [{transform_indices = @transform_0, window_bounds = array<i64: 2048, 64>}, {transform_indices = @transform_1, window_bounds = array<i64: 2048, 1>}, {pipeline_mode = #tpu.pipeline_mode<synchronous>, transform_indices = @transform_2, window_bounds = array<i64: 64, 512>}, {pipeline_mode = #tpu.pipeline_mode<synchronous>, transform_indices = @transform_3, window_bounds = array<i64: 1, 512>}, {pipeline_mode = #tpu.pipeline_mode<synchronous>, transform_indices = @transform_4, window_bounds = array<i64: 512, 512>}, {pipeline_mode = #tpu.pipeline_mode<synchronous>, transform_indices = @transform_5, window_bounds = array<i64: 1, 512>}, {pipeline_mode = #tpu.pipeline_mode<synchronous>, transform_indices = @transform_6, window_bounds = array<i64: 512, 2>}, {pipeline_mode = #tpu.pipeline_mode<synchronous>, transform_indices = @transform_7, window_bounds = array<i64: 1, 2>}, {transform_indices = @transform_8, window_bounds = array<i64: 2048, 2>}]} {
    %get3A = arith.constant 0 : index
    %get3A_0 = arith.constant 0 : index
    %get3A_1 = vector.load %arg1[%get3A, %get3A_0] : memref<2048x64xf32, #tpu.memory_space<vmem>>, vector<2048x64xf32>
    %get3A_2 = arith.constant 0 : index
    %get3A_3 = arith.constant 0 : index
    %get3A_4 = vector.load %arg2[%get3A_2, %get3A_3] : memref<2048x1xf32, #tpu.memory_space<vmem>>, vector<2048x1xf32>
    %div3A = vector.broadcast %get3A_4 : vector<2048x1xf32> to vector<2048x64xf32>
    %div3A_5 = arith.divf %get3A_1, %div3A : vector<2048x64xf32>
    %get3A_6 = arith.constant 0 : index
    %get3A_7 = arith.constant 0 : index
    %get3A_8 = vector.load %arg3[%get3A_6, %get3A_7] : memref<64x512xf32, #tpu.memory_space<vmem>>, vector<64x512xf32>
    %dot_general3A = arith.constant dense<0.000000e+00> : vector<2048x512xf32>
    %dot_general3A_9 = tpu.matmul %div3A_5, %get3A_8, %dot_general3A {dimension_numbers = #tpu.dot_dimension_numbers<[1], [0], [0], [1], [0, 0, 1, 1], [], []>, transpose_lhs_hint = false} : vector<2048x64xf32>, vector<64x512xf32>, vector<2048x512xf32> -> vector<2048x512xf32>
    %get3A_10 = arith.constant 0 : index
    %get3A_11 = arith.constant 0 : index
    %get3A_12 = vector.load %arg4[%get3A_10, %get3A_11] : memref<1x512xf32, #tpu.memory_space<vmem>>, vector<1x512xf32>
    %add3A = vector.broadcast %get3A_12 : vector<1x512xf32> to vector<2048x512xf32>
    %add3A_13 = arith.addf %dot_general3A_9, %add3A : vector<2048x512xf32>
    %max3A = arith.constant 0.000000e+00 : f32
    %max3A_14 = vector.broadcast %max3A : f32 to vector<2048x512xf32>
    %max3A_15 = arith.maximumf %add3A_13, %max3A_14 : vector<2048x512xf32>
    %get3A_16 = arith.constant 0 : index
    %get3A_17 = arith.constant 0 : index
    %get3A_18 = vector.load %arg5[%get3A_16, %get3A_17] : memref<512x512xf32, #tpu.memory_space<vmem>>, vector<512x512xf32>
    %dot_general3A_19 = arith.constant dense<0.000000e+00> : vector<2048x512xf32>
    %dot_general3A_20 = tpu.matmul %max3A_15, %get3A_18, %dot_general3A_19 {dimension_numbers = #tpu.dot_dimension_numbers<[1], [0], [0], [1], [0, 0, 1, 1], [], []>, transpose_lhs_hint = false} : vector<2048x512xf32>, vector<512x512xf32>, vector<2048x512xf32> -> vector<2048x512xf32>
    %get3A_21 = arith.constant 0 : index
    %get3A_22 = arith.constant 0 : index
    %get3A_23 = vector.load %arg6[%get3A_21, %get3A_22] : memref<1x512xf32, #tpu.memory_space<vmem>>, vector<1x512xf32>
    %add3A_24 = vector.broadcast %get3A_23 : vector<1x512xf32> to vector<2048x512xf32>
    %add3A_25 = arith.addf %dot_general3A_20, %add3A_24 : vector<2048x512xf32>
    %max3A_26 = arith.constant 0.000000e+00 : f32
    %max3A_27 = vector.broadcast %max3A_26 : f32 to vector<2048x512xf32>
    %max3A_28 = arith.maximumf %add3A_25, %max3A_27 : vector<2048x512xf32>
    %get3A_29 = arith.constant 0 : index
    %get3A_30 = arith.constant 0 : index
    %get3A_31 = vector.load %arg7[%get3A_29, %get3A_30] : memref<512x2xf32, #tpu.memory_space<vmem>>, vector<512x2xf32>
    %dot_general3A_32 = arith.constant dense<0.000000e+00> : vector<2048x2xf32>
    %dot_general3A_33 = tpu.matmul %max3A_28, %get3A_31, %dot_general3A_32 {dimension_numbers = #tpu.dot_dimension_numbers<[1], [0], [0], [1], [0, 0, 1, 1], [], []>, transpose_lhs_hint = false} : vector<2048x512xf32>, vector<512x2xf32>, vector<2048x2xf32> -> vector<2048x2xf32>
    %get3A_34 = arith.constant 0 : index
    %get3A_35 = arith.constant 0 : index
    %get3A_36 = vector.load %arg8[%get3A_34, %get3A_35] : memref<1x2xf32, #tpu.memory_space<vmem>>, vector<1x2xf32>
    %add3A_37 = vector.broadcast %get3A_36 : vector<1x2xf32> to vector<2048x2xf32>
    %add3A_38 = arith.addf %dot_general3A_33, %add3A_37 : vector<2048x2xf32>
    %swap3A = arith.constant 0 : index
    %swap3A_39 = arith.constant 0 : index
    %swap3A_40 = vector.load %arg9[%swap3A, %swap3A_39] : memref<2048x2xf32, #tpu.memory_space<vmem>>, vector<2048x2xf32>
    tpu.vector_store %arg9[%swap3A, %swap3A_39], %add3A_38 {strides = array<i32>} : memref<2048x2xf32, #tpu.memory_space<vmem>>, vector<2048x2xf32>,
    return
  }
  func.func @transform_0(%arg0: i32) -> (i32, i32) {
    %c0_i32 = arith.constant 0 : i32
    %c0_i32_0 = arith.constant 0 : i32
    return %arg0, %c0_i32 : i32, i32
  }
  func.func @transform_1(%arg0: i32) -> (i32, i32) {
    %c0_i32 = arith.constant 0 : i32
    %c0_i32_0 = arith.constant 0 : i32
    return %arg0, %c0_i32 : i32, i32
  }
  func.func @transform_2(%arg0: i32) -> (i32, i32) {
    %c0_i32 = arith.constant 0 : i32
    %c0_i32_0 = arith.constant 0 : i32
    %c0_i32_1 = arith.constant 0 : i32
    return %c0_i32, %c0_i32_0 : i32, i32
  }
  func.func @transform_3(%arg0: i32) -> (i32, i32) {
    %c0_i32 = arith.constant 0 : i32
    %c0_i32_0 = arith.constant 0 : i32
    %c0_i32_1 = arith.constant 0 : i32
    return %c0_i32, %c0_i32_0 : i32, i32
  }
  func.func @transform_4(%arg0: i32) -> (i32, i32) {
    %c0_i32 = arith.constant 0 : i32
    %c0_i32_0 = arith.constant 0 : i32
    %c0_i32_1 = arith.constant 0 : i32
    return %c0_i32, %c0_i32_0 : i32, i32
  }
  func.func @transform_5(%arg0: i32) -> (i32, i32) {
    %c0_i32 = arith.constant 0 : i32
    %c0_i32_0 = arith.constant 0 : i32
    %c0_i32_1 = arith.constant 0 : i32
    return %c0_i32, %c0_i32_0 : i32, i32
  }
  func.func @transform_6(%arg0: i32) -> (i32, i32) {
    %c0_i32 = arith.constant 0 : i32
    %c0_i32_0 = arith.constant 0 : i32
    %c0_i32_1 = arith.constant 0 : i32
    return %c0_i32, %c0_i32_0 : i32, i32
  }
  func.func @transform_7(%arg0: i32) -> (i32, i32) {
    %c0_i32 = arith.constant 0 : i32
    %c0_i32_0 = arith.constant 0 : i32
    %c0_i32_1 = arith.constant 0 : i32
    return %c0_i32, %c0_i32_0 : i32, i32
  }
  func.func @transform_8(%arg0: i32) -> (i32, i32) {
    %c0_i32 = arith.constant 0 : i32
    %c0_i32_0 = arith.constant 0 : i32
    return %arg0, %c0_i32 : i32, i32
  }
}

</mosaic_0001>

<sc_bundles>
// kernel: kernel.5.cloned.1.call-start
scs
__scs_entry_jumppad:
0x0: {  	(pc) =	sbr.rel $0x88, $3  }
0x1: {  	(tag) =	ssettag $0x0;
	lr =	simm.s32 $0x1  }
0x2: {  	[smem:$0x3F98] =	sst lr;
	_ =	strace $0xD0000000  }
0x3: {  	_ = 	snop  }
0x4: {  	_ = 	snop  }
0x5: {  	_ = 	snop  }
0x6: {  	_ = 	snop  }
0x7: {  	_ = 	snop  }
__scs_overlays_trampoline_lowered:
0x8: {  	[smem:$0x3FA7] =	sst s0  }
0x9: {  	[smem:$0x3FA8] =	sst s1  }
0xa: {  	[smem:$0x3FA9] =	sst s2  }
0xb: {  	[smem:$0x3FAA] =	sst s3  }
0xc: {  	[smem:$0x3FAB] =	sst s4  }
0xd: {  	[smem:$0x3FAC] =	sst s5  }
0xe: {  	[smem:$0x3FAD] =	sst s6  }
0xf: {  	[smem:$0x3FAE] =	sst s7  }
0x10: {  	[smem:$0x3FAF] =	sst s8  }
0x11: {  	[smem:$0x3FB0] =	sst s9;
	s0 =	simm.s32 @!p0 $0x0  }
0x12: {  	s1 =	sld [smem:$0x3F96];
	s0 =	simm.s32 @p0 $0x1  }
0x13: {  	[smem:$0x3FB1] =	sst s0;
	s0 =	simm.s32 @!p1 $0x0  }
0x14: {  	s2 =	sld [smem:$0x3F95];
	s0 =	simm.s32 @p1 $0x1  }
0x15: {  	[smem:$0x3FB2] =	sst s0;
	s0 =	simm.s32 @!p2 $0x0  }
0x16: {  	s3 =	sld [smem:$0x3FDB];
	s0 =	simm.s32 @p2 $0x1  }
0x17: {  	s4 =	simm.s32 $0x1BF5;
	[smem:$0x3FB4] =	sst s0  }
0x18: {  	s0 =	sld [smem:$0x3F97];
	_ =	swait.ge [sflag:s4], $0x0  }
0x19: {  	s7 =	sld [smem:$0x3F98]  }
0x1a: {  	s8 =	sadd.s32 $0xFFFFE003, lr  }
0x1b: {  	s9 =	sadd.s32 $0xFFFFFEF7, lr;
	s5 =	simm.s32 $0xFFFFFFFF;
	p2 =	slt.u32 s8, $0xFFFFF086  }
0x1c: {  	p1 =	slt.u32 s9, $0xF7A;
	s5 =	simm.s32 @!p2 $0x0  }
0x1d: {  	s5 =	simm.s32 @p1 $0x1;
	p0 =	seq.s32 s7, s2  }
0x1e: {  	s7 =	smul.u32 @!p0 $0xF7A, s2;
	p2 =	seq.s32 @!p0 s5, $0x0  }
0x1f: {  	s9 =	smul.u32 $0xF7A, s1;
	s8 =	simm.s32 @!p0 $0x1BF5;
	p2 =	por !p2, p0  }
0x20: {  	[sflag:s8] =	ssyncset.s32 @!p0 $0xFFFFF086;
	s6 =	sadd.s32 @!p0 s3, s7;
	s7 =	simm.s32 @!p0 $0x108  }
0x21: {  	s3 =	sadd.s32 s3, s9;
	s6 =	sadd.s32 @!p0 $0x88, s6;
	s7 =	simm.s32 @p2 $0x1082  }
0x22: {  	[simem:s7], [sflag:s8] =	dma.local @!p0 [hbm:s6], $0xF7A  }
0x23: {  	s9 =	sor.u32 $0xD0000000, s2;
	s6 =	simm.s32 $0x108;
	_ =	swait.ge @!p0 [sflag:s8], $0x0  }
0x24: {  	s3 =	sadd.s32 $0x88, s3;
	s6 =	simm.s32 @!p1 $0x1082;
	[sflag:s4] =	ssyncset.s32 $0xFFFFF086  }
0x25: {  	[simem:s6], [sflag:s4] =	dma.local [hbm:s3], $0xF7A  }
0x26: {  	[smem:$0x3F98] =	sst s1;
	(tag) =	ssettag s2;
	_ =	strace s9  }
0x27: {  	s1 =	sld [smem:$0x3FA8]  }
0x28: {  	s2 =	sld [smem:$0x3FA9]  }
0x29: {  	s4 =	sld [smem:$0x3FAB]  }
0x2a: {  	p0 =	seq.s32 s5, $0x0;
	s5 =	sld [smem:$0x3FAC]  }
0x2b: {  	s6 =	sld [smem:$0x3FAD]  }
0x2c: {  	s7 =	sld [smem:$0x3FAE]  }
0x2d: {  	s3 =	simm.s32 $0x108;
	s8 =	sld [smem:$0x3FAF]  }
0x2e: {  	s3 =	simm.s32 @!p0 $0x1082;
	s9 =	sld [smem:$0x3FB0]  }
0x2f: {  	lr =	sadd.s32 s0, s3;
	s0 =	sld [smem:$0x3FA7]  }
0x30: {  	s3 =	sld [smem:$0x3FAA]  }
0x31: {  	[smem:$0x3FB3] =	sst s10  }
0x32: {  	s10 =	sld [smem:$0x3FB1];
	_ =	sdelay $0x3  }
0x33: {  	p0 =	seq.s32 s10, $0x1;
	s10 =	sld [smem:$0x3FB3];
	_ =	sdelay $0x3  }
0x34: {  	[smem:$0x3FB3] =	sst s10  }
0x35: {  	s10 =	sld [smem:$0x3FB2];
	_ =	sdelay $0x3  }
0x36: {  	p1 =	seq.s32 s10, $0x1;
	s10 =	sld [smem:$0x3FB3];
	_ =	sdelay $0x3  }
0x37: {  	[smem:$0x3FB3] =	sst s10  }
0x38: {  	s10 =	sld [smem:$0x3FB4]  }
0x39: {  	_ = 	snop;
	(pc) =	sbr.ind lr, $3  }
0x3a: {  	_ = 	snop  }
0x3b: {  	_ = 	snop  }
0x3c: {  	p2 =	seq.s32 s10, $0x1;
	s10 =	sld [smem:$0x3FB3]  }
0x3d: {  	_ =	shalt  }
0x3e: {  	_ =	shalt  }
0x3f: {  	_ =	shalt  }
0x40: {  	_ =	shalt  }
0x41: {  	_ =	shalt  }
0x42: {  	_ =	shalt  }
0x43: {  	_ =	shalt  }
0x44: {  	_ =	shalt  }
0x45: {  	_ =	shalt  }
0x46: {  	_ =	shalt  }
0x47: {  	_ =	shalt  }
0x48: {  	_ =	shalt  }
0x49: {  	_ =	shalt  }
0x4a: {  	_ =	shalt  }
0x4b: {  	_ =	shalt  }
0x4c: {  	_ =	shalt  }
0x4d: {  	_ =	shalt  }
0x4e: {  	_ =	shalt  }
0x4f: {  	_ =	shalt  }
0x50: {  	_ =	shalt  }
0x51: {  	_ =	shalt  }
0x52: {  	_ =	shalt  }
0x53: {  	_ =	shalt  }
0x54: {  	_ =	shalt  }
0x55: {  	_ =	shalt  }
0x56: {  	_ =	shalt  }
0x57: {  	_ =	shalt  }
0x58: {  	_ =	shalt  }
0x59: {  	_ =	shalt  }
0x5a: {  	_ =	shalt  }
0x5b: {  	_ =	shalt  }
0x5c: {  	_ =	shalt  }
0x5d: {  	_ =	shalt  }
0x5e: {  	_ =	shalt  }
0x5f: {  	_ =	shalt  }
0x60: {  	_ =	shalt  }
0x61: {  	_ =	shalt  }
0x62: {  	_ =	shalt  }
0x63: {  	_ =	shalt  }
0x64: {  	_ =	shalt  }
0x65: {  	_ =	shalt  }
0x66: {  	_ =	shalt  }
0x67: {  	_ =	shalt  }
0x68: {  	_ =	shalt  }
0x69: {  	_ =	shalt  }
0x6a: {  	_ =	shalt  }
0x6b: {  	_ =	shalt  }
0x6c: {  	_ =	shalt  }
0x6d: {  	_ =	shalt  }
0x6e: {  	_ =	shalt  }
0x6f: {  	_ =	shalt  }
0x70: {  	_ =	shalt  }
0x71: {  	_ =	shalt  }
0x72: {  	_ =	shalt  }
0x73: {  	_ =	shalt  }
0x74: {  	_ =	shalt  }
0x75: {  	_ =	shalt  }
0x76: {  	_ =	shalt  }
0x77: {  	_ =	shalt  }
0x78: {  	_ =	shalt  }
0x79: {  	_ =	shalt  }
0x7a: {  	_ =	shalt  }
0x7b: {  	_ =	shalt  }
0x7c: {  	_ =	shalt  }
0x7d: {  	_ =	shalt  }
0x7e: {  	_ =	shalt  }
0x7f: {  	_ =	shalt  }
0x80: {  	_ =	shalt  }
0x81: {  	_ =	shalt  }
0x82: {  	_ =	shalt  }
0x83: {  	_ =	shalt  }
0x84: {  	_ =	shalt  }
0x85: {  	_ =	shalt  }
0x86: {  	_ =	shalt  }
0x87: {  	_ =	shalt  }
.Lfunc_end0:
.L_simem_size_0:
called_computation_lowered:
.L_overlay_start_0:
0x88: {  	s2 =	sld [smem:$0x3FD9]  }
0x89: {  	s3 =	sld [smem:$0x3FFE];
	_ =	sdelay $0x1  }
0x8a: {  	s1 =	srdreg.scid  }
0x8b: {  	s0 =	sand.u32 $0x1, s1  }
0x8c: {  	s16 =	sshll.u32 s0, $0xA;
	s2 =	sadd.s32 s3, s2  }
0x8d: {  	s2 =	sadd.s32 s2, s16  }
0x8e: {  	[smem:$0x3FBF] =	sst s2  }
0x8f: {  	_ = 	snop  }
0x90: {  	(tm) =	ssettm $0x1  }
0x91: {  	s17 =	sld [smem:$0x3FFB];
	_ =	sdelay $0x3  }
0x92: {  	_ =	strace s17  }
0x93: {  	s2 =	sld [smem:$0x3FFC];
	_ =	sdelay $0x3  }
0x94: {  	_ =	strace s2  }
0x95: {  	s2 =	sld [smem:$0x3FFD];
	_ =	sdelay $0x3  }
0x96: {  	_ =	strace s2  }
0x97: {  	_ =	strace $0x8FFFFFFF  }
0x98: {  	s18 =	sld [smem:$0x3FDB];
	_ =	sdelay $0x1  }
0x99: {  	s19 =	simm.s32 $_scs_section_size  }
0x9a: {  	s4 =	simm.s32 $_size__tile_overlayer_lowered;
	s5 =	simm.s32 $_tile_overlayer_lowered  }
0x9b: {  	s22 =	simm.s32 $0x1BFF;
	s21 =	sshll.u32 s5, $0x1;
	s2 =	sadd.s32 s19, s18  }
0x9c: {  	s6 =	simm.s32 $0x0;
	s20 =	sshll.u32 s4, $0x1;
	s4 =	sadd.s32 s21, s2  }
0x9d: {  	[timem:s6], [sflag:s22] =	dma.local [hbm:s4], s20  }
0x9e: {  	_ =	swait.ge [sflag:s22], s20  }
0x9f: {  	s3 =	ssub.s32 $0x0, s20;
	[sflag:s22] =	ssyncset.done $0x0  }
0xa0: {  	[sflag:s22] =	ssyncadd.s32 s3;
	_ =	sdelay $0x1  }
0xa1: {  	s23 =	simm.s32 $0x1B8B  }
0xa2: {  	_ =	swait.ge [sflag:s23], $0x1  }
0xa3: {  	[sflag:s23] =	ssyncset.done $0x0  }
0xa4: {  	s25 =	simm.s32 $0x1B8E;
	s24 =	sld [smem:$0x3FFE];
	[sflag:s23] =	ssyncadd.s32 $0xFFFFFFFF  }
0xa5: {  	s26 =	simm.s32 $execute0_lowered;
	[smem:$0x3FD2] =	sst s25  }
0xa6: {  	s4 =	sshll.u32 s26, $0x1;
	_ =	strace $0x80000046;
	[dreg:$0x1] =	wrdreg $0xFFFFFFFF  }
0xa7: {  	s28 =	simm.s32 $_size_execute0_lowered;
	s2 =	sadd.s32 s2, s4;
	[dreg:$0x0] =	wrdreg $0x0  }
0xa8: {  	s4 =	sshll.u32 s28, $0x1;
	[dreg:$0x2] =	wrdreg s2  }
0xa9: {  	[dreg:$0x3] =	wrdreg s4  }
0xaa: {  	[dreg:$0x4] =	wrdreg $0xC0  }
0xab: {  	_ =	task [dreg:s6], $0x5FFFF  }
0xac: {  	[dreg:$0x1] =	wrdreg $0xFFFFFFFF  }
0xad: {  	[dreg:$0x0] =	wrdreg $0x60  }
0xae: {  	[dreg:$0x2] =	wrdreg s24  }
0xaf: {  	[dreg:$0x3] =	wrdreg $0x9  }
0xb0: {  	_ =	task.clear_ibuf [dreg:s6], $0x4FFFF;
	_ =	strace $0x90000046  }
0xb1: {  	s29 =	simm.s32 $0x9;
	_ =	strace $0x80000048  }
0xb2: {  	_ =	swait.ge [sflag:s29], $0x1  }
0xb3: {  	[sflag:s29] =	ssyncadd.s32 $0xFFFFFFFF  }
0xb4: {  	_ =	strace $0x90000048  }
0xb5: {  	_ =	sfence  }
0xb6: {  	s30 =	sld [smem:$0x0];
	_ =	sdelay $0x2  }
0xb7: {  	s31 =	sshll.u32 s1, $0xD;
	s1 =	sshrl.u32 s1, $0x2  }
0xb8: {  	s3 =	sand.u32 $0x4000, s31;
	s1 =	sadd.s32 s1, s30  }
0xb9: {  	s0 =	sor.u32 s3, s0;
	s1 =	sshll.u32 s1, $0x11  }
0xba: {  	s0 =	sor.u32 s1, s0  }
0xbb: {  	s0 =	sadd.s32 $0x8F2B, s0  }
0xbc: {  	[sflag:s0] =	ssyncadd.remote.s32 $0x1  }
0xbd: {  	_ =	sfence.sel $0xFFFF  }
0xbe: {  	[dreg:$0x0] =	wrdreg $0xFFFFFFFF;
	(pc) =	sbr.abs _section_cstart, $3  }
0xbf: {  	[dreg:$0x1] =	wrdreg $0xFFFFFFFF  }
0xc0: {  	_ =	task.clear_ibuf [dreg:s6], $0x2FFFF;
	_ =	strace $0x9FFFFFFF  }
0xc1: {  	(tm) =	ssettm $0x7FFFFFFF  }
tec
execute0_lowered:
.L_overlay_start_1:
0x0: {  	(tag) =	ssettag $0x1  }
0x1: {  	s0 =	rddreg [dreg:$0x0]  }
0x2: {  	s1 =	srdreg.scid;
	s3 =	stileid.u32;
	s2 =	simm.s32 $0x0  }
0x3: {  	s7 =	simm.s32 $0x9;
	s8 =	simm.s32 $0x64;
	s16 =	simm.s32 $0x1A0  }
0x4: {  	s17 =	simm.s32 $0x9A00;
	s18 =	simm.s32 $0x208;
	s19 =	simm.s32 $0xA680  }
0x5: {  	s20 =	simm.s32 $0x270;
	s21 =	simm.s32 $0xB300;
	s22 =	simm.s32 $0x1  }
0x6: {  	s23 =	simm.s32 $0xBF80;
	s24 =	simm.s32 $0x2;
	s25 =	simm.s32 $0x3  }
0x7: {  	s28 =	simm.s32 $0x5;
	s1 =	sand.u32 $0x1, s1;
	s3 =	sshll.u32 s3, $0x1  }
0x8: {  	s29 =	simm.s32 $0x6;
	s30 =	simm.s32 $0x7;
	s4 =	sor.u32 s1, s3  }
0x9: {  	s31 =	simm.s32 $0x8;
	[smem:$0x7FF] =	sst s2;
	s5 =	smul.u32 $0xD00, s4  }
.Ltmp0:
0xa: {  	_ =	strace $0x80000047;
	s1 =	ssub.s32 $0x2, s1;
	(pc) =	sbr.rel .LBB2_1-.Ltmp0, $4  }
0xb: {  	s3 =	sadd.s32 $0x1B600, s0;
	s4 =	sshll.u32 s4, $0xA;
	s26 =	sshrl.u32 s1, $0x1  }
0xc: {  	s1 =	ssub.s32 s1, s26;
	s26 =	simm.s32 $0x4;
	s5 =	sadd.s32 s5, s0  }
0xd: {  	s0 =	sadd.s32 s4, s0;
	s6 =	smax.u32 s1, $0x1;
	s1 =	simm.s32 $0x0  }
0xe: {  	s4 =	sadd.s32 $0x1600, s5;
	s5 =	sadd.s32 $0x7D600, s0;
	s0 =	simm.s32 $0xCC00  }
.LBB2_20:
0xf: {  	s1 =	sadd.s32 $0x1, s1  }
0x10: {  	p0 =	sne.s32 s1, s6  }
.Ltmp1:
0x11: {  	_ = 	snop;
	(pc) =	sbr.rel @!p0 .LBB2_21-.Ltmp1, $4  }
0x12: {  	[hbm4b:s5+s2] =	stream.linear.scatter [tilespmem:s0], [sflag:$0x9], $0x2000, $0x38;
	[tilespmem:$0xEC00] =	vst v63  }
0x13: {  	_ =	swait.ge [sflag:s7], $0x2000  }
0x14: {  	[sflag:s7] =	ssyncset.done $0x0  }
0x15: {  	[sflag:s7] =	ssyncadd.s32 $0xFFFFE000  }
.LBB2_1:
0x16: {  	[tilespmem:s2], [sflag:$0x9] =	stream.linear.gather [hbm4b:s4+s2], $0x6800, $0x38;
	[tilespmem:$0xEC00] =	vst v63  }
0x17: {  	_ =	swait.ge [sflag:s7], $0x6800  }
0x18: {  	[sflag:s7] =	ssyncset.done $0x0  }
0x19: {  	s9 =	simm.s32 $0x6800;
	[sflag:s7] =	ssyncadd.s32 $0xFFFF9800  }
0x1a: {  	[tilespmem:s9], [sflag:$0x1] =	stream.indirect.gather [hbm4b:s3+s8], $0x20, s2, s8, $0xb8;
	[tilespmem:$0xEC00] =	vst v63  }
0x1b: {  	s11 =	simm.s32 $0x68;
	s10 =	simm.s32 $0x7480  }
0x1c: {  	[tilespmem:s10], [sflag:$0x2] =	stream.indirect.gather [hbm4b:s3+s8], $0x20, s11, s8, $0xb8;
	[tilespmem:$0xEC00] =	vst v63  }
0x1d: {  	s12 =	simm.s32 $0xD0;
	s13 =	simm.s32 $0x8100  }
0x1e: {  	[tilespmem:s13], [sflag:$0x3] =	stream.indirect.gather [hbm4b:s3+s8], $0x20, s12, s8, $0xb8;
	[tilespmem:$0xEC00] =	vst v63  }
0x1f: {  	s14 =	simm.s32 $0x138;
	s15 =	simm.s32 $0x8D80  }
0x20: {  	[tilespmem:s15], [sflag:$0x4] =	stream.indirect.gather [hbm4b:s3+s8], $0x20, s14, s8, $0xb8;
	[tilespmem:$0xEC00] =	vst v63  }
0x21: {  	_ = 	snop  }
0x22: {  	[tilespmem:s17], [sflag:$0x5] =	stream.indirect.gather [hbm4b:s3+s8], $0x20, s16, s8, $0xb8;
	[tilespmem:$0xEC00] =	vst v63  }
0x23: {  	_ = 	snop  }
0x24: {  	[tilespmem:s19], [sflag:$0x6] =	stream.indirect.gather [hbm4b:s3+s8], $0x20, s18, s8, $0xb8;
	[tilespmem:$0xEC00] =	vst v63  }
0x25: {  	s9 =	simm.s32 $0x0  }
0x26: {  	[tilespmem:s21], [sflag:$0x7] =	stream.indirect.gather [hbm4b:s3+s8], $0x20, s20, s8, $0xb8;
	[tilespmem:$0xEC00] =	vst v63  }
.LBB2_2:
0x27: {  	_ =	swait.ge [sflag:s22], $0xC80  }
0x28: {  	[sflag:s22] =	ssyncset.done $0x0  }
0x29: {  	s10 =	simm.s32 $0x68A0;
	[sflag:s22] =	ssyncadd.s32 $0xFFFFF380  }
0x2a: {  	v0 =	vld [tilespmem:s10+$0x80]  }
0x2b: {  	v3 =	vld [tilespmem:s10+$0x60]  }
0x2c: {  	v4 =	vld [tilespmem:s10+$0x40]  }
0x2d: {  	v6 =	vld [tilespmem:s10+$0x20]  }
0x2e: {  	v9 =	vld [tilespmem:s10+$0x0]  }
0x2f: {  	v10 =	vld [tilespmem:s10+$0xFFFFFFE0]  }
0x30: {  	v11 =	vld [tilespmem:s10+$0xFFFFFFC0]  }
0x31: {  	v12 =	vld [tilespmem:s10+$0xFFFFFFA0]  }
0x32: {  	v14 =	vld [tilespmem:s10+$0xFFFFFF80]  }
0x33: {  	v13 =	vimm.f32 $0.0e+00;
	v15 =	vld [tilespmem:s10+$0xFFFFFF60]  }
0x34: {  	v16 =	vld [tilespmem:s10+$0xFFFFFF70];
	v2 =	vshll.u32 v3, $0x10;
	v1 =	vshll.u32 v0, $0x10;
	v0 =	vand.u32 $0xFFFF0000, v0  }
0x35: {  	v5 =	vshll.u32 v4, $0x10;
	v4 =	vand.u32 $0xFFFF0000, v4;
	v3 =	vand.u32 $0xFFFF0000, v3  }
0x36: {  	v8 =	vshll.u32 v9, $0x10;
	v7 =	vshll.u32 v6, $0x10;
	v6 =	vand.u32 $0xFFFF0000, v6  }
0x37: {  	v17 =	vld [tilespmem:s10+$0xFFFFFF90];
	v18 =	vshll.u32 v10, $0x10;
	v19 =	vand.u32 $0xFFFF0000, v10;
	v9 =	vand.u32 $0xFFFF0000, v9  }
0x38: {  	v10 =	vshll.u32 v12, $0x10;
	v20 =	vshll.u32 v11, $0x10;
	v21 =	vshll.u32 v14, $0x10  }
0x39: {  	v22 =	vld [tilespmem:s10+$0xFFFFFFB0];
	v23 =	vshll.u32 v15, $0x10;
	v15 =	vand.u32 $0xFFFF0000, v15;
	v24 =	vshll.u32 v16, $0x10  }
0x3a: {  	v16 =	vand.u32 $0xFFFF0000, v16;
	v23 =	vadd.f32 v23, v13;
	v15 =	vadd.f32 v15, v13  }
0x3b: {  	v25 =	vld [tilespmem:s10+$0xFFFFFFD0];
	v14 =	vand.u32 $0xFFFF0000, v14;
	v24 =	vadd.f32 v24, v13;
	v13 =	vadd.f32 v16, v13  }
0x3c: {  	v12 =	vand.u32 $0xFFFF0000, v12;
	v14 =	vadd.f32 v14, v15;
	v15 =	vand.u32 $0xFFFF0000, v17  }
0x3d: {  	v63 =	vld [tilespmem:s10+$0xFFFFFFF0];
	v16 =	vshll.u32 v17, $0x10;
	v21 =	vadd.f32 v21, v23;
	v13 =	vadd.f32 v15, v13  }
0x3e: {  	v16 =	vadd.f32 v16, v24;
	v14 =	vadd.f32 v12, v14;
	v12 =	vand.u32 $0xFFFF0000, v22  }
0x3f: {  	v15 =	vshll.u32 v22, $0x10;
	v10 =	vadd.f32 v10, v21;
	v13 =	vadd.f32 v12, v13;
	v12 =	vld [tilespmem:s10+$0x10]  }
0x40: {  	v11 =	vand.u32 $0xFFFF0000, v11;
	v17 =	vand.u32 $0xFFFF0000, v25;
	v15 =	vadd.f32 v15, v16  }
0x41: {  	v16 =	vshll.u32 v25, $0x10;
	v20 =	vadd.f32 v20, v10;
	v11 =	vadd.f32 v11, v14;
	v10 =	vld [tilespmem:s10+$0x30]  }
0x42: {  	v14 =	vadd.f32 v16, v15;
	v13 =	vadd.f32 v17, v13;
	v17 =	vshll.u32 v63, $0x10  }
0x43: {  	s11 =	simm.s32 $0x0;
	s12 =	simm.s32 $0x69E0;
	v16 =	vadd.f32 v18, v20;
	v15 =	vadd.f32 v19, v11;
	v18 =	vand.u32 $0xFFFF0000, v63;
	v11 =	vld [tilespmem:s10+$0x50]  }
.LBB2_3:
0x44: {  	v19 =	vld [tilespmem:s12+$0x80];
	v14 =	vadd.f32 v17, v14;
	v13 =	vadd.f32 v18, v13;
	v17 =	vshll.u32 v12, $0x10  }
0x45: {  	v12 =	vand.u32 $0xFFFF0000, v12;
	v8 =	vadd.f32 v8, v16;
	v9 =	vadd.f32 v9, v15;
	v15 =	vld [tilespmem:s10+$0x70]  }
0x46: {  	v14 =	vadd.f32 v17, v14;
	v12 =	vadd.f32 v12, v13;
	v13 =	vshll.u32 v10, $0x10;
	v16 =	vld [tilespmem:s10+$0x90];
	s10 =	smov.u32 s12  }
0x47: {  	v17 =	vld [tilespmem:s12+$0x60];
	v7 =	vadd.f32 v7, v8;
	v6 =	vadd.f32 v6, v9;
	v8 =	vand.u32 $0xFFFF0000, v10  }
0x48: {  	v9 =	vld [tilespmem:s12+$0x40];
	v10 =	vadd.f32 v13, v14;
	v8 =	vadd.f32 v8, v12;
	v12 =	vshll.u32 v11, $0x10  }
0x49: {  	v13 =	vld [tilespmem:s12+$0x20];
	v5 =	vadd.f32 v5, v7;
	v4 =	vadd.f32 v4, v6;
	v6 =	vand.u32 $0xFFFF0000, v11  }
0x4a: {  	v11 =	vld [tilespmem:s12+$0x0];
	v7 =	vadd.f32 v12, v10;
	v6 =	vadd.f32 v6, v8;
	v8 =	vshll.u32 v15, $0x10  }
0x4b: {  	v10 =	vld [tilespmem:s12+$0xFFFFFFE0];
	v2 =	vadd.f32 v2, v5;
	v3 =	vadd.f32 v3, v4;
	v4 =	vand.u32 $0xFFFF0000, v15  }
0x4c: {  	v12 =	vld [tilespmem:s12+$0xFFFFFFC0];
	v5 =	vadd.f32 v8, v7;
	v4 =	vadd.f32 v4, v6;
	v6 =	vshll.u32 v16, $0x10  }
0x4d: {  	v14 =	vld [tilespmem:s12+$0xFFFFFFA0];
	v15 =	vadd.f32 v1, v2;
	v18 =	vadd.f32 v0, v3;
	v0 =	vand.u32 $0xFFFF0000, v16  }
0x4e: {  	v16 =	vld [tilespmem:s12+$0xFFFFFF80];
	v20 =	vadd.f32 v6, v5;
	v21 =	vadd.f32 v0, v4  }
0x4f: {  	v2 =	vshll.u32 v17, $0x10;
	v1 =	vshll.u32 v19, $0x10;
	v0 =	vand.u32 $0xFFFF0000, v19;
	v22 =	vld [tilespmem:s12+$0xFFFFFF60]  }
0x50: {  	v3 =	vand.u32 $0xFFFF0000, v17;
	v5 =	vshll.u32 v9, $0x10;
	v4 =	vand.u32 $0xFFFF0000, v9;
	v19 =	vld [tilespmem:s12+$0xFFFFFF70]  }
0x51: {  	s11 =	sadd.s32 $0xA, s11;
	v7 =	vshll.u32 v13, $0x10;
	v6 =	vand.u32 $0xFFFF0000, v13;
	v8 =	vshll.u32 v11, $0x10  }
0x52: {  	p0 =	slt.u32 s11, $0x5A;
	v9 =	vand.u32 $0xFFFF0000, v11;
	v23 =	vshll.u32 v10, $0x10;
	v24 =	vand.u32 $0xFFFF0000, v10;
	v13 =	vld [tilespmem:s12+$0xFFFFFF90]  }
0x53: {  	v11 =	vshll.u32 v12, $0x10;
	v17 =	vand.u32 $0xFFFF0000, v12;
	v10 =	vshll.u32 v14, $0x10  }
0x54: {  	v14 =	vand.u32 $0xFFFF0000, v14;
	v12 =	vshll.u32 v16, $0x10;
	v16 =	vand.u32 $0xFFFF0000, v16;
	v25 =	vld [tilespmem:s12+$0xFFFFFFB0]  }
0x55: {  	v26 =	vshll.u32 v22, $0x10;
	v22 =	vand.u32 $0xFFFF0000, v22;
	v27 =	vshll.u32 v19, $0x10  }
0x56: {  	v15 =	vadd.f32 v26, v15;
	v18 =	vadd.f32 v22, v18;
	v19 =	vand.u32 $0xFFFF0000, v19;
	v22 =	vld [tilespmem:s12+$0xFFFFFFD0]  }
0x57: {  	v20 =	vadd.f32 v27, v20;
	v19 =	vadd.f32 v19, v21;
	v21 =	vshll.u32 v13, $0x10  }
0x58: {  	v12 =	vadd.f32 v12, v15;
	v15 =	vadd.f32 v16, v18;
	v13 =	vand.u32 $0xFFFF0000, v13;
	v18 =	vld [tilespmem:s12+$0xFFFFFFF0]  }
0x59: {  	v16 =	vadd.f32 v21, v20;
	v13 =	vadd.f32 v13, v19;
	v19 =	vshll.u32 v25, $0x10  }
.Ltmp2:
0x5a: {  	v10 =	vadd.f32 v10, v12;
	v14 =	vadd.f32 v14, v15;
	v15 =	vand.u32 $0xFFFF0000, v25;
	v12 =	vld [tilespmem:s12+$0x10];
	(pc) =	sbr.rel @p0 .LBB2_3-.Ltmp2, $4  }
0x5b: {  	v16 =	vadd.f32 v19, v16;
	v13 =	vadd.f32 v15, v13;
	v15 =	vshll.u32 v22, $0x10  }
0x5c: {  	v11 =	vadd.f32 v11, v10;
	v19 =	vadd.f32 v17, v14;
	v17 =	vand.u32 $0xFFFF0000, v22;
	v10 =	vld [tilespmem:s12+$0x30]  }
0x5d: {  	v14 =	vadd.f32 v15, v16;
	v13 =	vadd.f32 v17, v13;
	v17 =	vshll.u32 v18, $0x10  }
0x5e: {  	s12 =	sadd.s32 $0x140, s12;
	v16 =	vadd.f32 v23, v11;
	v15 =	vadd.f32 v24, v19;
	v18 =	vand.u32 $0xFFFF0000, v18;
	v11 =	vld [tilespmem:s10+$0x50]  }
0x5f: {  	_ = 	snop  }
0x60: {  	v14 =	vadd.f32 v17, v14;
	v8 =	vadd.f32 v8, v16  }
0x61: {  	v13 =	vadd.f32 v18, v13;
	v16 =	vshll.u32 v12, $0x10;
	v9 =	vadd.f32 v9, v15  }
0x62: {  	v12 =	vand.u32 $0xFFFF0000, v12;
	v15 =	vld [tilespmem:s10+$0x70];
	v14 =	vadd.f32 v16, v14;
	v7 =	vadd.f32 v7, v8  }
0x63: {  	v8 =	vadd.f32 v12, v13;
	v12 =	vshll.u32 v10, $0x10;
	v6 =	vadd.f32 v6, v9  }
0x64: {  	v9 =	vld [tilespmem:s10+$0x90];
	v10 =	vand.u32 $0xFFFF0000, v10;
	v12 =	vadd.f32 v12, v14;
	v5 =	vadd.f32 v5, v7  }
0x65: {  	v7 =	vadd.f32 v10, v8;
	v8 =	vshll.u32 v11, $0x10;
	v4 =	vadd.f32 v4, v6  }
0x66: {  	v6 =	vand.u32 $0xFFFF0000, v11;
	v8 =	vadd.f32 v8, v12;
	v2 =	vadd.f32 v2, v5  }
0x67: {  	v5 =	vadd.f32 v6, v7;
	v6 =	vshll.u32 v15, $0x10;
	v3 =	vadd.f32 v3, v4  }
0x68: {  	s15 =	sshll.u32 s9, $0xA;
	v4 =	vand.u32 $0xFFFF0000, v15;
	v6 =	vadd.f32 v6, v8;
	v1 =	vadd.f32 v1, v2  }
0x69: {  	s11 =	sshra.s32 s15, $0x2;
	v2 =	vadd.f32 v4, v5;
	v4 =	vshll.u32 v9, $0x10;
	v0 =	vadd.f32 v0, v3  }
0x6a: {  	s10 =	sshllo.u32 s9, $0x3;
	v3 =	vand.u32 $0xFFFF0000, v9;
	v4 =	vadd.f32 v4, v6;
	[tilespmem:s11+$0xCC00] =	vst v1  }
0x6b: {  	s12 =	smul.u32 $0x1A0, s10;
	v1 =	vadd.f32 v3, v2;
	[tilespmem:s11+$0xCC10] =	vst v0  }
0x6c: {  	[tilespmem:s11+$0xCC20] =	vst v4  }
0x6d: {  	s12 =	sshra.s32 s12, $0x2;
	[tilespmem:s11+$0xCC30] =	vst v1  }
0x6e: {  	[tilespmem:s23], [sflag:$0x8] =	stream.indirect.gather [hbm4b:s3+s8], $0x20, s12, s8, $0xb8;
	[tilespmem:$0xEC00] =	vst v63  }
0x6f: {  	_ =	swait.ge [sflag:s24], $0xC80  }
0x70: {  	[sflag:s24] =	ssyncset.done $0x0  }
0x71: {  	s12 =	simm.s32 $0x7520;
	[sflag:s24] =	ssyncadd.s32 $0xFFFFF380  }
0x72: {  	v0 =	vld [tilespmem:s12+$0x80]  }
0x73: {  	v3 =	vld [tilespmem:s12+$0x60]  }
0x74: {  	v4 =	vld [tilespmem:s12+$0x40]  }
0x75: {  	v6 =	vld [tilespmem:s12+$0x20]  }
0x76: {  	v9 =	vld [tilespmem:s12+$0x0]  }
0x77: {  	v10 =	vld [tilespmem:s12+$0xFFFFFFE0]  }
0x78: {  	v11 =	vld [tilespmem:s12+$0xFFFFFFC0]  }
0x79: {  	v12 =	vld [tilespmem:s12+$0xFFFFFFA0]  }
0x7a: {  	v14 =	vld [tilespmem:s12+$0xFFFFFF80]  }
0x7b: {  	v13 =	vimm.f32 $0.0e+00;
	v15 =	vld [tilespmem:s12+$0xFFFFFF60]  }
0x7c: {  	v16 =	vld [tilespmem:s12+$0xFFFFFF70];
	v2 =	vshll.u32 v3, $0x10;
	v1 =	vshll.u32 v0, $0x10;
	v0 =	vand.u32 $0xFFFF0000, v0  }
0x7d: {  	v5 =	vshll.u32 v4, $0x10;
	v4 =	vand.u32 $0xFFFF0000, v4;
	v3 =	vand.u32 $0xFFFF0000, v3  }
0x7e: {  	v8 =	vshll.u32 v9, $0x10;
	v7 =	vshll.u32 v6, $0x10;
	v6 =	vand.u32 $0xFFFF0000, v6  }
0x7f: {  	v17 =	vld [tilespmem:s12+$0xFFFFFF90];
	v18 =	vshll.u32 v10, $0x10;
	v19 =	vand.u32 $0xFFFF0000, v10;
	v9 =	vand.u32 $0xFFFF0000, v9  }
0x80: {  	v10 =	vshll.u32 v12, $0x10;
	v20 =	vshll.u32 v11, $0x10;
	v21 =	vshll.u32 v14, $0x10  }
0x81: {  	v22 =	vld [tilespmem:s12+$0xFFFFFFB0];
	v23 =	vshll.u32 v15, $0x10;
	v15 =	vand.u32 $0xFFFF0000, v15;
	v24 =	vshll.u32 v16, $0x10  }
0x82: {  	v16 =	vand.u32 $0xFFFF0000, v16;
	v23 =	vadd.f32 v23, v13;
	v15 =	vadd.f32 v15, v13  }
0x83: {  	v25 =	vld [tilespmem:s12+$0xFFFFFFD0];
	v14 =	vand.u32 $0xFFFF0000, v14;
	v24 =	vadd.f32 v24, v13;
	v13 =	vadd.f32 v16, v13  }
0x84: {  	v12 =	vand.u32 $0xFFFF0000, v12;
	v14 =	vadd.f32 v14, v15;
	v15 =	vand.u32 $0xFFFF0000, v17  }
0x85: {  	v63 =	vld [tilespmem:s12+$0xFFFFFFF0];
	v16 =	vshll.u32 v17, $0x10;
	v21 =	vadd.f32 v21, v23;
	v13 =	vadd.f32 v15, v13  }
0x86: {  	v16 =	vadd.f32 v16, v24;
	v14 =	vadd.f32 v12, v14;
	v12 =	vand.u32 $0xFFFF0000, v22  }
0x87: {  	v15 =	vshll.u32 v22, $0x10;
	v10 =	vadd.f32 v10, v21;
	v13 =	vadd.f32 v12, v13;
	v12 =	vld [tilespmem:s12+$0x10]  }
0x88: {  	v11 =	vand.u32 $0xFFFF0000, v11;
	v17 =	vand.u32 $0xFFFF0000, v25;
	v15 =	vadd.f32 v15, v16  }
0x89: {  	v16 =	vshll.u32 v25, $0x10;
	v20 =	vadd.f32 v20, v10;
	v11 =	vadd.f32 v11, v14;
	v10 =	vld [tilespmem:s12+$0x30]  }
0x8a: {  	v14 =	vadd.f32 v16, v15;
	v13 =	vadd.f32 v17, v13;
	v17 =	vshll.u32 v63, $0x10  }
0x8b: {  	s13 =	simm.s32 $0x0;
	s14 =	simm.s32 $0x7660;
	v16 =	vadd.f32 v18, v20;
	v15 =	vadd.f32 v19, v11;
	v18 =	vand.u32 $0xFFFF0000, v63;
	v11 =	vld [tilespmem:s12+$0x50]  }
.LBB2_5:
0x8c: {  	v19 =	vld [tilespmem:s14+$0x80];
	v14 =	vadd.f32 v17, v14;
	v13 =	vadd.f32 v18, v13;
	v17 =	vshll.u32 v12, $0x10  }
0x8d: {  	v12 =	vand.u32 $0xFFFF0000, v12;
	v8 =	vadd.f32 v8, v16;
	v9 =	vadd.f32 v9, v15;
	v15 =	vld [tilespmem:s12+$0x70]  }
0x8e: {  	v14 =	vadd.f32 v17, v14;
	v12 =	vadd.f32 v12, v13;
	v13 =	vshll.u32 v10, $0x10;
	v16 =	vld [tilespmem:s12+$0x90];
	s12 =	smov.u32 s14  }
0x8f: {  	v17 =	vld [tilespmem:s14+$0x60];
	v7 =	vadd.f32 v7, v8;
	v6 =	vadd.f32 v6, v9;
	v8 =	vand.u32 $0xFFFF0000, v10  }
0x90: {  	v9 =	vld [tilespmem:s14+$0x40];
	v10 =	vadd.f32 v13, v14;
	v8 =	vadd.f32 v8, v12;
	v12 =	vshll.u32 v11, $0x10  }
0x91: {  	v13 =	vld [tilespmem:s14+$0x20];
	v5 =	vadd.f32 v5, v7;
	v4 =	vadd.f32 v4, v6;
	v6 =	vand.u32 $0xFFFF0000, v11  }
0x92: {  	v11 =	vld [tilespmem:s14+$0x0];
	v7 =	vadd.f32 v12, v10;
	v6 =	vadd.f32 v6, v8;
	v8 =	vshll.u32 v15, $0x10  }
0x93: {  	v10 =	vld [tilespmem:s14+$0xFFFFFFE0];
	v2 =	vadd.f32 v2, v5;
	v3 =	vadd.f32 v3, v4;
	v4 =	vand.u32 $0xFFFF0000, v15  }
0x94: {  	v12 =	vld [tilespmem:s14+$0xFFFFFFC0];
	v5 =	vadd.f32 v8, v7;
	v4 =	vadd.f32 v4, v6;
	v6 =	vshll.u32 v16, $0x10  }
0x95: {  	v14 =	vld [tilespmem:s14+$0xFFFFFFA0];
	v15 =	vadd.f32 v1, v2;
	v18 =	vadd.f32 v0, v3;
	v0 =	vand.u32 $0xFFFF0000, v16  }
0x96: {  	v16 =	vld [tilespmem:s14+$0xFFFFFF80];
	v20 =	vadd.f32 v6, v5;
	v21 =	vadd.f32 v0, v4  }
0x97: {  	v2 =	vshll.u32 v17, $0x10;
	v1 =	vshll.u32 v19, $0x10;
	v0 =	vand.u32 $0xFFFF0000, v19;
	v22 =	vld [tilespmem:s14+$0xFFFFFF60]  }
0x98: {  	v3 =	vand.u32 $0xFFFF0000, v17;
	v5 =	vshll.u32 v9, $0x10;
	v4 =	vand.u32 $0xFFFF0000, v9;
	v19 =	vld [tilespmem:s14+$0xFFFFFF70]  }
0x99: {  	s13 =	sadd.s32 $0xA, s13;
	v7 =	vshll.u32 v13, $0x10;
	v6 =	vand.u32 $0xFFFF0000, v13;
	v8 =	vshll.u32 v11, $0x10  }
0x9a: {  	p0 =	slt.u32 s13, $0x5A;
	v9 =	vand.u32 $0xFFFF0000, v11;
	v23 =	vshll.u32 v10, $0x10;
	v24 =	vand.u32 $0xFFFF0000, v10;
	v13 =	vld [tilespmem:s14+$0xFFFFFF90]  }
0x9b: {  	v11 =	vshll.u32 v12, $0x10;
	v17 =	vand.u32 $0xFFFF0000, v12;
	v10 =	vshll.u32 v14, $0x10  }
0x9c: {  	v14 =	vand.u32 $0xFFFF0000, v14;
	v12 =	vshll.u32 v16, $0x10;
	v16 =	vand.u32 $0xFFFF0000, v16;
	v25 =	vld [tilespmem:s14+$0xFFFFFFB0]  }
0x9d: {  	v26 =	vshll.u32 v22, $0x10;
	v22 =	vand.u32 $0xFFFF0000, v22;
	v27 =	vshll.u32 v19, $0x10  }
0x9e: {  	v15 =	vadd.f32 v26, v15;
	v18 =	vadd.f32 v22, v18;
	v19 =	vand.u32 $0xFFFF0000, v19;
	v22 =	vld [tilespmem:s14+$0xFFFFFFD0]  }
0x9f: {  	v20 =	vadd.f32 v27, v20;
	v19 =	vadd.f32 v19, v21;
	v21 =	vshll.u32 v13, $0x10  }
0xa0: {  	v12 =	vadd.f32 v12, v15;
	v15 =	vadd.f32 v16, v18;
	v13 =	vand.u32 $0xFFFF0000, v13;
	v18 =	vld [tilespmem:s14+$0xFFFFFFF0]  }
0xa1: {  	v16 =	vadd.f32 v21, v20;
	v13 =	vadd.f32 v13, v19;
	v19 =	vshll.u32 v25, $0x10  }
.Ltmp3:
0xa2: {  	v10 =	vadd.f32 v10, v12;
	v14 =	vadd.f32 v14, v15;
	v15 =	vand.u32 $0xFFFF0000, v25;
	v12 =	vld [tilespmem:s14+$0x10];
	(pc) =	sbr.rel @p0 .LBB2_5-.Ltmp3, $4  }
0xa3: {  	v16 =	vadd.f32 v19, v16;
	v13 =	vadd.f32 v15, v13;
	v15 =	vshll.u32 v22, $0x10  }
0xa4: {  	v11 =	vadd.f32 v11, v10;
	v19 =	vadd.f32 v17, v14;
	v17 =	vand.u32 $0xFFFF0000, v22;
	v10 =	vld [tilespmem:s14+$0x30]  }
0xa5: {  	v14 =	vadd.f32 v15, v16;
	v13 =	vadd.f32 v17, v13;
	v17 =	vshll.u32 v18, $0x10  }
0xa6: {  	s14 =	sadd.s32 $0x140, s14;
	v16 =	vadd.f32 v23, v11;
	v15 =	vadd.f32 v24, v19;
	v18 =	vand.u32 $0xFFFF0000, v18;
	v11 =	vld [tilespmem:s12+$0x50]  }
0xa7: {  	_ = 	snop  }
0xa8: {  	v14 =	vadd.f32 v17, v14;
	v8 =	vadd.f32 v8, v16  }
0xa9: {  	v13 =	vadd.f32 v18, v13;
	v16 =	vshll.u32 v12, $0x10;
	v9 =	vadd.f32 v9, v15  }
0xaa: {  	v12 =	vand.u32 $0xFFFF0000, v12;
	v15 =	vld [tilespmem:s12+$0x70];
	v14 =	vadd.f32 v16, v14;
	v7 =	vadd.f32 v7, v8  }
0xab: {  	v8 =	vadd.f32 v12, v13;
	v12 =	vshll.u32 v10, $0x10;
	v6 =	vadd.f32 v6, v9  }
0xac: {  	v9 =	vld [tilespmem:s12+$0x90];
	v10 =	vand.u32 $0xFFFF0000, v10;
	v12 =	vadd.f32 v12, v14;
	v5 =	vadd.f32 v5, v7  }
0xad: {  	v7 =	vadd.f32 v10, v8;
	v8 =	vshll.u32 v11, $0x10;
	v4 =	vadd.f32 v4, v6  }
0xae: {  	v6 =	vand.u32 $0xFFFF0000, v11;
	v8 =	vadd.f32 v8, v12;
	v2 =	vadd.f32 v2, v5  }
0xaf: {  	v5 =	vadd.f32 v6, v7;
	v6 =	vshll.u32 v15, $0x10;
	v3 =	vadd.f32 v3, v4  }
0xb0: {  	v4 =	vand.u32 $0xFFFF0000, v15;
	v6 =	vadd.f32 v6, v8;
	v1 =	vadd.f32 v1, v2  }
0xb1: {  	p0 =	seq.s32 s9, $0x1F;
	v2 =	vadd.f32 v4, v5;
	v4 =	vshll.u32 v9, $0x10;
	v0 =	vadd.f32 v0, v3  }
0xb2: {  	s12 =	smul.u32 @!p0 $0xD00, s9;
	v3 =	vand.u32 $0xFFFF0000, v9;
	v4 =	vadd.f32 v4, v6;
	[tilespmem:s11+$0xCC00] =	vst.add.f32.msk $0xffff, v1  }
0xb3: {  	v1 =	vadd.f32 v3, v2;
	[tilespmem:s11+$0xCC10] =	vst.add.f32.msk $0xffff, v0  }
0xb4: {  	s12 =	sshra.s32 @!p0 s12, $0x2;
	[tilespmem:s11+$0xCC20] =	vst.add.f32.msk $0xffff, v4  }
0xb5: {  	s14 =	simm.s32 @!p0 $0x64;
	s15 =	simm.s32 @!p0 $0x6800;
	s13 =	sadd.s32 @!p0 $0x340, s12;
	[tilespmem:s11+$0xCC30] =	vst.add.f32.msk $0xffff, v1  }
0xb6: {  	[tilespmem:s15], [sflag:$0x1] =	stream.indirect.gather @!p0 [hbm4b:s3+s14], $0x20, s13, s14, $0xb8;
	[tilespmem:$0xEC00] =	vst v63  }
0xb7: {  	_ =	swait.ge [sflag:s25], $0xC80  }
0xb8: {  	[sflag:s25] =	ssyncset.done $0x0  }
0xb9: {  	s13 =	simm.s32 $0x81A0;
	[sflag:s25] =	ssyncadd.s32 $0xFFFFF380  }
0xba: {  	v0 =	vld [tilespmem:s13+$0x80]  }
0xbb: {  	v3 =	vld [tilespmem:s13+$0x60]  }
0xbc: {  	v4 =	vld [tilespmem:s13+$0x40]  }
0xbd: {  	v6 =	vld [tilespmem:s13+$0x20]  }
0xbe: {  	v9 =	vld [tilespmem:s13+$0x0]  }
0xbf: {  	v10 =	vld [tilespmem:s13+$0xFFFFFFE0]  }
0xc0: {  	v11 =	vld [tilespmem:s13+$0xFFFFFFC0]  }
0xc1: {  	v12 =	vld [tilespmem:s13+$0xFFFFFFA0]  }
0xc2: {  	v14 =	vld [tilespmem:s13+$0xFFFFFF80]  }
0xc3: {  	v13 =	vimm.f32 $0.0e+00;
	v15 =	vld [tilespmem:s13+$0xFFFFFF60]  }
0xc4: {  	v16 =	vld [tilespmem:s13+$0xFFFFFF70];
	v2 =	vshll.u32 v3, $0x10;
	v1 =	vshll.u32 v0, $0x10;
	v0 =	vand.u32 $0xFFFF0000, v0  }
0xc5: {  	v5 =	vshll.u32 v4, $0x10;
	v4 =	vand.u32 $0xFFFF0000, v4;
	v3 =	vand.u32 $0xFFFF0000, v3  }
0xc6: {  	v8 =	vshll.u32 v9, $0x10;
	v7 =	vshll.u32 v6, $0x10;
	v6 =	vand.u32 $0xFFFF0000, v6  }
0xc7: {  	v17 =	vld [tilespmem:s13+$0xFFFFFF90];
	v18 =	vshll.u32 v10, $0x10;
	v19 =	vand.u32 $0xFFFF0000, v10;
	v9 =	vand.u32 $0xFFFF0000, v9  }
0xc8: {  	v10 =	vshll.u32 v12, $0x10;
	v20 =	vshll.u32 v11, $0x10;
	v21 =	vshll.u32 v14, $0x10  }
0xc9: {  	v22 =	vld [tilespmem:s13+$0xFFFFFFB0];
	v23 =	vshll.u32 v15, $0x10;
	v15 =	vand.u32 $0xFFFF0000, v15;
	v24 =	vshll.u32 v16, $0x10  }
0xca: {  	v16 =	vand.u32 $0xFFFF0000, v16;
	v23 =	vadd.f32 v23, v13;
	v15 =	vadd.f32 v15, v13  }
0xcb: {  	v25 =	vld [tilespmem:s13+$0xFFFFFFD0];
	v14 =	vand.u32 $0xFFFF0000, v14;
	v24 =	vadd.f32 v24, v13;
	v13 =	vadd.f32 v16, v13  }
0xcc: {  	v12 =	vand.u32 $0xFFFF0000, v12;
	v14 =	vadd.f32 v14, v15;
	v15 =	vand.u32 $0xFFFF0000, v17  }
0xcd: {  	v63 =	vld [tilespmem:s13+$0xFFFFFFF0];
	v16 =	vshll.u32 v17, $0x10;
	v21 =	vadd.f32 v21, v23;
	v13 =	vadd.f32 v15, v13  }
0xce: {  	v16 =	vadd.f32 v16, v24;
	v14 =	vadd.f32 v12, v14;
	v12 =	vand.u32 $0xFFFF0000, v22  }
0xcf: {  	v15 =	vshll.u32 v22, $0x10;
	v10 =	vadd.f32 v10, v21;
	v13 =	vadd.f32 v12, v13;
	v12 =	vld [tilespmem:s13+$0x10]  }
0xd0: {  	v11 =	vand.u32 $0xFFFF0000, v11;
	v17 =	vand.u32 $0xFFFF0000, v25;
	v15 =	vadd.f32 v15, v16  }
0xd1: {  	v16 =	vshll.u32 v25, $0x10;
	v20 =	vadd.f32 v20, v10;
	v11 =	vadd.f32 v11, v14;
	v10 =	vld [tilespmem:s13+$0x30]  }
0xd2: {  	v14 =	vadd.f32 v16, v15;
	v13 =	vadd.f32 v17, v13;
	v17 =	vshll.u32 v63, $0x10  }
0xd3: {  	s14 =	simm.s32 $0x0;
	s15 =	simm.s32 $0x82E0;
	v16 =	vadd.f32 v18, v20;
	v15 =	vadd.f32 v19, v11;
	v18 =	vand.u32 $0xFFFF0000, v63;
	v11 =	vld [tilespmem:s13+$0x50]  }
.LBB2_7:
0xd4: {  	v19 =	vld [tilespmem:s15+$0x80];
	v14 =	vadd.f32 v17, v14;
	v13 =	vadd.f32 v18, v13;
	v17 =	vshll.u32 v12, $0x10  }
0xd5: {  	v12 =	vand.u32 $0xFFFF0000, v12;
	v8 =	vadd.f32 v8, v16;
	v9 =	vadd.f32 v9, v15;
	v15 =	vld [tilespmem:s13+$0x70]  }
0xd6: {  	v14 =	vadd.f32 v17, v14;
	v12 =	vadd.f32 v12, v13;
	v13 =	vshll.u32 v10, $0x10;
	v16 =	vld [tilespmem:s13+$0x90];
	s13 =	smov.u32 s15  }
0xd7: {  	v17 =	vld [tilespmem:s15+$0x60];
	v7 =	vadd.f32 v7, v8;
	v6 =	vadd.f32 v6, v9;
	v8 =	vand.u32 $0xFFFF0000, v10  }
0xd8: {  	v9 =	vld [tilespmem:s15+$0x40];
	v10 =	vadd.f32 v13, v14;
	v8 =	vadd.f32 v8, v12;
	v12 =	vshll.u32 v11, $0x10  }
0xd9: {  	v13 =	vld [tilespmem:s15+$0x20];
	v5 =	vadd.f32 v5, v7;
	v4 =	vadd.f32 v4, v6;
	v6 =	vand.u32 $0xFFFF0000, v11  }
0xda: {  	v11 =	vld [tilespmem:s15+$0x0];
	v7 =	vadd.f32 v12, v10;
	v6 =	vadd.f32 v6, v8;
	v8 =	vshll.u32 v15, $0x10  }
0xdb: {  	v10 =	vld [tilespmem:s15+$0xFFFFFFE0];
	v2 =	vadd.f32 v2, v5;
	v3 =	vadd.f32 v3, v4;
	v4 =	vand.u32 $0xFFFF0000, v15  }
0xdc: {  	v12 =	vld [tilespmem:s15+$0xFFFFFFC0];
	v5 =	vadd.f32 v8, v7;
	v4 =	vadd.f32 v4, v6;
	v6 =	vshll.u32 v16, $0x10  }
0xdd: {  	v14 =	vld [tilespmem:s15+$0xFFFFFFA0];
	v15 =	vadd.f32 v1, v2;
	v18 =	vadd.f32 v0, v3;
	v0 =	vand.u32 $0xFFFF0000, v16  }
0xde: {  	v16 =	vld [tilespmem:s15+$0xFFFFFF80];
	v20 =	vadd.f32 v6, v5;
	v21 =	vadd.f32 v0, v4  }
0xdf: {  	v2 =	vshll.u32 v17, $0x10;
	v1 =	vshll.u32 v19, $0x10;
	v0 =	vand.u32 $0xFFFF0000, v19;
	v22 =	vld [tilespmem:s15+$0xFFFFFF60]  }
0xe0: {  	v3 =	vand.u32 $0xFFFF0000, v17;
	v5 =	vshll.u32 v9, $0x10;
	v4 =	vand.u32 $0xFFFF0000, v9;
	v19 =	vld [tilespmem:s15+$0xFFFFFF70]  }
0xe1: {  	s14 =	sadd.s32 $0xA, s14;
	v7 =	vshll.u32 v13, $0x10;
	v6 =	vand.u32 $0xFFFF0000, v13;
	v8 =	vshll.u32 v11, $0x10  }
0xe2: {  	p1 =	slt.u32 s14, $0x5A;
	v9 =	vand.u32 $0xFFFF0000, v11;
	v23 =	vshll.u32 v10, $0x10;
	v24 =	vand.u32 $0xFFFF0000, v10;
	v13 =	vld [tilespmem:s15+$0xFFFFFF90]  }
0xe3: {  	v11 =	vshll.u32 v12, $0x10;
	v17 =	vand.u32 $0xFFFF0000, v12;
	v10 =	vshll.u32 v14, $0x10  }
0xe4: {  	v14 =	vand.u32 $0xFFFF0000, v14;
	v12 =	vshll.u32 v16, $0x10;
	v16 =	vand.u32 $0xFFFF0000, v16;
	v25 =	vld [tilespmem:s15+$0xFFFFFFB0]  }
0xe5: {  	v26 =	vshll.u32 v22, $0x10;
	v22 =	vand.u32 $0xFFFF0000, v22;
	v27 =	vshll.u32 v19, $0x10  }
0xe6: {  	v15 =	vadd.f32 v26, v15;
	v18 =	vadd.f32 v22, v18;
	v19 =	vand.u32 $0xFFFF0000, v19;
	v22 =	vld [tilespmem:s15+$0xFFFFFFD0]  }
0xe7: {  	v20 =	vadd.f32 v27, v20;
	v19 =	vadd.f32 v19, v21;
	v21 =	vshll.u32 v13, $0x10  }
0xe8: {  	v12 =	vadd.f32 v12, v15;
	v15 =	vadd.f32 v16, v18;
	v13 =	vand.u32 $0xFFFF0000, v13;
	v18 =	vld [tilespmem:s15+$0xFFFFFFF0]  }
0xe9: {  	v16 =	vadd.f32 v21, v20;
	v13 =	vadd.f32 v13, v19;
	v19 =	vshll.u32 v25, $0x10  }
.Ltmp4:
0xea: {  	v10 =	vadd.f32 v10, v12;
	v14 =	vadd.f32 v14, v15;
	v15 =	vand.u32 $0xFFFF0000, v25;
	v12 =	vld [tilespmem:s15+$0x10];
	(pc) =	sbr.rel @p1 .LBB2_7-.Ltmp4, $4  }
0xeb: {  	v16 =	vadd.f32 v19, v16;
	v13 =	vadd.f32 v15, v13;
	v15 =	vshll.u32 v22, $0x10  }
0xec: {  	v11 =	vadd.f32 v11, v10;
	v19 =	vadd.f32 v17, v14;
	v17 =	vand.u32 $0xFFFF0000, v22;
	v10 =	vld [tilespmem:s15+$0x30]  }
0xed: {  	v14 =	vadd.f32 v15, v16;
	v13 =	vadd.f32 v17, v13;
	v17 =	vshll.u32 v18, $0x10  }
0xee: {  	s15 =	sadd.s32 $0x140, s15;
	v16 =	vadd.f32 v23, v11;
	v15 =	vadd.f32 v24, v19;
	v18 =	vand.u32 $0xFFFF0000, v18;
	v11 =	vld [tilespmem:s13+$0x50]  }
0xef: {  	_ = 	snop  }
0xf0: {  	v14 =	vadd.f32 v17, v14;
	v8 =	vadd.f32 v8, v16  }
0xf1: {  	v13 =	vadd.f32 v18, v13;
	v16 =	vshll.u32 v12, $0x10;
	v9 =	vadd.f32 v9, v15  }
0xf2: {  	v12 =	vand.u32 $0xFFFF0000, v12;
	v15 =	vld [tilespmem:s13+$0x70];
	v14 =	vadd.f32 v16, v14;
	v7 =	vadd.f32 v7, v8  }
0xf3: {  	v8 =	vadd.f32 v12, v13;
	v12 =	vshll.u32 v10, $0x10;
	v6 =	vadd.f32 v6, v9  }
0xf4: {  	v9 =	vld [tilespmem:s13+$0x90];
	v10 =	vand.u32 $0xFFFF0000, v10;
	v12 =	vadd.f32 v12, v14;
	v5 =	vadd.f32 v5, v7  }
0xf5: {  	v7 =	vadd.f32 v10, v8;
	v8 =	vshll.u32 v11, $0x10;
	v4 =	vadd.f32 v4, v6  }
0xf6: {  	v6 =	vand.u32 $0xFFFF0000, v11;
	v8 =	vadd.f32 v8, v12;
	v2 =	vadd.f32 v2, v5  }
0xf7: {  	v5 =	vadd.f32 v6, v7;
	v6 =	vshll.u32 v15, $0x10;
	v3 =	vadd.f32 v3, v4  }
0xf8: {  	v4 =	vand.u32 $0xFFFF0000, v15;
	v6 =	vadd.f32 v6, v8;
	v1 =	vadd.f32 v1, v2  }
0xf9: {  	v2 =	vadd.f32 v4, v5;
	v4 =	vshll.u32 v9, $0x10;
	v0 =	vadd.f32 v0, v3  }
0xfa: {  	v3 =	vand.u32 $0xFFFF0000, v9;
	v4 =	vadd.f32 v4, v6;
	[tilespmem:s11+$0xCC40] =	vst v1  }
0xfb: {  	v1 =	vadd.f32 v3, v2;
	[tilespmem:s11+$0xCC50] =	vst v0  }
0xfc: {  	[tilespmem:s11+$0xCC60] =	vst v4  }
0xfd: {  	s14 =	simm.s32 @!p0 $0x64;
	s15 =	simm.s32 @!p0 $0x7480;
	s13 =	sadd.s32 @!p0 $0x3A8, s12;
	[tilespmem:s11+$0xCC70] =	vst v1  }
0xfe: {  	[tilespmem:s15], [sflag:$0x2] =	stream.indirect.gather @!p0 [hbm4b:s3+s14], $0x20, s13, s14, $0xb8;
	[tilespmem:$0xEC00] =	vst v63  }
0xff: {  	_ =	swait.ge [sflag:s26], $0xC80  }
0x100: {  	[sflag:s26] =	ssyncset.done $0x0  }
0x101: {  	s13 =	simm.s32 $0x8E20;
	[sflag:s26] =	ssyncadd.s32 $0xFFFFF380  }
0x102: {  	v0 =	vld [tilespmem:s13+$0x80]  }
0x103: {  	v3 =	vld [tilespmem:s13+$0x60]  }
0x104: {  	v4 =	vld [tilespmem:s13+$0x40]  }
0x105: {  	v6 =	vld [tilespmem:s13+$0x20]  }
0x106: {  	v9 =	vld [tilespmem:s13+$0x0]  }
0x107: {  	v10 =	vld [tilespmem:s13+$0xFFFFFFE0]  }
0x108: {  	v11 =	vld [tilespmem:s13+$0xFFFFFFC0]  }
0x109: {  	v12 =	vld [tilespmem:s13+$0xFFFFFFA0]  }
0x10a: {  	v14 =	vld [tilespmem:s13+$0xFFFFFF80]  }
0x10b: {  	v13 =	vimm.f32 $0.0e+00;
	v15 =	vld [tilespmem:s13+$0xFFFFFF60]  }
0x10c: {  	v16 =	vld [tilespmem:s13+$0xFFFFFF70];
	v2 =	vshll.u32 v3, $0x10;
	v1 =	vshll.u32 v0, $0x10;
	v0 =	vand.u32 $0xFFFF0000, v0  }
0x10d: {  	v5 =	vshll.u32 v4, $0x10;
	v4 =	vand.u32 $0xFFFF0000, v4;
	v3 =	vand.u32 $0xFFFF0000, v3  }
0x10e: {  	v8 =	vshll.u32 v9, $0x10;
	v7 =	vshll.u32 v6, $0x10;
	v6 =	vand.u32 $0xFFFF0000, v6  }
0x10f: {  	v17 =	vld [tilespmem:s13+$0xFFFFFF90];
	v18 =	vshll.u32 v10, $0x10;
	v19 =	vand.u32 $0xFFFF0000, v10;
	v9 =	vand.u32 $0xFFFF0000, v9  }
0x110: {  	v10 =	vshll.u32 v12, $0x10;
	v20 =	vshll.u32 v11, $0x10;
	v21 =	vshll.u32 v14, $0x10  }
0x111: {  	v22 =	vld [tilespmem:s13+$0xFFFFFFB0];
	v23 =	vshll.u32 v15, $0x10;
	v15 =	vand.u32 $0xFFFF0000, v15;
	v24 =	vshll.u32 v16, $0x10  }
0x112: {  	v16 =	vand.u32 $0xFFFF0000, v16;
	v23 =	vadd.f32 v23, v13;
	v15 =	vadd.f32 v15, v13  }
0x113: {  	v25 =	vld [tilespmem:s13+$0xFFFFFFD0];
	v14 =	vand.u32 $0xFFFF0000, v14;
	v24 =	vadd.f32 v24, v13;
	v13 =	vadd.f32 v16, v13  }
0x114: {  	v12 =	vand.u32 $0xFFFF0000, v12;
	v14 =	vadd.f32 v14, v15;
	v15 =	vand.u32 $0xFFFF0000, v17  }
0x115: {  	v63 =	vld [tilespmem:s13+$0xFFFFFFF0];
	v16 =	vshll.u32 v17, $0x10;
	v21 =	vadd.f32 v21, v23;
	v13 =	vadd.f32 v15, v13  }
0x116: {  	v16 =	vadd.f32 v16, v24;
	v14 =	vadd.f32 v12, v14;
	v12 =	vand.u32 $0xFFFF0000, v22  }
0x117: {  	v15 =	vshll.u32 v22, $0x10;
	v10 =	vadd.f32 v10, v21;
	v13 =	vadd.f32 v12, v13;
	v12 =	vld [tilespmem:s13+$0x10]  }
0x118: {  	v11 =	vand.u32 $0xFFFF0000, v11;
	v17 =	vand.u32 $0xFFFF0000, v25;
	v15 =	vadd.f32 v15, v16  }
0x119: {  	v16 =	vshll.u32 v25, $0x10;
	v20 =	vadd.f32 v20, v10;
	v11 =	vadd.f32 v11, v14;
	v10 =	vld [tilespmem:s13+$0x30]  }
0x11a: {  	v14 =	vadd.f32 v16, v15;
	v13 =	vadd.f32 v17, v13;
	v17 =	vshll.u32 v63, $0x10  }
0x11b: {  	s14 =	simm.s32 $0x0;
	s15 =	simm.s32 $0x8F60;
	v16 =	vadd.f32 v18, v20;
	v15 =	vadd.f32 v19, v11;
	v18 =	vand.u32 $0xFFFF0000, v63;
	v11 =	vld [tilespmem:s13+$0x50]  }
.LBB2_9:
0x11c: {  	v19 =	vld [tilespmem:s15+$0x80];
	v14 =	vadd.f32 v17, v14;
	v13 =	vadd.f32 v18, v13;
	v17 =	vshll.u32 v12, $0x10  }
0x11d: {  	v12 =	vand.u32 $0xFFFF0000, v12;
	v8 =	vadd.f32 v8, v16;
	v9 =	vadd.f32 v9, v15;
	v15 =	vld [tilespmem:s13+$0x70]  }
0x11e: {  	v14 =	vadd.f32 v17, v14;
	v12 =	vadd.f32 v12, v13;
	v13 =	vshll.u32 v10, $0x10;
	v16 =	vld [tilespmem:s13+$0x90];
	s13 =	smov.u32 s15  }
0x11f: {  	v17 =	vld [tilespmem:s15+$0x60];
	v7 =	vadd.f32 v7, v8;
	v6 =	vadd.f32 v6, v9;
	v8 =	vand.u32 $0xFFFF0000, v10  }
0x120: {  	v9 =	vld [tilespmem:s15+$0x40];
	v10 =	vadd.f32 v13, v14;
	v8 =	vadd.f32 v8, v12;
	v12 =	vshll.u32 v11, $0x10  }
0x121: {  	v13 =	vld [tilespmem:s15+$0x20];
	v5 =	vadd.f32 v5, v7;
	v4 =	vadd.f32 v4, v6;
	v6 =	vand.u32 $0xFFFF0000, v11  }
0x122: {  	v11 =	vld [tilespmem:s15+$0x0];
	v7 =	vadd.f32 v12, v10;
	v6 =	vadd.f32 v6, v8;
	v8 =	vshll.u32 v15, $0x10  }
0x123: {  	v10 =	vld [tilespmem:s15+$0xFFFFFFE0];
	v2 =	vadd.f32 v2, v5;
	v3 =	vadd.f32 v3, v4;
	v4 =	vand.u32 $0xFFFF0000, v15  }
0x124: {  	v12 =	vld [tilespmem:s15+$0xFFFFFFC0];
	v5 =	vadd.f32 v8, v7;
	v4 =	vadd.f32 v4, v6;
	v6 =	vshll.u32 v16, $0x10  }
0x125: {  	v14 =	vld [tilespmem:s15+$0xFFFFFFA0];
	v15 =	vadd.f32 v1, v2;
	v18 =	vadd.f32 v0, v3;
	v0 =	vand.u32 $0xFFFF0000, v16  }
0x126: {  	v16 =	vld [tilespmem:s15+$0xFFFFFF80];
	v20 =	vadd.f32 v6, v5;
	v21 =	vadd.f32 v0, v4  }
0x127: {  	v2 =	vshll.u32 v17, $0x10;
	v1 =	vshll.u32 v19, $0x10;
	v0 =	vand.u32 $0xFFFF0000, v19;
	v22 =	vld [tilespmem:s15+$0xFFFFFF60]  }
0x128: {  	v3 =	vand.u32 $0xFFFF0000, v17;
	v5 =	vshll.u32 v9, $0x10;
	v4 =	vand.u32 $0xFFFF0000, v9;
	v19 =	vld [tilespmem:s15+$0xFFFFFF70]  }
0x129: {  	s14 =	sadd.s32 $0xA, s14;
	v7 =	vshll.u32 v13, $0x10;
	v6 =	vand.u32 $0xFFFF0000, v13;
	v8 =	vshll.u32 v11, $0x10  }
0x12a: {  	p1 =	slt.u32 s14, $0x5A;
	v9 =	vand.u32 $0xFFFF0000, v11;
	v23 =	vshll.u32 v10, $0x10;
	v24 =	vand.u32 $0xFFFF0000, v10;
	v13 =	vld [tilespmem:s15+$0xFFFFFF90]  }
0x12b: {  	v11 =	vshll.u32 v12, $0x10;
	v17 =	vand.u32 $0xFFFF0000, v12;
	v10 =	vshll.u32 v14, $0x10  }
0x12c: {  	v14 =	vand.u32 $0xFFFF0000, v14;
	v12 =	vshll.u32 v16, $0x10;
	v16 =	vand.u32 $0xFFFF0000, v16;
	v25 =	vld [tilespmem:s15+$0xFFFFFFB0]  }
0x12d: {  	v26 =	vshll.u32 v22, $0x10;
	v22 =	vand.u32 $0xFFFF0000, v22;
	v27 =	vshll.u32 v19, $0x10  }
0x12e: {  	v15 =	vadd.f32 v26, v15;
	v18 =	vadd.f32 v22, v18;
	v19 =	vand.u32 $0xFFFF0000, v19;
	v22 =	vld [tilespmem:s15+$0xFFFFFFD0]  }
0x12f: {  	v20 =	vadd.f32 v27, v20;
	v19 =	vadd.f32 v19, v21;
	v21 =	vshll.u32 v13, $0x10  }
0x130: {  	v12 =	vadd.f32 v12, v15;
	v15 =	vadd.f32 v16, v18;
	v13 =	vand.u32 $0xFFFF0000, v13;
	v18 =	vld [tilespmem:s15+$0xFFFFFFF0]  }
0x131: {  	v16 =	vadd.f32 v21, v20;
	v13 =	vadd.f32 v13, v19;
	v19 =	vshll.u32 v25, $0x10  }
.Ltmp5:
0x132: {  	v10 =	vadd.f32 v10, v12;
	v14 =	vadd.f32 v14, v15;
	v15 =	vand.u32 $0xFFFF0000, v25;
	v12 =	vld [tilespmem:s15+$0x10];
	(pc) =	sbr.rel @p1 .LBB2_9-.Ltmp5, $4  }
0x133: {  	v16 =	vadd.f32 v19, v16;
	v13 =	vadd.f32 v15, v13;
	v15 =	vshll.u32 v22, $0x10  }
0x134: {  	v11 =	vadd.f32 v11, v10;
	v19 =	vadd.f32 v17, v14;
	v17 =	vand.u32 $0xFFFF0000, v22;
	v10 =	vld [tilespmem:s15+$0x30]  }
0x135: {  	v14 =	vadd.f32 v15, v16;
	v13 =	vadd.f32 v17, v13;
	v17 =	vshll.u32 v18, $0x10  }
0x136: {  	s15 =	sadd.s32 $0x140, s15;
	v16 =	vadd.f32 v23, v11;
	v15 =	vadd.f32 v24, v19;
	v18 =	vand.u32 $0xFFFF0000, v18;
	v11 =	vld [tilespmem:s13+$0x50]  }
0x137: {  	_ = 	snop  }
0x138: {  	v14 =	vadd.f32 v17, v14;
	v8 =	vadd.f32 v8, v16  }
0x139: {  	v13 =	vadd.f32 v18, v13;
	v16 =	vshll.u32 v12, $0x10;
	v9 =	vadd.f32 v9, v15  }
0x13a: {  	v12 =	vand.u32 $0xFFFF0000, v12;
	v15 =	vld [tilespmem:s13+$0x70];
	v14 =	vadd.f32 v16, v14;
	v7 =	vadd.f32 v7, v8  }
0x13b: {  	v8 =	vadd.f32 v12, v13;
	v12 =	vshll.u32 v10, $0x10;
	v6 =	vadd.f32 v6, v9  }
0x13c: {  	v9 =	vld [tilespmem:s13+$0x90];
	v10 =	vand.u32 $0xFFFF0000, v10;
	v12 =	vadd.f32 v12, v14;
	v5 =	vadd.f32 v5, v7  }
0x13d: {  	v7 =	vadd.f32 v10, v8;
	v8 =	vshll.u32 v11, $0x10;
	v4 =	vadd.f32 v4, v6  }
0x13e: {  	v6 =	vand.u32 $0xFFFF0000, v11;
	v8 =	vadd.f32 v8, v12;
	v2 =	vadd.f32 v2, v5  }
0x13f: {  	v5 =	vadd.f32 v6, v7;
	v6 =	vshll.u32 v15, $0x10;
	v3 =	vadd.f32 v3, v4  }
0x140: {  	v4 =	vand.u32 $0xFFFF0000, v15;
	v6 =	vadd.f32 v6, v8;
	v1 =	vadd.f32 v1, v2  }
0x141: {  	v2 =	vadd.f32 v4, v5;
	v4 =	vshll.u32 v9, $0x10;
	v0 =	vadd.f32 v0, v3  }
0x142: {  	v3 =	vand.u32 $0xFFFF0000, v9;
	v4 =	vadd.f32 v4, v6;
	[tilespmem:s11+$0xCC40] =	vst.add.f32.msk $0xffff, v1  }
0x143: {  	v1 =	vadd.f32 v3, v2;
	[tilespmem:s11+$0xCC50] =	vst.add.f32.msk $0xffff, v0  }
0x144: {  	[tilespmem:s11+$0xCC60] =	vst.add.f32.msk $0xffff, v4  }
0x145: {  	s14 =	simm.s32 @!p0 $0x64;
	s15 =	simm.s32 @!p0 $0x8100;
	s13 =	sadd.s32 @!p0 $0x410, s12;
	[tilespmem:s11+$0xCC70] =	vst.add.f32.msk $0xffff, v1  }
0x146: {  	[tilespmem:s15], [sflag:$0x3] =	stream.indirect.gather @!p0 [hbm4b:s3+s14], $0x20, s13, s14, $0xb8;
	[tilespmem:$0xEC00] =	vst v63  }
0x147: {  	_ =	swait.ge [sflag:s28], $0xC80  }
0x148: {  	[sflag:s28] =	ssyncset.done $0x0  }
0x149: {  	s13 =	simm.s32 $0x9AA0;
	[sflag:s28] =	ssyncadd.s32 $0xFFFFF380  }
0x14a: {  	v0 =	vld [tilespmem:s13+$0x80]  }
0x14b: {  	v3 =	vld [tilespmem:s13+$0x60]  }
0x14c: {  	v4 =	vld [tilespmem:s13+$0x40]  }
0x14d: {  	v6 =	vld [tilespmem:s13+$0x20]  }
0x14e: {  	v9 =	vld [tilespmem:s13+$0x0]  }
0x14f: {  	v10 =	vld [tilespmem:s13+$0xFFFFFFE0]  }
0x150: {  	v11 =	vld [tilespmem:s13+$0xFFFFFFC0]  }
0x151: {  	v12 =	vld [tilespmem:s13+$0xFFFFFFA0]  }
0x152: {  	v14 =	vld [tilespmem:s13+$0xFFFFFF80]  }
0x153: {  	v13 =	vimm.f32 $0.0e+00;
	v15 =	vld [tilespmem:s13+$0xFFFFFF60]  }
0x154: {  	v16 =	vld [tilespmem:s13+$0xFFFFFF70];
	v2 =	vshll.u32 v3, $0x10;
	v1 =	vshll.u32 v0, $0x10;
	v0 =	vand.u32 $0xFFFF0000, v0  }
0x155: {  	v5 =	vshll.u32 v4, $0x10;
	v4 =	vand.u32 $0xFFFF0000, v4;
	v3 =	vand.u32 $0xFFFF0000, v3  }
0x156: {  	v8 =	vshll.u32 v9, $0x10;
	v7 =	vshll.u32 v6, $0x10;
	v6 =	vand.u32 $0xFFFF0000, v6  }
0x157: {  	v17 =	vld [tilespmem:s13+$0xFFFFFF90];
	v18 =	vshll.u32 v10, $0x10;
	v19 =	vand.u32 $0xFFFF0000, v10;
	v9 =	vand.u32 $0xFFFF0000, v9  }
0x158: {  	v10 =	vshll.u32 v12, $0x10;
	v20 =	vshll.u32 v11, $0x10;
	v21 =	vshll.u32 v14, $0x10  }
0x159: {  	v22 =	vld [tilespmem:s13+$0xFFFFFFB0];
	v23 =	vshll.u32 v15, $0x10;
	v15 =	vand.u32 $0xFFFF0000, v15;
	v24 =	vshll.u32 v16, $0x10  }
0x15a: {  	v16 =	vand.u32 $0xFFFF0000, v16;
	v23 =	vadd.f32 v23, v13;
	v15 =	vadd.f32 v15, v13  }
0x15b: {  	v25 =	vld [tilespmem:s13+$0xFFFFFFD0];
	v14 =	vand.u32 $0xFFFF0000, v14;
	v24 =	vadd.f32 v24, v13;
	v13 =	vadd.f32 v16, v13  }
0x15c: {  	v12 =	vand.u32 $0xFFFF0000, v12;
	v14 =	vadd.f32 v14, v15;
	v15 =	vand.u32 $0xFFFF0000, v17  }
0x15d: {  	v63 =	vld [tilespmem:s13+$0xFFFFFFF0];
	v16 =	vshll.u32 v17, $0x10;
	v21 =	vadd.f32 v21, v23;
	v13 =	vadd.f32 v15, v13  }
0x15e: {  	v16 =	vadd.f32 v16, v24;
	v14 =	vadd.f32 v12, v14;
	v12 =	vand.u32 $0xFFFF0000, v22  }
0x15f: {  	v15 =	vshll.u32 v22, $0x10;
	v10 =	vadd.f32 v10, v21;
	v13 =	vadd.f32 v12, v13;
	v12 =	vld [tilespmem:s13+$0x10]  }
0x160: {  	v11 =	vand.u32 $0xFFFF0000, v11;
	v17 =	vand.u32 $0xFFFF0000, v25;
	v15 =	vadd.f32 v15, v16  }
0x161: {  	v16 =	vshll.u32 v25, $0x10;
	v20 =	vadd.f32 v20, v10;
	v11 =	vadd.f32 v11, v14;
	v10 =	vld [tilespmem:s13+$0x30]  }
0x162: {  	v14 =	vadd.f32 v16, v15;
	v13 =	vadd.f32 v17, v13;
	v17 =	vshll.u32 v63, $0x10  }
0x163: {  	s14 =	simm.s32 $0x0;
	s15 =	simm.s32 $0x9BE0;
	v16 =	vadd.f32 v18, v20;
	v15 =	vadd.f32 v19, v11;
	v18 =	vand.u32 $0xFFFF0000, v63;
	v11 =	vld [tilespmem:s13+$0x50]  }
.LBB2_11:
0x164: {  	v19 =	vld [tilespmem:s15+$0x80];
	v14 =	vadd.f32 v17, v14;
	v13 =	vadd.f32 v18, v13;
	v17 =	vshll.u32 v12, $0x10  }
0x165: {  	v12 =	vand.u32 $0xFFFF0000, v12;
	v8 =	vadd.f32 v8, v16;
	v9 =	vadd.f32 v9, v15;
	v15 =	vld [tilespmem:s13+$0x70]  }
0x166: {  	v14 =	vadd.f32 v17, v14;
	v12 =	vadd.f32 v12, v13;
	v13 =	vshll.u32 v10, $0x10;
	v16 =	vld [tilespmem:s13+$0x90];
	s13 =	smov.u32 s15  }
0x167: {  	v17 =	vld [tilespmem:s15+$0x60];
	v7 =	vadd.f32 v7, v8;
	v6 =	vadd.f32 v6, v9;
	v8 =	vand.u32 $0xFFFF0000, v10  }
0x168: {  	v9 =	vld [tilespmem:s15+$0x40];
	v10 =	vadd.f32 v13, v14;
	v8 =	vadd.f32 v8, v12;
	v12 =	vshll.u32 v11, $0x10  }
0x169: {  	v13 =	vld [tilespmem:s15+$0x20];
	v5 =	vadd.f32 v5, v7;
	v4 =	vadd.f32 v4, v6;
	v6 =	vand.u32 $0xFFFF0000, v11  }
0x16a: {  	v11 =	vld [tilespmem:s15+$0x0];
	v7 =	vadd.f32 v12, v10;
	v6 =	vadd.f32 v6, v8;
	v8 =	vshll.u32 v15, $0x10  }
0x16b: {  	v10 =	vld [tilespmem:s15+$0xFFFFFFE0];
	v2 =	vadd.f32 v2, v5;
	v3 =	vadd.f32 v3, v4;
	v4 =	vand.u32 $0xFFFF0000, v15  }
0x16c: {  	v12 =	vld [tilespmem:s15+$0xFFFFFFC0];
	v5 =	vadd.f32 v8, v7;
	v4 =	vadd.f32 v4, v6;
	v6 =	vshll.u32 v16, $0x10  }
0x16d: {  	v14 =	vld [tilespmem:s15+$0xFFFFFFA0];
	v15 =	vadd.f32 v1, v2;
	v18 =	vadd.f32 v0, v3;
	v0 =	vand.u32 $0xFFFF0000, v16  }
0x16e: {  	v16 =	vld [tilespmem:s15+$0xFFFFFF80];
	v20 =	vadd.f32 v6, v5;
	v21 =	vadd.f32 v0, v4  }
0x16f: {  	v2 =	vshll.u32 v17, $0x10;
	v1 =	vshll.u32 v19, $0x10;
	v0 =	vand.u32 $0xFFFF0000, v19;
	v22 =	vld [tilespmem:s15+$0xFFFFFF60]  }
0x170: {  	v3 =	vand.u32 $0xFFFF0000, v17;
	v5 =	vshll.u32 v9, $0x10;
	v4 =	vand.u32 $0xFFFF0000, v9;
	v19 =	vld [tilespmem:s15+$0xFFFFFF70]  }
0x171: {  	s14 =	sadd.s32 $0xA, s14;
	v7 =	vshll.u32 v13, $0x10;
	v6 =	vand.u32 $0xFFFF0000, v13;
	v8 =	vshll.u32 v11, $0x10  }
0x172: {  	p1 =	slt.u32 s14, $0x5A;
	v9 =	vand.u32 $0xFFFF0000, v11;
	v23 =	vshll.u32 v10, $0x10;
	v24 =	vand.u32 $0xFFFF0000, v10;
	v13 =	vld [tilespmem:s15+$0xFFFFFF90]  }
0x173: {  	v11 =	vshll.u32 v12, $0x10;
	v17 =	vand.u32 $0xFFFF0000, v12;
	v10 =	vshll.u32 v14, $0x10  }
0x174: {  	v14 =	vand.u32 $0xFFFF0000, v14;
	v12 =	vshll.u32 v16, $0x10;
	v16 =	vand.u32 $0xFFFF0000, v16;
	v25 =	vld [tilespmem:s15+$0xFFFFFFB0]  }
0x175: {  	v26 =	vshll.u32 v22, $0x10;
	v22 =	vand.u32 $0xFFFF0000, v22;
	v27 =	vshll.u32 v19, $0x10  }
0x176: {  	v15 =	vadd.f32 v26, v15;
	v18 =	vadd.f32 v22, v18;
	v19 =	vand.u32 $0xFFFF0000, v19;
	v22 =	vld [tilespmem:s15+$0xFFFFFFD0]  }
0x177: {  	v20 =	vadd.f32 v27, v20;
	v19 =	vadd.f32 v19, v21;
	v21 =	vshll.u32 v13, $0x10  }
0x178: {  	v12 =	vadd.f32 v12, v15;
	v15 =	vadd.f32 v16, v18;
	v13 =	vand.u32 $0xFFFF0000, v13;
	v18 =	vld [tilespmem:s15+$0xFFFFFFF0]  }
0x179: {  	v16 =	vadd.f32 v21, v20;
	v13 =	vadd.f32 v13, v19;
	v19 =	vshll.u32 v25, $0x10  }
.Ltmp6:
0x17a: {  	v10 =	vadd.f32 v10, v12;
	v14 =	vadd.f32 v14, v15;
	v15 =	vand.u32 $0xFFFF0000, v25;
	v12 =	vld [tilespmem:s15+$0x10];
	(pc) =	sbr.rel @p1 .LBB2_11-.Ltmp6, $4  }
0x17b: {  	v16 =	vadd.f32 v19, v16;
	v13 =	vadd.f32 v15, v13;
	v15 =	vshll.u32 v22, $0x10  }
0x17c: {  	v11 =	vadd.f32 v11, v10;
	v19 =	vadd.f32 v17, v14;
	v17 =	vand.u32 $0xFFFF0000, v22;
	v10 =	vld [tilespmem:s15+$0x30]  }
0x17d: {  	v14 =	vadd.f32 v15, v16;
	v13 =	vadd.f32 v17, v13;
	v17 =	vshll.u32 v18, $0x10  }
0x17e: {  	s15 =	sadd.s32 $0x140, s15;
	v16 =	vadd.f32 v23, v11;
	v15 =	vadd.f32 v24, v19;
	v18 =	vand.u32 $0xFFFF0000, v18;
	v11 =	vld [tilespmem:s13+$0x50]  }
0x17f: {  	_ = 	snop  }
0x180: {  	v14 =	vadd.f32 v17, v14;
	v8 =	vadd.f32 v8, v16  }
0x181: {  	v13 =	vadd.f32 v18, v13;
	v16 =	vshll.u32 v12, $0x10;
	v9 =	vadd.f32 v9, v15  }
0x182: {  	v12 =	vand.u32 $0xFFFF0000, v12;
	v15 =	vld [tilespmem:s13+$0x70];
	v14 =	vadd.f32 v16, v14;
	v7 =	vadd.f32 v7, v8  }
0x183: {  	v8 =	vadd.f32 v12, v13;
	v12 =	vshll.u32 v10, $0x10;
	v6 =	vadd.f32 v6, v9  }
0x184: {  	v9 =	vld [tilespmem:s13+$0x90];
	v10 =	vand.u32 $0xFFFF0000, v10;
	v12 =	vadd.f32 v12, v14;
	v5 =	vadd.f32 v5, v7  }
0x185: {  	v7 =	vadd.f32 v10, v8;
	v8 =	vshll.u32 v11, $0x10;
	v4 =	vadd.f32 v4, v6  }
0x186: {  	v6 =	vand.u32 $0xFFFF0000, v11;
	v8 =	vadd.f32 v8, v12;
	v2 =	vadd.f32 v2, v5  }
0x187: {  	v5 =	vadd.f32 v6, v7;
	v6 =	vshll.u32 v15, $0x10;
	v3 =	vadd.f32 v3, v4  }
0x188: {  	v4 =	vand.u32 $0xFFFF0000, v15;
	v6 =	vadd.f32 v6, v8;
	v1 =	vadd.f32 v1, v2  }
0x189: {  	v2 =	vadd.f32 v4, v5;
	v4 =	vshll.u32 v9, $0x10;
	v0 =	vadd.f32 v0, v3  }
0x18a: {  	v3 =	vand.u32 $0xFFFF0000, v9;
	v4 =	vadd.f32 v4, v6;
	[tilespmem:s11+$0xCC80] =	vst v1  }
0x18b: {  	v1 =	vadd.f32 v3, v2;
	[tilespmem:s11+$0xCC90] =	vst v0  }
0x18c: {  	[tilespmem:s11+$0xCCA0] =	vst v4  }
0x18d: {  	s14 =	simm.s32 @!p0 $0x64;
	s15 =	simm.s32 @!p0 $0x8D80;
	s13 =	sadd.s32 @!p0 $0x478, s12;
	[tilespmem:s11+$0xCCB0] =	vst v1  }
0x18e: {  	[tilespmem:s15], [sflag:$0x4] =	stream.indirect.gather @!p0 [hbm4b:s3+s14], $0x20, s13, s14, $0xb8;
	[tilespmem:$0xEC00] =	vst v63  }
0x18f: {  	_ =	swait.ge [sflag:s29], $0xC80  }
0x190: {  	[sflag:s29] =	ssyncset.done $0x0  }
0x191: {  	s13 =	simm.s32 $0xA720;
	[sflag:s29] =	ssyncadd.s32 $0xFFFFF380  }
0x192: {  	v0 =	vld [tilespmem:s13+$0x80]  }
0x193: {  	v3 =	vld [tilespmem:s13+$0x60]  }
0x194: {  	v4 =	vld [tilespmem:s13+$0x40]  }
0x195: {  	v6 =	vld [tilespmem:s13+$0x20]  }
0x196: {  	v9 =	vld [tilespmem:s13+$0x0]  }
0x197: {  	v10 =	vld [tilespmem:s13+$0xFFFFFFE0]  }
0x198: {  	v11 =	vld [tilespmem:s13+$0xFFFFFFC0]  }
0x199: {  	v12 =	vld [tilespmem:s13+$0xFFFFFFA0]  }
0x19a: {  	v14 =	vld [tilespmem:s13+$0xFFFFFF80]  }
0x19b: {  	v13 =	vimm.f32 $0.0e+00;
	v15 =	vld [tilespmem:s13+$0xFFFFFF60]  }
0x19c: {  	v16 =	vld [tilespmem:s13+$0xFFFFFF70];
	v2 =	vshll.u32 v3, $0x10;
	v1 =	vshll.u32 v0, $0x10;
	v0 =	vand.u32 $0xFFFF0000, v0  }
0x19d: {  	v5 =	vshll.u32 v4, $0x10;
	v4 =	vand.u32 $0xFFFF0000, v4;
	v3 =	vand.u32 $0xFFFF0000, v3  }
0x19e: {  	v8 =	vshll.u32 v9, $0x10;
	v7 =	vshll.u32 v6, $0x10;
	v6 =	vand.u32 $0xFFFF0000, v6  }
0x19f: {  	v17 =	vld [tilespmem:s13+$0xFFFFFF90];
	v18 =	vshll.u32 v10, $0x10;
	v19 =	vand.u32 $0xFFFF0000, v10;
	v9 =	vand.u32 $0xFFFF0000, v9  }
0x1a0: {  	v10 =	vshll.u32 v12, $0x10;
	v20 =	vshll.u32 v11, $0x10;
	v21 =	vshll.u32 v14, $0x10  }
0x1a1: {  	v22 =	vld [tilespmem:s13+$0xFFFFFFB0];
	v23 =	vshll.u32 v15, $0x10;
	v15 =	vand.u32 $0xFFFF0000, v15;
	v24 =	vshll.u32 v16, $0x10  }
0x1a2: {  	v16 =	vand.u32 $0xFFFF0000, v16;
	v23 =	vadd.f32 v23, v13;
	v15 =	vadd.f32 v15, v13  }
0x1a3: {  	v25 =	vld [tilespmem:s13+$0xFFFFFFD0];
	v14 =	vand.u32 $0xFFFF0000, v14;
	v24 =	vadd.f32 v24, v13;
	v13 =	vadd.f32 v16, v13  }
0x1a4: {  	v12 =	vand.u32 $0xFFFF0000, v12;
	v14 =	vadd.f32 v14, v15;
	v15 =	vand.u32 $0xFFFF0000, v17  }
0x1a5: {  	v63 =	vld [tilespmem:s13+$0xFFFFFFF0];
	v16 =	vshll.u32 v17, $0x10;
	v21 =	vadd.f32 v21, v23;
	v13 =	vadd.f32 v15, v13  }
0x1a6: {  	v16 =	vadd.f32 v16, v24;
	v14 =	vadd.f32 v12, v14;
	v12 =	vand.u32 $0xFFFF0000, v22  }
0x1a7: {  	v15 =	vshll.u32 v22, $0x10;
	v10 =	vadd.f32 v10, v21;
	v13 =	vadd.f32 v12, v13;
	v12 =	vld [tilespmem:s13+$0x10]  }
0x1a8: {  	v11 =	vand.u32 $0xFFFF0000, v11;
	v17 =	vand.u32 $0xFFFF0000, v25;
	v15 =	vadd.f32 v15, v16  }
0x1a9: {  	v16 =	vshll.u32 v25, $0x10;
	v20 =	vadd.f32 v20, v10;
	v11 =	vadd.f32 v11, v14;
	v10 =	vld [tilespmem:s13+$0x30]  }
0x1aa: {  	v14 =	vadd.f32 v16, v15;
	v13 =	vadd.f32 v17, v13;
	v17 =	vshll.u32 v63, $0x10  }
0x1ab: {  	s14 =	simm.s32 $0x0;
	s15 =	simm.s32 $0xA860;
	v16 =	vadd.f32 v18, v20;
	v15 =	vadd.f32 v19, v11;
	v18 =	vand.u32 $0xFFFF0000, v63;
	v11 =	vld [tilespmem:s13+$0x50]  }
.LBB2_13:
0x1ac: {  	v19 =	vld [tilespmem:s15+$0x80];
	v14 =	vadd.f32 v17, v14;
	v13 =	vadd.f32 v18, v13;
	v17 =	vshll.u32 v12, $0x10  }
0x1ad: {  	v12 =	vand.u32 $0xFFFF0000, v12;
	v8 =	vadd.f32 v8, v16;
	v9 =	vadd.f32 v9, v15;
	v15 =	vld [tilespmem:s13+$0x70]  }
0x1ae: {  	v14 =	vadd.f32 v17, v14;
	v12 =	vadd.f32 v12, v13;
	v13 =	vshll.u32 v10, $0x10;
	v16 =	vld [tilespmem:s13+$0x90];
	s13 =	smov.u32 s15  }
0x1af: {  	v17 =	vld [tilespmem:s15+$0x60];
	v7 =	vadd.f32 v7, v8;
	v6 =	vadd.f32 v6, v9;
	v8 =	vand.u32 $0xFFFF0000, v10  }
0x1b0: {  	v9 =	vld [tilespmem:s15+$0x40];
	v10 =	vadd.f32 v13, v14;
	v8 =	vadd.f32 v8, v12;
	v12 =	vshll.u32 v11, $0x10  }
0x1b1: {  	v13 =	vld [tilespmem:s15+$0x20];
	v5 =	vadd.f32 v5, v7;
	v4 =	vadd.f32 v4, v6;
	v6 =	vand.u32 $0xFFFF0000, v11  }
0x1b2: {  	v11 =	vld [tilespmem:s15+$0x0];
	v7 =	vadd.f32 v12, v10;
	v6 =	vadd.f32 v6, v8;
	v8 =	vshll.u32 v15, $0x10  }
0x1b3: {  	v10 =	vld [tilespmem:s15+$0xFFFFFFE0];
	v2 =	vadd.f32 v2, v5;
	v3 =	vadd.f32 v3, v4;
	v4 =	vand.u32 $0xFFFF0000, v15  }
0x1b4: {  	v12 =	vld [tilespmem:s15+$0xFFFFFFC0];
	v5 =	vadd.f32 v8, v7;
	v4 =	vadd.f32 v4, v6;
	v6 =	vshll.u32 v16, $0x10  }
0x1b5: {  	v14 =	vld [tilespmem:s15+$0xFFFFFFA0];
	v15 =	vadd.f32 v1, v2;
	v18 =	vadd.f32 v0, v3;
	v0 =	vand.u32 $0xFFFF0000, v16  }
0x1b6: {  	v16 =	vld [tilespmem:s15+$0xFFFFFF80];
	v20 =	vadd.f32 v6, v5;
	v21 =	vadd.f32 v0, v4  }
0x1b7: {  	v2 =	vshll.u32 v17, $0x10;
	v1 =	vshll.u32 v19, $0x10;
	v0 =	vand.u32 $0xFFFF0000, v19;
	v22 =	vld [tilespmem:s15+$0xFFFFFF60]  }
0x1b8: {  	v3 =	vand.u32 $0xFFFF0000, v17;
	v5 =	vshll.u32 v9, $0x10;
	v4 =	vand.u32 $0xFFFF0000, v9;
	v19 =	vld [tilespmem:s15+$0xFFFFFF70]  }
0x1b9: {  	s14 =	sadd.s32 $0xA, s14;
	v7 =	vshll.u32 v13, $0x10;
	v6 =	vand.u32 $0xFFFF0000, v13;
	v8 =	vshll.u32 v11, $0x10  }
0x1ba: {  	p1 =	slt.u32 s14, $0x5A;
	v9 =	vand.u32 $0xFFFF0000, v11;
	v23 =	vshll.u32 v10, $0x10;
	v24 =	vand.u32 $0xFFFF0000, v10;
	v13 =	vld [tilespmem:s15+$0xFFFFFF90]  }
0x1bb: {  	v11 =	vshll.u32 v12, $0x10;
	v17 =	vand.u32 $0xFFFF0000, v12;
	v10 =	vshll.u32 v14, $0x10  }
0x1bc: {  	v14 =	vand.u32 $0xFFFF0000, v14;
	v12 =	vshll.u32 v16, $0x10;
	v16 =	vand.u32 $0xFFFF0000, v16;
	v25 =	vld [tilespmem:s15+$0xFFFFFFB0]  }
0x1bd: {  	v26 =	vshll.u32 v22, $0x10;
	v22 =	vand.u32 $0xFFFF0000, v22;
	v27 =	vshll.u32 v19, $0x10  }
0x1be: {  	v15 =	vadd.f32 v26, v15;
	v18 =	vadd.f32 v22, v18;
	v19 =	vand.u32 $0xFFFF0000, v19;
	v22 =	vld [tilespmem:s15+$0xFFFFFFD0]  }
0x1bf: {  	v20 =	vadd.f32 v27, v20;
	v19 =	vadd.f32 v19, v21;
	v21 =	vshll.u32 v13, $0x10  }
0x1c0: {  	v12 =	vadd.f32 v12, v15;
	v15 =	vadd.f32 v16, v18;
	v13 =	vand.u32 $0xFFFF0000, v13;
	v18 =	vld [tilespmem:s15+$0xFFFFFFF0]  }
0x1c1: {  	v16 =	vadd.f32 v21, v20;
	v13 =	vadd.f32 v13, v19;
	v19 =	vshll.u32 v25, $0x10  }
.Ltmp7:
0x1c2: {  	v10 =	vadd.f32 v10, v12;
	v14 =	vadd.f32 v14, v15;
	v15 =	vand.u32 $0xFFFF0000, v25;
	v12 =	vld [tilespmem:s15+$0x10];
	(pc) =	sbr.rel @p1 .LBB2_13-.Ltmp7, $4  }
0x1c3: {  	v16 =	vadd.f32 v19, v16;
	v13 =	vadd.f32 v15, v13;
	v15 =	vshll.u32 v22, $0x10  }
0x1c4: {  	v11 =	vadd.f32 v11, v10;
	v19 =	vadd.f32 v17, v14;
	v17 =	vand.u32 $0xFFFF0000, v22;
	v10 =	vld [tilespmem:s15+$0x30]  }
0x1c5: {  	v14 =	vadd.f32 v15, v16;
	v13 =	vadd.f32 v17, v13;
	v17 =	vshll.u32 v18, $0x10  }
0x1c6: {  	s15 =	sadd.s32 $0x140, s15;
	v16 =	vadd.f32 v23, v11;
	v15 =	vadd.f32 v24, v19;
	v18 =	vand.u32 $0xFFFF0000, v18;
	v11 =	vld [tilespmem:s13+$0x50]  }
0x1c7: {  	_ = 	snop  }
0x1c8: {  	v14 =	vadd.f32 v17, v14;
	v8 =	vadd.f32 v8, v16  }
0x1c9: {  	v13 =	vadd.f32 v18, v13;
	v16 =	vshll.u32 v12, $0x10;
	v9 =	vadd.f32 v9, v15  }
0x1ca: {  	v12 =	vand.u32 $0xFFFF0000, v12;
	v15 =	vld [tilespmem:s13+$0x70];
	v14 =	vadd.f32 v16, v14;
	v7 =	vadd.f32 v7, v8  }
0x1cb: {  	v8 =	vadd.f32 v12, v13;
	v12 =	vshll.u32 v10, $0x10;
	v6 =	vadd.f32 v6, v9  }
0x1cc: {  	v9 =	vld [tilespmem:s13+$0x90];
	v10 =	vand.u32 $0xFFFF0000, v10;
	v12 =	vadd.f32 v12, v14;
	v5 =	vadd.f32 v5, v7  }
0x1cd: {  	v7 =	vadd.f32 v10, v8;
	v8 =	vshll.u32 v11, $0x10;
	v4 =	vadd.f32 v4, v6  }
0x1ce: {  	v6 =	vand.u32 $0xFFFF0000, v11;
	v8 =	vadd.f32 v8, v12;
	v2 =	vadd.f32 v2, v5  }
0x1cf: {  	v5 =	vadd.f32 v6, v7;
	v6 =	vshll.u32 v15, $0x10;
	v3 =	vadd.f32 v3, v4  }
0x1d0: {  	v4 =	vand.u32 $0xFFFF0000, v15;
	v6 =	vadd.f32 v6, v8;
	v1 =	vadd.f32 v1, v2  }
0x1d1: {  	v2 =	vadd.f32 v4, v5;
	v4 =	vshll.u32 v9, $0x10;
	v0 =	vadd.f32 v0, v3  }
0x1d2: {  	v3 =	vand.u32 $0xFFFF0000, v9;
	v4 =	vadd.f32 v4, v6;
	[tilespmem:s11+$0xCC80] =	vst.add.f32.msk $0xffff, v1  }
0x1d3: {  	v1 =	vadd.f32 v3, v2;
	[tilespmem:s11+$0xCC90] =	vst.add.f32.msk $0xffff, v0  }
0x1d4: {  	[tilespmem:s11+$0xCCA0] =	vst.add.f32.msk $0xffff, v4  }
0x1d5: {  	s14 =	simm.s32 @!p0 $0x64;
	s15 =	simm.s32 @!p0 $0x9A00;
	s13 =	sadd.s32 @!p0 $0x4E0, s12;
	[tilespmem:s11+$0xCCB0] =	vst.add.f32.msk $0xffff, v1  }
0x1d6: {  	[tilespmem:s15], [sflag:$0x5] =	stream.indirect.gather @!p0 [hbm4b:s3+s14], $0x20, s13, s14, $0xb8;
	[tilespmem:$0xEC00] =	vst v63  }
0x1d7: {  	_ =	swait.ge [sflag:s30], $0xC80  }
0x1d8: {  	[sflag:s30] =	ssyncset.done $0x0  }
0x1d9: {  	s13 =	simm.s32 $0xB3A0;
	[sflag:s30] =	ssyncadd.s32 $0xFFFFF380  }
0x1da: {  	v0 =	vld [tilespmem:s13+$0x80]  }
0x1db: {  	v3 =	vld [tilespmem:s13+$0x60]  }
0x1dc: {  	v4 =	vld [tilespmem:s13+$0x40]  }
0x1dd: {  	v6 =	vld [tilespmem:s13+$0x20]  }
0x1de: {  	v9 =	vld [tilespmem:s13+$0x0]  }
0x1df: {  	v10 =	vld [tilespmem:s13+$0xFFFFFFE0]  }
0x1e0: {  	v11 =	vld [tilespmem:s13+$0xFFFFFFC0]  }
0x1e1: {  	v12 =	vld [tilespmem:s13+$0xFFFFFFA0]  }
0x1e2: {  	v14 =	vld [tilespmem:s13+$0xFFFFFF80]  }
0x1e3: {  	v13 =	vimm.f32 $0.0e+00;
	v15 =	vld [tilespmem:s13+$0xFFFFFF60]  }
0x1e4: {  	v16 =	vld [tilespmem:s13+$0xFFFFFF70];
	v2 =	vshll.u32 v3, $0x10;
	v1 =	vshll.u32 v0, $0x10;
	v0 =	vand.u32 $0xFFFF0000, v0  }
0x1e5: {  	v5 =	vshll.u32 v4, $0x10;
	v4 =	vand.u32 $0xFFFF0000, v4;
	v3 =	vand.u32 $0xFFFF0000, v3  }
0x1e6: {  	v8 =	vshll.u32 v9, $0x10;
	v7 =	vshll.u32 v6, $0x10;
	v6 =	vand.u32 $0xFFFF0000, v6  }
0x1e7: {  	v17 =	vld [tilespmem:s13+$0xFFFFFF90];
	v18 =	vshll.u32 v10, $0x10;
	v19 =	vand.u32 $0xFFFF0000, v10;
	v9 =	vand.u32 $0xFFFF0000, v9  }
0x1e8: {  	v10 =	vshll.u32 v12, $0x10;
	v20 =	vshll.u32 v11, $0x10;
	v21 =	vshll.u32 v14, $0x10  }
0x1e9: {  	v22 =	vld [tilespmem:s13+$0xFFFFFFB0];
	v23 =	vshll.u32 v15, $0x10;
	v15 =	vand.u32 $0xFFFF0000, v15;
	v24 =	vshll.u32 v16, $0x10  }
0x1ea: {  	v16 =	vand.u32 $0xFFFF0000, v16;
	v23 =	vadd.f32 v23, v13;
	v15 =	vadd.f32 v15, v13  }
0x1eb: {  	v25 =	vld [tilespmem:s13+$0xFFFFFFD0];
	v14 =	vand.u32 $0xFFFF0000, v14;
	v24 =	vadd.f32 v24, v13;
	v13 =	vadd.f32 v16, v13  }
0x1ec: {  	v12 =	vand.u32 $0xFFFF0000, v12;
	v14 =	vadd.f32 v14, v15;
	v15 =	vand.u32 $0xFFFF0000, v17  }
0x1ed: {  	v63 =	vld [tilespmem:s13+$0xFFFFFFF0];
	v16 =	vshll.u32 v17, $0x10;
	v21 =	vadd.f32 v21, v23;
	v13 =	vadd.f32 v15, v13  }
0x1ee: {  	v16 =	vadd.f32 v16, v24;
	v14 =	vadd.f32 v12, v14;
	v12 =	vand.u32 $0xFFFF0000, v22  }
0x1ef: {  	v15 =	vshll.u32 v22, $0x10;
	v10 =	vadd.f32 v10, v21;
	v13 =	vadd.f32 v12, v13;
	v12 =	vld [tilespmem:s13+$0x10]  }
0x1f0: {  	v11 =	vand.u32 $0xFFFF0000, v11;
	v17 =	vand.u32 $0xFFFF0000, v25;
	v15 =	vadd.f32 v15, v16  }
0x1f1: {  	v16 =	vshll.u32 v25, $0x10;
	v20 =	vadd.f32 v20, v10;
	v11 =	vadd.f32 v11, v14;
	v10 =	vld [tilespmem:s13+$0x30]  }
0x1f2: {  	v14 =	vadd.f32 v16, v15;
	v13 =	vadd.f32 v17, v13;
	v17 =	vshll.u32 v63, $0x10  }
0x1f3: {  	s14 =	simm.s32 $0x0;
	s15 =	simm.s32 $0xB4E0;
	v16 =	vadd.f32 v18, v20;
	v15 =	vadd.f32 v19, v11;
	v18 =	vand.u32 $0xFFFF0000, v63;
	v11 =	vld [tilespmem:s13+$0x50]  }
.LBB2_15:
0x1f4: {  	v19 =	vld [tilespmem:s15+$0x80];
	v14 =	vadd.f32 v17, v14;
	v13 =	vadd.f32 v18, v13;
	v17 =	vshll.u32 v12, $0x10  }
0x1f5: {  	v12 =	vand.u32 $0xFFFF0000, v12;
	v8 =	vadd.f32 v8, v16;
	v9 =	vadd.f32 v9, v15;
	v15 =	vld [tilespmem:s13+$0x70]  }
0x1f6: {  	v14 =	vadd.f32 v17, v14;
	v12 =	vadd.f32 v12, v13;
	v13 =	vshll.u32 v10, $0x10;
	v16 =	vld [tilespmem:s13+$0x90];
	s13 =	smov.u32 s15  }
0x1f7: {  	v17 =	vld [tilespmem:s15+$0x60];
	v7 =	vadd.f32 v7, v8;
	v6 =	vadd.f32 v6, v9;
	v8 =	vand.u32 $0xFFFF0000, v10  }
0x1f8: {  	v9 =	vld [tilespmem:s15+$0x40];
	v10 =	vadd.f32 v13, v14;
	v8 =	vadd.f32 v8, v12;
	v12 =	vshll.u32 v11, $0x10  }
0x1f9: {  	v13 =	vld [tilespmem:s15+$0x20];
	v5 =	vadd.f32 v5, v7;
	v4 =	vadd.f32 v4, v6;
	v6 =	vand.u32 $0xFFFF0000, v11  }
0x1fa: {  	v11 =	vld [tilespmem:s15+$0x0];
	v7 =	vadd.f32 v12, v10;
	v6 =	vadd.f32 v6, v8;
	v8 =	vshll.u32 v15, $0x10  }
0x1fb: {  	v10 =	vld [tilespmem:s15+$0xFFFFFFE0];
	v2 =	vadd.f32 v2, v5;
	v3 =	vadd.f32 v3, v4;
	v4 =	vand.u32 $0xFFFF0000, v15  }
0x1fc: {  	v12 =	vld [tilespmem:s15+$0xFFFFFFC0];
	v5 =	vadd.f32 v8, v7;
	v4 =	vadd.f32 v4, v6;
	v6 =	vshll.u32 v16, $0x10  }
0x1fd: {  	v14 =	vld [tilespmem:s15+$0xFFFFFFA0];
	v15 =	vadd.f32 v1, v2;
	v18 =	vadd.f32 v0, v3;
	v0 =	vand.u32 $0xFFFF0000, v16  }
0x1fe: {  	v16 =	vld [tilespmem:s15+$0xFFFFFF80];
	v20 =	vadd.f32 v6, v5;
	v21 =	vadd.f32 v0, v4  }
0x1ff: {  	v2 =	vshll.u32 v17, $0x10;
	v1 =	vshll.u32 v19, $0x10;
	v0 =	vand.u32 $0xFFFF0000, v19;
	v22 =	vld [tilespmem:s15+$0xFFFFFF60]  }
0x200: {  	v3 =	vand.u32 $0xFFFF0000, v17;
	v5 =	vshll.u32 v9, $0x10;
	v4 =	vand.u32 $0xFFFF0000, v9;
	v19 =	vld [tilespmem:s15+$0xFFFFFF70]  }
0x201: {  	s14 =	sadd.s32 $0xA, s14;
	v7 =	vshll.u32 v13, $0x10;
	v6 =	vand.u32 $0xFFFF0000, v13;
	v8 =	vshll.u32 v11, $0x10  }
0x202: {  	p1 =	slt.u32 s14, $0x5A;
	v9 =	vand.u32 $0xFFFF0000, v11;
	v23 =	vshll.u32 v10, $0x10;
	v24 =	vand.u32 $0xFFFF0000, v10;
	v13 =	vld [tilespmem:s15+$0xFFFFFF90]  }
0x203: {  	v11 =	vshll.u32 v12, $0x10;
	v17 =	vand.u32 $0xFFFF0000, v12;
	v10 =	vshll.u32 v14, $0x10  }
0x204: {  	v14 =	vand.u32 $0xFFFF0000, v14;
	v12 =	vshll.u32 v16, $0x10;
	v16 =	vand.u32 $0xFFFF0000, v16;
	v25 =	vld [tilespmem:s15+$0xFFFFFFB0]  }
0x205: {  	v26 =	vshll.u32 v22, $0x10;
	v22 =	vand.u32 $0xFFFF0000, v22;
	v27 =	vshll.u32 v19, $0x10  }
0x206: {  	v15 =	vadd.f32 v26, v15;
	v18 =	vadd.f32 v22, v18;
	v19 =	vand.u32 $0xFFFF0000, v19;
	v22 =	vld [tilespmem:s15+$0xFFFFFFD0]  }
0x207: {  	v20 =	vadd.f32 v27, v20;
	v19 =	vadd.f32 v19, v21;
	v21 =	vshll.u32 v13, $0x10  }
0x208: {  	v12 =	vadd.f32 v12, v15;
	v15 =	vadd.f32 v16, v18;
	v13 =	vand.u32 $0xFFFF0000, v13;
	v18 =	vld [tilespmem:s15+$0xFFFFFFF0]  }
0x209: {  	v16 =	vadd.f32 v21, v20;
	v13 =	vadd.f32 v13, v19;
	v19 =	vshll.u32 v25, $0x10  }
.Ltmp8:
0x20a: {  	v10 =	vadd.f32 v10, v12;
	v14 =	vadd.f32 v14, v15;
	v15 =	vand.u32 $0xFFFF0000, v25;
	v12 =	vld [tilespmem:s15+$0x10];
	(pc) =	sbr.rel @p1 .LBB2_15-.Ltmp8, $4  }
0x20b: {  	v16 =	vadd.f32 v19, v16;
	v13 =	vadd.f32 v15, v13;
	v15 =	vshll.u32 v22, $0x10  }
0x20c: {  	v11 =	vadd.f32 v11, v10;
	v19 =	vadd.f32 v17, v14;
	v17 =	vand.u32 $0xFFFF0000, v22;
	v10 =	vld [tilespmem:s15+$0x30]  }
0x20d: {  	v14 =	vadd.f32 v15, v16;
	v13 =	vadd.f32 v17, v13;
	v17 =	vshll.u32 v18, $0x10  }
0x20e: {  	s15 =	sadd.s32 $0x140, s15;
	v16 =	vadd.f32 v23, v11;
	v15 =	vadd.f32 v24, v19;
	v18 =	vand.u32 $0xFFFF0000, v18;
	v11 =	vld [tilespmem:s13+$0x50]  }
0x20f: {  	_ = 	snop  }
0x210: {  	v14 =	vadd.f32 v17, v14;
	v8 =	vadd.f32 v8, v16  }
0x211: {  	v13 =	vadd.f32 v18, v13;
	v16 =	vshll.u32 v12, $0x10;
	v9 =	vadd.f32 v9, v15  }
0x212: {  	v12 =	vand.u32 $0xFFFF0000, v12;
	v15 =	vld [tilespmem:s13+$0x70];
	v14 =	vadd.f32 v16, v14;
	v7 =	vadd.f32 v7, v8  }
0x213: {  	v8 =	vadd.f32 v12, v13;
	v12 =	vshll.u32 v10, $0x10;
	v6 =	vadd.f32 v6, v9  }
0x214: {  	v9 =	vld [tilespmem:s13+$0x90];
	v10 =	vand.u32 $0xFFFF0000, v10;
	v12 =	vadd.f32 v12, v14;
	v5 =	vadd.f32 v5, v7  }
0x215: {  	v7 =	vadd.f32 v10, v8;
	v8 =	vshll.u32 v11, $0x10;
	v4 =	vadd.f32 v4, v6  }
0x216: {  	v6 =	vand.u32 $0xFFFF0000, v11;
	v8 =	vadd.f32 v8, v12;
	v2 =	vadd.f32 v2, v5  }
0x217: {  	v5 =	vadd.f32 v6, v7;
	v6 =	vshll.u32 v15, $0x10;
	v3 =	vadd.f32 v3, v4  }
0x218: {  	v4 =	vand.u32 $0xFFFF0000, v15;
	v6 =	vadd.f32 v6, v8;
	v1 =	vadd.f32 v1, v2  }
0x219: {  	v2 =	vadd.f32 v4, v5;
	v4 =	vshll.u32 v9, $0x10;
	v0 =	vadd.f32 v0, v3  }
0x21a: {  	v3 =	vand.u32 $0xFFFF0000, v9;
	v4 =	vadd.f32 v4, v6;
	[tilespmem:s11+$0xCCC0] =	vst v1  }
0x21b: {  	v1 =	vadd.f32 v3, v2;
	[tilespmem:s11+$0xCCD0] =	vst v0  }
0x21c: {  	[tilespmem:s11+$0xCCE0] =	vst v4  }
0x21d: {  	s13 =	simm.s32 @!p0 $0xA680;
	[tilespmem:s11+$0xCCF0] =	vst v1;
	s11 =	sadd.s32 @!p0 $0x548, s12;
	s12 =	simm.s32 @!p0 $0x64  }
0x21e: {  	[tilespmem:s13], [sflag:$0x6] =	stream.indirect.gather @!p0 [hbm4b:s3+s12], $0x20, s11, s12, $0xb8;
	[tilespmem:$0xEC00] =	vst v63  }
0x21f: {  	_ =	swait.ge [sflag:s31], $0xC80  }
0x220: {  	[sflag:s31] =	ssyncset.done $0x0  }
0x221: {  	s11 =	simm.s32 $0xC020;
	[sflag:s31] =	ssyncadd.s32 $0xFFFFF380  }
0x222: {  	v0 =	vld [tilespmem:s11+$0x80]  }
0x223: {  	v3 =	vld [tilespmem:s11+$0x60]  }
0x224: {  	v4 =	vld [tilespmem:s11+$0x40]  }
0x225: {  	v6 =	vld [tilespmem:s11+$0x20]  }
0x226: {  	v9 =	vld [tilespmem:s11+$0x0]  }
0x227: {  	v10 =	vld [tilespmem:s11+$0xFFFFFFE0]  }
0x228: {  	v11 =	vld [tilespmem:s11+$0xFFFFFFC0]  }
0x229: {  	v12 =	vld [tilespmem:s11+$0xFFFFFFA0]  }
0x22a: {  	v14 =	vld [tilespmem:s11+$0xFFFFFF80]  }
0x22b: {  	v13 =	vimm.f32 $0.0e+00;
	v15 =	vld [tilespmem:s11+$0xFFFFFF60]  }
0x22c: {  	v16 =	vld [tilespmem:s11+$0xFFFFFF70];
	v2 =	vshll.u32 v3, $0x10;
	v1 =	vshll.u32 v0, $0x10;
	v0 =	vand.u32 $0xFFFF0000, v0  }
0x22d: {  	v5 =	vshll.u32 v4, $0x10;
	v4 =	vand.u32 $0xFFFF0000, v4;
	v3 =	vand.u32 $0xFFFF0000, v3  }
0x22e: {  	v8 =	vshll.u32 v9, $0x10;
	v7 =	vshll.u32 v6, $0x10;
	v6 =	vand.u32 $0xFFFF0000, v6  }
0x22f: {  	v17 =	vld [tilespmem:s11+$0xFFFFFF90];
	v18 =	vshll.u32 v10, $0x10;
	v19 =	vand.u32 $0xFFFF0000, v10;
	v9 =	vand.u32 $0xFFFF0000, v9  }
0x230: {  	v10 =	vshll.u32 v12, $0x10;
	v20 =	vshll.u32 v11, $0x10;
	v21 =	vshll.u32 v14, $0x10  }
0x231: {  	v22 =	vld [tilespmem:s11+$0xFFFFFFB0];
	v23 =	vshll.u32 v15, $0x10;
	v15 =	vand.u32 $0xFFFF0000, v15;
	v24 =	vshll.u32 v16, $0x10  }
0x232: {  	v16 =	vand.u32 $0xFFFF0000, v16;
	v23 =	vadd.f32 v23, v13;
	v15 =	vadd.f32 v15, v13  }
0x233: {  	v25 =	vld [tilespmem:s11+$0xFFFFFFD0];
	v14 =	vand.u32 $0xFFFF0000, v14;
	v24 =	vadd.f32 v24, v13;
	v13 =	vadd.f32 v16, v13  }
0x234: {  	v12 =	vand.u32 $0xFFFF0000, v12;
	v14 =	vadd.f32 v14, v15;
	v15 =	vand.u32 $0xFFFF0000, v17  }
0x235: {  	v63 =	vld [tilespmem:s11+$0xFFFFFFF0];
	v16 =	vshll.u32 v17, $0x10;
	v21 =	vadd.f32 v21, v23;
	v13 =	vadd.f32 v15, v13  }
0x236: {  	v16 =	vadd.f32 v16, v24;
	v14 =	vadd.f32 v12, v14;
	v12 =	vand.u32 $0xFFFF0000, v22  }
0x237: {  	v15 =	vshll.u32 v22, $0x10;
	v10 =	vadd.f32 v10, v21;
	v13 =	vadd.f32 v12, v13;
	v12 =	vld [tilespmem:s11+$0x10]  }
0x238: {  	v11 =	vand.u32 $0xFFFF0000, v11;
	v17 =	vand.u32 $0xFFFF0000, v25;
	v15 =	vadd.f32 v15, v16  }
0x239: {  	v16 =	vshll.u32 v25, $0x10;
	v20 =	vadd.f32 v20, v10;
	v11 =	vadd.f32 v11, v14;
	v10 =	vld [tilespmem:s11+$0x30]  }
0x23a: {  	v14 =	vadd.f32 v16, v15;
	v13 =	vadd.f32 v17, v13;
	v17 =	vshll.u32 v63, $0x10  }
0x23b: {  	s12 =	simm.s32 $0x0;
	s13 =	simm.s32 $0xC160;
	v16 =	vadd.f32 v18, v20;
	v15 =	vadd.f32 v19, v11;
	v18 =	vand.u32 $0xFFFF0000, v63;
	v11 =	vld [tilespmem:s11+$0x50]  }
.LBB2_17:
0x23c: {  	v19 =	vld [tilespmem:s13+$0x80];
	v14 =	vadd.f32 v17, v14;
	v13 =	vadd.f32 v18, v13;
	v17 =	vshll.u32 v12, $0x10  }
0x23d: {  	v12 =	vand.u32 $0xFFFF0000, v12;
	v8 =	vadd.f32 v8, v16;
	v9 =	vadd.f32 v9, v15;
	v15 =	vld [tilespmem:s11+$0x70]  }
0x23e: {  	v14 =	vadd.f32 v17, v14;
	v12 =	vadd.f32 v12, v13;
	v13 =	vshll.u32 v10, $0x10;
	v16 =	vld [tilespmem:s11+$0x90];
	s11 =	smov.u32 s13  }
0x23f: {  	v17 =	vld [tilespmem:s13+$0x60];
	v7 =	vadd.f32 v7, v8;
	v6 =	vadd.f32 v6, v9;
	v8 =	vand.u32 $0xFFFF0000, v10  }
0x240: {  	v9 =	vld [tilespmem:s13+$0x40];
	v10 =	vadd.f32 v13, v14;
	v8 =	vadd.f32 v8, v12;
	v12 =	vshll.u32 v11, $0x10  }
0x241: {  	v13 =	vld [tilespmem:s13+$0x20];
	v5 =	vadd.f32 v5, v7;
	v4 =	vadd.f32 v4, v6;
	v6 =	vand.u32 $0xFFFF0000, v11  }
0x242: {  	v11 =	vld [tilespmem:s13+$0x0];
	v7 =	vadd.f32 v12, v10;
	v6 =	vadd.f32 v6, v8;
	v8 =	vshll.u32 v15, $0x10  }
0x243: {  	v10 =	vld [tilespmem:s13+$0xFFFFFFE0];
	v2 =	vadd.f32 v2, v5;
	v3 =	vadd.f32 v3, v4;
	v4 =	vand.u32 $0xFFFF0000, v15  }
0x244: {  	v12 =	vld [tilespmem:s13+$0xFFFFFFC0];
	v5 =	vadd.f32 v8, v7;
	v4 =	vadd.f32 v4, v6;
	v6 =	vshll.u32 v16, $0x10  }
0x245: {  	v14 =	vld [tilespmem:s13+$0xFFFFFFA0];
	v15 =	vadd.f32 v1, v2;
	v18 =	vadd.f32 v0, v3;
	v0 =	vand.u32 $0xFFFF0000, v16  }
0x246: {  	v16 =	vld [tilespmem:s13+$0xFFFFFF80];
	v20 =	vadd.f32 v6, v5;
	v21 =	vadd.f32 v0, v4  }
0x247: {  	v2 =	vshll.u32 v17, $0x10;
	v1 =	vshll.u32 v19, $0x10;
	v0 =	vand.u32 $0xFFFF0000, v19;
	v22 =	vld [tilespmem:s13+$0xFFFFFF60]  }
0x248: {  	v3 =	vand.u32 $0xFFFF0000, v17;
	v5 =	vshll.u32 v9, $0x10;
	v4 =	vand.u32 $0xFFFF0000, v9;
	v19 =	vld [tilespmem:s13+$0xFFFFFF70]  }
0x249: {  	s12 =	sadd.s32 $0xA, s12;
	v7 =	vshll.u32 v13, $0x10;
	v6 =	vand.u32 $0xFFFF0000, v13;
	v8 =	vshll.u32 v11, $0x10  }
0x24a: {  	p1 =	slt.u32 s12, $0x5A;
	v9 =	vand.u32 $0xFFFF0000, v11;
	v23 =	vshll.u32 v10, $0x10;
	v24 =	vand.u32 $0xFFFF0000, v10;
	v13 =	vld [tilespmem:s13+$0xFFFFFF90]  }
0x24b: {  	v11 =	vshll.u32 v12, $0x10;
	v17 =	vand.u32 $0xFFFF0000, v12;
	v10 =	vshll.u32 v14, $0x10  }
0x24c: {  	v14 =	vand.u32 $0xFFFF0000, v14;
	v12 =	vshll.u32 v16, $0x10;
	v16 =	vand.u32 $0xFFFF0000, v16;
	v25 =	vld [tilespmem:s13+$0xFFFFFFB0]  }
0x24d: {  	v26 =	vshll.u32 v22, $0x10;
	v22 =	vand.u32 $0xFFFF0000, v22;
	v27 =	vshll.u32 v19, $0x10  }
0x24e: {  	v15 =	vadd.f32 v26, v15;
	v18 =	vadd.f32 v22, v18;
	v19 =	vand.u32 $0xFFFF0000, v19;
	v22 =	vld [tilespmem:s13+$0xFFFFFFD0]  }
0x24f: {  	v20 =	vadd.f32 v27, v20;
	v19 =	vadd.f32 v19, v21;
	v21 =	vshll.u32 v13, $0x10  }
0x250: {  	v12 =	vadd.f32 v12, v15;
	v15 =	vadd.f32 v16, v18;
	v13 =	vand.u32 $0xFFFF0000, v13;
	v18 =	vld [tilespmem:s13+$0xFFFFFFF0]  }
0x251: {  	v16 =	vadd.f32 v21, v20;
	v13 =	vadd.f32 v13, v19;
	v19 =	vshll.u32 v25, $0x10  }
.Ltmp9:
0x252: {  	v10 =	vadd.f32 v10, v12;
	v14 =	vadd.f32 v14, v15;
	v15 =	vand.u32 $0xFFFF0000, v25;
	v12 =	vld [tilespmem:s13+$0x10];
	(pc) =	sbr.rel @p1 .LBB2_17-.Ltmp9, $4  }
0x253: {  	v16 =	vadd.f32 v19, v16;
	v13 =	vadd.f32 v15, v13;
	v15 =	vshll.u32 v22, $0x10  }
0x254: {  	v11 =	vadd.f32 v11, v10;
	v19 =	vadd.f32 v17, v14;
	v17 =	vand.u32 $0xFFFF0000, v22;
	v10 =	vld [tilespmem:s13+$0x30]  }
0x255: {  	v14 =	vadd.f32 v15, v16;
	v13 =	vadd.f32 v17, v13;
	v17 =	vshll.u32 v18, $0x10  }
0x256: {  	s13 =	sadd.s32 $0x140, s13;
	v16 =	vadd.f32 v23, v11;
	v15 =	vadd.f32 v24, v19;
	v18 =	vand.u32 $0xFFFF0000, v18;
	v11 =	vld [tilespmem:s11+$0x50]  }
0x257: {  	_ = 	snop  }
0x258: {  	v14 =	vadd.f32 v17, v14;
	v8 =	vadd.f32 v8, v16  }
0x259: {  	v13 =	vadd.f32 v18, v13;
	v47 =	vshll.u32 v12, $0x10;
	v9 =	vadd.f32 v9, v15  }
0x25a: {  	v48 =	vand.u32 $0xFFFF0000, v12;
	v49 =	vld [tilespmem:s11+$0x70];
	v14 =	vadd.f32 v47, v14;
	v7 =	vadd.f32 v7, v8  }
0x25b: {  	v50 =	vadd.f32 v48, v13;
	v51 =	vshll.u32 v10, $0x10;
	v6 =	vadd.f32 v6, v9  }
0x25c: {  	v52 =	vld [tilespmem:s11+$0x90];
	v53 =	vand.u32 $0xFFFF0000, v10;
	v12 =	vadd.f32 v51, v14;
	v5 =	vadd.f32 v5, v7  }
0x25d: {  	v54 =	vadd.f32 v53, v50;
	v55 =	vshll.u32 v11, $0x10;
	v4 =	vadd.f32 v4, v6  }
0x25e: {  	v56 =	vand.u32 $0xFFFF0000, v11;
	v8 =	vadd.f32 v55, v12;
	v2 =	vadd.f32 v2, v5  }
0x25f: {  	v58 =	vshll.u32 v49, $0x10;
	v57 =	vadd.f32 v56, v54;
	v3 =	vadd.f32 v3, v4  }
0x260: {  	s10 =	sshll.u32 s10, $0x5;
	v59 =	vand.u32 $0xFFFF0000, v49;
	v6 =	vadd.f32 v58, v8;
	v1 =	vadd.f32 v1, v2  }
.Ltmp10:
0x261: {  	s10 =	sand.u32 $0x1FC0, s10;
	v61 =	vshll.u32 v52, $0x10;
	v60 =	vadd.f32 v59, v57;
	v0 =	vadd.f32 v0, v3;
	(pc) =	sbr.rel @p0 .LBB2_20-.Ltmp10, $4  }
0x262: {  	v62 =	vand.u32 $0xFFFF0000, v52;
	v4 =	vadd.f32 v61, v6;
	[tilespmem:s10+$0xCC00] =	vst.add.f32.msk $0xffff, v1  }
0x263: {  	v63 =	vadd.f32 v62, v60;
	[tilespmem:s10+$0xCC10] =	vst.add.f32.msk $0xffff, v0  }
0x264: {  	[tilespmem:s10+$0xCC20] =	vst.add.f32.msk $0xffff, v4  }
0x265: {  	[tilespmem:s10+$0xCC30] =	vst.add.f32.msk $0xffff, v63  }
0x266: {  	s10 =	smul.u32 $0xD00, s9  }
.Ltmp11:
0x267: {  	_ = 	snop;
	(pc) =	sbr.rel .LBB2_2-.Ltmp11, $4  }
0x268: {  	_ = 	snop  }
0x269: {  	s10 =	sshra.s32 s10, $0x2  }
0x26a: {  	s9 =	sadd.s32 $0x1, s9;
	s10 =	sadd.s32 $0x5B0, s10  }
0x26b: {  	[tilespmem:s21], [sflag:$0x7] =	stream.indirect.gather [hbm4b:s3+s8], $0x20, s10, s8, $0xb8;
	[tilespmem:$0xEC00] =	vst v63  }
.LBB2_21:
0x26c: {  	_ =	sfence.sel $0x180000  }
0x26d: {  	[bflag:$0x0] =	sbarrier.arrive $0xFFFF  }
0x26e: {  	_ =	strace $0x90000047  }
0x26f: {  	s0 =	stileid.u32;
	[bflag:$0x2] =	sbarrier.arrive $0xFFFF  }
0x270: {  	p0 =	sne.s32 s0, $0x0;
	s0 =	rddreg [dreg:$0x1]  }
0x271: {  	s0 =	sadd.s32 @!p0 $0x100000, s0  }
0x272: {  	[sflag:s0] =	ssyncadd.tile.s32 @!p0 $0x1;
	_ =	shalt  }
.Lfunc_end2:
_tile_overlayer_lowered:
.L_overlay_start_2:
0x273: {  	(tag) =	ssettag $0x2  }
0x274: {  	s0 =	rddreg [dreg:$0x0];
	s2 =	stileid.u32  }
0x275: {  	s1 =	rddreg [dreg:$0x1];
	p0 =	sne.s32 s2, $0x0  }
0x276: {  	s3 =	rddreg [dreg:$0x2];
	[bflag:$0x3] =	sbarrier.arrive $0xFFFF;
	s2 =	simm.s32 @!p0 $0x1C09  }
0x277: {  	[timem:s3], [sflag:s2] =	dma.local @!p0 [hbm:s0], s1  }
0x278: {  	s0 =	simm.s32 @!p0 $0x9  }
0x279: {  	_ =	swait.ge @!p0 [sflag:s0], s1  }
0x27a: {  	s1 =	ssub.s32 @!p0 $0x0, s1;
	[sflag:s0] =	ssyncset.done @!p0 $0x0  }
0x27b: {  	[sflag:s0] =	ssyncadd.s32 @!p0 s1  }
0x27c: {  	[bflag:$0x3] =	sbarrier.arrive $0xFFFF  }
0x27d: {  	_ =	shalt  }

</sc_bundles>
